<compile_context>
chip_gen: v7x
topology: tpu7x:2x2x1
jax: 0.10.2.dev20260603
libtpu: 0.0.44.dev20260713+nightly
codegen_flags: <defaults>
</compile_context>

<pallas_src>
import functools

import jax
import jax.numpy as jnp
from jax import lax
from jax.experimental import pallas as pl
from jax.experimental.pallas import tpu as pltpu
from jax.experimental.pallas import tpu_sc as plsc

BATCH = 16384
DIM = 64
NUM_CORES = 2
NUM_SUBCORES = 16
NUM_WORKERS = NUM_CORES * NUM_SUBCORES
B_PER_W = BATCH // NUM_WORKERS
LANES = 128
GRAN = 16
TILE_COLS = 1000000 // LANES
TAIL_BASE = TILE_COLS * LANES
TAIL_ROWS = 1000000 - TAIL_BASE
NBUF = 9
HALF = B_PER_W // 2

_mesh = plsc.VectorSubcoreMesh(core_axis_name="c", subcore_axis_name="s")


@functools.partial(
    pl.kernel,
    mesh=_mesh,
    out_type=jax.ShapeDtypeStruct((DIM, BATCH), jnp.float32),
    scratch_types=[
        pltpu.VMEM((B_PER_W + GRAN, ), jnp.int32),
        pltpu.VMEM((NBUF, DIM, LANES), jnp.float32),
        pltpu.VMEM((DIM, TAIL_ROWS), jnp.float32),
        pltpu.VMEM((DIM, HALF), jnp.float32),
        [pltpu.SemaphoreType.DMA] * NBUF,
    ],
    compiler_params=pltpu.CompilerParams(
        use_tc_tiling_on_sc=True, needs_layout_passes=False
    ),
)
def _emb_lookup(idx_hbm, table_t_hbm, tail_hbm, out_hbm, idx_vm, bufs,
                tail_v, staging, sems):
    wid = lax.axis_index("s") * NUM_CORES + lax.axis_index("c")
    base = wid * B_PER_W
    for rr in range(B_PER_W // LANES):
        pltpu.sync_copy(idx_hbm.at[wid, rr], idx_vm.at[pl.ds(rr * LANES, LANES)])
    pltpu.sync_copy(tail_hbm, tail_v)

    def r_of(j):
        return idx_vm[pl.ds(j, GRAN)][0]

    def issue(j, slot):
        r = r_of(j)
        tc = jnp.minimum(r // LANES, TILE_COLS - 1)
        off = pl.multiple_of(tc * LANES, LANES)
        pltpu.async_copy(
            table_t_hbm.at[:, pl.ds(off, LANES)], bufs.at[slot], sems[slot]
        )

    def drain(slot):
        pltpu.make_async_copy(
            table_t_hbm.at[:, pl.ds(0, LANES)], bufs.at[slot], sems[slot]
        ).wait()

    def extract(j, slot):
        r = r_of(j)
        lane = jnp.broadcast_to(r % LANES, (GRAN,))
        lane_t = jnp.broadcast_to(jnp.minimum(jnp.maximum(r - TAIL_BASE, 0), TAIL_ROWS - 1), (GRAN,))
        jv = jnp.broadcast_to(j % HALF, (GRAN,))
        is_tail = jnp.broadcast_to(r >= TAIL_BASE, (GRAN,))
        for k in range(DIM // GRAN):
            dv = k * GRAN + lax.iota(jnp.int32, GRAN)
            x_main = plsc.load_gather(bufs.at[slot], [dv, lane])
            x_tail = plsc.load_gather(tail_v, [dv, lane_t])
            x = jnp.where(is_tail, x_tail, x_main)
            plsc.store_scatter(staging, [dv, jv], x)

    for b in range(NBUF):
        issue(b, b)

    def body(g, _):
        for b in range(NBUF):
            j = g * NBUF + b
            drain(b)
            extract(j, b)

            @pl.when(j == HALF - 1)
            def _():
                pltpu.sync_copy(
                    staging,
                    out_hbm.at[:, pl.ds(pl.multiple_of(base, LANES), HALF)],
                )

            @pl.when(j + NBUF < B_PER_W)
            def _():
                issue(j + NBUF, b)

        return ()

    lax.fori_loop(0, B_PER_W // NBUF, body, ())
    for t in range(B_PER_W % NBUF):
        jj = (B_PER_W // NBUF) * NBUF + t
        slot = jj % NBUF
        drain(slot)
        extract(jj, slot)
    pltpu.sync_copy(
        staging, out_hbm.at[:, pl.ds(pl.multiple_of(base + HALF, LANES), HALF)]
    )


def kernel(input, table):
    idx = input.astype(jnp.int32).reshape(NUM_WORKERS, B_PER_W)
    idx3 = jnp.pad(idx, ((0, 0), (0, 512))).reshape(NUM_WORKERS, 8, LANES)
    tail = table[TAIL_BASE:].T
    return _emb_lookup(idx3, table.T, tail).T

# --- scband reference (transcript-rebuilt; emitter-appended) ---
"""Pipeline reference for scband-vggembedding-88072599371790 (READ-ONLY COPY).

The authoritative reference and input builder live on the scoring server;
editing this copy changes nothing except your own understanding.
"""

import jax, jax.numpy as jnp
import numpy as np

NUM_CLASSES = 1000000
EMB_SIZE = 64
BATCH = 16384

def setup_inputs(seed: int = 0) -> dict:
    key = jax.random.key(seed)
    k_idx, k_tab = jax.random.split(key)
    input = jax.random.randint(k_idx, (BATCH,), 0, NUM_CLASSES, dtype=jnp.int64 if jax.config.jax_enable_x64 else jnp.int32)
    table = jax.random.normal(k_tab, (NUM_CLASSES, EMB_SIZE), dtype=jnp.float32)
    return {"input": input, "table": table}

def reference(input, table):
    # nn.Embedding forward: row gather from the embedding table
    return jnp.take(table, input, axis=0)

if __name__ == "__main__":
    import jax
    _d = setup_inputs()
    print(jax.jit(kernel)(*tuple(_d.values())))

</pallas_src>

<mosaic_0001>
#map = affine_map<(d0, d1) -> (0, 0, 0)>
#map1 = affine_map<(d0, d1) -> (0, 0)>
module attributes {stable_mosaic.version = 14 : i64} {
  func.func @_emb_lookup(%arg0: i32, %arg1: i32, %arg2: memref<32x8x128xi32, #tpu.memory_space<hbm>>, %arg3: memref<64x1000000xf32, #tpu.memory_space<hbm>>, %arg4: memref<64x64xf32, #tpu.memory_space<hbm>>, %arg5: memref<64x16384xf32, #tpu.memory_space<hbm>>, %arg6: memref<528xi32, #tpu.memory_space<vmem>>, %arg7: memref<9x64x128xf32, #tpu.memory_space<vmem>>, %arg8: memref<64x64xf32, #tpu.memory_space<vmem>>, %arg9: memref<64x256xf32, #tpu.memory_space<vmem>>, %arg10: memref<!tpu.dma_semaphore, #tpu.memory_space<semaphore_mem>>, %arg11: memref<!tpu.dma_semaphore, #tpu.memory_space<semaphore_mem>>, %arg12: memref<!tpu.dma_semaphore, #tpu.memory_space<semaphore_mem>>, %arg13: memref<!tpu.dma_semaphore, #tpu.memory_space<semaphore_mem>>, %arg14: memref<!tpu.dma_semaphore, #tpu.memory_space<semaphore_mem>>, %arg15: memref<!tpu.dma_semaphore, #tpu.memory_space<semaphore_mem>>, %arg16: memref<!tpu.dma_semaphore, #tpu.memory_space<semaphore_mem>>, %arg17: memref<!tpu.dma_semaphore, #tpu.memory_space<semaphore_mem>>, %arg18: memref<!tpu.dma_semaphore, #tpu.memory_space<semaphore_mem>>) attributes {dimension_semantics = [#tpu.dimension_semantics<core_parallel>, #tpu.dimension_semantics<subcore_parallel>], iteration_bounds = array<i64: 2, 16>, scalar_prefetch = 0 : i64, scratch_operands = 13 : i64, tpu.core_type = #tpu.core_type<sc_vector_subcore>, window_params = [{transform_indices = #map}, {transform_indices = #map1}, {transform_indices = #map1}, {transform_indices = #map1}]} {
    %mul3A = arith.constant 2 : i32
    %mul3A_0 = arith.muli %arg1, %mul3A : i32
    %add3A = arith.addi %mul3A_0, %arg0 : i32
    %mul3A_1 = arith.constant 512 : i32
    %mul3A_2 = arith.muli %add3A, %mul3A_1 : i32
    %run_scoped3A = arith.constant 0 : i32
    "tpu.region"() ({
      %run_scoped3A_1173 = tpu.sem_alloc : memref<!tpu.dma_semaphore, #tpu.memory_space<semaphore_mem>>
      %dma_start3A_1174 = arith.constant 0 : i32
      %dma_start3A_1175 = tpu.memref_slice %arg6[%dma_start3A_1174] : memref<528xi32, #tpu.memory_space<vmem>> -> memref<128xi32, #tpu.memory_space<vmem>>
      %dma_start3A_1176 = arith.constant 0 : i32
      %dma_start3A_1177 = tpu.memref_slice %arg2[%add3A, %run_scoped3A, %dma_start3A_1176] : memref<32x8x128xi32, #tpu.memory_space<hbm>> -> memref<1x1x128xi32, #tpu.memory_space<hbm>>
      %dma_start3A_1178 = tpu.memref_squeeze %dma_start3A_1177 : memref<1x1x128xi32, #tpu.memory_space<hbm>> -> memref<128xi32, #tpu.memory_space<hbm>>
      %dma_start3A_1179 = arith.constant 0 : i32
      %dma_start3A_1180 = tpu.memref_slice %arg6[%dma_start3A_1179] : memref<528xi32, #tpu.memory_space<vmem>> -> memref<128xi32, #tpu.memory_space<vmem>>
      %dma_start3A_1181 = arith.constant 0 : i32
      %dma_start3A_1182 = tpu.memref_slice %arg2[%add3A, %run_scoped3A, %dma_start3A_1181] : memref<32x8x128xi32, #tpu.memory_space<hbm>> -> memref<1x1x128xi32, #tpu.memory_space<hbm>>
      %dma_start3A_1183 = tpu.memref_squeeze %dma_start3A_1182 : memref<1x1x128xi32, #tpu.memory_space<hbm>> -> memref<128xi32, #tpu.memory_space<hbm>>
      tpu.enqueue_dma source(%dma_start3A_1183 : memref<128xi32, #tpu.memory_space<hbm>>) target(%dma_start3A_1180 : memref<128xi32, #tpu.memory_space<vmem>>) target_semaphore(%run_scoped3A_1173 : memref<!tpu.dma_semaphore, #tpu.memory_space<semaphore_mem>>)
      %dma_wait3A_1184 = arith.constant 0 : i32
      %dma_wait3A_1185 = tpu.memref_slice %arg6[%dma_wait3A_1184] : memref<528xi32, #tpu.memory_space<vmem>> -> memref<128xi32, #tpu.memory_space<vmem>>
      %dma_wait3A_1186 = arith.constant 0 : i32
      %dma_wait3A_1187 = tpu.memref_slice %arg2[%add3A, %run_scoped3A, %dma_wait3A_1186] : memref<32x8x128xi32, #tpu.memory_space<hbm>> -> memref<1x1x128xi32, #tpu.memory_space<hbm>>
      %dma_wait3A_1188 = tpu.memref_squeeze %dma_wait3A_1187 : memref<1x1x128xi32, #tpu.memory_space<hbm>> -> memref<128xi32, #tpu.memory_space<hbm>>
      %dma_wait3A_1189 = arith.constant 0 : i32
      %dma_wait3A_1190 = tpu.memref_slice %arg6[%dma_wait3A_1189] : memref<528xi32, #tpu.memory_space<vmem>> -> memref<128xi32, #tpu.memory_space<vmem>>
      %dma_wait3A_1191 = arith.constant 0 : i32
      %dma_wait3A_1192 = tpu.memref_slice %arg2[%add3A, %run_scoped3A, %dma_wait3A_1191] : memref<32x8x128xi32, #tpu.memory_space<hbm>> -> memref<1x1x128xi32, #tpu.memory_space<hbm>>
      %dma_wait3A_1193 = tpu.memref_squeeze %dma_wait3A_1192 : memref<1x1x128xi32, #tpu.memory_space<hbm>> -> memref<128xi32, #tpu.memory_space<hbm>>
      tpu.wait_dma2 semaphore(%run_scoped3A_1173 : memref<!tpu.dma_semaphore, #tpu.memory_space<semaphore_mem>>) src(%dma_wait3A_1193 : memref<128xi32, #tpu.memory_space<hbm>>) dst(%dma_wait3A_1190 : memref<128xi32, #tpu.memory_space<vmem>>)
      tpu.yield
    }) : () -> ()
    %run_scoped3A_3 = arith.constant 1 : i32
    "tpu.region"() ({
      %run_scoped3A_1173 = tpu.sem_alloc : memref<!tpu.dma_semaphore, #tpu.memory_space<semaphore_mem>>
      %dma_start3A_1174 = arith.constant 128 : i32
      %dma_start3A_1175 = tpu.memref_slice %arg6[%dma_start3A_1174] : memref<528xi32, #tpu.memory_space<vmem>> -> memref<128xi32, #tpu.memory_space<vmem>>
      %dma_start3A_1176 = arith.constant 0 : i32
      %dma_start3A_1177 = tpu.memref_slice %arg2[%add3A, %run_scoped3A_3, %dma_start3A_1176] : memref<32x8x128xi32, #tpu.memory_space<hbm>> -> memref<1x1x128xi32, #tpu.memory_space<hbm>>
      %dma_start3A_1178 = tpu.memref_squeeze %dma_start3A_1177 : memref<1x1x128xi32, #tpu.memory_space<hbm>> -> memref<128xi32, #tpu.memory_space<hbm>>
      %dma_start3A_1179 = arith.constant 128 : i32
      %dma_start3A_1180 = tpu.memref_slice %arg6[%dma_start3A_1179] : memref<528xi32, #tpu.memory_space<vmem>> -> memref<128xi32, #tpu.memory_space<vmem>>
      %dma_start3A_1181 = arith.constant 0 : i32
      %dma_start3A_1182 = tpu.memref_slice %arg2[%add3A, %run_scoped3A_3, %dma_start3A_1181] : memref<32x8x128xi32, #tpu.memory_space<hbm>> -> memref<1x1x128xi32, #tpu.memory_space<hbm>>
      %dma_start3A_1183 = tpu.memref_squeeze %dma_start3A_1182 : memref<1x1x128xi32, #tpu.memory_space<hbm>> -> memref<128xi32, #tpu.memory_space<hbm>>
      tpu.enqueue_dma source(%dma_start3A_1183 : memref<128xi32, #tpu.memory_space<hbm>>) target(%dma_start3A_1180 : memref<128xi32, #tpu.memory_space<vmem>>) target_semaphore(%run_scoped3A_1173 : memref<!tpu.dma_semaphore, #tpu.memory_space<semaphore_mem>>)
      %dma_wait3A_1184 = arith.constant 128 : i32
      %dma_wait3A_1185 = tpu.memref_slice %arg6[%dma_wait3A_1184] : memref<528xi32, #tpu.memory_space<vmem>> -> memref<128xi32, #tpu.memory_space<vmem>>
      %dma_wait3A_1186 = arith.constant 0 : i32
      %dma_wait3A_1187 = tpu.memref_slice %arg2[%add3A, %run_scoped3A_3, %dma_wait3A_1186] : memref<32x8x128xi32, #tpu.memory_space<hbm>> -> memref<1x1x128xi32, #tpu.memory_space<hbm>>
      %dma_wait3A_1188 = tpu.memref_squeeze %dma_wait3A_1187 : memref<1x1x128xi32, #tpu.memory_space<hbm>> -> memref<128xi32, #tpu.memory_space<hbm>>
      %dma_wait3A_1189 = arith.constant 128 : i32
      %dma_wait3A_1190 = tpu.memref_slice %arg6[%dma_wait3A_1189] : memref<528xi32, #tpu.memory_space<vmem>> -> memref<128xi32, #tpu.memory_space<vmem>>
      %dma_wait3A_1191 = arith.constant 0 : i32
      %dma_wait3A_1192 = tpu.memref_slice %arg2[%add3A, %run_scoped3A_3, %dma_wait3A_1191] : memref<32x8x128xi32, #tpu.memory_space<hbm>> -> memref<1x1x128xi32, #tpu.memory_space<hbm>>
      %dma_wait3A_1193 = tpu.memref_squeeze %dma_wait3A_1192 : memref<1x1x128xi32, #tpu.memory_space<hbm>> -> memref<128xi32, #tpu.memory_space<hbm>>
      tpu.wait_dma2 semaphore(%run_scoped3A_1173 : memref<!tpu.dma_semaphore, #tpu.memory_space<semaphore_mem>>) src(%dma_wait3A_1193 : memref<128xi32, #tpu.memory_space<hbm>>) dst(%dma_wait3A_1190 : memref<128xi32, #tpu.memory_space<vmem>>)
      tpu.yield
    }) : () -> ()
    %run_scoped3A_4 = arith.constant 2 : i32
    "tpu.region"() ({
      %run_scoped3A_1173 = tpu.sem_alloc : memref<!tpu.dma_semaphore, #tpu.memory_space<semaphore_mem>>
      %dma_start3A_1174 = arith.constant 256 : i32
      %dma_start3A_1175 = tpu.memref_slice %arg6[%dma_start3A_1174] : memref<528xi32, #tpu.memory_space<vmem>> -> memref<128xi32, #tpu.memory_space<vmem>>
      %dma_start3A_1176 = arith.constant 0 : i32
      %dma_start3A_1177 = tpu.memref_slice %arg2[%add3A, %run_scoped3A_4, %dma_start3A_1176] : memref<32x8x128xi32, #tpu.memory_space<hbm>> -> memref<1x1x128xi32, #tpu.memory_space<hbm>>
      %dma_start3A_1178 = tpu.memref_squeeze %dma_start3A_1177 : memref<1x1x128xi32, #tpu.memory_space<hbm>> -> memref<128xi32, #tpu.memory_space<hbm>>
      %dma_start3A_1179 = arith.constant 256 : i32
      %dma_start3A_1180 = tpu.memref_slice %arg6[%dma_start3A_1179] : memref<528xi32, #tpu.memory_space<vmem>> -> memref<128xi32, #tpu.memory_space<vmem>>
      %dma_start3A_1181 = arith.constant 0 : i32
      %dma_start3A_1182 = tpu.memref_slice %arg2[%add3A, %run_scoped3A_4, %dma_start3A_1181] : memref<32x8x128xi32, #tpu.memory_space<hbm>> -> memref<1x1x128xi32, #tpu.memory_space<hbm>>
      %dma_start3A_1183 = tpu.memref_squeeze %dma_start3A_1182 : memref<1x1x128xi32, #tpu.memory_space<hbm>> -> memref<128xi32, #tpu.memory_space<hbm>>
      tpu.enqueue_dma source(%dma_start3A_1183 : memref<128xi32, #tpu.memory_space<hbm>>) target(%dma_start3A_1180 : memref<128xi32, #tpu.memory_space<vmem>>) target_semaphore(%run_scoped3A_1173 : memref<!tpu.dma_semaphore, #tpu.memory_space<semaphore_mem>>)
      %dma_wait3A_1184 = arith.constant 256 : i32
      %dma_wait3A_1185 = tpu.memref_slice %arg6[%dma_wait3A_1184] : memref<528xi32, #tpu.memory_space<vmem>> -> memref<128xi32, #tpu.memory_space<vmem>>
      %dma_wait3A_1186 = arith.constant 0 : i32
      %dma_wait3A_1187 = tpu.memref_slice %arg2[%add3A, %run_scoped3A_4, %dma_wait3A_1186] : memref<32x8x128xi32, #tpu.memory_space<hbm>> -> memref<1x1x128xi32, #tpu.memory_space<hbm>>
      %dma_wait3A_1188 = tpu.memref_squeeze %dma_wait3A_1187 : memref<1x1x128xi32, #tpu.memory_space<hbm>> -> memref<128xi32, #tpu.memory_space<hbm>>
      %dma_wait3A_1189 = arith.constant 256 : i32
      %dma_wait3A_1190 = tpu.memref_slice %arg6[%dma_wait3A_1189] : memref<528xi32, #tpu.memory_space<vmem>> -> memref<128xi32, #tpu.memory_space<vmem>>
      %dma_wait3A_1191 = arith.constant 0 : i32
      %dma_wait3A_1192 = tpu.memref_slice %arg2[%add3A, %run_scoped3A_4, %dma_wait3A_1191] : memref<32x8x128xi32, #tpu.memory_space<hbm>> -> memref<1x1x128xi32, #tpu.memory_space<hbm>>
      %dma_wait3A_1193 = tpu.memref_squeeze %dma_wait3A_1192 : memref<1x1x128xi32, #tpu.memory_space<hbm>> -> memref<128xi32, #tpu.memory_space<hbm>>
      tpu.wait_dma2 semaphore(%run_scoped3A_1173 : memref<!tpu.dma_semaphore, #tpu.memory_space<semaphore_mem>>) src(%dma_wait3A_1193 : memref<128xi32, #tpu.memory_space<hbm>>) dst(%dma_wait3A_1190 : memref<128xi32, #tpu.memory_space<vmem>>)
      tpu.yield
    }) : () -> ()
    %run_scoped3A_5 = arith.constant 3 : i32
    "tpu.region"() ({
      %run_scoped3A_1173 = tpu.sem_alloc : memref<!tpu.dma_semaphore, #tpu.memory_space<semaphore_mem>>
      %dma_start3A_1174 = arith.constant 384 : i32
      %dma_start3A_1175 = tpu.memref_slice %arg6[%dma_start3A_1174] : memref<528xi32, #tpu.memory_space<vmem>> -> memref<128xi32, #tpu.memory_space<vmem>>
      %dma_start3A_1176 = arith.constant 0 : i32
      %dma_start3A_1177 = tpu.memref_slice %arg2[%add3A, %run_scoped3A_5, %dma_start3A_1176] : memref<32x8x128xi32, #tpu.memory_space<hbm>> -> memref<1x1x128xi32, #tpu.memory_space<hbm>>
      %dma_start3A_1178 = tpu.memref_squeeze %dma_start3A_1177 : memref<1x1x128xi32, #tpu.memory_space<hbm>> -> memref<128xi32, #tpu.memory_space<hbm>>
      %dma_start3A_1179 = arith.constant 384 : i32
      %dma_start3A_1180 = tpu.memref_slice %arg6[%dma_start3A_1179] : memref<528xi32, #tpu.memory_space<vmem>> -> memref<128xi32, #tpu.memory_space<vmem>>
      %dma_start3A_1181 = arith.constant 0 : i32
      %dma_start3A_1182 = tpu.memref_slice %arg2[%add3A, %run_scoped3A_5, %dma_start3A_1181] : memref<32x8x128xi32, #tpu.memory_space<hbm>> -> memref<1x1x128xi32, #tpu.memory_space<hbm>>
      %dma_start3A_1183 = tpu.memref_squeeze %dma_start3A_1182 : memref<1x1x128xi32, #tpu.memory_space<hbm>> -> memref<128xi32, #tpu.memory_space<hbm>>
      tpu.enqueue_dma source(%dma_start3A_1183 : memref<128xi32, #tpu.memory_space<hbm>>) target(%dma_start3A_1180 : memref<128xi32, #tpu.memory_space<vmem>>) target_semaphore(%run_scoped3A_1173 : memref<!tpu.dma_semaphore, #tpu.memory_space<semaphore_mem>>)
      %dma_wait3A_1184 = arith.constant 384 : i32
      %dma_wait3A_1185 = tpu.memref_slice %arg6[%dma_wait3A_1184] : memref<528xi32, #tpu.memory_space<vmem>> -> memref<128xi32, #tpu.memory_space<vmem>>
      %dma_wait3A_1186 = arith.constant 0 : i32
      %dma_wait3A_1187 = tpu.memref_slice %arg2[%add3A, %run_scoped3A_5, %dma_wait3A_1186] : memref<32x8x128xi32, #tpu.memory_space<hbm>> -> memref<1x1x128xi32, #tpu.memory_space<hbm>>
      %dma_wait3A_1188 = tpu.memref_squeeze %dma_wait3A_1187 : memref<1x1x128xi32, #tpu.memory_space<hbm>> -> memref<128xi32, #tpu.memory_space<hbm>>
      %dma_wait3A_1189 = arith.constant 384 : i32
      %dma_wait3A_1190 = tpu.memref_slice %arg6[%dma_wait3A_1189] : memref<528xi32, #tpu.memory_space<vmem>> -> memref<128xi32, #tpu.memory_space<vmem>>
      %dma_wait3A_1191 = arith.constant 0 : i32
      %dma_wait3A_1192 = tpu.memref_slice %arg2[%add3A, %run_scoped3A_5, %dma_wait3A_1191] : memref<32x8x128xi32, #tpu.memory_space<hbm>> -> memref<1x1x128xi32, #tpu.memory_space<hbm>>
      %dma_wait3A_1193 = tpu.memref_squeeze %dma_wait3A_1192 : memref<1x1x128xi32, #tpu.memory_space<hbm>> -> memref<128xi32, #tpu.memory_space<hbm>>
      tpu.wait_dma2 semaphore(%run_scoped3A_1173 : memref<!tpu.dma_semaphore, #tpu.memory_space<semaphore_mem>>) src(%dma_wait3A_1193 : memref<128xi32, #tpu.memory_space<hbm>>) dst(%dma_wait3A_1190 : memref<128xi32, #tpu.memory_space<vmem>>)
      tpu.yield
    }) : () -> ()
    "tpu.region"() ({
      %run_scoped3A_1173 = tpu.sem_alloc : memref<!tpu.dma_semaphore, #tpu.memory_space<semaphore_mem>>
      tpu.enqueue_dma source(%arg4 : memref<64x64xf32, #tpu.memory_space<hbm>>) target(%arg8 : memref<64x64xf32, #tpu.memory_space<vmem>>) target_semaphore(%run_scoped3A_1173 : memref<!tpu.dma_semaphore, #tpu.memory_space<semaphore_mem>>)
      tpu.wait_dma2 semaphore(%run_scoped3A_1173 : memref<!tpu.dma_semaphore, #tpu.memory_space<semaphore_mem>>) src(%arg4 : memref<64x64xf32, #tpu.memory_space<hbm>>) dst(%arg8 : memref<64x64xf32, #tpu.memory_space<vmem>>)
      tpu.yield
    }) : () -> ()
    %get3A = arith.constant 0 : index
    %get3A_6 = tpu.vector_load %arg6[%get3A] {strides = array<i32>} : memref<528xi32, #tpu.memory_space<vmem>>, vector<16xi32>,
    %slice3A = vector.extract_strided_slice %get3A_6 {offsets = [0], sizes = [1], strides = [1]} : vector<16xi32> to vector<1xi32>
    %squeeze3A = vector.extract %slice3A[0] : i32 from vector<1xi32>
    %jit3A = arith.constant 128 : i32
    %div3A = arith.divsi %squeeze3A, %jit3A : i32
    %sign3A = arith.constant 0 : i32
    %sign3A_7 = arith.cmpi sgt, %squeeze3A, %sign3A : i32
    %sign3A_8 = arith.extui %sign3A_7 : i1 to i32
    %sign3A_9 = arith.constant 0 : i32
    %sign3A_10 = arith.cmpi slt, %squeeze3A, %sign3A_9 : i32
    %sign3A_11 = arith.extui %sign3A_10 : i1 to i32
    %sign3A_12 = arith.subi %sign3A_8, %sign3A_11 : i32
    %sign3A_13 = arith.constant 0 : i32
    %sign3A_14 = arith.cmpi sgt, %jit3A, %sign3A_13 : i32
    %sign3A_15 = arith.extui %sign3A_14 : i1 to i32
    %sign3A_16 = arith.constant 0 : i32
    %sign3A_17 = arith.cmpi slt, %jit3A, %sign3A_16 : i32
    %sign3A_18 = arith.extui %sign3A_17 : i1 to i32
    %sign3A_19 = arith.subi %sign3A_15, %sign3A_18 : i32
    %ne3A = arith.cmpi ne, %sign3A_12, %sign3A_19 : i32
    %rem3A = arith.remsi %squeeze3A, %jit3A : i32
    %ne3A_20 = arith.constant 0 : i32
    %ne3A_21 = arith.cmpi ne, %rem3A, %ne3A_20 : i32
    %and3A = arith.andi %ne3A, %ne3A_21 : i1
    %sub3A = arith.constant 1 : i32
    %sub3A_22 = arith.subi %div3A, %sub3A : i32
    %select_n3A = arith.select %and3A, %sub3A_22, %div3A : i32
    %min3A = arith.constant 7811 : i32
    %min3A_23 = arith.minsi %select_n3A, %min3A : i32
    %mul3A_24 = arith.constant 128 : i32
    %mul3A_25 = arith.muli %min3A_23, %mul3A_24 : i32
    %multiple_of3A = tpu.assume_multiple %mul3A_25, 128 : i32
    %dma_start3A = arith.constant 0 : i32
    %dma_start3A_26 = arith.constant 0 : i32
    %dma_start3A_27 = arith.constant 0 : i32
    %dma_start3A_28 = tpu.memref_slice %arg7[%dma_start3A, %dma_start3A_26, %dma_start3A_27] : memref<9x64x128xf32, #tpu.memory_space<vmem>> -> memref<1x64x128xf32, #tpu.memory_space<vmem>>
    %dma_start3A_29 = tpu.memref_squeeze %dma_start3A_28 : memref<1x64x128xf32, #tpu.memory_space<vmem>> -> memref<64x128xf32, #tpu.memory_space<vmem>>
    %dma_start3A_30 = arith.constant 0 : i32
    %dma_start3A_31 = tpu.memref_slice %arg3[%dma_start3A_30, %multiple_of3A] : memref<64x1000000xf32, #tpu.memory_space<hbm>> -> memref<64x128xf32, #tpu.memory_space<hbm>>
    %dma_start3A_32 = arith.constant 0 : i32
    %dma_start3A_33 = arith.constant 0 : i32
    %dma_start3A_34 = tpu.memref_slice %arg7[%dma_start3A, %dma_start3A_32, %dma_start3A_33] : memref<9x64x128xf32, #tpu.memory_space<vmem>> -> memref<1x64x128xf32, #tpu.memory_space<vmem>>
    %dma_start3A_35 = tpu.memref_squeeze %dma_start3A_34 : memref<1x64x128xf32, #tpu.memory_space<vmem>> -> memref<64x128xf32, #tpu.memory_space<vmem>>
    %dma_start3A_36 = arith.constant 0 : i32
    %dma_start3A_37 = tpu.memref_slice %arg3[%dma_start3A_36, %multiple_of3A] : memref<64x1000000xf32, #tpu.memory_space<hbm>> -> memref<64x128xf32, #tpu.memory_space<hbm>>
    tpu.enqueue_dma source(%dma_start3A_37 : memref<64x128xf32, #tpu.memory_space<hbm>>) target(%dma_start3A_35 : memref<64x128xf32, #tpu.memory_space<vmem>>) target_semaphore(%arg10 : memref<!tpu.dma_semaphore, #tpu.memory_space<semaphore_mem>>)
    %get3A_38 = arith.constant 1 : index
    %get3A_39 = tpu.vector_load %arg6[%get3A_38] {strides = array<i32>} : memref<528xi32, #tpu.memory_space<vmem>>, vector<16xi32>,
    %slice3A_40 = vector.extract_strided_slice %get3A_39 {offsets = [0], sizes = [1], strides = [1]} : vector<16xi32> to vector<1xi32>
    %squeeze3A_41 = vector.extract %slice3A_40[0] : i32 from vector<1xi32>
    %jit3A_42 = arith.constant 128 : i32
    %div3A_43 = arith.divsi %squeeze3A_41, %jit3A_42 : i32
    %sign3A_44 = arith.constant 0 : i32
    %sign3A_45 = arith.cmpi sgt, %squeeze3A_41, %sign3A_44 : i32
    %sign3A_46 = arith.extui %sign3A_45 : i1 to i32
    %sign3A_47 = arith.constant 0 : i32
    %sign3A_48 = arith.cmpi slt, %squeeze3A_41, %sign3A_47 : i32
    %sign3A_49 = arith.extui %sign3A_48 : i1 to i32
    %sign3A_50 = arith.subi %sign3A_46, %sign3A_49 : i32
    %sign3A_51 = arith.constant 0 : i32
    %sign3A_52 = arith.cmpi sgt, %jit3A_42, %sign3A_51 : i32
    %sign3A_53 = arith.extui %sign3A_52 : i1 to i32
    %sign3A_54 = arith.constant 0 : i32
    %sign3A_55 = arith.cmpi slt, %jit3A_42, %sign3A_54 : i32
    %sign3A_56 = arith.extui %sign3A_55 : i1 to i32
    %sign3A_57 = arith.subi %sign3A_53, %sign3A_56 : i32
    %ne3A_58 = arith.cmpi ne, %sign3A_50, %sign3A_57 : i32
    %rem3A_59 = arith.remsi %squeeze3A_41, %jit3A_42 : i32
    %ne3A_60 = arith.constant 0 : i32
    %ne3A_61 = arith.cmpi ne, %rem3A_59, %ne3A_60 : i32
    %and3A_62 = arith.andi %ne3A_58, %ne3A_61 : i1
    %sub3A_63 = arith.constant 1 : i32
    %sub3A_64 = arith.subi %div3A_43, %sub3A_63 : i32
    %select_n3A_65 = arith.select %and3A_62, %sub3A_64, %div3A_43 : i32
    %min3A_66 = arith.constant 7811 : i32
    %min3A_67 = arith.minsi %select_n3A_65, %min3A_66 : i32
    %mul3A_68 = arith.constant 128 : i32
    %mul3A_69 = arith.muli %min3A_67, %mul3A_68 : i32
    %multiple_of3A_70 = tpu.assume_multiple %mul3A_69, 128 : i32
    %dma_start3A_71 = arith.constant 1 : i32
    %dma_start3A_72 = arith.constant 0 : i32
    %dma_start3A_73 = arith.constant 0 : i32
    %dma_start3A_74 = tpu.memref_slice %arg7[%dma_start3A_71, %dma_start3A_72, %dma_start3A_73] : memref<9x64x128xf32, #tpu.memory_space<vmem>> -> memref<1x64x128xf32, #tpu.memory_space<vmem>>
    %dma_start3A_75 = tpu.memref_squeeze %dma_start3A_74 : memref<1x64x128xf32, #tpu.memory_space<vmem>> -> memref<64x128xf32, #tpu.memory_space<vmem>>
    %dma_start3A_76 = arith.constant 0 : i32
    %dma_start3A_77 = tpu.memref_slice %arg3[%dma_start3A_76, %multiple_of3A_70] : memref<64x1000000xf32, #tpu.memory_space<hbm>> -> memref<64x128xf32, #tpu.memory_space<hbm>>
    %dma_start3A_78 = arith.constant 0 : i32
    %dma_start3A_79 = arith.constant 0 : i32
    %dma_start3A_80 = tpu.memref_slice %arg7[%dma_start3A_71, %dma_start3A_78, %dma_start3A_79] : memref<9x64x128xf32, #tpu.memory_space<vmem>> -> memref<1x64x128xf32, #tpu.memory_space<vmem>>
    %dma_start3A_81 = tpu.memref_squeeze %dma_start3A_80 : memref<1x64x128xf32, #tpu.memory_space<vmem>> -> memref<64x128xf32, #tpu.memory_space<vmem>>
    %dma_start3A_82 = arith.constant 0 : i32
    %dma_start3A_83 = tpu.memref_slice %arg3[%dma_start3A_82, %multiple_of3A_70] : memref<64x1000000xf32, #tpu.memory_space<hbm>> -> memref<64x128xf32, #tpu.memory_space<hbm>>
    tpu.enqueue_dma source(%dma_start3A_83 : memref<64x128xf32, #tpu.memory_space<hbm>>) target(%dma_start3A_81 : memref<64x128xf32, #tpu.memory_space<vmem>>) target_semaphore(%arg11 : memref<!tpu.dma_semaphore, #tpu.memory_space<semaphore_mem>>)
    %get3A_84 = arith.constant 2 : index
    %get3A_85 = tpu.vector_load %arg6[%get3A_84] {strides = array<i32>} : memref<528xi32, #tpu.memory_space<vmem>>, vector<16xi32>,
    %slice3A_86 = vector.extract_strided_slice %get3A_85 {offsets = [0], sizes = [1], strides = [1]} : vector<16xi32> to vector<1xi32>
    %squeeze3A_87 = vector.extract %slice3A_86[0] : i32 from vector<1xi32>
    %jit3A_88 = arith.constant 128 : i32
    %div3A_89 = arith.divsi %squeeze3A_87, %jit3A_88 : i32
    %sign3A_90 = arith.constant 0 : i32
    %sign3A_91 = arith.cmpi sgt, %squeeze3A_87, %sign3A_90 : i32
    %sign3A_92 = arith.extui %sign3A_91 : i1 to i32
    %sign3A_93 = arith.constant 0 : i32
    %sign3A_94 = arith.cmpi slt, %squeeze3A_87, %sign3A_93 : i32
    %sign3A_95 = arith.extui %sign3A_94 : i1 to i32
    %sign3A_96 = arith.subi %sign3A_92, %sign3A_95 : i32
    %sign3A_97 = arith.constant 0 : i32
    %sign3A_98 = arith.cmpi sgt, %jit3A_88, %sign3A_97 : i32
    %sign3A_99 = arith.extui %sign3A_98 : i1 to i32
    %sign3A_100 = arith.constant 0 : i32
    %sign3A_101 = arith.cmpi slt, %jit3A_88, %sign3A_100 : i32
    %sign3A_102 = arith.extui %sign3A_101 : i1 to i32
    %sign3A_103 = arith.subi %sign3A_99, %sign3A_102 : i32
    %ne3A_104 = arith.cmpi ne, %sign3A_96, %sign3A_103 : i32
    %rem3A_105 = arith.remsi %squeeze3A_87, %jit3A_88 : i32
    %ne3A_106 = arith.constant 0 : i32
    %ne3A_107 = arith.cmpi ne, %rem3A_105, %ne3A_106 : i32
    %and3A_108 = arith.andi %ne3A_104, %ne3A_107 : i1
    %sub3A_109 = arith.constant 1 : i32
    %sub3A_110 = arith.subi %div3A_89, %sub3A_109 : i32
    %select_n3A_111 = arith.select %and3A_108, %sub3A_110, %div3A_89 : i32
    %min3A_112 = arith.constant 7811 : i32
    %min3A_113 = arith.minsi %select_n3A_111, %min3A_112 : i32
    %mul3A_114 = arith.constant 128 : i32
    %mul3A_115 = arith.muli %min3A_113, %mul3A_114 : i32
    %multiple_of3A_116 = tpu.assume_multiple %mul3A_115, 128 : i32
    %dma_start3A_117 = arith.constant 2 : i32
    %dma_start3A_118 = arith.constant 0 : i32
    %dma_start3A_119 = arith.constant 0 : i32
    %dma_start3A_120 = tpu.memref_slice %arg7[%dma_start3A_117, %dma_start3A_118, %dma_start3A_119] : memref<9x64x128xf32, #tpu.memory_space<vmem>> -> memref<1x64x128xf32, #tpu.memory_space<vmem>>
    %dma_start3A_121 = tpu.memref_squeeze %dma_start3A_120 : memref<1x64x128xf32, #tpu.memory_space<vmem>> -> memref<64x128xf32, #tpu.memory_space<vmem>>
    %dma_start3A_122 = arith.constant 0 : i32
    %dma_start3A_123 = tpu.memref_slice %arg3[%dma_start3A_122, %multiple_of3A_116] : memref<64x1000000xf32, #tpu.memory_space<hbm>> -> memref<64x128xf32, #tpu.memory_space<hbm>>
    %dma_start3A_124 = arith.constant 0 : i32
    %dma_start3A_125 = arith.constant 0 : i32
    %dma_start3A_126 = tpu.memref_slice %arg7[%dma_start3A_117, %dma_start3A_124, %dma_start3A_125] : memref<9x64x128xf32, #tpu.memory_space<vmem>> -> memref<1x64x128xf32, #tpu.memory_space<vmem>>
    %dma_start3A_127 = tpu.memref_squeeze %dma_start3A_126 : memref<1x64x128xf32, #tpu.memory_space<vmem>> -> memref<64x128xf32, #tpu.memory_space<vmem>>
    %dma_start3A_128 = arith.constant 0 : i32
    %dma_start3A_129 = tpu.memref_slice %arg3[%dma_start3A_128, %multiple_of3A_116] : memref<64x1000000xf32, #tpu.memory_space<hbm>> -> memref<64x128xf32, #tpu.memory_space<hbm>>
    tpu.enqueue_dma source(%dma_start3A_129 : memref<64x128xf32, #tpu.memory_space<hbm>>) target(%dma_start3A_127 : memref<64x128xf32, #tpu.memory_space<vmem>>) target_semaphore(%arg12 : memref<!tpu.dma_semaphore, #tpu.memory_space<semaphore_mem>>)
    %get3A_130 = arith.constant 3 : index
    %get3A_131 = tpu.vector_load %arg6[%get3A_130] {strides = array<i32>} : memref<528xi32, #tpu.memory_space<vmem>>, vector<16xi32>,
    %slice3A_132 = vector.extract_strided_slice %get3A_131 {offsets = [0], sizes = [1], strides = [1]} : vector<16xi32> to vector<1xi32>
    %squeeze3A_133 = vector.extract %slice3A_132[0] : i32 from vector<1xi32>
    %jit3A_134 = arith.constant 128 : i32
    %div3A_135 = arith.divsi %squeeze3A_133, %jit3A_134 : i32
    %sign3A_136 = arith.constant 0 : i32
    %sign3A_137 = arith.cmpi sgt, %squeeze3A_133, %sign3A_136 : i32
    %sign3A_138 = arith.extui %sign3A_137 : i1 to i32
    %sign3A_139 = arith.constant 0 : i32
    %sign3A_140 = arith.cmpi slt, %squeeze3A_133, %sign3A_139 : i32
    %sign3A_141 = arith.extui %sign3A_140 : i1 to i32
    %sign3A_142 = arith.subi %sign3A_138, %sign3A_141 : i32
    %sign3A_143 = arith.constant 0 : i32
    %sign3A_144 = arith.cmpi sgt, %jit3A_134, %sign3A_143 : i32
    %sign3A_145 = arith.extui %sign3A_144 : i1 to i32
    %sign3A_146 = arith.constant 0 : i32
    %sign3A_147 = arith.cmpi slt, %jit3A_134, %sign3A_146 : i32
    %sign3A_148 = arith.extui %sign3A_147 : i1 to i32
    %sign3A_149 = arith.subi %sign3A_145, %sign3A_148 : i32
    %ne3A_150 = arith.cmpi ne, %sign3A_142, %sign3A_149 : i32
    %rem3A_151 = arith.remsi %squeeze3A_133, %jit3A_134 : i32
    %ne3A_152 = arith.constant 0 : i32
    %ne3A_153 = arith.cmpi ne, %rem3A_151, %ne3A_152 : i32
    %and3A_154 = arith.andi %ne3A_150, %ne3A_153 : i1
    %sub3A_155 = arith.constant 1 : i32
    %sub3A_156 = arith.subi %div3A_135, %sub3A_155 : i32
    %select_n3A_157 = arith.select %and3A_154, %sub3A_156, %div3A_135 : i32
    %min3A_158 = arith.constant 7811 : i32
    %min3A_159 = arith.minsi %select_n3A_157, %min3A_158 : i32
    %mul3A_160 = arith.constant 128 : i32
    %mul3A_161 = arith.muli %min3A_159, %mul3A_160 : i32
    %multiple_of3A_162 = tpu.assume_multiple %mul3A_161, 128 : i32
    %dma_start3A_163 = arith.constant 3 : i32
    %dma_start3A_164 = arith.constant 0 : i32
    %dma_start3A_165 = arith.constant 0 : i32
    %dma_start3A_166 = tpu.memref_slice %arg7[%dma_start3A_163, %dma_start3A_164, %dma_start3A_165] : memref<9x64x128xf32, #tpu.memory_space<vmem>> -> memref<1x64x128xf32, #tpu.memory_space<vmem>>
    %dma_start3A_167 = tpu.memref_squeeze %dma_start3A_166 : memref<1x64x128xf32, #tpu.memory_space<vmem>> -> memref<64x128xf32, #tpu.memory_space<vmem>>
    %dma_start3A_168 = arith.constant 0 : i32
    %dma_start3A_169 = tpu.memref_slice %arg3[%dma_start3A_168, %multiple_of3A_162] : memref<64x1000000xf32, #tpu.memory_space<hbm>> -> memref<64x128xf32, #tpu.memory_space<hbm>>
    %dma_start3A_170 = arith.constant 0 : i32
    %dma_start3A_171 = arith.constant 0 : i32
    %dma_start3A_172 = tpu.memref_slice %arg7[%dma_start3A_163, %dma_start3A_170, %dma_start3A_171] : memref<9x64x128xf32, #tpu.memory_space<vmem>> -> memref<1x64x128xf32, #tpu.memory_space<vmem>>
    %dma_start3A_173 = tpu.memref_squeeze %dma_start3A_172 : memref<1x64x128xf32, #tpu.memory_space<vmem>> -> memref<64x128xf32, #tpu.memory_space<vmem>>
    %dma_start3A_174 = arith.constant 0 : i32
    %dma_start3A_175 = tpu.memref_slice %arg3[%dma_start3A_174, %multiple_of3A_162] : memref<64x1000000xf32, #tpu.memory_space<hbm>> -> memref<64x128xf32, #tpu.memory_space<hbm>>
    tpu.enqueue_dma source(%dma_start3A_175 : memref<64x128xf32, #tpu.memory_space<hbm>>) target(%dma_start3A_173 : memref<64x128xf32, #tpu.memory_space<vmem>>) target_semaphore(%arg13 : memref<!tpu.dma_semaphore, #tpu.memory_space<semaphore_mem>>)
    %get3A_176 = arith.constant 4 : index
    %get3A_177 = tpu.vector_load %arg6[%get3A_176] {strides = array<i32>} : memref<528xi32, #tpu.memory_space<vmem>>, vector<16xi32>,
    %slice3A_178 = vector.extract_strided_slice %get3A_177 {offsets = [0], sizes = [1], strides = [1]} : vector<16xi32> to vector<1xi32>
    %squeeze3A_179 = vector.extract %slice3A_178[0] : i32 from vector<1xi32>
    %jit3A_180 = arith.constant 128 : i32
    %div3A_181 = arith.divsi %squeeze3A_179, %jit3A_180 : i32
    %sign3A_182 = arith.constant 0 : i32
    %sign3A_183 = arith.cmpi sgt, %squeeze3A_179, %sign3A_182 : i32
    %sign3A_184 = arith.extui %sign3A_183 : i1 to i32
    %sign3A_185 = arith.constant 0 : i32
    %sign3A_186 = arith.cmpi slt, %squeeze3A_179, %sign3A_185 : i32
    %sign3A_187 = arith.extui %sign3A_186 : i1 to i32
    %sign3A_188 = arith.subi %sign3A_184, %sign3A_187 : i32
    %sign3A_189 = arith.constant 0 : i32
    %sign3A_190 = arith.cmpi sgt, %jit3A_180, %sign3A_189 : i32
    %sign3A_191 = arith.extui %sign3A_190 : i1 to i32
    %sign3A_192 = arith.constant 0 : i32
    %sign3A_193 = arith.cmpi slt, %jit3A_180, %sign3A_192 : i32
    %sign3A_194 = arith.extui %sign3A_193 : i1 to i32
    %sign3A_195 = arith.subi %sign3A_191, %sign3A_194 : i32
    %ne3A_196 = arith.cmpi ne, %sign3A_188, %sign3A_195 : i32
    %rem3A_197 = arith.remsi %squeeze3A_179, %jit3A_180 : i32
    %ne3A_198 = arith.constant 0 : i32
    %ne3A_199 = arith.cmpi ne, %rem3A_197, %ne3A_198 : i32
    %and3A_200 = arith.andi %ne3A_196, %ne3A_199 : i1
    %sub3A_201 = arith.constant 1 : i32
    %sub3A_202 = arith.subi %div3A_181, %sub3A_201 : i32
    %select_n3A_203 = arith.select %and3A_200, %sub3A_202, %div3A_181 : i32
    %min3A_204 = arith.constant 7811 : i32
    %min3A_205 = arith.minsi %select_n3A_203, %min3A_204 : i32
    %mul3A_206 = arith.constant 128 : i32
    %mul3A_207 = arith.muli %min3A_205, %mul3A_206 : i32
    %multiple_of3A_208 = tpu.assume_multiple %mul3A_207, 128 : i32
    %dma_start3A_209 = arith.constant 4 : i32
    %dma_start3A_210 = arith.constant 0 : i32
    %dma_start3A_211 = arith.constant 0 : i32
    %dma_start3A_212 = tpu.memref_slice %arg7[%dma_start3A_209, %dma_start3A_210, %dma_start3A_211] : memref<9x64x128xf32, #tpu.memory_space<vmem>> -> memref<1x64x128xf32, #tpu.memory_space<vmem>>
    %dma_start3A_213 = tpu.memref_squeeze %dma_start3A_212 : memref<1x64x128xf32, #tpu.memory_space<vmem>> -> memref<64x128xf32, #tpu.memory_space<vmem>>
    %dma_start3A_214 = arith.constant 0 : i32
    %dma_start3A_215 = tpu.memref_slice %arg3[%dma_start3A_214, %multiple_of3A_208] : memref<64x1000000xf32, #tpu.memory_space<hbm>> -> memref<64x128xf32, #tpu.memory_space<hbm>>
    %dma_start3A_216 = arith.constant 0 : i32
    %dma_start3A_217 = arith.constant 0 : i32
    %dma_start3A_218 = tpu.memref_slice %arg7[%dma_start3A_209, %dma_start3A_216, %dma_start3A_217] : memref<9x64x128xf32, #tpu.memory_space<vmem>> -> memref<1x64x128xf32, #tpu.memory_space<vmem>>
    %dma_start3A_219 = tpu.memref_squeeze %dma_start3A_218 : memref<1x64x128xf32, #tpu.memory_space<vmem>> -> memref<64x128xf32, #tpu.memory_space<vmem>>
    %dma_start3A_220 = arith.constant 0 : i32
    %dma_start3A_221 = tpu.memref_slice %arg3[%dma_start3A_220, %multiple_of3A_208] : memref<64x1000000xf32, #tpu.memory_space<hbm>> -> memref<64x128xf32, #tpu.memory_space<hbm>>
    tpu.enqueue_dma source(%dma_start3A_221 : memref<64x128xf32, #tpu.memory_space<hbm>>) target(%dma_start3A_219 : memref<64x128xf32, #tpu.memory_space<vmem>>) target_semaphore(%arg14 : memref<!tpu.dma_semaphore, #tpu.memory_space<semaphore_mem>>)
    %get3A_222 = arith.constant 5 : index
    %get3A_223 = tpu.vector_load %arg6[%get3A_222] {strides = array<i32>} : memref<528xi32, #tpu.memory_space<vmem>>, vector<16xi32>,
    %slice3A_224 = vector.extract_strided_slice %get3A_223 {offsets = [0], sizes = [1], strides = [1]} : vector<16xi32> to vector<1xi32>
    %squeeze3A_225 = vector.extract %slice3A_224[0] : i32 from vector<1xi32>
    %jit3A_226 = arith.constant 128 : i32
    %div3A_227 = arith.divsi %squeeze3A_225, %jit3A_226 : i32
    %sign3A_228 = arith.constant 0 : i32
    %sign3A_229 = arith.cmpi sgt, %squeeze3A_225, %sign3A_228 : i32
    %sign3A_230 = arith.extui %sign3A_229 : i1 to i32
    %sign3A_231 = arith.constant 0 : i32
    %sign3A_232 = arith.cmpi slt, %squeeze3A_225, %sign3A_231 : i32
    %sign3A_233 = arith.extui %sign3A_232 : i1 to i32
    %sign3A_234 = arith.subi %sign3A_230, %sign3A_233 : i32
    %sign3A_235 = arith.constant 0 : i32
    %sign3A_236 = arith.cmpi sgt, %jit3A_226, %sign3A_235 : i32
    %sign3A_237 = arith.extui %sign3A_236 : i1 to i32
    %sign3A_238 = arith.constant 0 : i32
    %sign3A_239 = arith.cmpi slt, %jit3A_226, %sign3A_238 : i32
    %sign3A_240 = arith.extui %sign3A_239 : i1 to i32
    %sign3A_241 = arith.subi %sign3A_237, %sign3A_240 : i32
    %ne3A_242 = arith.cmpi ne, %sign3A_234, %sign3A_241 : i32
    %rem3A_243 = arith.remsi %squeeze3A_225, %jit3A_226 : i32
    %ne3A_244 = arith.constant 0 : i32
    %ne3A_245 = arith.cmpi ne, %rem3A_243, %ne3A_244 : i32
    %and3A_246 = arith.andi %ne3A_242, %ne3A_245 : i1
    %sub3A_247 = arith.constant 1 : i32
    %sub3A_248 = arith.subi %div3A_227, %sub3A_247 : i32
    %select_n3A_249 = arith.select %and3A_246, %sub3A_248, %div3A_227 : i32
    %min3A_250 = arith.constant 7811 : i32
    %min3A_251 = arith.minsi %select_n3A_249, %min3A_250 : i32
    %mul3A_252 = arith.constant 128 : i32
    %mul3A_253 = arith.muli %min3A_251, %mul3A_252 : i32
    %multiple_of3A_254 = tpu.assume_multiple %mul3A_253, 128 : i32
    %dma_start3A_255 = arith.constant 5 : i32
    %dma_start3A_256 = arith.constant 0 : i32
    %dma_start3A_257 = arith.constant 0 : i32
    %dma_start3A_258 = tpu.memref_slice %arg7[%dma_start3A_255, %dma_start3A_256, %dma_start3A_257] : memref<9x64x128xf32, #tpu.memory_space<vmem>> -> memref<1x64x128xf32, #tpu.memory_space<vmem>>
    %dma_start3A_259 = tpu.memref_squeeze %dma_start3A_258 : memref<1x64x128xf32, #tpu.memory_space<vmem>> -> memref<64x128xf32, #tpu.memory_space<vmem>>
    %dma_start3A_260 = arith.constant 0 : i32
    %dma_start3A_261 = tpu.memref_slice %arg3[%dma_start3A_260, %multiple_of3A_254] : memref<64x1000000xf32, #tpu.memory_space<hbm>> -> memref<64x128xf32, #tpu.memory_space<hbm>>
    %dma_start3A_262 = arith.constant 0 : i32
    %dma_start3A_263 = arith.constant 0 : i32
    %dma_start3A_264 = tpu.memref_slice %arg7[%dma_start3A_255, %dma_start3A_262, %dma_start3A_263] : memref<9x64x128xf32, #tpu.memory_space<vmem>> -> memref<1x64x128xf32, #tpu.memory_space<vmem>>
    %dma_start3A_265 = tpu.memref_squeeze %dma_start3A_264 : memref<1x64x128xf32, #tpu.memory_space<vmem>> -> memref<64x128xf32, #tpu.memory_space<vmem>>
    %dma_start3A_266 = arith.constant 0 : i32
    %dma_start3A_267 = tpu.memref_slice %arg3[%dma_start3A_266, %multiple_of3A_254] : memref<64x1000000xf32, #tpu.memory_space<hbm>> -> memref<64x128xf32, #tpu.memory_space<hbm>>
    tpu.enqueue_dma source(%dma_start3A_267 : memref<64x128xf32, #tpu.memory_space<hbm>>) target(%dma_start3A_265 : memref<64x128xf32, #tpu.memory_space<vmem>>) target_semaphore(%arg15 : memref<!tpu.dma_semaphore, #tpu.memory_space<semaphore_mem>>)
    %get3A_268 = arith.constant 6 : index
    %get3A_269 = tpu.vector_load %arg6[%get3A_268] {strides = array<i32>} : memref<528xi32, #tpu.memory_space<vmem>>, vector<16xi32>,
    %slice3A_270 = vector.extract_strided_slice %get3A_269 {offsets = [0], sizes = [1], strides = [1]} : vector<16xi32> to vector<1xi32>
    %squeeze3A_271 = vector.extract %slice3A_270[0] : i32 from vector<1xi32>
    %jit3A_272 = arith.constant 128 : i32
    %div3A_273 = arith.divsi %squeeze3A_271, %jit3A_272 : i32
    %sign3A_274 = arith.constant 0 : i32
    %sign3A_275 = arith.cmpi sgt, %squeeze3A_271, %sign3A_274 : i32
    %sign3A_276 = arith.extui %sign3A_275 : i1 to i32
    %sign3A_277 = arith.constant 0 : i32
    %sign3A_278 = arith.cmpi slt, %squeeze3A_271, %sign3A_277 : i32
    %sign3A_279 = arith.extui %sign3A_278 : i1 to i32
    %sign3A_280 = arith.subi %sign3A_276, %sign3A_279 : i32
    %sign3A_281 = arith.constant 0 : i32
    %sign3A_282 = arith.cmpi sgt, %jit3A_272, %sign3A_281 : i32
    %sign3A_283 = arith.extui %sign3A_282 : i1 to i32
    %sign3A_284 = arith.constant 0 : i32
    %sign3A_285 = arith.cmpi slt, %jit3A_272, %sign3A_284 : i32
    %sign3A_286 = arith.extui %sign3A_285 : i1 to i32
    %sign3A_287 = arith.subi %sign3A_283, %sign3A_286 : i32
    %ne3A_288 = arith.cmpi ne, %sign3A_280, %sign3A_287 : i32
    %rem3A_289 = arith.remsi %squeeze3A_271, %jit3A_272 : i32
    %ne3A_290 = arith.constant 0 : i32
    %ne3A_291 = arith.cmpi ne, %rem3A_289, %ne3A_290 : i32
    %and3A_292 = arith.andi %ne3A_288, %ne3A_291 : i1
    %sub3A_293 = arith.constant 1 : i32
    %sub3A_294 = arith.subi %div3A_273, %sub3A_293 : i32
    %select_n3A_295 = arith.select %and3A_292, %sub3A_294, %div3A_273 : i32
    %min3A_296 = arith.constant 7811 : i32
    %min3A_297 = arith.minsi %select_n3A_295, %min3A_296 : i32
    %mul3A_298 = arith.constant 128 : i32
    %mul3A_299 = arith.muli %min3A_297, %mul3A_298 : i32
    %multiple_of3A_300 = tpu.assume_multiple %mul3A_299, 128 : i32
    %dma_start3A_301 = arith.constant 6 : i32
    %dma_start3A_302 = arith.constant 0 : i32
    %dma_start3A_303 = arith.constant 0 : i32
    %dma_start3A_304 = tpu.memref_slice %arg7[%dma_start3A_301, %dma_start3A_302, %dma_start3A_303] : memref<9x64x128xf32, #tpu.memory_space<vmem>> -> memref<1x64x128xf32, #tpu.memory_space<vmem>>
    %dma_start3A_305 = tpu.memref_squeeze %dma_start3A_304 : memref<1x64x128xf32, #tpu.memory_space<vmem>> -> memref<64x128xf32, #tpu.memory_space<vmem>>
    %dma_start3A_306 = arith.constant 0 : i32
    %dma_start3A_307 = tpu.memref_slice %arg3[%dma_start3A_306, %multiple_of3A_300] : memref<64x1000000xf32, #tpu.memory_space<hbm>> -> memref<64x128xf32, #tpu.memory_space<hbm>>
    %dma_start3A_308 = arith.constant 0 : i32
    %dma_start3A_309 = arith.constant 0 : i32
    %dma_start3A_310 = tpu.memref_slice %arg7[%dma_start3A_301, %dma_start3A_308, %dma_start3A_309] : memref<9x64x128xf32, #tpu.memory_space<vmem>> -> memref<1x64x128xf32, #tpu.memory_space<vmem>>
    %dma_start3A_311 = tpu.memref_squeeze %dma_start3A_310 : memref<1x64x128xf32, #tpu.memory_space<vmem>> -> memref<64x128xf32, #tpu.memory_space<vmem>>
    %dma_start3A_312 = arith.constant 0 : i32
    %dma_start3A_313 = tpu.memref_slice %arg3[%dma_start3A_312, %multiple_of3A_300] : memref<64x1000000xf32, #tpu.memory_space<hbm>> -> memref<64x128xf32, #tpu.memory_space<hbm>>
    tpu.enqueue_dma source(%dma_start3A_313 : memref<64x128xf32, #tpu.memory_space<hbm>>) target(%dma_start3A_311 : memref<64x128xf32, #tpu.memory_space<vmem>>) target_semaphore(%arg16 : memref<!tpu.dma_semaphore, #tpu.memory_space<semaphore_mem>>)
    %get3A_314 = arith.constant 7 : index
    %get3A_315 = tpu.vector_load %arg6[%get3A_314] {strides = array<i32>} : memref<528xi32, #tpu.memory_space<vmem>>, vector<16xi32>,
    %slice3A_316 = vector.extract_strided_slice %get3A_315 {offsets = [0], sizes = [1], strides = [1]} : vector<16xi32> to vector<1xi32>
    %squeeze3A_317 = vector.extract %slice3A_316[0] : i32 from vector<1xi32>
    %jit3A_318 = arith.constant 128 : i32
    %div3A_319 = arith.divsi %squeeze3A_317, %jit3A_318 : i32
    %sign3A_320 = arith.constant 0 : i32
    %sign3A_321 = arith.cmpi sgt, %squeeze3A_317, %sign3A_320 : i32
    %sign3A_322 = arith.extui %sign3A_321 : i1 to i32
    %sign3A_323 = arith.constant 0 : i32
    %sign3A_324 = arith.cmpi slt, %squeeze3A_317, %sign3A_323 : i32
    %sign3A_325 = arith.extui %sign3A_324 : i1 to i32
    %sign3A_326 = arith.subi %sign3A_322, %sign3A_325 : i32
    %sign3A_327 = arith.constant 0 : i32
    %sign3A_328 = arith.cmpi sgt, %jit3A_318, %sign3A_327 : i32
    %sign3A_329 = arith.extui %sign3A_328 : i1 to i32
    %sign3A_330 = arith.constant 0 : i32
    %sign3A_331 = arith.cmpi slt, %jit3A_318, %sign3A_330 : i32
    %sign3A_332 = arith.extui %sign3A_331 : i1 to i32
    %sign3A_333 = arith.subi %sign3A_329, %sign3A_332 : i32
    %ne3A_334 = arith.cmpi ne, %sign3A_326, %sign3A_333 : i32
    %rem3A_335 = arith.remsi %squeeze3A_317, %jit3A_318 : i32
    %ne3A_336 = arith.constant 0 : i32
    %ne3A_337 = arith.cmpi ne, %rem3A_335, %ne3A_336 : i32
    %and3A_338 = arith.andi %ne3A_334, %ne3A_337 : i1
    %sub3A_339 = arith.constant 1 : i32
    %sub3A_340 = arith.subi %div3A_319, %sub3A_339 : i32
    %select_n3A_341 = arith.select %and3A_338, %sub3A_340, %div3A_319 : i32
    %min3A_342 = arith.constant 7811 : i32
    %min3A_343 = arith.minsi %select_n3A_341, %min3A_342 : i32
    %mul3A_344 = arith.constant 128 : i32
    %mul3A_345 = arith.muli %min3A_343, %mul3A_344 : i32
    %multiple_of3A_346 = tpu.assume_multiple %mul3A_345, 128 : i32
    %dma_start3A_347 = arith.constant 7 : i32
    %dma_start3A_348 = arith.constant 0 : i32
    %dma_start3A_349 = arith.constant 0 : i32
    %dma_start3A_350 = tpu.memref_slice %arg7[%dma_start3A_347, %dma_start3A_348, %dma_start3A_349] : memref<9x64x128xf32, #tpu.memory_space<vmem>> -> memref<1x64x128xf32, #tpu.memory_space<vmem>>
    %dma_start3A_351 = tpu.memref_squeeze %dma_start3A_350 : memref<1x64x128xf32, #tpu.memory_space<vmem>> -> memref<64x128xf32, #tpu.memory_space<vmem>>
    %dma_start3A_352 = arith.constant 0 : i32
    %dma_start3A_353 = tpu.memref_slice %arg3[%dma_start3A_352, %multiple_of3A_346] : memref<64x1000000xf32, #tpu.memory_space<hbm>> -> memref<64x128xf32, #tpu.memory_space<hbm>>
    %dma_start3A_354 = arith.constant 0 : i32
    %dma_start3A_355 = arith.constant 0 : i32
    %dma_start3A_356 = tpu.memref_slice %arg7[%dma_start3A_347, %dma_start3A_354, %dma_start3A_355] : memref<9x64x128xf32, #tpu.memory_space<vmem>> -> memref<1x64x128xf32, #tpu.memory_space<vmem>>
    %dma_start3A_357 = tpu.memref_squeeze %dma_start3A_356 : memref<1x64x128xf32, #tpu.memory_space<vmem>> -> memref<64x128xf32, #tpu.memory_space<vmem>>
    %dma_start3A_358 = arith.constant 0 : i32
    %dma_start3A_359 = tpu.memref_slice %arg3[%dma_start3A_358, %multiple_of3A_346] : memref<64x1000000xf32, #tpu.memory_space<hbm>> -> memref<64x128xf32, #tpu.memory_space<hbm>>
    tpu.enqueue_dma source(%dma_start3A_359 : memref<64x128xf32, #tpu.memory_space<hbm>>) target(%dma_start3A_357 : memref<64x128xf32, #tpu.memory_space<vmem>>) target_semaphore(%arg17 : memref<!tpu.dma_semaphore, #tpu.memory_space<semaphore_mem>>)
    %get3A_360 = arith.constant 8 : index
    %get3A_361 = tpu.vector_load %arg6[%get3A_360] {strides = array<i32>} : memref<528xi32, #tpu.memory_space<vmem>>, vector<16xi32>,
    %slice3A_362 = vector.extract_strided_slice %get3A_361 {offsets = [0], sizes = [1], strides = [1]} : vector<16xi32> to vector<1xi32>
    %squeeze3A_363 = vector.extract %slice3A_362[0] : i32 from vector<1xi32>
    %jit3A_364 = arith.constant 128 : i32
    %div3A_365 = arith.divsi %squeeze3A_363, %jit3A_364 : i32
    %sign3A_366 = arith.constant 0 : i32
    %sign3A_367 = arith.cmpi sgt, %squeeze3A_363, %sign3A_366 : i32
    %sign3A_368 = arith.extui %sign3A_367 : i1 to i32
    %sign3A_369 = arith.constant 0 : i32
    %sign3A_370 = arith.cmpi slt, %squeeze3A_363, %sign3A_369 : i32
    %sign3A_371 = arith.extui %sign3A_370 : i1 to i32
    %sign3A_372 = arith.subi %sign3A_368, %sign3A_371 : i32
    %sign3A_373 = arith.constant 0 : i32
    %sign3A_374 = arith.cmpi sgt, %jit3A_364, %sign3A_373 : i32
    %sign3A_375 = arith.extui %sign3A_374 : i1 to i32
    %sign3A_376 = arith.constant 0 : i32
    %sign3A_377 = arith.cmpi slt, %jit3A_364, %sign3A_376 : i32
    %sign3A_378 = arith.extui %sign3A_377 : i1 to i32
    %sign3A_379 = arith.subi %sign3A_375, %sign3A_378 : i32
    %ne3A_380 = arith.cmpi ne, %sign3A_372, %sign3A_379 : i32
    %rem3A_381 = arith.remsi %squeeze3A_363, %jit3A_364 : i32
    %ne3A_382 = arith.constant 0 : i32
    %ne3A_383 = arith.cmpi ne, %rem3A_381, %ne3A_382 : i32
    %and3A_384 = arith.andi %ne3A_380, %ne3A_383 : i1
    %sub3A_385 = arith.constant 1 : i32
    %sub3A_386 = arith.subi %div3A_365, %sub3A_385 : i32
    %select_n3A_387 = arith.select %and3A_384, %sub3A_386, %div3A_365 : i32
    %min3A_388 = arith.constant 7811 : i32
    %min3A_389 = arith.minsi %select_n3A_387, %min3A_388 : i32
    %mul3A_390 = arith.constant 128 : i32
    %mul3A_391 = arith.muli %min3A_389, %mul3A_390 : i32
    %multiple_of3A_392 = tpu.assume_multiple %mul3A_391, 128 : i32
    %dma_start3A_393 = arith.constant 8 : i32
    %dma_start3A_394 = arith.constant 0 : i32
    %dma_start3A_395 = arith.constant 0 : i32
    %dma_start3A_396 = tpu.memref_slice %arg7[%dma_start3A_393, %dma_start3A_394, %dma_start3A_395] : memref<9x64x128xf32, #tpu.memory_space<vmem>> -> memref<1x64x128xf32, #tpu.memory_space<vmem>>
    %dma_start3A_397 = tpu.memref_squeeze %dma_start3A_396 : memref<1x64x128xf32, #tpu.memory_space<vmem>> -> memref<64x128xf32, #tpu.memory_space<vmem>>
    %dma_start3A_398 = arith.constant 0 : i32
    %dma_start3A_399 = tpu.memref_slice %arg3[%dma_start3A_398, %multiple_of3A_392] : memref<64x1000000xf32, #tpu.memory_space<hbm>> -> memref<64x128xf32, #tpu.memory_space<hbm>>
    %dma_start3A_400 = arith.constant 0 : i32
    %dma_start3A_401 = arith.constant 0 : i32
    %dma_start3A_402 = tpu.memref_slice %arg7[%dma_start3A_393, %dma_start3A_400, %dma_start3A_401] : memref<9x64x128xf32, #tpu.memory_space<vmem>> -> memref<1x64x128xf32, #tpu.memory_space<vmem>>
    %dma_start3A_403 = tpu.memref_squeeze %dma_start3A_402 : memref<1x64x128xf32, #tpu.memory_space<vmem>> -> memref<64x128xf32, #tpu.memory_space<vmem>>
    %dma_start3A_404 = arith.constant 0 : i32
    %dma_start3A_405 = tpu.memref_slice %arg3[%dma_start3A_404, %multiple_of3A_392] : memref<64x1000000xf32, #tpu.memory_space<hbm>> -> memref<64x128xf32, #tpu.memory_space<hbm>>
    tpu.enqueue_dma source(%dma_start3A_405 : memref<64x128xf32, #tpu.memory_space<hbm>>) target(%dma_start3A_403 : memref<64x128xf32, #tpu.memory_space<vmem>>) target_semaphore(%arg18 : memref<!tpu.dma_semaphore, #tpu.memory_space<semaphore_mem>>)
    %scan3A = arith.constant 0 : i32
    %scan3A_406 = arith.constant 56 : i32
    %scan3A_407 = arith.addi %scan3A, %scan3A_406 : i32
    %scan3A_408 = arith.constant 1 : i32
    scf.for %scan3A_1173 = %scan3A to %scan3A_407 step %scan3A_408  : i32 {
      %mul3A_1174 = arith.constant 9 : i32
      %mul3A_1175 = arith.muli %scan3A_1173, %mul3A_1174 : i32
      %add3A_1176 = arith.constant 0 : i32
      %add3A_1177 = arith.addi %mul3A_1175, %add3A_1176 : i32
      %dma_wait3A_1178 = arith.constant 0 : i32
      %dma_wait3A_1179 = arith.constant 0 : i32
      %dma_wait3A_1180 = arith.constant 0 : i32
      %dma_wait3A_1181 = tpu.memref_slice %arg7[%dma_wait3A_1178, %dma_wait3A_1179, %dma_wait3A_1180] : memref<9x64x128xf32, #tpu.memory_space<vmem>> -> memref<1x64x128xf32, #tpu.memory_space<vmem>>
      %dma_wait3A_1182 = tpu.memref_squeeze %dma_wait3A_1181 : memref<1x64x128xf32, #tpu.memory_space<vmem>> -> memref<64x128xf32, #tpu.memory_space<vmem>>
      %dma_wait3A_1183 = arith.constant 0 : i32
      %dma_wait3A_1184 = arith.constant 0 : i32
      %dma_wait3A_1185 = tpu.memref_slice %arg3[%dma_wait3A_1183, %dma_wait3A_1184] : memref<64x1000000xf32, #tpu.memory_space<hbm>> -> memref<64x128xf32, #tpu.memory_space<hbm>>
      %dma_wait3A_1186 = arith.constant 0 : i32
      %dma_wait3A_1187 = arith.constant 0 : i32
      %dma_wait3A_1188 = tpu.memref_slice %arg7[%dma_wait3A_1178, %dma_wait3A_1186, %dma_wait3A_1187] : memref<9x64x128xf32, #tpu.memory_space<vmem>> -> memref<1x64x128xf32, #tpu.memory_space<vmem>>
      %dma_wait3A_1189 = tpu.memref_squeeze %dma_wait3A_1188 : memref<1x64x128xf32, #tpu.memory_space<vmem>> -> memref<64x128xf32, #tpu.memory_space<vmem>>
      %dma_wait3A_1190 = arith.constant 0 : i32
      %dma_wait3A_1191 = arith.constant 0 : i32
      %dma_wait3A_1192 = tpu.memref_slice %arg3[%dma_wait3A_1190, %dma_wait3A_1191] : memref<64x1000000xf32, #tpu.memory_space<hbm>> -> memref<64x128xf32, #tpu.memory_space<hbm>>
      tpu.wait_dma2 semaphore(%arg10 : memref<!tpu.dma_semaphore, #tpu.memory_space<semaphore_mem>>) src(%dma_wait3A_1192 : memref<64x128xf32, #tpu.memory_space<hbm>>) dst(%dma_wait3A_1189 : memref<64x128xf32, #tpu.memory_space<vmem>>)
      %get3A_1193 = arith.index_cast %add3A_1177 : i32 to index
      %get3A_1194 = tpu.vector_load %arg6[%get3A_1193] {strides = array<i32>} : memref<528xi32, #tpu.memory_space<vmem>>, vector<16xi32>,
      %slice3A_1195 = vector.extract_strided_slice %get3A_1194 {offsets = [0], sizes = [1], strides = [1]} : vector<16xi32> to vector<1xi32>
      %squeeze3A_1196 = vector.extract %slice3A_1195[0] : i32 from vector<1xi32>
      %jit3A_1197 = arith.constant 128 : i32
      %eq3A_1198 = arith.constant 0 : i32
      %eq3A_1199 = arith.cmpi eq, %jit3A_1197, %eq3A_1198 : i32
      %jit3A_1200 = arith.constant 1 : i32
      %select_n3A_1201 = arith.select %eq3A_1199, %jit3A_1200, %jit3A_1197 : i32
      %rem3A_1202 = arith.remsi %squeeze3A_1196, %select_n3A_1201 : i32
      %ne3A_1203 = arith.constant 0 : i32
      %ne3A_1204 = arith.cmpi ne, %rem3A_1202, %ne3A_1203 : i32
      %lt3A_1205 = arith.constant 0 : i32
      %lt3A_1206 = arith.cmpi slt, %rem3A_1202, %lt3A_1205 : i32
      %lt3A_1207 = arith.constant 0 : i32
      %lt3A_1208 = arith.cmpi slt, %select_n3A_1201, %lt3A_1207 : i32
      %ne3A_1209 = arith.xori %lt3A_1206, %lt3A_1208 : i1
      %and3A_1210 = arith.andi %ne3A_1209, %ne3A_1204 : i1
      %add3A_1211 = arith.addi %rem3A_1202, %select_n3A_1201 : i32
      %select_n3A_1212 = arith.select %and3A_1210, %add3A_1211, %rem3A_1202 : i32
      %broadcast_in_dim3A_1213 = vector.broadcast %select_n3A_1212 : i32 to vector<16xi32>
      %sub3A_1214 = arith.constant 999936 : i32
      %sub3A_1215 = arith.subi %squeeze3A_1196, %sub3A_1214 : i32
      %max3A_1216 = arith.constant 0 : i32
      %max3A_1217 = arith.maxsi %sub3A_1215, %max3A_1216 : i32
      %min3A_1218 = arith.constant 63 : i32
      %min3A_1219 = arith.minsi %max3A_1217, %min3A_1218 : i32
      %broadcast_in_dim3A_1220 = vector.broadcast %min3A_1219 : i32 to vector<16xi32>
      %jit3A_1221 = arith.constant 256 : i32
      %eq3A_1222 = arith.constant 0 : i32
      %eq3A_1223 = arith.cmpi eq, %jit3A_1221, %eq3A_1222 : i32
      %jit3A_1224 = arith.constant 1 : i32
      %select_n3A_1225 = arith.select %eq3A_1223, %jit3A_1224, %jit3A_1221 : i32
      %rem3A_1226 = arith.remsi %add3A_1177, %select_n3A_1225 : i32
      %ne3A_1227 = arith.constant 0 : i32
      %ne3A_1228 = arith.cmpi ne, %rem3A_1226, %ne3A_1227 : i32
      %lt3A_1229 = arith.constant 0 : i32
      %lt3A_1230 = arith.cmpi slt, %rem3A_1226, %lt3A_1229 : i32
      %lt3A_1231 = arith.constant 0 : i32
      %lt3A_1232 = arith.cmpi slt, %select_n3A_1225, %lt3A_1231 : i32
      %ne3A_1233 = arith.xori %lt3A_1230, %lt3A_1232 : i1
      %and3A_1234 = arith.andi %ne3A_1233, %ne3A_1228 : i1
      %add3A_1235 = arith.addi %rem3A_1226, %select_n3A_1225 : i32
      %select_n3A_1236 = arith.select %and3A_1234, %add3A_1235, %rem3A_1226 : i32
      %broadcast_in_dim3A_1237 = vector.broadcast %select_n3A_1236 : i32 to vector<16xi32>
      %ge3A_1238 = arith.constant 999936 : i32
      %ge3A_1239 = arith.cmpi sge, %squeeze3A_1196, %ge3A_1238 : i32
      %broadcast_in_dim3A_1240 = vector.broadcast %ge3A_1239 : i1 to vector<16xi1>
      %iota3A_1241 = tpu.iota {dimensions = array<i32: 0>} : vector<16xi32>
      %add3A_1242 = arith.constant 0 : i32
      %add3A_1243 = vector.broadcast %add3A_1242 : i32 to vector<16xi32>
      %add3A_1244 = arith.addi %add3A_1243, %iota3A_1241 : vector<16xi32>
      %gather3A_1245 = arith.constant 0 : i32
      %gather3A_1246 = arith.constant 0 : i32
      %gather3A_1247 = arith.constant 0 : i32
      %gather3A_1248 = tpu.memref_slice %arg7[%gather3A_1245, %gather3A_1246, %gather3A_1247] : memref<9x64x128xf32, #tpu.memory_space<vmem>> -> memref<1x64x128xf32, #tpu.memory_space<vmem>>
      %gather3A_1249 = tpu.memref_squeeze %gather3A_1248 : memref<1x64x128xf32, #tpu.memory_space<vmem>> -> memref<64x128xf32, #tpu.memory_space<vmem>>
      %gather3A_1250 = tpu.vector_load_idx %gather3A_1249[%add3A_1244, %broadcast_in_dim3A_1213] : memref<64x128xf32, #tpu.memory_space<vmem>>[vector<16xi32>, vector<16xi32>], vector<16xf32>,
      %gather3A_1251 = tpu.vector_load_idx %arg8[%add3A_1244, %broadcast_in_dim3A_1220] : memref<64x64xf32, #tpu.memory_space<vmem>>[vector<16xi32>, vector<16xi32>], vector<16xf32>,
      %select_n3A_1252 = arith.select %broadcast_in_dim3A_1240, %gather3A_1251, %gather3A_1250 : vector<16xi1>, vector<16xf32>
      tpu.vector_store_idx %arg9[%add3A_1244, %broadcast_in_dim3A_1237], %select_n3A_1252 : memref<64x256xf32, #tpu.memory_space<vmem>>[vector<16xi32>, vector<16xi32>], vector<16xf32>,
      %iota3A_1253 = tpu.iota {dimensions = array<i32: 0>} : vector<16xi32>
      %add3A_1254 = arith.constant 16 : i32
      %add3A_1255 = vector.broadcast %add3A_1254 : i32 to vector<16xi32>
      %add3A_1256 = arith.addi %add3A_1255, %iota3A_1253 : vector<16xi32>
      %gather3A_1257 = arith.constant 0 : i32
      %gather3A_1258 = arith.constant 0 : i32
      %gather3A_1259 = arith.constant 0 : i32
      %gather3A_1260 = tpu.memref_slice %arg7[%gather3A_1257, %gather3A_1258, %gather3A_1259] : memref<9x64x128xf32, #tpu.memory_space<vmem>> -> memref<1x64x128xf32, #tpu.memory_space<vmem>>
      %gather3A_1261 = tpu.memref_squeeze %gather3A_1260 : memref<1x64x128xf32, #tpu.memory_space<vmem>> -> memref<64x128xf32, #tpu.memory_space<vmem>>
      %gather3A_1262 = tpu.vector_load_idx %gather3A_1261[%add3A_1256, %broadcast_in_dim3A_1213] : memref<64x128xf32, #tpu.memory_space<vmem>>[vector<16xi32>, vector<16xi32>], vector<16xf32>,
      %gather3A_1263 = tpu.vector_load_idx %arg8[%add3A_1256, %broadcast_in_dim3A_1220] : memref<64x64xf32, #tpu.memory_space<vmem>>[vector<16xi32>, vector<16xi32>], vector<16xf32>,
      %select_n3A_1264 = arith.select %broadcast_in_dim3A_1240, %gather3A_1263, %gather3A_1262 : vector<16xi1>, vector<16xf32>
      tpu.vector_store_idx %arg9[%add3A_1256, %broadcast_in_dim3A_1237], %select_n3A_1264 : memref<64x256xf32, #tpu.memory_space<vmem>>[vector<16xi32>, vector<16xi32>], vector<16xf32>,
      %iota3A_1265 = tpu.iota {dimensions = array<i32: 0>} : vector<16xi32>
      %add3A_1266 = arith.constant 32 : i32
      %add3A_1267 = vector.broadcast %add3A_1266 : i32 to vector<16xi32>
      %add3A_1268 = arith.addi %add3A_1267, %iota3A_1265 : vector<16xi32>
      %gather3A_1269 = arith.constant 0 : i32
      %gather3A_1270 = arith.constant 0 : i32
      %gather3A_1271 = arith.constant 0 : i32
      %gather3A_1272 = tpu.memref_slice %arg7[%gather3A_1269, %gather3A_1270, %gather3A_1271] : memref<9x64x128xf32, #tpu.memory_space<vmem>> -> memref<1x64x128xf32, #tpu.memory_space<vmem>>
      %gather3A_1273 = tpu.memref_squeeze %gather3A_1272 : memref<1x64x128xf32, #tpu.memory_space<vmem>> -> memref<64x128xf32, #tpu.memory_space<vmem>>
      %gather3A_1274 = tpu.vector_load_idx %gather3A_1273[%add3A_1268, %broadcast_in_dim3A_1213] : memref<64x128xf32, #tpu.memory_space<vmem>>[vector<16xi32>, vector<16xi32>], vector<16xf32>,
      %gather3A_1275 = tpu.vector_load_idx %arg8[%add3A_1268, %broadcast_in_dim3A_1220] : memref<64x64xf32, #tpu.memory_space<vmem>>[vector<16xi32>, vector<16xi32>], vector<16xf32>,
      %select_n3A_1276 = arith.select %broadcast_in_dim3A_1240, %gather3A_1275, %gather3A_1274 : vector<16xi1>, vector<16xf32>
      tpu.vector_store_idx %arg9[%add3A_1268, %broadcast_in_dim3A_1237], %select_n3A_1276 : memref<64x256xf32, #tpu.memory_space<vmem>>[vector<16xi32>, vector<16xi32>], vector<16xf32>,
      %iota3A_1277 = tpu.iota {dimensions = array<i32: 0>} : vector<16xi32>
      %add3A_1278 = arith.constant 48 : i32
      %add3A_1279 = vector.broadcast %add3A_1278 : i32 to vector<16xi32>
      %add3A_1280 = arith.addi %add3A_1279, %iota3A_1277 : vector<16xi32>
      %gather3A_1281 = arith.constant 0 : i32
      %gather3A_1282 = arith.constant 0 : i32
      %gather3A_1283 = arith.constant 0 : i32
      %gather3A_1284 = tpu.memref_slice %arg7[%gather3A_1281, %gather3A_1282, %gather3A_1283] : memref<9x64x128xf32, #tpu.memory_space<vmem>> -> memref<1x64x128xf32, #tpu.memory_space<vmem>>
      %gather3A_1285 = tpu.memref_squeeze %gather3A_1284 : memref<1x64x128xf32, #tpu.memory_space<vmem>> -> memref<64x128xf32, #tpu.memory_space<vmem>>
      %gather3A_1286 = tpu.vector_load_idx %gather3A_1285[%add3A_1280, %broadcast_in_dim3A_1213] : memref<64x128xf32, #tpu.memory_space<vmem>>[vector<16xi32>, vector<16xi32>], vector<16xf32>,
      %gather3A_1287 = tpu.vector_load_idx %arg8[%add3A_1280, %broadcast_in_dim3A_1220] : memref<64x64xf32, #tpu.memory_space<vmem>>[vector<16xi32>, vector<16xi32>], vector<16xf32>,
      %select_n3A_1288 = arith.select %broadcast_in_dim3A_1240, %gather3A_1287, %gather3A_1286 : vector<16xi1>, vector<16xf32>
      tpu.vector_store_idx %arg9[%add3A_1280, %broadcast_in_dim3A_1237], %select_n3A_1288 : memref<64x256xf32, #tpu.memory_space<vmem>>[vector<16xi32>, vector<16xi32>], vector<16xf32>,
      %eq3A_1289 = arith.constant 255 : i32
      %eq3A_1290 = arith.cmpi eq, %add3A_1177, %eq3A_1289 : i32
      %convert_element_type3A = arith.extui %eq3A_1290 : i1 to i32
      %cond3A = arith.constant 0 : i32
      %cond3A_1291 = arith.cmpi ne, %convert_element_type3A, %cond3A : i32
      scf.if %cond3A_1291 {
        %multiple_of3A_2315 = tpu.assume_multiple %mul3A_2, 128 : i32
        "tpu.region"() ({
          %run_scoped3A_2316 = tpu.sem_alloc : memref<!tpu.dma_semaphore, #tpu.memory_space<semaphore_mem>>
          %dma_start3A_2317 = arith.constant 0 : i32
          %dma_start3A_2318 = tpu.memref_slice %arg5[%dma_start3A_2317, %multiple_of3A_2315] : memref<64x16384xf32, #tpu.memory_space<hbm>> -> memref<64x256xf32, #tpu.memory_space<hbm>>
          %dma_start3A_2319 = arith.constant 0 : i32
          %dma_start3A_2320 = tpu.memref_slice %arg5[%dma_start3A_2319, %multiple_of3A_2315] : memref<64x16384xf32, #tpu.memory_space<hbm>> -> memref<64x256xf32, #tpu.memory_space<hbm>>
          tpu.enqueue_dma source(%arg9 : memref<64x256xf32, #tpu.memory_space<vmem>>) target(%dma_start3A_2320 : memref<64x256xf32, #tpu.memory_space<hbm>>) target_semaphore(%run_scoped3A_2316 : memref<!tpu.dma_semaphore, #tpu.memory_space<semaphore_mem>>)
          %dma_wait3A_2321 = arith.constant 0 : i32
          %dma_wait3A_2322 = tpu.memref_slice %arg5[%dma_wait3A_2321, %multiple_of3A_2315] : memref<64x16384xf32, #tpu.memory_space<hbm>> -> memref<64x256xf32, #tpu.memory_space<hbm>>
          %dma_wait3A_2323 = arith.constant 0 : i32
          %dma_wait3A_2324 = tpu.memref_slice %arg5[%dma_wait3A_2323, %multiple_of3A_2315] : memref<64x16384xf32, #tpu.memory_space<hbm>> -> memref<64x256xf32, #tpu.memory_space<hbm>>
          tpu.wait_dma2 semaphore(%run_scoped3A_2316 : memref<!tpu.dma_semaphore, #tpu.memory_space<semaphore_mem>>) src(%arg9 : memref<64x256xf32, #tpu.memory_space<vmem>>) dst(%dma_wait3A_2324 : memref<64x256xf32, #tpu.memory_space<hbm>>)
          tpu.yield
        }) : () -> ()
      } else {
      }
      %add3A_1292 = arith.constant 9 : i32
      %add3A_1293 = arith.addi %add3A_1177, %add3A_1292 : i32
      %lt3A_1294 = arith.constant 512 : i32
      %lt3A_1295 = arith.cmpi slt, %add3A_1293, %lt3A_1294 : i32
      %convert_element_type3A_1296 = arith.extui %lt3A_1295 : i1 to i32
      %cond3A_1297 = arith.constant 0 : i32
      %cond3A_1298 = arith.cmpi ne, %convert_element_type3A_1296, %cond3A_1297 : i32
      scf.if %cond3A_1298 {
        %add3A_2315 = arith.constant 9 : i32
        %add3A_2316 = arith.addi %add3A_1177, %add3A_2315 : i32
        %get3A_2317 = arith.index_cast %add3A_2316 : i32 to index
        %get3A_2318 = tpu.vector_load %arg6[%get3A_2317] {strides = array<i32>} : memref<528xi32, #tpu.memory_space<vmem>>, vector<16xi32>,
        %slice3A_2319 = vector.extract_strided_slice %get3A_2318 {offsets = [0], sizes = [1], strides = [1]} : vector<16xi32> to vector<1xi32>
        %squeeze3A_2320 = vector.extract %slice3A_2319[0] : i32 from vector<1xi32>
        %jit3A_2321 = arith.constant 128 : i32
        %div3A_2322 = arith.divsi %squeeze3A_2320, %jit3A_2321 : i32
        %sign3A_2323 = arith.constant 0 : i32
        %sign3A_2324 = arith.cmpi sgt, %squeeze3A_2320, %sign3A_2323 : i32
        %sign3A_2325 = arith.extui %sign3A_2324 : i1 to i32
        %sign3A_2326 = arith.constant 0 : i32
        %sign3A_2327 = arith.cmpi slt, %squeeze3A_2320, %sign3A_2326 : i32
        %sign3A_2328 = arith.extui %sign3A_2327 : i1 to i32
        %sign3A_2329 = arith.subi %sign3A_2325, %sign3A_2328 : i32
        %sign3A_2330 = arith.constant 0 : i32
        %sign3A_2331 = arith.cmpi sgt, %jit3A_2321, %sign3A_2330 : i32
        %sign3A_2332 = arith.extui %sign3A_2331 : i1 to i32
        %sign3A_2333 = arith.constant 0 : i32
        %sign3A_2334 = arith.cmpi slt, %jit3A_2321, %sign3A_2333 : i32
        %sign3A_2335 = arith.extui %sign3A_2334 : i1 to i32
        %sign3A_2336 = arith.subi %sign3A_2332, %sign3A_2335 : i32
        %ne3A_2337 = arith.cmpi ne, %sign3A_2329, %sign3A_2336 : i32
        %rem3A_2338 = arith.remsi %squeeze3A_2320, %jit3A_2321 : i32
        %ne3A_2339 = arith.constant 0 : i32
        %ne3A_2340 = arith.cmpi ne, %rem3A_2338, %ne3A_2339 : i32
        %and3A_2341 = arith.andi %ne3A_2337, %ne3A_2340 : i1
        %sub3A_2342 = arith.constant 1 : i32
        %sub3A_2343 = arith.subi %div3A_2322, %sub3A_2342 : i32
        %select_n3A_2344 = arith.select %and3A_2341, %sub3A_2343, %div3A_2322 : i32
        %min3A_2345 = arith.constant 7811 : i32
        %min3A_2346 = arith.minsi %select_n3A_2344, %min3A_2345 : i32
        %mul3A_2347 = arith.constant 128 : i32
        %mul3A_2348 = arith.muli %min3A_2346, %mul3A_2347 : i32
        %multiple_of3A_2349 = tpu.assume_multiple %mul3A_2348, 128 : i32
        %dma_start3A_2350 = arith.constant 0 : i32
        %dma_start3A_2351 = arith.constant 0 : i32
        %dma_start3A_2352 = arith.constant 0 : i32
        %dma_start3A_2353 = tpu.memref_slice %arg7[%dma_start3A_2350, %dma_start3A_2351, %dma_start3A_2352] : memref<9x64x128xf32, #tpu.memory_space<vmem>> -> memref<1x64x128xf32, #tpu.memory_space<vmem>>
        %dma_start3A_2354 = tpu.memref_squeeze %dma_start3A_2353 : memref<1x64x128xf32, #tpu.memory_space<vmem>> -> memref<64x128xf32, #tpu.memory_space<vmem>>
        %dma_start3A_2355 = arith.constant 0 : i32
        %dma_start3A_2356 = tpu.memref_slice %arg3[%dma_start3A_2355, %multiple_of3A_2349] : memref<64x1000000xf32, #tpu.memory_space<hbm>> -> memref<64x128xf32, #tpu.memory_space<hbm>>
        %dma_start3A_2357 = arith.constant 0 : i32
        %dma_start3A_2358 = arith.constant 0 : i32
        %dma_start3A_2359 = tpu.memref_slice %arg7[%dma_start3A_2350, %dma_start3A_2357, %dma_start3A_2358] : memref<9x64x128xf32, #tpu.memory_space<vmem>> -> memref<1x64x128xf32, #tpu.memory_space<vmem>>
        %dma_start3A_2360 = tpu.memref_squeeze %dma_start3A_2359 : memref<1x64x128xf32, #tpu.memory_space<vmem>> -> memref<64x128xf32, #tpu.memory_space<vmem>>
        %dma_start3A_2361 = arith.constant 0 : i32
        %dma_start3A_2362 = tpu.memref_slice %arg3[%dma_start3A_2361, %multiple_of3A_2349] : memref<64x1000000xf32, #tpu.memory_space<hbm>> -> memref<64x128xf32, #tpu.memory_space<hbm>>
        tpu.enqueue_dma source(%dma_start3A_2362 : memref<64x128xf32, #tpu.memory_space<hbm>>) target(%dma_start3A_2360 : memref<64x128xf32, #tpu.memory_space<vmem>>) target_semaphore(%arg10 : memref<!tpu.dma_semaphore, #tpu.memory_space<semaphore_mem>>)
      } else {
      }
      %mul3A_1299 = arith.constant 9 : i32
      %mul3A_1300 = arith.muli %scan3A_1173, %mul3A_1299 : i32
      %add3A_1301 = arith.constant 1 : i32
      %add3A_1302 = arith.addi %mul3A_1300, %add3A_1301 : i32
      %dma_wait3A_1303 = arith.constant 1 : i32
      %dma_wait3A_1304 = arith.constant 0 : i32
      %dma_wait3A_1305 = arith.constant 0 : i32
      %dma_wait3A_1306 = tpu.memref_slice %arg7[%dma_wait3A_1303, %dma_wait3A_1304, %dma_wait3A_1305] : memref<9x64x128xf32, #tpu.memory_space<vmem>> -> memref<1x64x128xf32, #tpu.memory_space<vmem>>
      %dma_wait3A_1307 = tpu.memref_squeeze %dma_wait3A_1306 : memref<1x64x128xf32, #tpu.memory_space<vmem>> -> memref<64x128xf32, #tpu.memory_space<vmem>>
      %dma_wait3A_1308 = arith.constant 0 : i32
      %dma_wait3A_1309 = arith.constant 0 : i32
      %dma_wait3A_1310 = tpu.memref_slice %arg3[%dma_wait3A_1308, %dma_wait3A_1309] : memref<64x1000000xf32, #tpu.memory_space<hbm>> -> memref<64x128xf32, #tpu.memory_space<hbm>>
      %dma_wait3A_1311 = arith.constant 0 : i32
      %dma_wait3A_1312 = arith.constant 0 : i32
      %dma_wait3A_1313 = tpu.memref_slice %arg7[%dma_wait3A_1303, %dma_wait3A_1311, %dma_wait3A_1312] : memref<9x64x128xf32, #tpu.memory_space<vmem>> -> memref<1x64x128xf32, #tpu.memory_space<vmem>>
      %dma_wait3A_1314 = tpu.memref_squeeze %dma_wait3A_1313 : memref<1x64x128xf32, #tpu.memory_space<vmem>> -> memref<64x128xf32, #tpu.memory_space<vmem>>
      %dma_wait3A_1315 = arith.constant 0 : i32
      %dma_wait3A_1316 = arith.constant 0 : i32
      %dma_wait3A_1317 = tpu.memref_slice %arg3[%dma_wait3A_1315, %dma_wait3A_1316] : memref<64x1000000xf32, #tpu.memory_space<hbm>> -> memref<64x128xf32, #tpu.memory_space<hbm>>
      tpu.wait_dma2 semaphore(%arg11 : memref<!tpu.dma_semaphore, #tpu.memory_space<semaphore_mem>>) src(%dma_wait3A_1317 : memref<64x128xf32, #tpu.memory_space<hbm>>) dst(%dma_wait3A_1314 : memref<64x128xf32, #tpu.memory_space<vmem>>)
      %get3A_1318 = arith.index_cast %add3A_1302 : i32 to index
      %get3A_1319 = tpu.vector_load %arg6[%get3A_1318] {strides = array<i32>} : memref<528xi32, #tpu.memory_space<vmem>>, vector<16xi32>,
      %slice3A_1320 = vector.extract_strided_slice %get3A_1319 {offsets = [0], sizes = [1], strides = [1]} : vector<16xi32> to vector<1xi32>
      %squeeze3A_1321 = vector.extract %slice3A_1320[0] : i32 from vector<1xi32>
      %jit3A_1322 = arith.constant 128 : i32
      %eq3A_1323 = arith.constant 0 : i32
      %eq3A_1324 = arith.cmpi eq, %jit3A_1322, %eq3A_1323 : i32
      %jit3A_1325 = arith.constant 1 : i32
      %select_n3A_1326 = arith.select %eq3A_1324, %jit3A_1325, %jit3A_1322 : i32
      %rem3A_1327 = arith.remsi %squeeze3A_1321, %select_n3A_1326 : i32
      %ne3A_1328 = arith.constant 0 : i32
      %ne3A_1329 = arith.cmpi ne, %rem3A_1327, %ne3A_1328 : i32
      %lt3A_1330 = arith.constant 0 : i32
      %lt3A_1331 = arith.cmpi slt, %rem3A_1327, %lt3A_1330 : i32
      %lt3A_1332 = arith.constant 0 : i32
      %lt3A_1333 = arith.cmpi slt, %select_n3A_1326, %lt3A_1332 : i32
      %ne3A_1334 = arith.xori %lt3A_1331, %lt3A_1333 : i1
      %and3A_1335 = arith.andi %ne3A_1334, %ne3A_1329 : i1
      %add3A_1336 = arith.addi %rem3A_1327, %select_n3A_1326 : i32
      %select_n3A_1337 = arith.select %and3A_1335, %add3A_1336, %rem3A_1327 : i32
      %broadcast_in_dim3A_1338 = vector.broadcast %select_n3A_1337 : i32 to vector<16xi32>
      %sub3A_1339 = arith.constant 999936 : i32
      %sub3A_1340 = arith.subi %squeeze3A_1321, %sub3A_1339 : i32
      %max3A_1341 = arith.constant 0 : i32
      %max3A_1342 = arith.maxsi %sub3A_1340, %max3A_1341 : i32
      %min3A_1343 = arith.constant 63 : i32
      %min3A_1344 = arith.minsi %max3A_1342, %min3A_1343 : i32
      %broadcast_in_dim3A_1345 = vector.broadcast %min3A_1344 : i32 to vector<16xi32>
      %jit3A_1346 = arith.constant 256 : i32
      %eq3A_1347 = arith.constant 0 : i32
      %eq3A_1348 = arith.cmpi eq, %jit3A_1346, %eq3A_1347 : i32
      %jit3A_1349 = arith.constant 1 : i32
      %select_n3A_1350 = arith.select %eq3A_1348, %jit3A_1349, %jit3A_1346 : i32
      %rem3A_1351 = arith.remsi %add3A_1302, %select_n3A_1350 : i32
      %ne3A_1352 = arith.constant 0 : i32
      %ne3A_1353 = arith.cmpi ne, %rem3A_1351, %ne3A_1352 : i32
      %lt3A_1354 = arith.constant 0 : i32
      %lt3A_1355 = arith.cmpi slt, %rem3A_1351, %lt3A_1354 : i32
      %lt3A_1356 = arith.constant 0 : i32
      %lt3A_1357 = arith.cmpi slt, %select_n3A_1350, %lt3A_1356 : i32
      %ne3A_1358 = arith.xori %lt3A_1355, %lt3A_1357 : i1
      %and3A_1359 = arith.andi %ne3A_1358, %ne3A_1353 : i1
      %add3A_1360 = arith.addi %rem3A_1351, %select_n3A_1350 : i32
      %select_n3A_1361 = arith.select %and3A_1359, %add3A_1360, %rem3A_1351 : i32
      %broadcast_in_dim3A_1362 = vector.broadcast %select_n3A_1361 : i32 to vector<16xi32>
      %ge3A_1363 = arith.constant 999936 : i32
      %ge3A_1364 = arith.cmpi sge, %squeeze3A_1321, %ge3A_1363 : i32
      %broadcast_in_dim3A_1365 = vector.broadcast %ge3A_1364 : i1 to vector<16xi1>
      %iota3A_1366 = tpu.iota {dimensions = array<i32: 0>} : vector<16xi32>
      %add3A_1367 = arith.constant 0 : i32
      %add3A_1368 = vector.broadcast %add3A_1367 : i32 to vector<16xi32>
      %add3A_1369 = arith.addi %add3A_1368, %iota3A_1366 : vector<16xi32>
      %gather3A_1370 = arith.constant 1 : i32
      %gather3A_1371 = arith.constant 0 : i32
      %gather3A_1372 = arith.constant 0 : i32
      %gather3A_1373 = tpu.memref_slice %arg7[%gather3A_1370, %gather3A_1371, %gather3A_1372] : memref<9x64x128xf32, #tpu.memory_space<vmem>> -> memref<1x64x128xf32, #tpu.memory_space<vmem>>
      %gather3A_1374 = tpu.memref_squeeze %gather3A_1373 : memref<1x64x128xf32, #tpu.memory_space<vmem>> -> memref<64x128xf32, #tpu.memory_space<vmem>>
      %gather3A_1375 = tpu.vector_load_idx %gather3A_1374[%add3A_1369, %broadcast_in_dim3A_1338] : memref<64x128xf32, #tpu.memory_space<vmem>>[vector<16xi32>, vector<16xi32>], vector<16xf32>,
      %gather3A_1376 = tpu.vector_load_idx %arg8[%add3A_1369, %broadcast_in_dim3A_1345] : memref<64x64xf32, #tpu.memory_space<vmem>>[vector<16xi32>, vector<16xi32>], vector<16xf32>,
      %select_n3A_1377 = arith.select %broadcast_in_dim3A_1365, %gather3A_1376, %gather3A_1375 : vector<16xi1>, vector<16xf32>
      tpu.vector_store_idx %arg9[%add3A_1369, %broadcast_in_dim3A_1362], %select_n3A_1377 : memref<64x256xf32, #tpu.memory_space<vmem>>[vector<16xi32>, vector<16xi32>], vector<16xf32>,
      %iota3A_1378 = tpu.iota {dimensions = array<i32: 0>} : vector<16xi32>
      %add3A_1379 = arith.constant 16 : i32
      %add3A_1380 = vector.broadcast %add3A_1379 : i32 to vector<16xi32>
      %add3A_1381 = arith.addi %add3A_1380, %iota3A_1378 : vector<16xi32>
      %gather3A_1382 = arith.constant 1 : i32
      %gather3A_1383 = arith.constant 0 : i32
      %gather3A_1384 = arith.constant 0 : i32
      %gather3A_1385 = tpu.memref_slice %arg7[%gather3A_1382, %gather3A_1383, %gather3A_1384] : memref<9x64x128xf32, #tpu.memory_space<vmem>> -> memref<1x64x128xf32, #tpu.memory_space<vmem>>
      %gather3A_1386 = tpu.memref_squeeze %gather3A_1385 : memref<1x64x128xf32, #tpu.memory_space<vmem>> -> memref<64x128xf32, #tpu.memory_space<vmem>>
      %gather3A_1387 = tpu.vector_load_idx %gather3A_1386[%add3A_1381, %broadcast_in_dim3A_1338] : memref<64x128xf32, #tpu.memory_space<vmem>>[vector<16xi32>, vector<16xi32>], vector<16xf32>,
      %gather3A_1388 = tpu.vector_load_idx %arg8[%add3A_1381, %broadcast_in_dim3A_1345] : memref<64x64xf32, #tpu.memory_space<vmem>>[vector<16xi32>, vector<16xi32>], vector<16xf32>,
      %select_n3A_1389 = arith.select %broadcast_in_dim3A_1365, %gather3A_1388, %gather3A_1387 : vector<16xi1>, vector<16xf32>
      tpu.vector_store_idx %arg9[%add3A_1381, %broadcast_in_dim3A_1362], %select_n3A_1389 : memref<64x256xf32, #tpu.memory_space<vmem>>[vector<16xi32>, vector<16xi32>], vector<16xf32>,
      %iota3A_1390 = tpu.iota {dimensions = array<i32: 0>} : vector<16xi32>
      %add3A_1391 = arith.constant 32 : i32
      %add3A_1392 = vector.broadcast %add3A_1391 : i32 to vector<16xi32>
      %add3A_1393 = arith.addi %add3A_1392, %iota3A_1390 : vector<16xi32>
      %gather3A_1394 = arith.constant 1 : i32
      %gather3A_1395 = arith.constant 0 : i32
      %gather3A_1396 = arith.constant 0 : i32
      %gather3A_1397 = tpu.memref_slice %arg7[%gather3A_1394, %gather3A_1395, %gather3A_1396] : memref<9x64x128xf32, #tpu.memory_space<vmem>> -> memref<1x64x128xf32, #tpu.memory_space<vmem>>
      %gather3A_1398 = tpu.memref_squeeze %gather3A_1397 : memref<1x64x128xf32, #tpu.memory_space<vmem>> -> memref<64x128xf32, #tpu.memory_space<vmem>>
      %gather3A_1399 = tpu.vector_load_idx %gather3A_1398[%add3A_1393, %broadcast_in_dim3A_1338] : memref<64x128xf32, #tpu.memory_space<vmem>>[vector<16xi32>, vector<16xi32>], vector<16xf32>,
      %gather3A_1400 = tpu.vector_load_idx %arg8[%add3A_1393, %broadcast_in_dim3A_1345] : memref<64x64xf32, #tpu.memory_space<vmem>>[vector<16xi32>, vector<16xi32>], vector<16xf32>,
      %select_n3A_1401 = arith.select %broadcast_in_dim3A_1365, %gather3A_1400, %gather3A_1399 : vector<16xi1>, vector<16xf32>
      tpu.vector_store_idx %arg9[%add3A_1393, %broadcast_in_dim3A_1362], %select_n3A_1401 : memref<64x256xf32, #tpu.memory_space<vmem>>[vector<16xi32>, vector<16xi32>], vector<16xf32>,
      %iota3A_1402 = tpu.iota {dimensions = array<i32: 0>} : vector<16xi32>
      %add3A_1403 = arith.constant 48 : i32
      %add3A_1404 = vector.broadcast %add3A_1403 : i32 to vector<16xi32>
      %add3A_1405 = arith.addi %add3A_1404, %iota3A_1402 : vector<16xi32>
      %gather3A_1406 = arith.constant 1 : i32
      %gather3A_1407 = arith.constant 0 : i32
      %gather3A_1408 = arith.constant 0 : i32
      %gather3A_1409 = tpu.memref_slice %arg7[%gather3A_1406, %gather3A_1407, %gather3A_1408] : memref<9x64x128xf32, #tpu.memory_space<vmem>> -> memref<1x64x128xf32, #tpu.memory_space<vmem>>
      %gather3A_1410 = tpu.memref_squeeze %gather3A_1409 : memref<1x64x128xf32, #tpu.memory_space<vmem>> -> memref<64x128xf32, #tpu.memory_space<vmem>>
      %gather3A_1411 = tpu.vector_load_idx %gather3A_1410[%add3A_1405, %broadcast_in_dim3A_1338] : memref<64x128xf32, #tpu.memory_space<vmem>>[vector<16xi32>, vector<16xi32>], vector<16xf32>,
      %gather3A_1412 = tpu.vector_load_idx %arg8[%add3A_1405, %broadcast_in_dim3A_1345] : memref<64x64xf32, #tpu.memory_space<vmem>>[vector<16xi32>, vector<16xi32>], vector<16xf32>,
      %select_n3A_1413 = arith.select %broadcast_in_dim3A_1365, %gather3A_1412, %gather3A_1411 : vector<16xi1>, vector<16xf32>
      tpu.vector_store_idx %arg9[%add3A_1405, %broadcast_in_dim3A_1362], %select_n3A_1413 : memref<64x256xf32, #tpu.memory_space<vmem>>[vector<16xi32>, vector<16xi32>], vector<16xf32>,
      %eq3A_1414 = arith.constant 255 : i32
      %eq3A_1415 = arith.cmpi eq, %add3A_1302, %eq3A_1414 : i32
      %convert_element_type3A_1416 = arith.extui %eq3A_1415 : i1 to i32
      %cond3A_1417 = arith.constant 0 : i32
      %cond3A_1418 = arith.cmpi ne, %convert_element_type3A_1416, %cond3A_1417 : i32
      scf.if %cond3A_1418 {
        %multiple_of3A_2315 = tpu.assume_multiple %mul3A_2, 128 : i32
        "tpu.region"() ({
          %run_scoped3A_2316 = tpu.sem_alloc : memref<!tpu.dma_semaphore, #tpu.memory_space<semaphore_mem>>
          %dma_start3A_2317 = arith.constant 0 : i32
          %dma_start3A_2318 = tpu.memref_slice %arg5[%dma_start3A_2317, %multiple_of3A_2315] : memref<64x16384xf32, #tpu.memory_space<hbm>> -> memref<64x256xf32, #tpu.memory_space<hbm>>
          %dma_start3A_2319 = arith.constant 0 : i32
          %dma_start3A_2320 = tpu.memref_slice %arg5[%dma_start3A_2319, %multiple_of3A_2315] : memref<64x16384xf32, #tpu.memory_space<hbm>> -> memref<64x256xf32, #tpu.memory_space<hbm>>
          tpu.enqueue_dma source(%arg9 : memref<64x256xf32, #tpu.memory_space<vmem>>) target(%dma_start3A_2320 : memref<64x256xf32, #tpu.memory_space<hbm>>) target_semaphore(%run_scoped3A_2316 : memref<!tpu.dma_semaphore, #tpu.memory_space<semaphore_mem>>)
          %dma_wait3A_2321 = arith.constant 0 : i32
          %dma_wait3A_2322 = tpu.memref_slice %arg5[%dma_wait3A_2321, %multiple_of3A_2315] : memref<64x16384xf32, #tpu.memory_space<hbm>> -> memref<64x256xf32, #tpu.memory_space<hbm>>
          %dma_wait3A_2323 = arith.constant 0 : i32
          %dma_wait3A_2324 = tpu.memref_slice %arg5[%dma_wait3A_2323, %multiple_of3A_2315] : memref<64x16384xf32, #tpu.memory_space<hbm>> -> memref<64x256xf32, #tpu.memory_space<hbm>>
          tpu.wait_dma2 semaphore(%run_scoped3A_2316 : memref<!tpu.dma_semaphore, #tpu.memory_space<semaphore_mem>>) src(%arg9 : memref<64x256xf32, #tpu.memory_space<vmem>>) dst(%dma_wait3A_2324 : memref<64x256xf32, #tpu.memory_space<hbm>>)
          tpu.yield
        }) : () -> ()
      } else {
      }
      %add3A_1419 = arith.constant 9 : i32
      %add3A_1420 = arith.addi %add3A_1302, %add3A_1419 : i32
      %lt3A_1421 = arith.constant 512 : i32
      %lt3A_1422 = arith.cmpi slt, %add3A_1420, %lt3A_1421 : i32
      %convert_element_type3A_1423 = arith.extui %lt3A_1422 : i1 to i32
      %cond3A_1424 = arith.constant 0 : i32
      %cond3A_1425 = arith.cmpi ne, %convert_element_type3A_1423, %cond3A_1424 : i32
      scf.if %cond3A_1425 {
        %add3A_2315 = arith.constant 9 : i32
        %add3A_2316 = arith.addi %add3A_1302, %add3A_2315 : i32
        %get3A_2317 = arith.index_cast %add3A_2316 : i32 to index
        %get3A_2318 = tpu.vector_load %arg6[%get3A_2317] {strides = array<i32>} : memref<528xi32, #tpu.memory_space<vmem>>, vector<16xi32>,
        %slice3A_2319 = vector.extract_strided_slice %get3A_2318 {offsets = [0], sizes = [1], strides = [1]} : vector<16xi32> to vector<1xi32>
        %squeeze3A_2320 = vector.extract %slice3A_2319[0] : i32 from vector<1xi32>
        %jit3A_2321 = arith.constant 128 : i32
        %div3A_2322 = arith.divsi %squeeze3A_2320, %jit3A_2321 : i32
        %sign3A_2323 = arith.constant 0 : i32
        %sign3A_2324 = arith.cmpi sgt, %squeeze3A_2320, %sign3A_2323 : i32
        %sign3A_2325 = arith.extui %sign3A_2324 : i1 to i32
        %sign3A_2326 = arith.constant 0 : i32
        %sign3A_2327 = arith.cmpi slt, %squeeze3A_2320, %sign3A_2326 : i32
        %sign3A_2328 = arith.extui %sign3A_2327 : i1 to i32
        %sign3A_2329 = arith.subi %sign3A_2325, %sign3A_2328 : i32
        %sign3A_2330 = arith.constant 0 : i32
        %sign3A_2331 = arith.cmpi sgt, %jit3A_2321, %sign3A_2330 : i32
        %sign3A_2332 = arith.extui %sign3A_2331 : i1 to i32
        %sign3A_2333 = arith.constant 0 : i32
        %sign3A_2334 = arith.cmpi slt, %jit3A_2321, %sign3A_2333 : i32
        %sign3A_2335 = arith.extui %sign3A_2334 : i1 to i32
        %sign3A_2336 = arith.subi %sign3A_2332, %sign3A_2335 : i32
        %ne3A_2337 = arith.cmpi ne, %sign3A_2329, %sign3A_2336 : i32
        %rem3A_2338 = arith.remsi %squeeze3A_2320, %jit3A_2321 : i32
        %ne3A_2339 = arith.constant 0 : i32
        %ne3A_2340 = arith.cmpi ne, %rem3A_2338, %ne3A_2339 : i32
        %and3A_2341 = arith.andi %ne3A_2337, %ne3A_2340 : i1
        %sub3A_2342 = arith.constant 1 : i32
        %sub3A_2343 = arith.subi %div3A_2322, %sub3A_2342 : i32
        %select_n3A_2344 = arith.select %and3A_2341, %sub3A_2343, %div3A_2322 : i32
        %min3A_2345 = arith.constant 7811 : i32
        %min3A_2346 = arith.minsi %select_n3A_2344, %min3A_2345 : i32
        %mul3A_2347 = arith.constant 128 : i32
        %mul3A_2348 = arith.muli %min3A_2346, %mul3A_2347 : i32
        %multiple_of3A_2349 = tpu.assume_multiple %mul3A_2348, 128 : i32
        %dma_start3A_2350 = arith.constant 1 : i32
        %dma_start3A_2351 = arith.constant 0 : i32
        %dma_start3A_2352 = arith.constant 0 : i32
        %dma_start3A_2353 = tpu.memref_slice %arg7[%dma_start3A_2350, %dma_start3A_2351, %dma_start3A_2352] : memref<9x64x128xf32, #tpu.memory_space<vmem>> -> memref<1x64x128xf32, #tpu.memory_space<vmem>>
        %dma_start3A_2354 = tpu.memref_squeeze %dma_start3A_2353 : memref<1x64x128xf32, #tpu.memory_space<vmem>> -> memref<64x128xf32, #tpu.memory_space<vmem>>
        %dma_start3A_2355 = arith.constant 0 : i32
        %dma_start3A_2356 = tpu.memref_slice %arg3[%dma_start3A_2355, %multiple_of3A_2349] : memref<64x1000000xf32, #tpu.memory_space<hbm>> -> memref<64x128xf32, #tpu.memory_space<hbm>>
        %dma_start3A_2357 = arith.constant 0 : i32
        %dma_start3A_2358 = arith.constant 0 : i32
        %dma_start3A_2359 = tpu.memref_slice %arg7[%dma_start3A_2350, %dma_start3A_2357, %dma_start3A_2358] : memref<9x64x128xf32, #tpu.memory_space<vmem>> -> memref<1x64x128xf32, #tpu.memory_space<vmem>>
        %dma_start3A_2360 = tpu.memref_squeeze %dma_start3A_2359 : memref<1x64x128xf32, #tpu.memory_space<vmem>> -> memref<64x128xf32, #tpu.memory_space<vmem>>
        %dma_start3A_2361 = arith.constant 0 : i32
        %dma_start3A_2362 = tpu.memref_slice %arg3[%dma_start3A_2361, %multiple_of3A_2349] : memref<64x1000000xf32, #tpu.memory_space<hbm>> -> memref<64x128xf32, #tpu.memory_space<hbm>>
        tpu.enqueue_dma source(%dma_start3A_2362 : memref<64x128xf32, #tpu.memory_space<hbm>>) target(%dma_start3A_2360 : memref<64x128xf32, #tpu.memory_space<vmem>>) target_semaphore(%arg11 : memref<!tpu.dma_semaphore, #tpu.memory_space<semaphore_mem>>)
      } else {
      }
      %mul3A_1426 = arith.constant 9 : i32
      %mul3A_1427 = arith.muli %scan3A_1173, %mul3A_1426 : i32
      %add3A_1428 = arith.constant 2 : i32
      %add3A_1429 = arith.addi %mul3A_1427, %add3A_1428 : i32
      %dma_wait3A_1430 = arith.constant 2 : i32
      %dma_wait3A_1431 = arith.constant 0 : i32
      %dma_wait3A_1432 = arith.constant 0 : i32
      %dma_wait3A_1433 = tpu.memref_slice %arg7[%dma_wait3A_1430, %dma_wait3A_1431, %dma_wait3A_1432] : memref<9x64x128xf32, #tpu.memory_space<vmem>> -> memref<1x64x128xf32, #tpu.memory_space<vmem>>
      %dma_wait3A_1434 = tpu.memref_squeeze %dma_wait3A_1433 : memref<1x64x128xf32, #tpu.memory_space<vmem>> -> memref<64x128xf32, #tpu.memory_space<vmem>>
      %dma_wait3A_1435 = arith.constant 0 : i32
      %dma_wait3A_1436 = arith.constant 0 : i32
      %dma_wait3A_1437 = tpu.memref_slice %arg3[%dma_wait3A_1435, %dma_wait3A_1436] : memref<64x1000000xf32, #tpu.memory_space<hbm>> -> memref<64x128xf32, #tpu.memory_space<hbm>>
      %dma_wait3A_1438 = arith.constant 0 : i32
      %dma_wait3A_1439 = arith.constant 0 : i32
      %dma_wait3A_1440 = tpu.memref_slice %arg7[%dma_wait3A_1430, %dma_wait3A_1438, %dma_wait3A_1439] : memref<9x64x128xf32, #tpu.memory_space<vmem>> -> memref<1x64x128xf32, #tpu.memory_space<vmem>>
      %dma_wait3A_1441 = tpu.memref_squeeze %dma_wait3A_1440 : memref<1x64x128xf32, #tpu.memory_space<vmem>> -> memref<64x128xf32, #tpu.memory_space<vmem>>
      %dma_wait3A_1442 = arith.constant 0 : i32
      %dma_wait3A_1443 = arith.constant 0 : i32
      %dma_wait3A_1444 = tpu.memref_slice %arg3[%dma_wait3A_1442, %dma_wait3A_1443] : memref<64x1000000xf32, #tpu.memory_space<hbm>> -> memref<64x128xf32, #tpu.memory_space<hbm>>
      tpu.wait_dma2 semaphore(%arg12 : memref<!tpu.dma_semaphore, #tpu.memory_space<semaphore_mem>>) src(%dma_wait3A_1444 : memref<64x128xf32, #tpu.memory_space<hbm>>) dst(%dma_wait3A_1441 : memref<64x128xf32, #tpu.memory_space<vmem>>)
      %get3A_1445 = arith.index_cast %add3A_1429 : i32 to index
      %get3A_1446 = tpu.vector_load %arg6[%get3A_1445] {strides = array<i32>} : memref<528xi32, #tpu.memory_space<vmem>>, vector<16xi32>,
      %slice3A_1447 = vector.extract_strided_slice %get3A_1446 {offsets = [0], sizes = [1], strides = [1]} : vector<16xi32> to vector<1xi32>
      %squeeze3A_1448 = vector.extract %slice3A_1447[0] : i32 from vector<1xi32>
      %jit3A_1449 = arith.constant 128 : i32
      %eq3A_1450 = arith.constant 0 : i32
      %eq3A_1451 = arith.cmpi eq, %jit3A_1449, %eq3A_1450 : i32
      %jit3A_1452 = arith.constant 1 : i32
      %select_n3A_1453 = arith.select %eq3A_1451, %jit3A_1452, %jit3A_1449 : i32
      %rem3A_1454 = arith.remsi %squeeze3A_1448, %select_n3A_1453 : i32
      %ne3A_1455 = arith.constant 0 : i32
      %ne3A_1456 = arith.cmpi ne, %rem3A_1454, %ne3A_1455 : i32
      %lt3A_1457 = arith.constant 0 : i32
      %lt3A_1458 = arith.cmpi slt, %rem3A_1454, %lt3A_1457 : i32
      %lt3A_1459 = arith.constant 0 : i32
      %lt3A_1460 = arith.cmpi slt, %select_n3A_1453, %lt3A_1459 : i32
      %ne3A_1461 = arith.xori %lt3A_1458, %lt3A_1460 : i1
      %and3A_1462 = arith.andi %ne3A_1461, %ne3A_1456 : i1
      %add3A_1463 = arith.addi %rem3A_1454, %select_n3A_1453 : i32
      %select_n3A_1464 = arith.select %and3A_1462, %add3A_1463, %rem3A_1454 : i32
      %broadcast_in_dim3A_1465 = vector.broadcast %select_n3A_1464 : i32 to vector<16xi32>
      %sub3A_1466 = arith.constant 999936 : i32
      %sub3A_1467 = arith.subi %squeeze3A_1448, %sub3A_1466 : i32
      %max3A_1468 = arith.constant 0 : i32
      %max3A_1469 = arith.maxsi %sub3A_1467, %max3A_1468 : i32
      %min3A_1470 = arith.constant 63 : i32
      %min3A_1471 = arith.minsi %max3A_1469, %min3A_1470 : i32
      %broadcast_in_dim3A_1472 = vector.broadcast %min3A_1471 : i32 to vector<16xi32>
      %jit3A_1473 = arith.constant 256 : i32
      %eq3A_1474 = arith.constant 0 : i32
      %eq3A_1475 = arith.cmpi eq, %jit3A_1473, %eq3A_1474 : i32
      %jit3A_1476 = arith.constant 1 : i32
      %select_n3A_1477 = arith.select %eq3A_1475, %jit3A_1476, %jit3A_1473 : i32
      %rem3A_1478 = arith.remsi %add3A_1429, %select_n3A_1477 : i32
      %ne3A_1479 = arith.constant 0 : i32
      %ne3A_1480 = arith.cmpi ne, %rem3A_1478, %ne3A_1479 : i32
      %lt3A_1481 = arith.constant 0 : i32
      %lt3A_1482 = arith.cmpi slt, %rem3A_1478, %lt3A_1481 : i32
      %lt3A_1483 = arith.constant 0 : i32
      %lt3A_1484 = arith.cmpi slt, %select_n3A_1477, %lt3A_1483 : i32
      %ne3A_1485 = arith.xori %lt3A_1482, %lt3A_1484 : i1
      %and3A_1486 = arith.andi %ne3A_1485, %ne3A_1480 : i1
      %add3A_1487 = arith.addi %rem3A_1478, %select_n3A_1477 : i32
      %select_n3A_1488 = arith.select %and3A_1486, %add3A_1487, %rem3A_1478 : i32
      %broadcast_in_dim3A_1489 = vector.broadcast %select_n3A_1488 : i32 to vector<16xi32>
      %ge3A_1490 = arith.constant 999936 : i32
      %ge3A_1491 = arith.cmpi sge, %squeeze3A_1448, %ge3A_1490 : i32
      %broadcast_in_dim3A_1492 = vector.broadcast %ge3A_1491 : i1 to vector<16xi1>
      %iota3A_1493 = tpu.iota {dimensions = array<i32: 0>} : vector<16xi32>
      %add3A_1494 = arith.constant 0 : i32
      %add3A_1495 = vector.broadcast %add3A_1494 : i32 to vector<16xi32>
      %add3A_1496 = arith.addi %add3A_1495, %iota3A_1493 : vector<16xi32>
      %gather3A_1497 = arith.constant 2 : i32
      %gather3A_1498 = arith.constant 0 : i32
      %gather3A_1499 = arith.constant 0 : i32
      %gather3A_1500 = tpu.memref_slice %arg7[%gather3A_1497, %gather3A_1498, %gather3A_1499] : memref<9x64x128xf32, #tpu.memory_space<vmem>> -> memref<1x64x128xf32, #tpu.memory_space<vmem>>
      %gather3A_1501 = tpu.memref_squeeze %gather3A_1500 : memref<1x64x128xf32, #tpu.memory_space<vmem>> -> memref<64x128xf32, #tpu.memory_space<vmem>>
      %gather3A_1502 = tpu.vector_load_idx %gather3A_1501[%add3A_1496, %broadcast_in_dim3A_1465] : memref<64x128xf32, #tpu.memory_space<vmem>>[vector<16xi32>, vector<16xi32>], vector<16xf32>,
      %gather3A_1503 = tpu.vector_load_idx %arg8[%add3A_1496, %broadcast_in_dim3A_1472] : memref<64x64xf32, #tpu.memory_space<vmem>>[vector<16xi32>, vector<16xi32>], vector<16xf32>,
      %select_n3A_1504 = arith.select %broadcast_in_dim3A_1492, %gather3A_1503, %gather3A_1502 : vector<16xi1>, vector<16xf32>
      tpu.vector_store_idx %arg9[%add3A_1496, %broadcast_in_dim3A_1489], %select_n3A_1504 : memref<64x256xf32, #tpu.memory_space<vmem>>[vector<16xi32>, vector<16xi32>], vector<16xf32>,
      %iota3A_1505 = tpu.iota {dimensions = array<i32: 0>} : vector<16xi32>
      %add3A_1506 = arith.constant 16 : i32
      %add3A_1507 = vector.broadcast %add3A_1506 : i32 to vector<16xi32>
      %add3A_1508 = arith.addi %add3A_1507, %iota3A_1505 : vector<16xi32>
      %gather3A_1509 = arith.constant 2 : i32
      %gather3A_1510 = arith.constant 0 : i32
      %gather3A_1511 = arith.constant 0 : i32
      %gather3A_1512 = tpu.memref_slice %arg7[%gather3A_1509, %gather3A_1510, %gather3A_1511] : memref<9x64x128xf32, #tpu.memory_space<vmem>> -> memref<1x64x128xf32, #tpu.memory_space<vmem>>
      %gather3A_1513 = tpu.memref_squeeze %gather3A_1512 : memref<1x64x128xf32, #tpu.memory_space<vmem>> -> memref<64x128xf32, #tpu.memory_space<vmem>>
      %gather3A_1514 = tpu.vector_load_idx %gather3A_1513[%add3A_1508, %broadcast_in_dim3A_1465] : memref<64x128xf32, #tpu.memory_space<vmem>>[vector<16xi32>, vector<16xi32>], vector<16xf32>,
      %gather3A_1515 = tpu.vector_load_idx %arg8[%add3A_1508, %broadcast_in_dim3A_1472] : memref<64x64xf32, #tpu.memory_space<vmem>>[vector<16xi32>, vector<16xi32>], vector<16xf32>,
      %select_n3A_1516 = arith.select %broadcast_in_dim3A_1492, %gather3A_1515, %gather3A_1514 : vector<16xi1>, vector<16xf32>
      tpu.vector_store_idx %arg9[%add3A_1508, %broadcast_in_dim3A_1489], %select_n3A_1516 : memref<64x256xf32, #tpu.memory_space<vmem>>[vector<16xi32>, vector<16xi32>], vector<16xf32>,
      %iota3A_1517 = tpu.iota {dimensions = array<i32: 0>} : vector<16xi32>
      %add3A_1518 = arith.constant 32 : i32
      %add3A_1519 = vector.broadcast %add3A_1518 : i32 to vector<16xi32>
      %add3A_1520 = arith.addi %add3A_1519, %iota3A_1517 : vector<16xi32>
      %gather3A_1521 = arith.constant 2 : i32
      %gather3A_1522 = arith.constant 0 : i32
      %gather3A_1523 = arith.constant 0 : i32
      %gather3A_1524 = tpu.memref_slice %arg7[%gather3A_1521, %gather3A_1522, %gather3A_1523] : memref<9x64x128xf32, #tpu.memory_space<vmem>> -> memref<1x64x128xf32, #tpu.memory_space<vmem>>
      %gather3A_1525 = tpu.memref_squeeze %gather3A_1524 : memref<1x64x128xf32, #tpu.memory_space<vmem>> -> memref<64x128xf32, #tpu.memory_space<vmem>>
      %gather3A_1526 = tpu.vector_load_idx %gather3A_1525[%add3A_1520, %broadcast_in_dim3A_1465] : memref<64x128xf32, #tpu.memory_space<vmem>>[vector<16xi32>, vector<16xi32>], vector<16xf32>,
      %gather3A_1527 = tpu.vector_load_idx %arg8[%add3A_1520, %broadcast_in_dim3A_1472] : memref<64x64xf32, #tpu.memory_space<vmem>>[vector<16xi32>, vector<16xi32>], vector<16xf32>,
      %select_n3A_1528 = arith.select %broadcast_in_dim3A_1492, %gather3A_1527, %gather3A_1526 : vector<16xi1>, vector<16xf32>
      tpu.vector_store_idx %arg9[%add3A_1520, %broadcast_in_dim3A_1489], %select_n3A_1528 : memref<64x256xf32, #tpu.memory_space<vmem>>[vector<16xi32>, vector<16xi32>], vector<16xf32>,
      %iota3A_1529 = tpu.iota {dimensions = array<i32: 0>} : vector<16xi32>
      %add3A_1530 = arith.constant 48 : i32
      %add3A_1531 = vector.broadcast %add3A_1530 : i32 to vector<16xi32>
      %add3A_1532 = arith.addi %add3A_1531, %iota3A_1529 : vector<16xi32>
      %gather3A_1533 = arith.constant 2 : i32
      %gather3A_1534 = arith.constant 0 : i32
      %gather3A_1535 = arith.constant 0 : i32
      %gather3A_1536 = tpu.memref_slice %arg7[%gather3A_1533, %gather3A_1534, %gather3A_1535] : memref<9x64x128xf32, #tpu.memory_space<vmem>> -> memref<1x64x128xf32, #tpu.memory_space<vmem>>
      %gather3A_1537 = tpu.memref_squeeze %gather3A_1536 : memref<1x64x128xf32, #tpu.memory_space<vmem>> -> memref<64x128xf32, #tpu.memory_space<vmem>>
      %gather3A_1538 = tpu.vector_load_idx %gather3A_1537[%add3A_1532, %broadcast_in_dim3A_1465] : memref<64x128xf32, #tpu.memory_space<vmem>>[vector<16xi32>, vector<16xi32>], vector<16xf32>,
      %gather3A_1539 = tpu.vector_load_idx %arg8[%add3A_1532, %broadcast_in_dim3A_1472] : memref<64x64xf32, #tpu.memory_space<vmem>>[vector<16xi32>, vector<16xi32>], vector<16xf32>,
      %select_n3A_1540 = arith.select %broadcast_in_dim3A_1492, %gather3A_1539, %gather3A_1538 : vector<16xi1>, vector<16xf32>
      tpu.vector_store_idx %arg9[%add3A_1532, %broadcast_in_dim3A_1489], %select_n3A_1540 : memref<64x256xf32, #tpu.memory_space<vmem>>[vector<16xi32>, vector<16xi32>], vector<16xf32>,
      %eq3A_1541 = arith.constant 255 : i32
      %eq3A_1542 = arith.cmpi eq, %add3A_1429, %eq3A_1541 : i32
      %convert_element_type3A_1543 = arith.extui %eq3A_1542 : i1 to i32
      %cond3A_1544 = arith.constant 0 : i32
      %cond3A_1545 = arith.cmpi ne, %convert_element_type3A_1543, %cond3A_1544 : i32
      scf.if %cond3A_1545 {
        %multiple_of3A_2315 = tpu.assume_multiple %mul3A_2, 128 : i32
        "tpu.region"() ({
          %run_scoped3A_2316 = tpu.sem_alloc : memref<!tpu.dma_semaphore, #tpu.memory_space<semaphore_mem>>
          %dma_start3A_2317 = arith.constant 0 : i32
          %dma_start3A_2318 = tpu.memref_slice %arg5[%dma_start3A_2317, %multiple_of3A_2315] : memref<64x16384xf32, #tpu.memory_space<hbm>> -> memref<64x256xf32, #tpu.memory_space<hbm>>
          %dma_start3A_2319 = arith.constant 0 : i32
          %dma_start3A_2320 = tpu.memref_slice %arg5[%dma_start3A_2319, %multiple_of3A_2315] : memref<64x16384xf32, #tpu.memory_space<hbm>> -> memref<64x256xf32, #tpu.memory_space<hbm>>
          tpu.enqueue_dma source(%arg9 : memref<64x256xf32, #tpu.memory_space<vmem>>) target(%dma_start3A_2320 : memref<64x256xf32, #tpu.memory_space<hbm>>) target_semaphore(%run_scoped3A_2316 : memref<!tpu.dma_semaphore, #tpu.memory_space<semaphore_mem>>)
          %dma_wait3A_2321 = arith.constant 0 : i32
          %dma_wait3A_2322 = tpu.memref_slice %arg5[%dma_wait3A_2321, %multiple_of3A_2315] : memref<64x16384xf32, #tpu.memory_space<hbm>> -> memref<64x256xf32, #tpu.memory_space<hbm>>
          %dma_wait3A_2323 = arith.constant 0 : i32
          %dma_wait3A_2324 = tpu.memref_slice %arg5[%dma_wait3A_2323, %multiple_of3A_2315] : memref<64x16384xf32, #tpu.memory_space<hbm>> -> memref<64x256xf32, #tpu.memory_space<hbm>>
          tpu.wait_dma2 semaphore(%run_scoped3A_2316 : memref<!tpu.dma_semaphore, #tpu.memory_space<semaphore_mem>>) src(%arg9 : memref<64x256xf32, #tpu.memory_space<vmem>>) dst(%dma_wait3A_2324 : memref<64x256xf32, #tpu.memory_space<hbm>>)
          tpu.yield
        }) : () -> ()
      } else {
      }
      %add3A_1546 = arith.constant 9 : i32
      %add3A_1547 = arith.addi %add3A_1429, %add3A_1546 : i32
      %lt3A_1548 = arith.constant 512 : i32
      %lt3A_1549 = arith.cmpi slt, %add3A_1547, %lt3A_1548 : i32
      %convert_element_type3A_1550 = arith.extui %lt3A_1549 : i1 to i32
      %cond3A_1551 = arith.constant 0 : i32
      %cond3A_1552 = arith.cmpi ne, %convert_element_type3A_1550, %cond3A_1551 : i32
      scf.if %cond3A_1552 {
        %add3A_2315 = arith.constant 9 : i32
        %add3A_2316 = arith.addi %add3A_1429, %add3A_2315 : i32
        %get3A_2317 = arith.index_cast %add3A_2316 : i32 to index
        %get3A_2318 = tpu.vector_load %arg6[%get3A_2317] {strides = array<i32>} : memref<528xi32, #tpu.memory_space<vmem>>, vector<16xi32>,
        %slice3A_2319 = vector.extract_strided_slice %get3A_2318 {offsets = [0], sizes = [1], strides = [1]} : vector<16xi32> to vector<1xi32>
        %squeeze3A_2320 = vector.extract %slice3A_2319[0] : i32 from vector<1xi32>
        %jit3A_2321 = arith.constant 128 : i32
        %div3A_2322 = arith.divsi %squeeze3A_2320, %jit3A_2321 : i32
        %sign3A_2323 = arith.constant 0 : i32
        %sign3A_2324 = arith.cmpi sgt, %squeeze3A_2320, %sign3A_2323 : i32
        %sign3A_2325 = arith.extui %sign3A_2324 : i1 to i32
        %sign3A_2326 = arith.constant 0 : i32
        %sign3A_2327 = arith.cmpi slt, %squeeze3A_2320, %sign3A_2326 : i32
        %sign3A_2328 = arith.extui %sign3A_2327 : i1 to i32
        %sign3A_2329 = arith.subi %sign3A_2325, %sign3A_2328 : i32
        %sign3A_2330 = arith.constant 0 : i32
        %sign3A_2331 = arith.cmpi sgt, %jit3A_2321, %sign3A_2330 : i32
        %sign3A_2332 = arith.extui %sign3A_2331 : i1 to i32
        %sign3A_2333 = arith.constant 0 : i32
        %sign3A_2334 = arith.cmpi slt, %jit3A_2321, %sign3A_2333 : i32
        %sign3A_2335 = arith.extui %sign3A_2334 : i1 to i32
        %sign3A_2336 = arith.subi %sign3A_2332, %sign3A_2335 : i32
        %ne3A_2337 = arith.cmpi ne, %sign3A_2329, %sign3A_2336 : i32
        %rem3A_2338 = arith.remsi %squeeze3A_2320, %jit3A_2321 : i32
        %ne3A_2339 = arith.constant 0 : i32
        %ne3A_2340 = arith.cmpi ne, %rem3A_2338, %ne3A_2339 : i32
        %and3A_2341 = arith.andi %ne3A_2337, %ne3A_2340 : i1
        %sub3A_2342 = arith.constant 1 : i32
        %sub3A_2343 = arith.subi %div3A_2322, %sub3A_2342 : i32
        %select_n3A_2344 = arith.select %and3A_2341, %sub3A_2343, %div3A_2322 : i32
        %min3A_2345 = arith.constant 7811 : i32
        %min3A_2346 = arith.minsi %select_n3A_2344, %min3A_2345 : i32
        %mul3A_2347 = arith.constant 128 : i32
        %mul3A_2348 = arith.muli %min3A_2346, %mul3A_2347 : i32
        %multiple_of3A_2349 = tpu.assume_multiple %mul3A_2348, 128 : i32
        %dma_start3A_2350 = arith.constant 2 : i32
        %dma_start3A_2351 = arith.constant 0 : i32
        %dma_start3A_2352 = arith.constant 0 : i32
        %dma_start3A_2353 = tpu.memref_slice %arg7[%dma_start3A_2350, %dma_start3A_2351, %dma_start3A_2352] : memref<9x64x128xf32, #tpu.memory_space<vmem>> -> memref<1x64x128xf32, #tpu.memory_space<vmem>>
        %dma_start3A_2354 = tpu.memref_squeeze %dma_start3A_2353 : memref<1x64x128xf32, #tpu.memory_space<vmem>> -> memref<64x128xf32, #tpu.memory_space<vmem>>
        %dma_start3A_2355 = arith.constant 0 : i32
        %dma_start3A_2356 = tpu.memref_slice %arg3[%dma_start3A_2355, %multiple_of3A_2349] : memref<64x1000000xf32, #tpu.memory_space<hbm>> -> memref<64x128xf32, #tpu.memory_space<hbm>>
        %dma_start3A_2357 = arith.constant 0 : i32
        %dma_start3A_2358 = arith.constant 0 : i32
        %dma_start3A_2359 = tpu.memref_slice %arg7[%dma_start3A_2350, %dma_start3A_2357, %dma_start3A_2358] : memref<9x64x128xf32, #tpu.memory_space<vmem>> -> memref<1x64x128xf32, #tpu.memory_space<vmem>>
        %dma_start3A_2360 = tpu.memref_squeeze %dma_start3A_2359 : memref<1x64x128xf32, #tpu.memory_space<vmem>> -> memref<64x128xf32, #tpu.memory_space<vmem>>
        %dma_start3A_2361 = arith.constant 0 : i32
        %dma_start3A_2362 = tpu.memref_slice %arg3[%dma_start3A_2361, %multiple_of3A_2349] : memref<64x1000000xf32, #tpu.memory_space<hbm>> -> memref<64x128xf32, #tpu.memory_space<hbm>>
        tpu.enqueue_dma source(%dma_start3A_2362 : memref<64x128xf32, #tpu.memory_space<hbm>>) target(%dma_start3A_2360 : memref<64x128xf32, #tpu.memory_space<vmem>>) target_semaphore(%arg12 : memref<!tpu.dma_semaphore, #tpu.memory_space<semaphore_mem>>)
      } else {
      }
      %mul3A_1553 = arith.constant 9 : i32
      %mul3A_1554 = arith.muli %scan3A_1173, %mul3A_1553 : i32
      %add3A_1555 = arith.constant 3 : i32
      %add3A_1556 = arith.addi %mul3A_1554, %add3A_1555 : i32
      %dma_wait3A_1557 = arith.constant 3 : i32
      %dma_wait3A_1558 = arith.constant 0 : i32
      %dma_wait3A_1559 = arith.constant 0 : i32
      %dma_wait3A_1560 = tpu.memref_slice %arg7[%dma_wait3A_1557, %dma_wait3A_1558, %dma_wait3A_1559] : memref<9x64x128xf32, #tpu.memory_space<vmem>> -> memref<1x64x128xf32, #tpu.memory_space<vmem>>
      %dma_wait3A_1561 = tpu.memref_squeeze %dma_wait3A_1560 : memref<1x64x128xf32, #tpu.memory_space<vmem>> -> memref<64x128xf32, #tpu.memory_space<vmem>>
      %dma_wait3A_1562 = arith.constant 0 : i32
      %dma_wait3A_1563 = arith.constant 0 : i32
      %dma_wait3A_1564 = tpu.memref_slice %arg3[%dma_wait3A_1562, %dma_wait3A_1563] : memref<64x1000000xf32, #tpu.memory_space<hbm>> -> memref<64x128xf32, #tpu.memory_space<hbm>>
      %dma_wait3A_1565 = arith.constant 0 : i32
      %dma_wait3A_1566 = arith.constant 0 : i32
      %dma_wait3A_1567 = tpu.memref_slice %arg7[%dma_wait3A_1557, %dma_wait3A_1565, %dma_wait3A_1566] : memref<9x64x128xf32, #tpu.memory_space<vmem>> -> memref<1x64x128xf32, #tpu.memory_space<vmem>>
      %dma_wait3A_1568 = tpu.memref_squeeze %dma_wait3A_1567 : memref<1x64x128xf32, #tpu.memory_space<vmem>> -> memref<64x128xf32, #tpu.memory_space<vmem>>
      %dma_wait3A_1569 = arith.constant 0 : i32
      %dma_wait3A_1570 = arith.constant 0 : i32
      %dma_wait3A_1571 = tpu.memref_slice %arg3[%dma_wait3A_1569, %dma_wait3A_1570] : memref<64x1000000xf32, #tpu.memory_space<hbm>> -> memref<64x128xf32, #tpu.memory_space<hbm>>
      tpu.wait_dma2 semaphore(%arg13 : memref<!tpu.dma_semaphore, #tpu.memory_space<semaphore_mem>>) src(%dma_wait3A_1571 : memref<64x128xf32, #tpu.memory_space<hbm>>) dst(%dma_wait3A_1568 : memref<64x128xf32, #tpu.memory_space<vmem>>)
      %get3A_1572 = arith.index_cast %add3A_1556 : i32 to index
      %get3A_1573 = tpu.vector_load %arg6[%get3A_1572] {strides = array<i32>} : memref<528xi32, #tpu.memory_space<vmem>>, vector<16xi32>,
      %slice3A_1574 = vector.extract_strided_slice %get3A_1573 {offsets = [0], sizes = [1], strides = [1]} : vector<16xi32> to vector<1xi32>
      %squeeze3A_1575 = vector.extract %slice3A_1574[0] : i32 from vector<1xi32>
      %jit3A_1576 = arith.constant 128 : i32
      %eq3A_1577 = arith.constant 0 : i32
      %eq3A_1578 = arith.cmpi eq, %jit3A_1576, %eq3A_1577 : i32
      %jit3A_1579 = arith.constant 1 : i32
      %select_n3A_1580 = arith.select %eq3A_1578, %jit3A_1579, %jit3A_1576 : i32
      %rem3A_1581 = arith.remsi %squeeze3A_1575, %select_n3A_1580 : i32
      %ne3A_1582 = arith.constant 0 : i32
      %ne3A_1583 = arith.cmpi ne, %rem3A_1581, %ne3A_1582 : i32
      %lt3A_1584 = arith.constant 0 : i32
      %lt3A_1585 = arith.cmpi slt, %rem3A_1581, %lt3A_1584 : i32
      %lt3A_1586 = arith.constant 0 : i32
      %lt3A_1587 = arith.cmpi slt, %select_n3A_1580, %lt3A_1586 : i32
      %ne3A_1588 = arith.xori %lt3A_1585, %lt3A_1587 : i1
      %and3A_1589 = arith.andi %ne3A_1588, %ne3A_1583 : i1
      %add3A_1590 = arith.addi %rem3A_1581, %select_n3A_1580 : i32
      %select_n3A_1591 = arith.select %and3A_1589, %add3A_1590, %rem3A_1581 : i32
      %broadcast_in_dim3A_1592 = vector.broadcast %select_n3A_1591 : i32 to vector<16xi32>
      %sub3A_1593 = arith.constant 999936 : i32
      %sub3A_1594 = arith.subi %squeeze3A_1575, %sub3A_1593 : i32
      %max3A_1595 = arith.constant 0 : i32
      %max3A_1596 = arith.maxsi %sub3A_1594, %max3A_1595 : i32
      %min3A_1597 = arith.constant 63 : i32
      %min3A_1598 = arith.minsi %max3A_1596, %min3A_1597 : i32
      %broadcast_in_dim3A_1599 = vector.broadcast %min3A_1598 : i32 to vector<16xi32>
      %jit3A_1600 = arith.constant 256 : i32
      %eq3A_1601 = arith.constant 0 : i32
      %eq3A_1602 = arith.cmpi eq, %jit3A_1600, %eq3A_1601 : i32
      %jit3A_1603 = arith.constant 1 : i32
      %select_n3A_1604 = arith.select %eq3A_1602, %jit3A_1603, %jit3A_1600 : i32
      %rem3A_1605 = arith.remsi %add3A_1556, %select_n3A_1604 : i32
      %ne3A_1606 = arith.constant 0 : i32
      %ne3A_1607 = arith.cmpi ne, %rem3A_1605, %ne3A_1606 : i32
      %lt3A_1608 = arith.constant 0 : i32
      %lt3A_1609 = arith.cmpi slt, %rem3A_1605, %lt3A_1608 : i32
      %lt3A_1610 = arith.constant 0 : i32
      %lt3A_1611 = arith.cmpi slt, %select_n3A_1604, %lt3A_1610 : i32
      %ne3A_1612 = arith.xori %lt3A_1609, %lt3A_1611 : i1
      %and3A_1613 = arith.andi %ne3A_1612, %ne3A_1607 : i1
      %add3A_1614 = arith.addi %rem3A_1605, %select_n3A_1604 : i32
      %select_n3A_1615 = arith.select %and3A_1613, %add3A_1614, %rem3A_1605 : i32
      %broadcast_in_dim3A_1616 = vector.broadcast %select_n3A_1615 : i32 to vector<16xi32>
      %ge3A_1617 = arith.constant 999936 : i32
      %ge3A_1618 = arith.cmpi sge, %squeeze3A_1575, %ge3A_1617 : i32
      %broadcast_in_dim3A_1619 = vector.broadcast %ge3A_1618 : i1 to vector<16xi1>
      %iota3A_1620 = tpu.iota {dimensions = array<i32: 0>} : vector<16xi32>
      %add3A_1621 = arith.constant 0 : i32
      %add3A_1622 = vector.broadcast %add3A_1621 : i32 to vector<16xi32>
      %add3A_1623 = arith.addi %add3A_1622, %iota3A_1620 : vector<16xi32>
      %gather3A_1624 = arith.constant 3 : i32
      %gather3A_1625 = arith.constant 0 : i32
      %gather3A_1626 = arith.constant 0 : i32
      %gather3A_1627 = tpu.memref_slice %arg7[%gather3A_1624, %gather3A_1625, %gather3A_1626] : memref<9x64x128xf32, #tpu.memory_space<vmem>> -> memref<1x64x128xf32, #tpu.memory_space<vmem>>
      %gather3A_1628 = tpu.memref_squeeze %gather3A_1627 : memref<1x64x128xf32, #tpu.memory_space<vmem>> -> memref<64x128xf32, #tpu.memory_space<vmem>>
      %gather3A_1629 = tpu.vector_load_idx %gather3A_1628[%add3A_1623, %broadcast_in_dim3A_1592] : memref<64x128xf32, #tpu.memory_space<vmem>>[vector<16xi32>, vector<16xi32>], vector<16xf32>,
      %gather3A_1630 = tpu.vector_load_idx %arg8[%add3A_1623, %broadcast_in_dim3A_1599] : memref<64x64xf32, #tpu.memory_space<vmem>>[vector<16xi32>, vector<16xi32>], vector<16xf32>,
      %select_n3A_1631 = arith.select %broadcast_in_dim3A_1619, %gather3A_1630, %gather3A_1629 : vector<16xi1>, vector<16xf32>
      tpu.vector_store_idx %arg9[%add3A_1623, %broadcast_in_dim3A_1616], %select_n3A_1631 : memref<64x256xf32, #tpu.memory_space<vmem>>[vector<16xi32>, vector<16xi32>], vector<16xf32>,
      %iota3A_1632 = tpu.iota {dimensions = array<i32: 0>} : vector<16xi32>
      %add3A_1633 = arith.constant 16 : i32
      %add3A_1634 = vector.broadcast %add3A_1633 : i32 to vector<16xi32>
      %add3A_1635 = arith.addi %add3A_1634, %iota3A_1632 : vector<16xi32>
      %gather3A_1636 = arith.constant 3 : i32
      %gather3A_1637 = arith.constant 0 : i32
      %gather3A_1638 = arith.constant 0 : i32
      %gather3A_1639 = tpu.memref_slice %arg7[%gather3A_1636, %gather3A_1637, %gather3A_1638] : memref<9x64x128xf32, #tpu.memory_space<vmem>> -> memref<1x64x128xf32, #tpu.memory_space<vmem>>
      %gather3A_1640 = tpu.memref_squeeze %gather3A_1639 : memref<1x64x128xf32, #tpu.memory_space<vmem>> -> memref<64x128xf32, #tpu.memory_space<vmem>>
      %gather3A_1641 = tpu.vector_load_idx %gather3A_1640[%add3A_1635, %broadcast_in_dim3A_1592] : memref<64x128xf32, #tpu.memory_space<vmem>>[vector<16xi32>, vector<16xi32>], vector<16xf32>,
      %gather3A_1642 = tpu.vector_load_idx %arg8[%add3A_1635, %broadcast_in_dim3A_1599] : memref<64x64xf32, #tpu.memory_space<vmem>>[vector<16xi32>, vector<16xi32>], vector<16xf32>,
      %select_n3A_1643 = arith.select %broadcast_in_dim3A_1619, %gather3A_1642, %gather3A_1641 : vector<16xi1>, vector<16xf32>
      tpu.vector_store_idx %arg9[%add3A_1635, %broadcast_in_dim3A_1616], %select_n3A_1643 : memref<64x256xf32, #tpu.memory_space<vmem>>[vector<16xi32>, vector<16xi32>], vector<16xf32>,
      %iota3A_1644 = tpu.iota {dimensions = array<i32: 0>} : vector<16xi32>
      %add3A_1645 = arith.constant 32 : i32
      %add3A_1646 = vector.broadcast %add3A_1645 : i32 to vector<16xi32>
      %add3A_1647 = arith.addi %add3A_1646, %iota3A_1644 : vector<16xi32>
      %gather3A_1648 = arith.constant 3 : i32
      %gather3A_1649 = arith.constant 0 : i32
      %gather3A_1650 = arith.constant 0 : i32
      %gather3A_1651 = tpu.memref_slice %arg7[%gather3A_1648, %gather3A_1649, %gather3A_1650] : memref<9x64x128xf32, #tpu.memory_space<vmem>> -> memref<1x64x128xf32, #tpu.memory_space<vmem>>
      %gather3A_1652 = tpu.memref_squeeze %gather3A_1651 : memref<1x64x128xf32, #tpu.memory_space<vmem>> -> memref<64x128xf32, #tpu.memory_space<vmem>>
      %gather3A_1653 = tpu.vector_load_idx %gather3A_1652[%add3A_1647, %broadcast_in_dim3A_1592] : memref<64x128xf32, #tpu.memory_space<vmem>>[vector<16xi32>, vector<16xi32>], vector<16xf32>,
      %gather3A_1654 = tpu.vector_load_idx %arg8[%add3A_1647, %broadcast_in_dim3A_1599] : memref<64x64xf32, #tpu.memory_space<vmem>>[vector<16xi32>, vector<16xi32>], vector<16xf32>,
      %select_n3A_1655 = arith.select %broadcast_in_dim3A_1619, %gather3A_1654, %gather3A_1653 : vector<16xi1>, vector<16xf32>
      tpu.vector_store_idx %arg9[%add3A_1647, %broadcast_in_dim3A_1616], %select_n3A_1655 : memref<64x256xf32, #tpu.memory_space<vmem>>[vector<16xi32>, vector<16xi32>], vector<16xf32>,
      %iota3A_1656 = tpu.iota {dimensions = array<i32: 0>} : vector<16xi32>
      %add3A_1657 = arith.constant 48 : i32
      %add3A_1658 = vector.broadcast %add3A_1657 : i32 to vector<16xi32>
      %add3A_1659 = arith.addi %add3A_1658, %iota3A_1656 : vector<16xi32>
      %gather3A_1660 = arith.constant 3 : i32
      %gather3A_1661 = arith.constant 0 : i32
      %gather3A_1662 = arith.constant 0 : i32
      %gather3A_1663 = tpu.memref_slice %arg7[%gather3A_1660, %gather3A_1661, %gather3A_1662] : memref<9x64x128xf32, #tpu.memory_space<vmem>> -> memref<1x64x128xf32, #tpu.memory_space<vmem>>
      %gather3A_1664 = tpu.memref_squeeze %gather3A_1663 : memref<1x64x128xf32, #tpu.memory_space<vmem>> -> memref<64x128xf32, #tpu.memory_space<vmem>>
      %gather3A_1665 = tpu.vector_load_idx %gather3A_1664[%add3A_1659, %broadcast_in_dim3A_1592] : memref<64x128xf32, #tpu.memory_space<vmem>>[vector<16xi32>, vector<16xi32>], vector<16xf32>,
      %gather3A_1666 = tpu.vector_load_idx %arg8[%add3A_1659, %broadcast_in_dim3A_1599] : memref<64x64xf32, #tpu.memory_space<vmem>>[vector<16xi32>, vector<16xi32>], vector<16xf32>,
      %select_n3A_1667 = arith.select %broadcast_in_dim3A_1619, %gather3A_1666, %gather3A_1665 : vector<16xi1>, vector<16xf32>
      tpu.vector_store_idx %arg9[%add3A_1659, %broadcast_in_dim3A_1616], %select_n3A_1667 : memref<64x256xf32, #tpu.memory_space<vmem>>[vector<16xi32>, vector<16xi32>], vector<16xf32>,
      %eq3A_1668 = arith.constant 255 : i32
      %eq3A_1669 = arith.cmpi eq, %add3A_1556, %eq3A_1668 : i32
      %convert_element_type3A_1670 = arith.extui %eq3A_1669 : i1 to i32
      %cond3A_1671 = arith.constant 0 : i32
      %cond3A_1672 = arith.cmpi ne, %convert_element_type3A_1670, %cond3A_1671 : i32
      scf.if %cond3A_1672 {
        %multiple_of3A_2315 = tpu.assume_multiple %mul3A_2, 128 : i32
        "tpu.region"() ({
          %run_scoped3A_2316 = tpu.sem_alloc : memref<!tpu.dma_semaphore, #tpu.memory_space<semaphore_mem>>
          %dma_start3A_2317 = arith.constant 0 : i32
          %dma_start3A_2318 = tpu.memref_slice %arg5[%dma_start3A_2317, %multiple_of3A_2315] : memref<64x16384xf32, #tpu.memory_space<hbm>> -> memref<64x256xf32, #tpu.memory_space<hbm>>
          %dma_start3A_2319 = arith.constant 0 : i32
          %dma_start3A_2320 = tpu.memref_slice %arg5[%dma_start3A_2319, %multiple_of3A_2315] : memref<64x16384xf32, #tpu.memory_space<hbm>> -> memref<64x256xf32, #tpu.memory_space<hbm>>
          tpu.enqueue_dma source(%arg9 : memref<64x256xf32, #tpu.memory_space<vmem>>) target(%dma_start3A_2320 : memref<64x256xf32, #tpu.memory_space<hbm>>) target_semaphore(%run_scoped3A_2316 : memref<!tpu.dma_semaphore, #tpu.memory_space<semaphore_mem>>)
          %dma_wait3A_2321 = arith.constant 0 : i32
          %dma_wait3A_2322 = tpu.memref_slice %arg5[%dma_wait3A_2321, %multiple_of3A_2315] : memref<64x16384xf32, #tpu.memory_space<hbm>> -> memref<64x256xf32, #tpu.memory_space<hbm>>
          %dma_wait3A_2323 = arith.constant 0 : i32
          %dma_wait3A_2324 = tpu.memref_slice %arg5[%dma_wait3A_2323, %multiple_of3A_2315] : memref<64x16384xf32, #tpu.memory_space<hbm>> -> memref<64x256xf32, #tpu.memory_space<hbm>>
          tpu.wait_dma2 semaphore(%run_scoped3A_2316 : memref<!tpu.dma_semaphore, #tpu.memory_space<semaphore_mem>>) src(%arg9 : memref<64x256xf32, #tpu.memory_space<vmem>>) dst(%dma_wait3A_2324 : memref<64x256xf32, #tpu.memory_space<hbm>>)
          tpu.yield
        }) : () -> ()
      } else {
      }
      %add3A_1673 = arith.constant 9 : i32
      %add3A_1674 = arith.addi %add3A_1556, %add3A_1673 : i32
      %lt3A_1675 = arith.constant 512 : i32
      %lt3A_1676 = arith.cmpi slt, %add3A_1674, %lt3A_1675 : i32
      %convert_element_type3A_1677 = arith.extui %lt3A_1676 : i1 to i32
      %cond3A_1678 = arith.constant 0 : i32
      %cond3A_1679 = arith.cmpi ne, %convert_element_type3A_1677, %cond3A_1678 : i32
      scf.if %cond3A_1679 {
        %add3A_2315 = arith.constant 9 : i32
        %add3A_2316 = arith.addi %add3A_1556, %add3A_2315 : i32
        %get3A_2317 = arith.index_cast %add3A_2316 : i32 to index
        %get3A_2318 = tpu.vector_load %arg6[%get3A_2317] {strides = array<i32>} : memref<528xi32, #tpu.memory_space<vmem>>, vector<16xi32>,
        %slice3A_2319 = vector.extract_strided_slice %get3A_2318 {offsets = [0], sizes = [1], strides = [1]} : vector<16xi32> to vector<1xi32>
        %squeeze3A_2320 = vector.extract %slice3A_2319[0] : i32 from vector<1xi32>
        %jit3A_2321 = arith.constant 128 : i32
        %div3A_2322 = arith.divsi %squeeze3A_2320, %jit3A_2321 : i32
        %sign3A_2323 = arith.constant 0 : i32
        %sign3A_2324 = arith.cmpi sgt, %squeeze3A_2320, %sign3A_2323 : i32
        %sign3A_2325 = arith.extui %sign3A_2324 : i1 to i32
        %sign3A_2326 = arith.constant 0 : i32
        %sign3A_2327 = arith.cmpi slt, %squeeze3A_2320, %sign3A_2326 : i32
        %sign3A_2328 = arith.extui %sign3A_2327 : i1 to i32
        %sign3A_2329 = arith.subi %sign3A_2325, %sign3A_2328 : i32
        %sign3A_2330 = arith.constant 0 : i32
        %sign3A_2331 = arith.cmpi sgt, %jit3A_2321, %sign3A_2330 : i32
        %sign3A_2332 = arith.extui %sign3A_2331 : i1 to i32
        %sign3A_2333 = arith.constant 0 : i32
        %sign3A_2334 = arith.cmpi slt, %jit3A_2321, %sign3A_2333 : i32
        %sign3A_2335 = arith.extui %sign3A_2334 : i1 to i32
        %sign3A_2336 = arith.subi %sign3A_2332, %sign3A_2335 : i32
        %ne3A_2337 = arith.cmpi ne, %sign3A_2329, %sign3A_2336 : i32
        %rem3A_2338 = arith.remsi %squeeze3A_2320, %jit3A_2321 : i32
        %ne3A_2339 = arith.constant 0 : i32
        %ne3A_2340 = arith.cmpi ne, %rem3A_2338, %ne3A_2339 : i32
        %and3A_2341 = arith.andi %ne3A_2337, %ne3A_2340 : i1
        %sub3A_2342 = arith.constant 1 : i32
        %sub3A_2343 = arith.subi %div3A_2322, %sub3A_2342 : i32
        %select_n3A_2344 = arith.select %and3A_2341, %sub3A_2343, %div3A_2322 : i32
        %min3A_2345 = arith.constant 7811 : i32
        %min3A_2346 = arith.minsi %select_n3A_2344, %min3A_2345 : i32
        %mul3A_2347 = arith.constant 128 : i32
        %mul3A_2348 = arith.muli %min3A_2346, %mul3A_2347 : i32
        %multiple_of3A_2349 = tpu.assume_multiple %mul3A_2348, 128 : i32
        %dma_start3A_2350 = arith.constant 3 : i32
        %dma_start3A_2351 = arith.constant 0 : i32
        %dma_start3A_2352 = arith.constant 0 : i32
        %dma_start3A_2353 = tpu.memref_slice %arg7[%dma_start3A_2350, %dma_start3A_2351, %dma_start3A_2352] : memref<9x64x128xf32, #tpu.memory_space<vmem>> -> memref<1x64x128xf32, #tpu.memory_space<vmem>>
        %dma_start3A_2354 = tpu.memref_squeeze %dma_start3A_2353 : memref<1x64x128xf32, #tpu.memory_space<vmem>> -> memref<64x128xf32, #tpu.memory_space<vmem>>
        %dma_start3A_2355 = arith.constant 0 : i32
        %dma_start3A_2356 = tpu.memref_slice %arg3[%dma_start3A_2355, %multiple_of3A_2349] : memref<64x1000000xf32, #tpu.memory_space<hbm>> -> memref<64x128xf32, #tpu.memory_space<hbm>>
        %dma_start3A_2357 = arith.constant 0 : i32
        %dma_start3A_2358 = arith.constant 0 : i32
        %dma_start3A_2359 = tpu.memref_slice %arg7[%dma_start3A_2350, %dma_start3A_2357, %dma_start3A_2358] : memref<9x64x128xf32, #tpu.memory_space<vmem>> -> memref<1x64x128xf32, #tpu.memory_space<vmem>>
        %dma_start3A_2360 = tpu.memref_squeeze %dma_start3A_2359 : memref<1x64x128xf32, #tpu.memory_space<vmem>> -> memref<64x128xf32, #tpu.memory_space<vmem>>
        %dma_start3A_2361 = arith.constant 0 : i32
        %dma_start3A_2362 = tpu.memref_slice %arg3[%dma_start3A_2361, %multiple_of3A_2349] : memref<64x1000000xf32, #tpu.memory_space<hbm>> -> memref<64x128xf32, #tpu.memory_space<hbm>>
        tpu.enqueue_dma source(%dma_start3A_2362 : memref<64x128xf32, #tpu.memory_space<hbm>>) target(%dma_start3A_2360 : memref<64x128xf32, #tpu.memory_space<vmem>>) target_semaphore(%arg13 : memref<!tpu.dma_semaphore, #tpu.memory_space<semaphore_mem>>)
      } else {
      }
      %mul3A_1680 = arith.constant 9 : i32
      %mul3A_1681 = arith.muli %scan3A_1173, %mul3A_1680 : i32
      %add3A_1682 = arith.constant 4 : i32
      %add3A_1683 = arith.addi %mul3A_1681, %add3A_1682 : i32
      %dma_wait3A_1684 = arith.constant 4 : i32
      %dma_wait3A_1685 = arith.constant 0 : i32
      %dma_wait3A_1686 = arith.constant 0 : i32
      %dma_wait3A_1687 = tpu.memref_slice %arg7[%dma_wait3A_1684, %dma_wait3A_1685, %dma_wait3A_1686] : memref<9x64x128xf32, #tpu.memory_space<vmem>> -> memref<1x64x128xf32, #tpu.memory_space<vmem>>
      %dma_wait3A_1688 = tpu.memref_squeeze %dma_wait3A_1687 : memref<1x64x128xf32, #tpu.memory_space<vmem>> -> memref<64x128xf32, #tpu.memory_space<vmem>>
      %dma_wait3A_1689 = arith.constant 0 : i32
      %dma_wait3A_1690 = arith.constant 0 : i32
      %dma_wait3A_1691 = tpu.memref_slice %arg3[%dma_wait3A_1689, %dma_wait3A_1690] : memref<64x1000000xf32, #tpu.memory_space<hbm>> -> memref<64x128xf32, #tpu.memory_space<hbm>>
      %dma_wait3A_1692 = arith.constant 0 : i32
      %dma_wait3A_1693 = arith.constant 0 : i32
      %dma_wait3A_1694 = tpu.memref_slice %arg7[%dma_wait3A_1684, %dma_wait3A_1692, %dma_wait3A_1693] : memref<9x64x128xf32, #tpu.memory_space<vmem>> -> memref<1x64x128xf32, #tpu.memory_space<vmem>>
      %dma_wait3A_1695 = tpu.memref_squeeze %dma_wait3A_1694 : memref<1x64x128xf32, #tpu.memory_space<vmem>> -> memref<64x128xf32, #tpu.memory_space<vmem>>
      %dma_wait3A_1696 = arith.constant 0 : i32
      %dma_wait3A_1697 = arith.constant 0 : i32
      %dma_wait3A_1698 = tpu.memref_slice %arg3[%dma_wait3A_1696, %dma_wait3A_1697] : memref<64x1000000xf32, #tpu.memory_space<hbm>> -> memref<64x128xf32, #tpu.memory_space<hbm>>
      tpu.wait_dma2 semaphore(%arg14 : memref<!tpu.dma_semaphore, #tpu.memory_space<semaphore_mem>>) src(%dma_wait3A_1698 : memref<64x128xf32, #tpu.memory_space<hbm>>) dst(%dma_wait3A_1695 : memref<64x128xf32, #tpu.memory_space<vmem>>)
      %get3A_1699 = arith.index_cast %add3A_1683 : i32 to index
      %get3A_1700 = tpu.vector_load %arg6[%get3A_1699] {strides = array<i32>} : memref<528xi32, #tpu.memory_space<vmem>>, vector<16xi32>,
      %slice3A_1701 = vector.extract_strided_slice %get3A_1700 {offsets = [0], sizes = [1], strides = [1]} : vector<16xi32> to vector<1xi32>
      %squeeze3A_1702 = vector.extract %slice3A_1701[0] : i32 from vector<1xi32>
      %jit3A_1703 = arith.constant 128 : i32
      %eq3A_1704 = arith.constant 0 : i32
      %eq3A_1705 = arith.cmpi eq, %jit3A_1703, %eq3A_1704 : i32
      %jit3A_1706 = arith.constant 1 : i32
      %select_n3A_1707 = arith.select %eq3A_1705, %jit3A_1706, %jit3A_1703 : i32
      %rem3A_1708 = arith.remsi %squeeze3A_1702, %select_n3A_1707 : i32
      %ne3A_1709 = arith.constant 0 : i32
      %ne3A_1710 = arith.cmpi ne, %rem3A_1708, %ne3A_1709 : i32
      %lt3A_1711 = arith.constant 0 : i32
      %lt3A_1712 = arith.cmpi slt, %rem3A_1708, %lt3A_1711 : i32
      %lt3A_1713 = arith.constant 0 : i32
      %lt3A_1714 = arith.cmpi slt, %select_n3A_1707, %lt3A_1713 : i32
      %ne3A_1715 = arith.xori %lt3A_1712, %lt3A_1714 : i1
      %and3A_1716 = arith.andi %ne3A_1715, %ne3A_1710 : i1
      %add3A_1717 = arith.addi %rem3A_1708, %select_n3A_1707 : i32
      %select_n3A_1718 = arith.select %and3A_1716, %add3A_1717, %rem3A_1708 : i32
      %broadcast_in_dim3A_1719 = vector.broadcast %select_n3A_1718 : i32 to vector<16xi32>
      %sub3A_1720 = arith.constant 999936 : i32
      %sub3A_1721 = arith.subi %squeeze3A_1702, %sub3A_1720 : i32
      %max3A_1722 = arith.constant 0 : i32
      %max3A_1723 = arith.maxsi %sub3A_1721, %max3A_1722 : i32
      %min3A_1724 = arith.constant 63 : i32
      %min3A_1725 = arith.minsi %max3A_1723, %min3A_1724 : i32
      %broadcast_in_dim3A_1726 = vector.broadcast %min3A_1725 : i32 to vector<16xi32>
      %jit3A_1727 = arith.constant 256 : i32
      %eq3A_1728 = arith.constant 0 : i32
      %eq3A_1729 = arith.cmpi eq, %jit3A_1727, %eq3A_1728 : i32
      %jit3A_1730 = arith.constant 1 : i32
      %select_n3A_1731 = arith.select %eq3A_1729, %jit3A_1730, %jit3A_1727 : i32
      %rem3A_1732 = arith.remsi %add3A_1683, %select_n3A_1731 : i32
      %ne3A_1733 = arith.constant 0 : i32
      %ne3A_1734 = arith.cmpi ne, %rem3A_1732, %ne3A_1733 : i32
      %lt3A_1735 = arith.constant 0 : i32
      %lt3A_1736 = arith.cmpi slt, %rem3A_1732, %lt3A_1735 : i32
      %lt3A_1737 = arith.constant 0 : i32
      %lt3A_1738 = arith.cmpi slt, %select_n3A_1731, %lt3A_1737 : i32
      %ne3A_1739 = arith.xori %lt3A_1736, %lt3A_1738 : i1
      %and3A_1740 = arith.andi %ne3A_1739, %ne3A_1734 : i1
      %add3A_1741 = arith.addi %rem3A_1732, %select_n3A_1731 : i32
      %select_n3A_1742 = arith.select %and3A_1740, %add3A_1741, %rem3A_1732 : i32
      %broadcast_in_dim3A_1743 = vector.broadcast %select_n3A_1742 : i32 to vector<16xi32>
      %ge3A_1744 = arith.constant 999936 : i32
      %ge3A_1745 = arith.cmpi sge, %squeeze3A_1702, %ge3A_1744 : i32
      %broadcast_in_dim3A_1746 = vector.broadcast %ge3A_1745 : i1 to vector<16xi1>
      %iota3A_1747 = tpu.iota {dimensions = array<i32: 0>} : vector<16xi32>
      %add3A_1748 = arith.constant 0 : i32
      %add3A_1749 = vector.broadcast %add3A_1748 : i32 to vector<16xi32>
      %add3A_1750 = arith.addi %add3A_1749, %iota3A_1747 : vector<16xi32>
      %gather3A_1751 = arith.constant 4 : i32
      %gather3A_1752 = arith.constant 0 : i32
      %gather3A_1753 = arith.constant 0 : i32
      %gather3A_1754 = tpu.memref_slice %arg7[%gather3A_1751, %gather3A_1752, %gather3A_1753] : memref<9x64x128xf32, #tpu.memory_space<vmem>> -> memref<1x64x128xf32, #tpu.memory_space<vmem>>
      %gather3A_1755 = tpu.memref_squeeze %gather3A_1754 : memref<1x64x128xf32, #tpu.memory_space<vmem>> -> memref<64x128xf32, #tpu.memory_space<vmem>>
      %gather3A_1756 = tpu.vector_load_idx %gather3A_1755[%add3A_1750, %broadcast_in_dim3A_1719] : memref<64x128xf32, #tpu.memory_space<vmem>>[vector<16xi32>, vector<16xi32>], vector<16xf32>,
      %gather3A_1757 = tpu.vector_load_idx %arg8[%add3A_1750, %broadcast_in_dim3A_1726] : memref<64x64xf32, #tpu.memory_space<vmem>>[vector<16xi32>, vector<16xi32>], vector<16xf32>,
      %select_n3A_1758 = arith.select %broadcast_in_dim3A_1746, %gather3A_1757, %gather3A_1756 : vector<16xi1>, vector<16xf32>
      tpu.vector_store_idx %arg9[%add3A_1750, %broadcast_in_dim3A_1743], %select_n3A_1758 : memref<64x256xf32, #tpu.memory_space<vmem>>[vector<16xi32>, vector<16xi32>], vector<16xf32>,
      %iota3A_1759 = tpu.iota {dimensions = array<i32: 0>} : vector<16xi32>
      %add3A_1760 = arith.constant 16 : i32
      %add3A_1761 = vector.broadcast %add3A_1760 : i32 to vector<16xi32>
      %add3A_1762 = arith.addi %add3A_1761, %iota3A_1759 : vector<16xi32>
      %gather3A_1763 = arith.constant 4 : i32
      %gather3A_1764 = arith.constant 0 : i32
      %gather3A_1765 = arith.constant 0 : i32
      %gather3A_1766 = tpu.memref_slice %arg7[%gather3A_1763, %gather3A_1764, %gather3A_1765] : memref<9x64x128xf32, #tpu.memory_space<vmem>> -> memref<1x64x128xf32, #tpu.memory_space<vmem>>
      %gather3A_1767 = tpu.memref_squeeze %gather3A_1766 : memref<1x64x128xf32, #tpu.memory_space<vmem>> -> memref<64x128xf32, #tpu.memory_space<vmem>>
      %gather3A_1768 = tpu.vector_load_idx %gather3A_1767[%add3A_1762, %broadcast_in_dim3A_1719] : memref<64x128xf32, #tpu.memory_space<vmem>>[vector<16xi32>, vector<16xi32>], vector<16xf32>,
      %gather3A_1769 = tpu.vector_load_idx %arg8[%add3A_1762, %broadcast_in_dim3A_1726] : memref<64x64xf32, #tpu.memory_space<vmem>>[vector<16xi32>, vector<16xi32>], vector<16xf32>,
      %select_n3A_1770 = arith.select %broadcast_in_dim3A_1746, %gather3A_1769, %gather3A_1768 : vector<16xi1>, vector<16xf32>
      tpu.vector_store_idx %arg9[%add3A_1762, %broadcast_in_dim3A_1743], %select_n3A_1770 : memref<64x256xf32, #tpu.memory_space<vmem>>[vector<16xi32>, vector<16xi32>], vector<16xf32>,
      %iota3A_1771 = tpu.iota {dimensions = array<i32: 0>} : vector<16xi32>
      %add3A_1772 = arith.constant 32 : i32
      %add3A_1773 = vector.broadcast %add3A_1772 : i32 to vector<16xi32>
      %add3A_1774 = arith.addi %add3A_1773, %iota3A_1771 : vector<16xi32>
      %gather3A_1775 = arith.constant 4 : i32
      %gather3A_1776 = arith.constant 0 : i32
      %gather3A_1777 = arith.constant 0 : i32
      %gather3A_1778 = tpu.memref_slice %arg7[%gather3A_1775, %gather3A_1776, %gather3A_1777] : memref<9x64x128xf32, #tpu.memory_space<vmem>> -> memref<1x64x128xf32, #tpu.memory_space<vmem>>
      %gather3A_1779 = tpu.memref_squeeze %gather3A_1778 : memref<1x64x128xf32, #tpu.memory_space<vmem>> -> memref<64x128xf32, #tpu.memory_space<vmem>>
      %gather3A_1780 = tpu.vector_load_idx %gather3A_1779[%add3A_1774, %broadcast_in_dim3A_1719] : memref<64x128xf32, #tpu.memory_space<vmem>>[vector<16xi32>, vector<16xi32>], vector<16xf32>,
      %gather3A_1781 = tpu.vector_load_idx %arg8[%add3A_1774, %broadcast_in_dim3A_1726] : memref<64x64xf32, #tpu.memory_space<vmem>>[vector<16xi32>, vector<16xi32>], vector<16xf32>,
      %select_n3A_1782 = arith.select %broadcast_in_dim3A_1746, %gather3A_1781, %gather3A_1780 : vector<16xi1>, vector<16xf32>
      tpu.vector_store_idx %arg9[%add3A_1774, %broadcast_in_dim3A_1743], %select_n3A_1782 : memref<64x256xf32, #tpu.memory_space<vmem>>[vector<16xi32>, vector<16xi32>], vector<16xf32>,
      %iota3A_1783 = tpu.iota {dimensions = array<i32: 0>} : vector<16xi32>
      %add3A_1784 = arith.constant 48 : i32
      %add3A_1785 = vector.broadcast %add3A_1784 : i32 to vector<16xi32>
      %add3A_1786 = arith.addi %add3A_1785, %iota3A_1783 : vector<16xi32>
      %gather3A_1787 = arith.constant 4 : i32
      %gather3A_1788 = arith.constant 0 : i32
      %gather3A_1789 = arith.constant 0 : i32
      %gather3A_1790 = tpu.memref_slice %arg7[%gather3A_1787, %gather3A_1788, %gather3A_1789] : memref<9x64x128xf32, #tpu.memory_space<vmem>> -> memref<1x64x128xf32, #tpu.memory_space<vmem>>
      %gather3A_1791 = tpu.memref_squeeze %gather3A_1790 : memref<1x64x128xf32, #tpu.memory_space<vmem>> -> memref<64x128xf32, #tpu.memory_space<vmem>>
      %gather3A_1792 = tpu.vector_load_idx %gather3A_1791[%add3A_1786, %broadcast_in_dim3A_1719] : memref<64x128xf32, #tpu.memory_space<vmem>>[vector<16xi32>, vector<16xi32>], vector<16xf32>,
      %gather3A_1793 = tpu.vector_load_idx %arg8[%add3A_1786, %broadcast_in_dim3A_1726] : memref<64x64xf32, #tpu.memory_space<vmem>>[vector<16xi32>, vector<16xi32>], vector<16xf32>,
      %select_n3A_1794 = arith.select %broadcast_in_dim3A_1746, %gather3A_1793, %gather3A_1792 : vector<16xi1>, vector<16xf32>
      tpu.vector_store_idx %arg9[%add3A_1786, %broadcast_in_dim3A_1743], %select_n3A_1794 : memref<64x256xf32, #tpu.memory_space<vmem>>[vector<16xi32>, vector<16xi32>], vector<16xf32>,
      %eq3A_1795 = arith.constant 255 : i32
      %eq3A_1796 = arith.cmpi eq, %add3A_1683, %eq3A_1795 : i32
      %convert_element_type3A_1797 = arith.extui %eq3A_1796 : i1 to i32
      %cond3A_1798 = arith.constant 0 : i32
      %cond3A_1799 = arith.cmpi ne, %convert_element_type3A_1797, %cond3A_1798 : i32
      scf.if %cond3A_1799 {
        %multiple_of3A_2315 = tpu.assume_multiple %mul3A_2, 128 : i32
        "tpu.region"() ({
          %run_scoped3A_2316 = tpu.sem_alloc : memref<!tpu.dma_semaphore, #tpu.memory_space<semaphore_mem>>
          %dma_start3A_2317 = arith.constant 0 : i32
          %dma_start3A_2318 = tpu.memref_slice %arg5[%dma_start3A_2317, %multiple_of3A_2315] : memref<64x16384xf32, #tpu.memory_space<hbm>> -> memref<64x256xf32, #tpu.memory_space<hbm>>
          %dma_start3A_2319 = arith.constant 0 : i32
          %dma_start3A_2320 = tpu.memref_slice %arg5[%dma_start3A_2319, %multiple_of3A_2315] : memref<64x16384xf32, #tpu.memory_space<hbm>> -> memref<64x256xf32, #tpu.memory_space<hbm>>
          tpu.enqueue_dma source(%arg9 : memref<64x256xf32, #tpu.memory_space<vmem>>) target(%dma_start3A_2320 : memref<64x256xf32, #tpu.memory_space<hbm>>) target_semaphore(%run_scoped3A_2316 : memref<!tpu.dma_semaphore, #tpu.memory_space<semaphore_mem>>)
          %dma_wait3A_2321 = arith.constant 0 : i32
          %dma_wait3A_2322 = tpu.memref_slice %arg5[%dma_wait3A_2321, %multiple_of3A_2315] : memref<64x16384xf32, #tpu.memory_space<hbm>> -> memref<64x256xf32, #tpu.memory_space<hbm>>
          %dma_wait3A_2323 = arith.constant 0 : i32
          %dma_wait3A_2324 = tpu.memref_slice %arg5[%dma_wait3A_2323, %multiple_of3A_2315] : memref<64x16384xf32, #tpu.memory_space<hbm>> -> memref<64x256xf32, #tpu.memory_space<hbm>>
          tpu.wait_dma2 semaphore(%run_scoped3A_2316 : memref<!tpu.dma_semaphore, #tpu.memory_space<semaphore_mem>>) src(%arg9 : memref<64x256xf32, #tpu.memory_space<vmem>>) dst(%dma_wait3A_2324 : memref<64x256xf32, #tpu.memory_space<hbm>>)
          tpu.yield
        }) : () -> ()
      } else {
      }
      %add3A_1800 = arith.constant 9 : i32
      %add3A_1801 = arith.addi %add3A_1683, %add3A_1800 : i32
      %lt3A_1802 = arith.constant 512 : i32
      %lt3A_1803 = arith.cmpi slt, %add3A_1801, %lt3A_1802 : i32
      %convert_element_type3A_1804 = arith.extui %lt3A_1803 : i1 to i32
      %cond3A_1805 = arith.constant 0 : i32
      %cond3A_1806 = arith.cmpi ne, %convert_element_type3A_1804, %cond3A_1805 : i32
      scf.if %cond3A_1806 {
        %add3A_2315 = arith.constant 9 : i32
        %add3A_2316 = arith.addi %add3A_1683, %add3A_2315 : i32
        %get3A_2317 = arith.index_cast %add3A_2316 : i32 to index
        %get3A_2318 = tpu.vector_load %arg6[%get3A_2317] {strides = array<i32>} : memref<528xi32, #tpu.memory_space<vmem>>, vector<16xi32>,
        %slice3A_2319 = vector.extract_strided_slice %get3A_2318 {offsets = [0], sizes = [1], strides = [1]} : vector<16xi32> to vector<1xi32>
        %squeeze3A_2320 = vector.extract %slice3A_2319[0] : i32 from vector<1xi32>
        %jit3A_2321 = arith.constant 128 : i32
        %div3A_2322 = arith.divsi %squeeze3A_2320, %jit3A_2321 : i32
        %sign3A_2323 = arith.constant 0 : i32
        %sign3A_2324 = arith.cmpi sgt, %squeeze3A_2320, %sign3A_2323 : i32
        %sign3A_2325 = arith.extui %sign3A_2324 : i1 to i32
        %sign3A_2326 = arith.constant 0 : i32
        %sign3A_2327 = arith.cmpi slt, %squeeze3A_2320, %sign3A_2326 : i32
        %sign3A_2328 = arith.extui %sign3A_2327 : i1 to i32
        %sign3A_2329 = arith.subi %sign3A_2325, %sign3A_2328 : i32
        %sign3A_2330 = arith.constant 0 : i32
        %sign3A_2331 = arith.cmpi sgt, %jit3A_2321, %sign3A_2330 : i32
        %sign3A_2332 = arith.extui %sign3A_2331 : i1 to i32
        %sign3A_2333 = arith.constant 0 : i32
        %sign3A_2334 = arith.cmpi slt, %jit3A_2321, %sign3A_2333 : i32
        %sign3A_2335 = arith.extui %sign3A_2334 : i1 to i32
        %sign3A_2336 = arith.subi %sign3A_2332, %sign3A_2335 : i32
        %ne3A_2337 = arith.cmpi ne, %sign3A_2329, %sign3A_2336 : i32
        %rem3A_2338 = arith.remsi %squeeze3A_2320, %jit3A_2321 : i32
        %ne3A_2339 = arith.constant 0 : i32
        %ne3A_2340 = arith.cmpi ne, %rem3A_2338, %ne3A_2339 : i32
        %and3A_2341 = arith.andi %ne3A_2337, %ne3A_2340 : i1
        %sub3A_2342 = arith.constant 1 : i32
        %sub3A_2343 = arith.subi %div3A_2322, %sub3A_2342 : i32
        %select_n3A_2344 = arith.select %and3A_2341, %sub3A_2343, %div3A_2322 : i32
        %min3A_2345 = arith.constant 7811 : i32
        %min3A_2346 = arith.minsi %select_n3A_2344, %min3A_2345 : i32
        %mul3A_2347 = arith.constant 128 : i32
        %mul3A_2348 = arith.muli %min3A_2346, %mul3A_2347 : i32
        %multiple_of3A_2349 = tpu.assume_multiple %mul3A_2348, 128 : i32
        %dma_start3A_2350 = arith.constant 4 : i32
        %dma_start3A_2351 = arith.constant 0 : i32
        %dma_start3A_2352 = arith.constant 0 : i32
        %dma_start3A_2353 = tpu.memref_slice %arg7[%dma_start3A_2350, %dma_start3A_2351, %dma_start3A_2352] : memref<9x64x128xf32, #tpu.memory_space<vmem>> -> memref<1x64x128xf32, #tpu.memory_space<vmem>>
        %dma_start3A_2354 = tpu.memref_squeeze %dma_start3A_2353 : memref<1x64x128xf32, #tpu.memory_space<vmem>> -> memref<64x128xf32, #tpu.memory_space<vmem>>
        %dma_start3A_2355 = arith.constant 0 : i32
        %dma_start3A_2356 = tpu.memref_slice %arg3[%dma_start3A_2355, %multiple_of3A_2349] : memref<64x1000000xf32, #tpu.memory_space<hbm>> -> memref<64x128xf32, #tpu.memory_space<hbm>>
        %dma_start3A_2357 = arith.constant 0 : i32
        %dma_start3A_2358 = arith.constant 0 : i32
        %dma_start3A_2359 = tpu.memref_slice %arg7[%dma_start3A_2350, %dma_start3A_2357, %dma_start3A_2358] : memref<9x64x128xf32, #tpu.memory_space<vmem>> -> memref<1x64x128xf32, #tpu.memory_space<vmem>>
        %dma_start3A_2360 = tpu.memref_squeeze %dma_start3A_2359 : memref<1x64x128xf32, #tpu.memory_space<vmem>> -> memref<64x128xf32, #tpu.memory_space<vmem>>
        %dma_start3A_2361 = arith.constant 0 : i32
        %dma_start3A_2362 = tpu.memref_slice %arg3[%dma_start3A_2361, %multiple_of3A_2349] : memref<64x1000000xf32, #tpu.memory_space<hbm>> -> memref<64x128xf32, #tpu.memory_space<hbm>>
        tpu.enqueue_dma source(%dma_start3A_2362 : memref<64x128xf32, #tpu.memory_space<hbm>>) target(%dma_start3A_2360 : memref<64x128xf32, #tpu.memory_space<vmem>>) target_semaphore(%arg14 : memref<!tpu.dma_semaphore, #tpu.memory_space<semaphore_mem>>)
      } else {
      }
      %mul3A_1807 = arith.constant 9 : i32
      %mul3A_1808 = arith.muli %scan3A_1173, %mul3A_1807 : i32
      %add3A_1809 = arith.constant 5 : i32
      %add3A_1810 = arith.addi %mul3A_1808, %add3A_1809 : i32
      %dma_wait3A_1811 = arith.constant 5 : i32
      %dma_wait3A_1812 = arith.constant 0 : i32
      %dma_wait3A_1813 = arith.constant 0 : i32
      %dma_wait3A_1814 = tpu.memref_slice %arg7[%dma_wait3A_1811, %dma_wait3A_1812, %dma_wait3A_1813] : memref<9x64x128xf32, #tpu.memory_space<vmem>> -> memref<1x64x128xf32, #tpu.memory_space<vmem>>
      %dma_wait3A_1815 = tpu.memref_squeeze %dma_wait3A_1814 : memref<1x64x128xf32, #tpu.memory_space<vmem>> -> memref<64x128xf32, #tpu.memory_space<vmem>>
      %dma_wait3A_1816 = arith.constant 0 : i32
      %dma_wait3A_1817 = arith.constant 0 : i32
      %dma_wait3A_1818 = tpu.memref_slice %arg3[%dma_wait3A_1816, %dma_wait3A_1817] : memref<64x1000000xf32, #tpu.memory_space<hbm>> -> memref<64x128xf32, #tpu.memory_space<hbm>>
      %dma_wait3A_1819 = arith.constant 0 : i32
      %dma_wait3A_1820 = arith.constant 0 : i32
      %dma_wait3A_1821 = tpu.memref_slice %arg7[%dma_wait3A_1811, %dma_wait3A_1819, %dma_wait3A_1820] : memref<9x64x128xf32, #tpu.memory_space<vmem>> -> memref<1x64x128xf32, #tpu.memory_space<vmem>>
      %dma_wait3A_1822 = tpu.memref_squeeze %dma_wait3A_1821 : memref<1x64x128xf32, #tpu.memory_space<vmem>> -> memref<64x128xf32, #tpu.memory_space<vmem>>
      %dma_wait3A_1823 = arith.constant 0 : i32
      %dma_wait3A_1824 = arith.constant 0 : i32
      %dma_wait3A_1825 = tpu.memref_slice %arg3[%dma_wait3A_1823, %dma_wait3A_1824] : memref<64x1000000xf32, #tpu.memory_space<hbm>> -> memref<64x128xf32, #tpu.memory_space<hbm>>
      tpu.wait_dma2 semaphore(%arg15 : memref<!tpu.dma_semaphore, #tpu.memory_space<semaphore_mem>>) src(%dma_wait3A_1825 : memref<64x128xf32, #tpu.memory_space<hbm>>) dst(%dma_wait3A_1822 : memref<64x128xf32, #tpu.memory_space<vmem>>)
      %get3A_1826 = arith.index_cast %add3A_1810 : i32 to index
      %get3A_1827 = tpu.vector_load %arg6[%get3A_1826] {strides = array<i32>} : memref<528xi32, #tpu.memory_space<vmem>>, vector<16xi32>,
      %slice3A_1828 = vector.extract_strided_slice %get3A_1827 {offsets = [0], sizes = [1], strides = [1]} : vector<16xi32> to vector<1xi32>
      %squeeze3A_1829 = vector.extract %slice3A_1828[0] : i32 from vector<1xi32>
      %jit3A_1830 = arith.constant 128 : i32
      %eq3A_1831 = arith.constant 0 : i32
      %eq3A_1832 = arith.cmpi eq, %jit3A_1830, %eq3A_1831 : i32
      %jit3A_1833 = arith.constant 1 : i32
      %select_n3A_1834 = arith.select %eq3A_1832, %jit3A_1833, %jit3A_1830 : i32
      %rem3A_1835 = arith.remsi %squeeze3A_1829, %select_n3A_1834 : i32
      %ne3A_1836 = arith.constant 0 : i32
      %ne3A_1837 = arith.cmpi ne, %rem3A_1835, %ne3A_1836 : i32
      %lt3A_1838 = arith.constant 0 : i32
      %lt3A_1839 = arith.cmpi slt, %rem3A_1835, %lt3A_1838 : i32
      %lt3A_1840 = arith.constant 0 : i32
      %lt3A_1841 = arith.cmpi slt, %select_n3A_1834, %lt3A_1840 : i32
      %ne3A_1842 = arith.xori %lt3A_1839, %lt3A_1841 : i1
      %and3A_1843 = arith.andi %ne3A_1842, %ne3A_1837 : i1
      %add3A_1844 = arith.addi %rem3A_1835, %select_n3A_1834 : i32
      %select_n3A_1845 = arith.select %and3A_1843, %add3A_1844, %rem3A_1835 : i32
      %broadcast_in_dim3A_1846 = vector.broadcast %select_n3A_1845 : i32 to vector<16xi32>
      %sub3A_1847 = arith.constant 999936 : i32
      %sub3A_1848 = arith.subi %squeeze3A_1829, %sub3A_1847 : i32
      %max3A_1849 = arith.constant 0 : i32
      %max3A_1850 = arith.maxsi %sub3A_1848, %max3A_1849 : i32
      %min3A_1851 = arith.constant 63 : i32
      %min3A_1852 = arith.minsi %max3A_1850, %min3A_1851 : i32
      %broadcast_in_dim3A_1853 = vector.broadcast %min3A_1852 : i32 to vector<16xi32>
      %jit3A_1854 = arith.constant 256 : i32
      %eq3A_1855 = arith.constant 0 : i32
      %eq3A_1856 = arith.cmpi eq, %jit3A_1854, %eq3A_1855 : i32
      %jit3A_1857 = arith.constant 1 : i32
      %select_n3A_1858 = arith.select %eq3A_1856, %jit3A_1857, %jit3A_1854 : i32
      %rem3A_1859 = arith.remsi %add3A_1810, %select_n3A_1858 : i32
      %ne3A_1860 = arith.constant 0 : i32
      %ne3A_1861 = arith.cmpi ne, %rem3A_1859, %ne3A_1860 : i32
      %lt3A_1862 = arith.constant 0 : i32
      %lt3A_1863 = arith.cmpi slt, %rem3A_1859, %lt3A_1862 : i32
      %lt3A_1864 = arith.constant 0 : i32
      %lt3A_1865 = arith.cmpi slt, %select_n3A_1858, %lt3A_1864 : i32
      %ne3A_1866 = arith.xori %lt3A_1863, %lt3A_1865 : i1
      %and3A_1867 = arith.andi %ne3A_1866, %ne3A_1861 : i1
      %add3A_1868 = arith.addi %rem3A_1859, %select_n3A_1858 : i32
      %select_n3A_1869 = arith.select %and3A_1867, %add3A_1868, %rem3A_1859 : i32
      %broadcast_in_dim3A_1870 = vector.broadcast %select_n3A_1869 : i32 to vector<16xi32>
      %ge3A_1871 = arith.constant 999936 : i32
      %ge3A_1872 = arith.cmpi sge, %squeeze3A_1829, %ge3A_1871 : i32
      %broadcast_in_dim3A_1873 = vector.broadcast %ge3A_1872 : i1 to vector<16xi1>
      %iota3A_1874 = tpu.iota {dimensions = array<i32: 0>} : vector<16xi32>
      %add3A_1875 = arith.constant 0 : i32
      %add3A_1876 = vector.broadcast %add3A_1875 : i32 to vector<16xi32>
      %add3A_1877 = arith.addi %add3A_1876, %iota3A_1874 : vector<16xi32>
      %gather3A_1878 = arith.constant 5 : i32
      %gather3A_1879 = arith.constant 0 : i32
      %gather3A_1880 = arith.constant 0 : i32
      %gather3A_1881 = tpu.memref_slice %arg7[%gather3A_1878, %gather3A_1879, %gather3A_1880] : memref<9x64x128xf32, #tpu.memory_space<vmem>> -> memref<1x64x128xf32, #tpu.memory_space<vmem>>
      %gather3A_1882 = tpu.memref_squeeze %gather3A_1881 : memref<1x64x128xf32, #tpu.memory_space<vmem>> -> memref<64x128xf32, #tpu.memory_space<vmem>>
      %gather3A_1883 = tpu.vector_load_idx %gather3A_1882[%add3A_1877, %broadcast_in_dim3A_1846] : memref<64x128xf32, #tpu.memory_space<vmem>>[vector<16xi32>, vector<16xi32>], vector<16xf32>,
      %gather3A_1884 = tpu.vector_load_idx %arg8[%add3A_1877, %broadcast_in_dim3A_1853] : memref<64x64xf32, #tpu.memory_space<vmem>>[vector<16xi32>, vector<16xi32>], vector<16xf32>,
      %select_n3A_1885 = arith.select %broadcast_in_dim3A_1873, %gather3A_1884, %gather3A_1883 : vector<16xi1>, vector<16xf32>
      tpu.vector_store_idx %arg9[%add3A_1877, %broadcast_in_dim3A_1870], %select_n3A_1885 : memref<64x256xf32, #tpu.memory_space<vmem>>[vector<16xi32>, vector<16xi32>], vector<16xf32>,
      %iota3A_1886 = tpu.iota {dimensions = array<i32: 0>} : vector<16xi32>
      %add3A_1887 = arith.constant 16 : i32
      %add3A_1888 = vector.broadcast %add3A_1887 : i32 to vector<16xi32>
      %add3A_1889 = arith.addi %add3A_1888, %iota3A_1886 : vector<16xi32>
      %gather3A_1890 = arith.constant 5 : i32
      %gather3A_1891 = arith.constant 0 : i32
      %gather3A_1892 = arith.constant 0 : i32
      %gather3A_1893 = tpu.memref_slice %arg7[%gather3A_1890, %gather3A_1891, %gather3A_1892] : memref<9x64x128xf32, #tpu.memory_space<vmem>> -> memref<1x64x128xf32, #tpu.memory_space<vmem>>
      %gather3A_1894 = tpu.memref_squeeze %gather3A_1893 : memref<1x64x128xf32, #tpu.memory_space<vmem>> -> memref<64x128xf32, #tpu.memory_space<vmem>>
      %gather3A_1895 = tpu.vector_load_idx %gather3A_1894[%add3A_1889, %broadcast_in_dim3A_1846] : memref<64x128xf32, #tpu.memory_space<vmem>>[vector<16xi32>, vector<16xi32>], vector<16xf32>,
      %gather3A_1896 = tpu.vector_load_idx %arg8[%add3A_1889, %broadcast_in_dim3A_1853] : memref<64x64xf32, #tpu.memory_space<vmem>>[vector<16xi32>, vector<16xi32>], vector<16xf32>,
      %select_n3A_1897 = arith.select %broadcast_in_dim3A_1873, %gather3A_1896, %gather3A_1895 : vector<16xi1>, vector<16xf32>
      tpu.vector_store_idx %arg9[%add3A_1889, %broadcast_in_dim3A_1870], %select_n3A_1897 : memref<64x256xf32, #tpu.memory_space<vmem>>[vector<16xi32>, vector<16xi32>], vector<16xf32>,
      %iota3A_1898 = tpu.iota {dimensions = array<i32: 0>} : vector<16xi32>
      %add3A_1899 = arith.constant 32 : i32
      %add3A_1900 = vector.broadcast %add3A_1899 : i32 to vector<16xi32>
      %add3A_1901 = arith.addi %add3A_1900, %iota3A_1898 : vector<16xi32>
      %gather3A_1902 = arith.constant 5 : i32
      %gather3A_1903 = arith.constant 0 : i32
      %gather3A_1904 = arith.constant 0 : i32
      %gather3A_1905 = tpu.memref_slice %arg7[%gather3A_1902, %gather3A_1903, %gather3A_1904] : memref<9x64x128xf32, #tpu.memory_space<vmem>> -> memref<1x64x128xf32, #tpu.memory_space<vmem>>
      %gather3A_1906 = tpu.memref_squeeze %gather3A_1905 : memref<1x64x128xf32, #tpu.memory_space<vmem>> -> memref<64x128xf32, #tpu.memory_space<vmem>>
      %gather3A_1907 = tpu.vector_load_idx %gather3A_1906[%add3A_1901, %broadcast_in_dim3A_1846] : memref<64x128xf32, #tpu.memory_space<vmem>>[vector<16xi32>, vector<16xi32>], vector<16xf32>,
      %gather3A_1908 = tpu.vector_load_idx %arg8[%add3A_1901, %broadcast_in_dim3A_1853] : memref<64x64xf32, #tpu.memory_space<vmem>>[vector<16xi32>, vector<16xi32>], vector<16xf32>,
      %select_n3A_1909 = arith.select %broadcast_in_dim3A_1873, %gather3A_1908, %gather3A_1907 : vector<16xi1>, vector<16xf32>
      tpu.vector_store_idx %arg9[%add3A_1901, %broadcast_in_dim3A_1870], %select_n3A_1909 : memref<64x256xf32, #tpu.memory_space<vmem>>[vector<16xi32>, vector<16xi32>], vector<16xf32>,
      %iota3A_1910 = tpu.iota {dimensions = array<i32: 0>} : vector<16xi32>
      %add3A_1911 = arith.constant 48 : i32
      %add3A_1912 = vector.broadcast %add3A_1911 : i32 to vector<16xi32>
      %add3A_1913 = arith.addi %add3A_1912, %iota3A_1910 : vector<16xi32>
      %gather3A_1914 = arith.constant 5 : i32
      %gather3A_1915 = arith.constant 0 : i32
      %gather3A_1916 = arith.constant 0 : i32
      %gather3A_1917 = tpu.memref_slice %arg7[%gather3A_1914, %gather3A_1915, %gather3A_1916] : memref<9x64x128xf32, #tpu.memory_space<vmem>> -> memref<1x64x128xf32, #tpu.memory_space<vmem>>
      %gather3A_1918 = tpu.memref_squeeze %gather3A_1917 : memref<1x64x128xf32, #tpu.memory_space<vmem>> -> memref<64x128xf32, #tpu.memory_space<vmem>>
      %gather3A_1919 = tpu.vector_load_idx %gather3A_1918[%add3A_1913, %broadcast_in_dim3A_1846] : memref<64x128xf32, #tpu.memory_space<vmem>>[vector<16xi32>, vector<16xi32>], vector<16xf32>,
      %gather3A_1920 = tpu.vector_load_idx %arg8[%add3A_1913, %broadcast_in_dim3A_1853] : memref<64x64xf32, #tpu.memory_space<vmem>>[vector<16xi32>, vector<16xi32>], vector<16xf32>,
      %select_n3A_1921 = arith.select %broadcast_in_dim3A_1873, %gather3A_1920, %gather3A_1919 : vector<16xi1>, vector<16xf32>
      tpu.vector_store_idx %arg9[%add3A_1913, %broadcast_in_dim3A_1870], %select_n3A_1921 : memref<64x256xf32, #tpu.memory_space<vmem>>[vector<16xi32>, vector<16xi32>], vector<16xf32>,
      %eq3A_1922 = arith.constant 255 : i32
      %eq3A_1923 = arith.cmpi eq, %add3A_1810, %eq3A_1922 : i32
      %convert_element_type3A_1924 = arith.extui %eq3A_1923 : i1 to i32
      %cond3A_1925 = arith.constant 0 : i32
      %cond3A_1926 = arith.cmpi ne, %convert_element_type3A_1924, %cond3A_1925 : i32
      scf.if %cond3A_1926 {
        %multiple_of3A_2315 = tpu.assume_multiple %mul3A_2, 128 : i32
        "tpu.region"() ({
          %run_scoped3A_2316 = tpu.sem_alloc : memref<!tpu.dma_semaphore, #tpu.memory_space<semaphore_mem>>
          %dma_start3A_2317 = arith.constant 0 : i32
          %dma_start3A_2318 = tpu.memref_slice %arg5[%dma_start3A_2317, %multiple_of3A_2315] : memref<64x16384xf32, #tpu.memory_space<hbm>> -> memref<64x256xf32, #tpu.memory_space<hbm>>
          %dma_start3A_2319 = arith.constant 0 : i32
          %dma_start3A_2320 = tpu.memref_slice %arg5[%dma_start3A_2319, %multiple_of3A_2315] : memref<64x16384xf32, #tpu.memory_space<hbm>> -> memref<64x256xf32, #tpu.memory_space<hbm>>
          tpu.enqueue_dma source(%arg9 : memref<64x256xf32, #tpu.memory_space<vmem>>) target(%dma_start3A_2320 : memref<64x256xf32, #tpu.memory_space<hbm>>) target_semaphore(%run_scoped3A_2316 : memref<!tpu.dma_semaphore, #tpu.memory_space<semaphore_mem>>)
          %dma_wait3A_2321 = arith.constant 0 : i32
          %dma_wait3A_2322 = tpu.memref_slice %arg5[%dma_wait3A_2321, %multiple_of3A_2315] : memref<64x16384xf32, #tpu.memory_space<hbm>> -> memref<64x256xf32, #tpu.memory_space<hbm>>
          %dma_wait3A_2323 = arith.constant 0 : i32
          %dma_wait3A_2324 = tpu.memref_slice %arg5[%dma_wait3A_2323, %multiple_of3A_2315] : memref<64x16384xf32, #tpu.memory_space<hbm>> -> memref<64x256xf32, #tpu.memory_space<hbm>>
          tpu.wait_dma2 semaphore(%run_scoped3A_2316 : memref<!tpu.dma_semaphore, #tpu.memory_space<semaphore_mem>>) src(%arg9 : memref<64x256xf32, #tpu.memory_space<vmem>>) dst(%dma_wait3A_2324 : memref<64x256xf32, #tpu.memory_space<hbm>>)
          tpu.yield
        }) : () -> ()
      } else {
      }
      %add3A_1927 = arith.constant 9 : i32
      %add3A_1928 = arith.addi %add3A_1810, %add3A_1927 : i32
      %lt3A_1929 = arith.constant 512 : i32
      %lt3A_1930 = arith.cmpi slt, %add3A_1928, %lt3A_1929 : i32
      %convert_element_type3A_1931 = arith.extui %lt3A_1930 : i1 to i32
      %cond3A_1932 = arith.constant 0 : i32
      %cond3A_1933 = arith.cmpi ne, %convert_element_type3A_1931, %cond3A_1932 : i32
      scf.if %cond3A_1933 {
        %add3A_2315 = arith.constant 9 : i32
        %add3A_2316 = arith.addi %add3A_1810, %add3A_2315 : i32
        %get3A_2317 = arith.index_cast %add3A_2316 : i32 to index
        %get3A_2318 = tpu.vector_load %arg6[%get3A_2317] {strides = array<i32>} : memref<528xi32, #tpu.memory_space<vmem>>, vector<16xi32>,
        %slice3A_2319 = vector.extract_strided_slice %get3A_2318 {offsets = [0], sizes = [1], strides = [1]} : vector<16xi32> to vector<1xi32>
        %squeeze3A_2320 = vector.extract %slice3A_2319[0] : i32 from vector<1xi32>
        %jit3A_2321 = arith.constant 128 : i32
        %div3A_2322 = arith.divsi %squeeze3A_2320, %jit3A_2321 : i32
        %sign3A_2323 = arith.constant 0 : i32
        %sign3A_2324 = arith.cmpi sgt, %squeeze3A_2320, %sign3A_2323 : i32
        %sign3A_2325 = arith.extui %sign3A_2324 : i1 to i32
        %sign3A_2326 = arith.constant 0 : i32
        %sign3A_2327 = arith.cmpi slt, %squeeze3A_2320, %sign3A_2326 : i32
        %sign3A_2328 = arith.extui %sign3A_2327 : i1 to i32
        %sign3A_2329 = arith.subi %sign3A_2325, %sign3A_2328 : i32
        %sign3A_2330 = arith.constant 0 : i32
        %sign3A_2331 = arith.cmpi sgt, %jit3A_2321, %sign3A_2330 : i32
        %sign3A_2332 = arith.extui %sign3A_2331 : i1 to i32
        %sign3A_2333 = arith.constant 0 : i32
        %sign3A_2334 = arith.cmpi slt, %jit3A_2321, %sign3A_2333 : i32
        %sign3A_2335 = arith.extui %sign3A_2334 : i1 to i32
        %sign3A_2336 = arith.subi %sign3A_2332, %sign3A_2335 : i32
        %ne3A_2337 = arith.cmpi ne, %sign3A_2329, %sign3A_2336 : i32
        %rem3A_2338 = arith.remsi %squeeze3A_2320, %jit3A_2321 : i32
        %ne3A_2339 = arith.constant 0 : i32
        %ne3A_2340 = arith.cmpi ne, %rem3A_2338, %ne3A_2339 : i32
        %and3A_2341 = arith.andi %ne3A_2337, %ne3A_2340 : i1
        %sub3A_2342 = arith.constant 1 : i32
        %sub3A_2343 = arith.subi %div3A_2322, %sub3A_2342 : i32
        %select_n3A_2344 = arith.select %and3A_2341, %sub3A_2343, %div3A_2322 : i32
        %min3A_2345 = arith.constant 7811 : i32
        %min3A_2346 = arith.minsi %select_n3A_2344, %min3A_2345 : i32
        %mul3A_2347 = arith.constant 128 : i32
        %mul3A_2348 = arith.muli %min3A_2346, %mul3A_2347 : i32
        %multiple_of3A_2349 = tpu.assume_multiple %mul3A_2348, 128 : i32
        %dma_start3A_2350 = arith.constant 5 : i32
        %dma_start3A_2351 = arith.constant 0 : i32
        %dma_start3A_2352 = arith.constant 0 : i32
        %dma_start3A_2353 = tpu.memref_slice %arg7[%dma_start3A_2350, %dma_start3A_2351, %dma_start3A_2352] : memref<9x64x128xf32, #tpu.memory_space<vmem>> -> memref<1x64x128xf32, #tpu.memory_space<vmem>>
        %dma_start3A_2354 = tpu.memref_squeeze %dma_start3A_2353 : memref<1x64x128xf32, #tpu.memory_space<vmem>> -> memref<64x128xf32, #tpu.memory_space<vmem>>
        %dma_start3A_2355 = arith.constant 0 : i32
        %dma_start3A_2356 = tpu.memref_slice %arg3[%dma_start3A_2355, %multiple_of3A_2349] : memref<64x1000000xf32, #tpu.memory_space<hbm>> -> memref<64x128xf32, #tpu.memory_space<hbm>>
        %dma_start3A_2357 = arith.constant 0 : i32
        %dma_start3A_2358 = arith.constant 0 : i32
        %dma_start3A_2359 = tpu.memref_slice %arg7[%dma_start3A_2350, %dma_start3A_2357, %dma_start3A_2358] : memref<9x64x128xf32, #tpu.memory_space<vmem>> -> memref<1x64x128xf32, #tpu.memory_space<vmem>>
        %dma_start3A_2360 = tpu.memref_squeeze %dma_start3A_2359 : memref<1x64x128xf32, #tpu.memory_space<vmem>> -> memref<64x128xf32, #tpu.memory_space<vmem>>
        %dma_start3A_2361 = arith.constant 0 : i32
        %dma_start3A_2362 = tpu.memref_slice %arg3[%dma_start3A_2361, %multiple_of3A_2349] : memref<64x1000000xf32, #tpu.memory_space<hbm>> -> memref<64x128xf32, #tpu.memory_space<hbm>>
        tpu.enqueue_dma source(%dma_start3A_2362 : memref<64x128xf32, #tpu.memory_space<hbm>>) target(%dma_start3A_2360 : memref<64x128xf32, #tpu.memory_space<vmem>>) target_semaphore(%arg15 : memref<!tpu.dma_semaphore, #tpu.memory_space<semaphore_mem>>)
      } else {
      }
      %mul3A_1934 = arith.constant 9 : i32
      %mul3A_1935 = arith.muli %scan3A_1173, %mul3A_1934 : i32
      %add3A_1936 = arith.constant 6 : i32
      %add3A_1937 = arith.addi %mul3A_1935, %add3A_1936 : i32
      %dma_wait3A_1938 = arith.constant 6 : i32
      %dma_wait3A_1939 = arith.constant 0 : i32
      %dma_wait3A_1940 = arith.constant 0 : i32
      %dma_wait3A_1941 = tpu.memref_slice %arg7[%dma_wait3A_1938, %dma_wait3A_1939, %dma_wait3A_1940] : memref<9x64x128xf32, #tpu.memory_space<vmem>> -> memref<1x64x128xf32, #tpu.memory_space<vmem>>
      %dma_wait3A_1942 = tpu.memref_squeeze %dma_wait3A_1941 : memref<1x64x128xf32, #tpu.memory_space<vmem>> -> memref<64x128xf32, #tpu.memory_space<vmem>>
      %dma_wait3A_1943 = arith.constant 0 : i32
      %dma_wait3A_1944 = arith.constant 0 : i32
      %dma_wait3A_1945 = tpu.memref_slice %arg3[%dma_wait3A_1943, %dma_wait3A_1944] : memref<64x1000000xf32, #tpu.memory_space<hbm>> -> memref<64x128xf32, #tpu.memory_space<hbm>>
      %dma_wait3A_1946 = arith.constant 0 : i32
      %dma_wait3A_1947 = arith.constant 0 : i32
      %dma_wait3A_1948 = tpu.memref_slice %arg7[%dma_wait3A_1938, %dma_wait3A_1946, %dma_wait3A_1947] : memref<9x64x128xf32, #tpu.memory_space<vmem>> -> memref<1x64x128xf32, #tpu.memory_space<vmem>>
      %dma_wait3A_1949 = tpu.memref_squeeze %dma_wait3A_1948 : memref<1x64x128xf32, #tpu.memory_space<vmem>> -> memref<64x128xf32, #tpu.memory_space<vmem>>
      %dma_wait3A_1950 = arith.constant 0 : i32
      %dma_wait3A_1951 = arith.constant 0 : i32
      %dma_wait3A_1952 = tpu.memref_slice %arg3[%dma_wait3A_1950, %dma_wait3A_1951] : memref<64x1000000xf32, #tpu.memory_space<hbm>> -> memref<64x128xf32, #tpu.memory_space<hbm>>
      tpu.wait_dma2 semaphore(%arg16 : memref<!tpu.dma_semaphore, #tpu.memory_space<semaphore_mem>>) src(%dma_wait3A_1952 : memref<64x128xf32, #tpu.memory_space<hbm>>) dst(%dma_wait3A_1949 : memref<64x128xf32, #tpu.memory_space<vmem>>)
      %get3A_1953 = arith.index_cast %add3A_1937 : i32 to index
      %get3A_1954 = tpu.vector_load %arg6[%get3A_1953] {strides = array<i32>} : memref<528xi32, #tpu.memory_space<vmem>>, vector<16xi32>,
      %slice3A_1955 = vector.extract_strided_slice %get3A_1954 {offsets = [0], sizes = [1], strides = [1]} : vector<16xi32> to vector<1xi32>
      %squeeze3A_1956 = vector.extract %slice3A_1955[0] : i32 from vector<1xi32>
      %jit3A_1957 = arith.constant 128 : i32
      %eq3A_1958 = arith.constant 0 : i32
      %eq3A_1959 = arith.cmpi eq, %jit3A_1957, %eq3A_1958 : i32
      %jit3A_1960 = arith.constant 1 : i32
      %select_n3A_1961 = arith.select %eq3A_1959, %jit3A_1960, %jit3A_1957 : i32
      %rem3A_1962 = arith.remsi %squeeze3A_1956, %select_n3A_1961 : i32
      %ne3A_1963 = arith.constant 0 : i32
      %ne3A_1964 = arith.cmpi ne, %rem3A_1962, %ne3A_1963 : i32
      %lt3A_1965 = arith.constant 0 : i32
      %lt3A_1966 = arith.cmpi slt, %rem3A_1962, %lt3A_1965 : i32
      %lt3A_1967 = arith.constant 0 : i32
      %lt3A_1968 = arith.cmpi slt, %select_n3A_1961, %lt3A_1967 : i32
      %ne3A_1969 = arith.xori %lt3A_1966, %lt3A_1968 : i1
      %and3A_1970 = arith.andi %ne3A_1969, %ne3A_1964 : i1
      %add3A_1971 = arith.addi %rem3A_1962, %select_n3A_1961 : i32
      %select_n3A_1972 = arith.select %and3A_1970, %add3A_1971, %rem3A_1962 : i32
      %broadcast_in_dim3A_1973 = vector.broadcast %select_n3A_1972 : i32 to vector<16xi32>
      %sub3A_1974 = arith.constant 999936 : i32
      %sub3A_1975 = arith.subi %squeeze3A_1956, %sub3A_1974 : i32
      %max3A_1976 = arith.constant 0 : i32
      %max3A_1977 = arith.maxsi %sub3A_1975, %max3A_1976 : i32
      %min3A_1978 = arith.constant 63 : i32
      %min3A_1979 = arith.minsi %max3A_1977, %min3A_1978 : i32
      %broadcast_in_dim3A_1980 = vector.broadcast %min3A_1979 : i32 to vector<16xi32>
      %jit3A_1981 = arith.constant 256 : i32
      %eq3A_1982 = arith.constant 0 : i32
      %eq3A_1983 = arith.cmpi eq, %jit3A_1981, %eq3A_1982 : i32
      %jit3A_1984 = arith.constant 1 : i32
      %select_n3A_1985 = arith.select %eq3A_1983, %jit3A_1984, %jit3A_1981 : i32
      %rem3A_1986 = arith.remsi %add3A_1937, %select_n3A_1985 : i32
      %ne3A_1987 = arith.constant 0 : i32
      %ne3A_1988 = arith.cmpi ne, %rem3A_1986, %ne3A_1987 : i32
      %lt3A_1989 = arith.constant 0 : i32
      %lt3A_1990 = arith.cmpi slt, %rem3A_1986, %lt3A_1989 : i32
      %lt3A_1991 = arith.constant 0 : i32
      %lt3A_1992 = arith.cmpi slt, %select_n3A_1985, %lt3A_1991 : i32
      %ne3A_1993 = arith.xori %lt3A_1990, %lt3A_1992 : i1
      %and3A_1994 = arith.andi %ne3A_1993, %ne3A_1988 : i1
      %add3A_1995 = arith.addi %rem3A_1986, %select_n3A_1985 : i32
      %select_n3A_1996 = arith.select %and3A_1994, %add3A_1995, %rem3A_1986 : i32
      %broadcast_in_dim3A_1997 = vector.broadcast %select_n3A_1996 : i32 to vector<16xi32>
      %ge3A_1998 = arith.constant 999936 : i32
      %ge3A_1999 = arith.cmpi sge, %squeeze3A_1956, %ge3A_1998 : i32
      %broadcast_in_dim3A_2000 = vector.broadcast %ge3A_1999 : i1 to vector<16xi1>
      %iota3A_2001 = tpu.iota {dimensions = array<i32: 0>} : vector<16xi32>
      %add3A_2002 = arith.constant 0 : i32
      %add3A_2003 = vector.broadcast %add3A_2002 : i32 to vector<16xi32>
      %add3A_2004 = arith.addi %add3A_2003, %iota3A_2001 : vector<16xi32>
      %gather3A_2005 = arith.constant 6 : i32
      %gather3A_2006 = arith.constant 0 : i32
      %gather3A_2007 = arith.constant 0 : i32
      %gather3A_2008 = tpu.memref_slice %arg7[%gather3A_2005, %gather3A_2006, %gather3A_2007] : memref<9x64x128xf32, #tpu.memory_space<vmem>> -> memref<1x64x128xf32, #tpu.memory_space<vmem>>
      %gather3A_2009 = tpu.memref_squeeze %gather3A_2008 : memref<1x64x128xf32, #tpu.memory_space<vmem>> -> memref<64x128xf32, #tpu.memory_space<vmem>>
      %gather3A_2010 = tpu.vector_load_idx %gather3A_2009[%add3A_2004, %broadcast_in_dim3A_1973] : memref<64x128xf32, #tpu.memory_space<vmem>>[vector<16xi32>, vector<16xi32>], vector<16xf32>,
      %gather3A_2011 = tpu.vector_load_idx %arg8[%add3A_2004, %broadcast_in_dim3A_1980] : memref<64x64xf32, #tpu.memory_space<vmem>>[vector<16xi32>, vector<16xi32>], vector<16xf32>,
      %select_n3A_2012 = arith.select %broadcast_in_dim3A_2000, %gather3A_2011, %gather3A_2010 : vector<16xi1>, vector<16xf32>
      tpu.vector_store_idx %arg9[%add3A_2004, %broadcast_in_dim3A_1997], %select_n3A_2012 : memref<64x256xf32, #tpu.memory_space<vmem>>[vector<16xi32>, vector<16xi32>], vector<16xf32>,
      %iota3A_2013 = tpu.iota {dimensions = array<i32: 0>} : vector<16xi32>
      %add3A_2014 = arith.constant 16 : i32
      %add3A_2015 = vector.broadcast %add3A_2014 : i32 to vector<16xi32>
      %add3A_2016 = arith.addi %add3A_2015, %iota3A_2013 : vector<16xi32>
      %gather3A_2017 = arith.constant 6 : i32
      %gather3A_2018 = arith.constant 0 : i32
      %gather3A_2019 = arith.constant 0 : i32
      %gather3A_2020 = tpu.memref_slice %arg7[%gather3A_2017, %gather3A_2018, %gather3A_2019] : memref<9x64x128xf32, #tpu.memory_space<vmem>> -> memref<1x64x128xf32, #tpu.memory_space<vmem>>
      %gather3A_2021 = tpu.memref_squeeze %gather3A_2020 : memref<1x64x128xf32, #tpu.memory_space<vmem>> -> memref<64x128xf32, #tpu.memory_space<vmem>>
      %gather3A_2022 = tpu.vector_load_idx %gather3A_2021[%add3A_2016, %broadcast_in_dim3A_1973] : memref<64x128xf32, #tpu.memory_space<vmem>>[vector<16xi32>, vector<16xi32>], vector<16xf32>,
      %gather3A_2023 = tpu.vector_load_idx %arg8[%add3A_2016, %broadcast_in_dim3A_1980] : memref<64x64xf32, #tpu.memory_space<vmem>>[vector<16xi32>, vector<16xi32>], vector<16xf32>,
      %select_n3A_2024 = arith.select %broadcast_in_dim3A_2000, %gather3A_2023, %gather3A_2022 : vector<16xi1>, vector<16xf32>
      tpu.vector_store_idx %arg9[%add3A_2016, %broadcast_in_dim3A_1997], %select_n3A_2024 : memref<64x256xf32, #tpu.memory_space<vmem>>[vector<16xi32>, vector<16xi32>], vector<16xf32>,
      %iota3A_2025 = tpu.iota {dimensions = array<i32: 0>} : vector<16xi32>
      %add3A_2026 = arith.constant 32 : i32
      %add3A_2027 = vector.broadcast %add3A_2026 : i32 to vector<16xi32>
      %add3A_2028 = arith.addi %add3A_2027, %iota3A_2025 : vector<16xi32>
      %gather3A_2029 = arith.constant 6 : i32
      %gather3A_2030 = arith.constant 0 : i32
      %gather3A_2031 = arith.constant 0 : i32
      %gather3A_2032 = tpu.memref_slice %arg7[%gather3A_2029, %gather3A_2030, %gather3A_2031] : memref<9x64x128xf32, #tpu.memory_space<vmem>> -> memref<1x64x128xf32, #tpu.memory_space<vmem>>
      %gather3A_2033 = tpu.memref_squeeze %gather3A_2032 : memref<1x64x128xf32, #tpu.memory_space<vmem>> -> memref<64x128xf32, #tpu.memory_space<vmem>>
      %gather3A_2034 = tpu.vector_load_idx %gather3A_2033[%add3A_2028, %broadcast_in_dim3A_1973] : memref<64x128xf32, #tpu.memory_space<vmem>>[vector<16xi32>, vector<16xi32>], vector<16xf32>,
      %gather3A_2035 = tpu.vector_load_idx %arg8[%add3A_2028, %broadcast_in_dim3A_1980] : memref<64x64xf32, #tpu.memory_space<vmem>>[vector<16xi32>, vector<16xi32>], vector<16xf32>,
      %select_n3A_2036 = arith.select %broadcast_in_dim3A_2000, %gather3A_2035, %gather3A_2034 : vector<16xi1>, vector<16xf32>
      tpu.vector_store_idx %arg9[%add3A_2028, %broadcast_in_dim3A_1997], %select_n3A_2036 : memref<64x256xf32, #tpu.memory_space<vmem>>[vector<16xi32>, vector<16xi32>], vector<16xf32>,
      %iota3A_2037 = tpu.iota {dimensions = array<i32: 0>} : vector<16xi32>
      %add3A_2038 = arith.constant 48 : i32
      %add3A_2039 = vector.broadcast %add3A_2038 : i32 to vector<16xi32>
      %add3A_2040 = arith.addi %add3A_2039, %iota3A_2037 : vector<16xi32>
      %gather3A_2041 = arith.constant 6 : i32
      %gather3A_2042 = arith.constant 0 : i32
      %gather3A_2043 = arith.constant 0 : i32
      %gather3A_2044 = tpu.memref_slice %arg7[%gather3A_2041, %gather3A_2042, %gather3A_2043] : memref<9x64x128xf32, #tpu.memory_space<vmem>> -> memref<1x64x128xf32, #tpu.memory_space<vmem>>
      %gather3A_2045 = tpu.memref_squeeze %gather3A_2044 : memref<1x64x128xf32, #tpu.memory_space<vmem>> -> memref<64x128xf32, #tpu.memory_space<vmem>>
      %gather3A_2046 = tpu.vector_load_idx %gather3A_2045[%add3A_2040, %broadcast_in_dim3A_1973] : memref<64x128xf32, #tpu.memory_space<vmem>>[vector<16xi32>, vector<16xi32>], vector<16xf32>,
      %gather3A_2047 = tpu.vector_load_idx %arg8[%add3A_2040, %broadcast_in_dim3A_1980] : memref<64x64xf32, #tpu.memory_space<vmem>>[vector<16xi32>, vector<16xi32>], vector<16xf32>,
      %select_n3A_2048 = arith.select %broadcast_in_dim3A_2000, %gather3A_2047, %gather3A_2046 : vector<16xi1>, vector<16xf32>
      tpu.vector_store_idx %arg9[%add3A_2040, %broadcast_in_dim3A_1997], %select_n3A_2048 : memref<64x256xf32, #tpu.memory_space<vmem>>[vector<16xi32>, vector<16xi32>], vector<16xf32>,
      %eq3A_2049 = arith.constant 255 : i32
      %eq3A_2050 = arith.cmpi eq, %add3A_1937, %eq3A_2049 : i32
      %convert_element_type3A_2051 = arith.extui %eq3A_2050 : i1 to i32
      %cond3A_2052 = arith.constant 0 : i32
      %cond3A_2053 = arith.cmpi ne, %convert_element_type3A_2051, %cond3A_2052 : i32
      scf.if %cond3A_2053 {
        %multiple_of3A_2315 = tpu.assume_multiple %mul3A_2, 128 : i32
        "tpu.region"() ({
          %run_scoped3A_2316 = tpu.sem_alloc : memref<!tpu.dma_semaphore, #tpu.memory_space<semaphore_mem>>
          %dma_start3A_2317 = arith.constant 0 : i32
          %dma_start3A_2318 = tpu.memref_slice %arg5[%dma_start3A_2317, %multiple_of3A_2315] : memref<64x16384xf32, #tpu.memory_space<hbm>> -> memref<64x256xf32, #tpu.memory_space<hbm>>
          %dma_start3A_2319 = arith.constant 0 : i32
          %dma_start3A_2320 = tpu.memref_slice %arg5[%dma_start3A_2319, %multiple_of3A_2315] : memref<64x16384xf32, #tpu.memory_space<hbm>> -> memref<64x256xf32, #tpu.memory_space<hbm>>
          tpu.enqueue_dma source(%arg9 : memref<64x256xf32, #tpu.memory_space<vmem>>) target(%dma_start3A_2320 : memref<64x256xf32, #tpu.memory_space<hbm>>) target_semaphore(%run_scoped3A_2316 : memref<!tpu.dma_semaphore, #tpu.memory_space<semaphore_mem>>)
          %dma_wait3A_2321 = arith.constant 0 : i32
          %dma_wait3A_2322 = tpu.memref_slice %arg5[%dma_wait3A_2321, %multiple_of3A_2315] : memref<64x16384xf32, #tpu.memory_space<hbm>> -> memref<64x256xf32, #tpu.memory_space<hbm>>
          %dma_wait3A_2323 = arith.constant 0 : i32
          %dma_wait3A_2324 = tpu.memref_slice %arg5[%dma_wait3A_2323, %multiple_of3A_2315] : memref<64x16384xf32, #tpu.memory_space<hbm>> -> memref<64x256xf32, #tpu.memory_space<hbm>>
          tpu.wait_dma2 semaphore(%run_scoped3A_2316 : memref<!tpu.dma_semaphore, #tpu.memory_space<semaphore_mem>>) src(%arg9 : memref<64x256xf32, #tpu.memory_space<vmem>>) dst(%dma_wait3A_2324 : memref<64x256xf32, #tpu.memory_space<hbm>>)
          tpu.yield
        }) : () -> ()
      } else {
      }
      %add3A_2054 = arith.constant 9 : i32
      %add3A_2055 = arith.addi %add3A_1937, %add3A_2054 : i32
      %lt3A_2056 = arith.constant 512 : i32
      %lt3A_2057 = arith.cmpi slt, %add3A_2055, %lt3A_2056 : i32
      %convert_element_type3A_2058 = arith.extui %lt3A_2057 : i1 to i32
      %cond3A_2059 = arith.constant 0 : i32
      %cond3A_2060 = arith.cmpi ne, %convert_element_type3A_2058, %cond3A_2059 : i32
      scf.if %cond3A_2060 {
        %add3A_2315 = arith.constant 9 : i32
        %add3A_2316 = arith.addi %add3A_1937, %add3A_2315 : i32
        %get3A_2317 = arith.index_cast %add3A_2316 : i32 to index
        %get3A_2318 = tpu.vector_load %arg6[%get3A_2317] {strides = array<i32>} : memref<528xi32, #tpu.memory_space<vmem>>, vector<16xi32>,
        %slice3A_2319 = vector.extract_strided_slice %get3A_2318 {offsets = [0], sizes = [1], strides = [1]} : vector<16xi32> to vector<1xi32>
        %squeeze3A_2320 = vector.extract %slice3A_2319[0] : i32 from vector<1xi32>
        %jit3A_2321 = arith.constant 128 : i32
        %div3A_2322 = arith.divsi %squeeze3A_2320, %jit3A_2321 : i32
        %sign3A_2323 = arith.constant 0 : i32
        %sign3A_2324 = arith.cmpi sgt, %squeeze3A_2320, %sign3A_2323 : i32
        %sign3A_2325 = arith.extui %sign3A_2324 : i1 to i32
        %sign3A_2326 = arith.constant 0 : i32
        %sign3A_2327 = arith.cmpi slt, %squeeze3A_2320, %sign3A_2326 : i32
        %sign3A_2328 = arith.extui %sign3A_2327 : i1 to i32
        %sign3A_2329 = arith.subi %sign3A_2325, %sign3A_2328 : i32
        %sign3A_2330 = arith.constant 0 : i32
        %sign3A_2331 = arith.cmpi sgt, %jit3A_2321, %sign3A_2330 : i32
        %sign3A_2332 = arith.extui %sign3A_2331 : i1 to i32
        %sign3A_2333 = arith.constant 0 : i32
        %sign3A_2334 = arith.cmpi slt, %jit3A_2321, %sign3A_2333 : i32
        %sign3A_2335 = arith.extui %sign3A_2334 : i1 to i32
        %sign3A_2336 = arith.subi %sign3A_2332, %sign3A_2335 : i32
        %ne3A_2337 = arith.cmpi ne, %sign3A_2329, %sign3A_2336 : i32
        %rem3A_2338 = arith.remsi %squeeze3A_2320, %jit3A_2321 : i32
        %ne3A_2339 = arith.constant 0 : i32
        %ne3A_2340 = arith.cmpi ne, %rem3A_2338, %ne3A_2339 : i32
        %and3A_2341 = arith.andi %ne3A_2337, %ne3A_2340 : i1
        %sub3A_2342 = arith.constant 1 : i32
        %sub3A_2343 = arith.subi %div3A_2322, %sub3A_2342 : i32
        %select_n3A_2344 = arith.select %and3A_2341, %sub3A_2343, %div3A_2322 : i32
        %min3A_2345 = arith.constant 7811 : i32
        %min3A_2346 = arith.minsi %select_n3A_2344, %min3A_2345 : i32
        %mul3A_2347 = arith.constant 128 : i32
        %mul3A_2348 = arith.muli %min3A_2346, %mul3A_2347 : i32
        %multiple_of3A_2349 = tpu.assume_multiple %mul3A_2348, 128 : i32
        %dma_start3A_2350 = arith.constant 6 : i32
        %dma_start3A_2351 = arith.constant 0 : i32
        %dma_start3A_2352 = arith.constant 0 : i32
        %dma_start3A_2353 = tpu.memref_slice %arg7[%dma_start3A_2350, %dma_start3A_2351, %dma_start3A_2352] : memref<9x64x128xf32, #tpu.memory_space<vmem>> -> memref<1x64x128xf32, #tpu.memory_space<vmem>>
        %dma_start3A_2354 = tpu.memref_squeeze %dma_start3A_2353 : memref<1x64x128xf32, #tpu.memory_space<vmem>> -> memref<64x128xf32, #tpu.memory_space<vmem>>
        %dma_start3A_2355 = arith.constant 0 : i32
        %dma_start3A_2356 = tpu.memref_slice %arg3[%dma_start3A_2355, %multiple_of3A_2349] : memref<64x1000000xf32, #tpu.memory_space<hbm>> -> memref<64x128xf32, #tpu.memory_space<hbm>>
        %dma_start3A_2357 = arith.constant 0 : i32
        %dma_start3A_2358 = arith.constant 0 : i32
        %dma_start3A_2359 = tpu.memref_slice %arg7[%dma_start3A_2350, %dma_start3A_2357, %dma_start3A_2358] : memref<9x64x128xf32, #tpu.memory_space<vmem>> -> memref<1x64x128xf32, #tpu.memory_space<vmem>>
        %dma_start3A_2360 = tpu.memref_squeeze %dma_start3A_2359 : memref<1x64x128xf32, #tpu.memory_space<vmem>> -> memref<64x128xf32, #tpu.memory_space<vmem>>
        %dma_start3A_2361 = arith.constant 0 : i32
        %dma_start3A_2362 = tpu.memref_slice %arg3[%dma_start3A_2361, %multiple_of3A_2349] : memref<64x1000000xf32, #tpu.memory_space<hbm>> -> memref<64x128xf32, #tpu.memory_space<hbm>>
        tpu.enqueue_dma source(%dma_start3A_2362 : memref<64x128xf32, #tpu.memory_space<hbm>>) target(%dma_start3A_2360 : memref<64x128xf32, #tpu.memory_space<vmem>>) target_semaphore(%arg16 : memref<!tpu.dma_semaphore, #tpu.memory_space<semaphore_mem>>)
      } else {
      }
      %mul3A_2061 = arith.constant 9 : i32
      %mul3A_2062 = arith.muli %scan3A_1173, %mul3A_2061 : i32
      %add3A_2063 = arith.constant 7 : i32
      %add3A_2064 = arith.addi %mul3A_2062, %add3A_2063 : i32
      %dma_wait3A_2065 = arith.constant 7 : i32
      %dma_wait3A_2066 = arith.constant 0 : i32
      %dma_wait3A_2067 = arith.constant 0 : i32
      %dma_wait3A_2068 = tpu.memref_slice %arg7[%dma_wait3A_2065, %dma_wait3A_2066, %dma_wait3A_2067] : memref<9x64x128xf32, #tpu.memory_space<vmem>> -> memref<1x64x128xf32, #tpu.memory_space<vmem>>
      %dma_wait3A_2069 = tpu.memref_squeeze %dma_wait3A_2068 : memref<1x64x128xf32, #tpu.memory_space<vmem>> -> memref<64x128xf32, #tpu.memory_space<vmem>>
      %dma_wait3A_2070 = arith.constant 0 : i32
      %dma_wait3A_2071 = arith.constant 0 : i32
      %dma_wait3A_2072 = tpu.memref_slice %arg3[%dma_wait3A_2070, %dma_wait3A_2071] : memref<64x1000000xf32, #tpu.memory_space<hbm>> -> memref<64x128xf32, #tpu.memory_space<hbm>>
      %dma_wait3A_2073 = arith.constant 0 : i32
      %dma_wait3A_2074 = arith.constant 0 : i32
      %dma_wait3A_2075 = tpu.memref_slice %arg7[%dma_wait3A_2065, %dma_wait3A_2073, %dma_wait3A_2074] : memref<9x64x128xf32, #tpu.memory_space<vmem>> -> memref<1x64x128xf32, #tpu.memory_space<vmem>>
      %dma_wait3A_2076 = tpu.memref_squeeze %dma_wait3A_2075 : memref<1x64x128xf32, #tpu.memory_space<vmem>> -> memref<64x128xf32, #tpu.memory_space<vmem>>
      %dma_wait3A_2077 = arith.constant 0 : i32
      %dma_wait3A_2078 = arith.constant 0 : i32
      %dma_wait3A_2079 = tpu.memref_slice %arg3[%dma_wait3A_2077, %dma_wait3A_2078] : memref<64x1000000xf32, #tpu.memory_space<hbm>> -> memref<64x128xf32, #tpu.memory_space<hbm>>
      tpu.wait_dma2 semaphore(%arg17 : memref<!tpu.dma_semaphore, #tpu.memory_space<semaphore_mem>>) src(%dma_wait3A_2079 : memref<64x128xf32, #tpu.memory_space<hbm>>) dst(%dma_wait3A_2076 : memref<64x128xf32, #tpu.memory_space<vmem>>)
      %get3A_2080 = arith.index_cast %add3A_2064 : i32 to index
      %get3A_2081 = tpu.vector_load %arg6[%get3A_2080] {strides = array<i32>} : memref<528xi32, #tpu.memory_space<vmem>>, vector<16xi32>,
      %slice3A_2082 = vector.extract_strided_slice %get3A_2081 {offsets = [0], sizes = [1], strides = [1]} : vector<16xi32> to vector<1xi32>
      %squeeze3A_2083 = vector.extract %slice3A_2082[0] : i32 from vector<1xi32>
      %jit3A_2084 = arith.constant 128 : i32
      %eq3A_2085 = arith.constant 0 : i32
      %eq3A_2086 = arith.cmpi eq, %jit3A_2084, %eq3A_2085 : i32
      %jit3A_2087 = arith.constant 1 : i32
      %select_n3A_2088 = arith.select %eq3A_2086, %jit3A_2087, %jit3A_2084 : i32
      %rem3A_2089 = arith.remsi %squeeze3A_2083, %select_n3A_2088 : i32
      %ne3A_2090 = arith.constant 0 : i32
      %ne3A_2091 = arith.cmpi ne, %rem3A_2089, %ne3A_2090 : i32
      %lt3A_2092 = arith.constant 0 : i32
      %lt3A_2093 = arith.cmpi slt, %rem3A_2089, %lt3A_2092 : i32
      %lt3A_2094 = arith.constant 0 : i32
      %lt3A_2095 = arith.cmpi slt, %select_n3A_2088, %lt3A_2094 : i32
      %ne3A_2096 = arith.xori %lt3A_2093, %lt3A_2095 : i1
      %and3A_2097 = arith.andi %ne3A_2096, %ne3A_2091 : i1
      %add3A_2098 = arith.addi %rem3A_2089, %select_n3A_2088 : i32
      %select_n3A_2099 = arith.select %and3A_2097, %add3A_2098, %rem3A_2089 : i32
      %broadcast_in_dim3A_2100 = vector.broadcast %select_n3A_2099 : i32 to vector<16xi32>
      %sub3A_2101 = arith.constant 999936 : i32
      %sub3A_2102 = arith.subi %squeeze3A_2083, %sub3A_2101 : i32
      %max3A_2103 = arith.constant 0 : i32
      %max3A_2104 = arith.maxsi %sub3A_2102, %max3A_2103 : i32
      %min3A_2105 = arith.constant 63 : i32
      %min3A_2106 = arith.minsi %max3A_2104, %min3A_2105 : i32
      %broadcast_in_dim3A_2107 = vector.broadcast %min3A_2106 : i32 to vector<16xi32>
      %jit3A_2108 = arith.constant 256 : i32
      %eq3A_2109 = arith.constant 0 : i32
      %eq3A_2110 = arith.cmpi eq, %jit3A_2108, %eq3A_2109 : i32
      %jit3A_2111 = arith.constant 1 : i32
      %select_n3A_2112 = arith.select %eq3A_2110, %jit3A_2111, %jit3A_2108 : i32
      %rem3A_2113 = arith.remsi %add3A_2064, %select_n3A_2112 : i32
      %ne3A_2114 = arith.constant 0 : i32
      %ne3A_2115 = arith.cmpi ne, %rem3A_2113, %ne3A_2114 : i32
      %lt3A_2116 = arith.constant 0 : i32
      %lt3A_2117 = arith.cmpi slt, %rem3A_2113, %lt3A_2116 : i32
      %lt3A_2118 = arith.constant 0 : i32
      %lt3A_2119 = arith.cmpi slt, %select_n3A_2112, %lt3A_2118 : i32
      %ne3A_2120 = arith.xori %lt3A_2117, %lt3A_2119 : i1
      %and3A_2121 = arith.andi %ne3A_2120, %ne3A_2115 : i1
      %add3A_2122 = arith.addi %rem3A_2113, %select_n3A_2112 : i32
      %select_n3A_2123 = arith.select %and3A_2121, %add3A_2122, %rem3A_2113 : i32
      %broadcast_in_dim3A_2124 = vector.broadcast %select_n3A_2123 : i32 to vector<16xi32>
      %ge3A_2125 = arith.constant 999936 : i32
      %ge3A_2126 = arith.cmpi sge, %squeeze3A_2083, %ge3A_2125 : i32
      %broadcast_in_dim3A_2127 = vector.broadcast %ge3A_2126 : i1 to vector<16xi1>
      %iota3A_2128 = tpu.iota {dimensions = array<i32: 0>} : vector<16xi32>
      %add3A_2129 = arith.constant 0 : i32
      %add3A_2130 = vector.broadcast %add3A_2129 : i32 to vector<16xi32>
      %add3A_2131 = arith.addi %add3A_2130, %iota3A_2128 : vector<16xi32>
      %gather3A_2132 = arith.constant 7 : i32
      %gather3A_2133 = arith.constant 0 : i32
      %gather3A_2134 = arith.constant 0 : i32
      %gather3A_2135 = tpu.memref_slice %arg7[%gather3A_2132, %gather3A_2133, %gather3A_2134] : memref<9x64x128xf32, #tpu.memory_space<vmem>> -> memref<1x64x128xf32, #tpu.memory_space<vmem>>
      %gather3A_2136 = tpu.memref_squeeze %gather3A_2135 : memref<1x64x128xf32, #tpu.memory_space<vmem>> -> memref<64x128xf32, #tpu.memory_space<vmem>>
      %gather3A_2137 = tpu.vector_load_idx %gather3A_2136[%add3A_2131, %broadcast_in_dim3A_2100] : memref<64x128xf32, #tpu.memory_space<vmem>>[vector<16xi32>, vector<16xi32>], vector<16xf32>,
      %gather3A_2138 = tpu.vector_load_idx %arg8[%add3A_2131, %broadcast_in_dim3A_2107] : memref<64x64xf32, #tpu.memory_space<vmem>>[vector<16xi32>, vector<16xi32>], vector<16xf32>,
      %select_n3A_2139 = arith.select %broadcast_in_dim3A_2127, %gather3A_2138, %gather3A_2137 : vector<16xi1>, vector<16xf32>
      tpu.vector_store_idx %arg9[%add3A_2131, %broadcast_in_dim3A_2124], %select_n3A_2139 : memref<64x256xf32, #tpu.memory_space<vmem>>[vector<16xi32>, vector<16xi32>], vector<16xf32>,
      %iota3A_2140 = tpu.iota {dimensions = array<i32: 0>} : vector<16xi32>
      %add3A_2141 = arith.constant 16 : i32
      %add3A_2142 = vector.broadcast %add3A_2141 : i32 to vector<16xi32>
      %add3A_2143 = arith.addi %add3A_2142, %iota3A_2140 : vector<16xi32>
      %gather3A_2144 = arith.constant 7 : i32
      %gather3A_2145 = arith.constant 0 : i32
      %gather3A_2146 = arith.constant 0 : i32
      %gather3A_2147 = tpu.memref_slice %arg7[%gather3A_2144, %gather3A_2145, %gather3A_2146] : memref<9x64x128xf32, #tpu.memory_space<vmem>> -> memref<1x64x128xf32, #tpu.memory_space<vmem>>
      %gather3A_2148 = tpu.memref_squeeze %gather3A_2147 : memref<1x64x128xf32, #tpu.memory_space<vmem>> -> memref<64x128xf32, #tpu.memory_space<vmem>>
      %gather3A_2149 = tpu.vector_load_idx %gather3A_2148[%add3A_2143, %broadcast_in_dim3A_2100] : memref<64x128xf32, #tpu.memory_space<vmem>>[vector<16xi32>, vector<16xi32>], vector<16xf32>,
      %gather3A_2150 = tpu.vector_load_idx %arg8[%add3A_2143, %broadcast_in_dim3A_2107] : memref<64x64xf32, #tpu.memory_space<vmem>>[vector<16xi32>, vector<16xi32>], vector<16xf32>,
      %select_n3A_2151 = arith.select %broadcast_in_dim3A_2127, %gather3A_2150, %gather3A_2149 : vector<16xi1>, vector<16xf32>
      tpu.vector_store_idx %arg9[%add3A_2143, %broadcast_in_dim3A_2124], %select_n3A_2151 : memref<64x256xf32, #tpu.memory_space<vmem>>[vector<16xi32>, vector<16xi32>], vector<16xf32>,
      %iota3A_2152 = tpu.iota {dimensions = array<i32: 0>} : vector<16xi32>
      %add3A_2153 = arith.constant 32 : i32
      %add3A_2154 = vector.broadcast %add3A_2153 : i32 to vector<16xi32>
      %add3A_2155 = arith.addi %add3A_2154, %iota3A_2152 : vector<16xi32>
      %gather3A_2156 = arith.constant 7 : i32
      %gather3A_2157 = arith.constant 0 : i32
      %gather3A_2158 = arith.constant 0 : i32
      %gather3A_2159 = tpu.memref_slice %arg7[%gather3A_2156, %gather3A_2157, %gather3A_2158] : memref<9x64x128xf32, #tpu.memory_space<vmem>> -> memref<1x64x128xf32, #tpu.memory_space<vmem>>
      %gather3A_2160 = tpu.memref_squeeze %gather3A_2159 : memref<1x64x128xf32, #tpu.memory_space<vmem>> -> memref<64x128xf32, #tpu.memory_space<vmem>>
      %gather3A_2161 = tpu.vector_load_idx %gather3A_2160[%add3A_2155, %broadcast_in_dim3A_2100] : memref<64x128xf32, #tpu.memory_space<vmem>>[vector<16xi32>, vector<16xi32>], vector<16xf32>,
      %gather3A_2162 = tpu.vector_load_idx %arg8[%add3A_2155, %broadcast_in_dim3A_2107] : memref<64x64xf32, #tpu.memory_space<vmem>>[vector<16xi32>, vector<16xi32>], vector<16xf32>,
      %select_n3A_2163 = arith.select %broadcast_in_dim3A_2127, %gather3A_2162, %gather3A_2161 : vector<16xi1>, vector<16xf32>
      tpu.vector_store_idx %arg9[%add3A_2155, %broadcast_in_dim3A_2124], %select_n3A_2163 : memref<64x256xf32, #tpu.memory_space<vmem>>[vector<16xi32>, vector<16xi32>], vector<16xf32>,
      %iota3A_2164 = tpu.iota {dimensions = array<i32: 0>} : vector<16xi32>
      %add3A_2165 = arith.constant 48 : i32
      %add3A_2166 = vector.broadcast %add3A_2165 : i32 to vector<16xi32>
      %add3A_2167 = arith.addi %add3A_2166, %iota3A_2164 : vector<16xi32>
      %gather3A_2168 = arith.constant 7 : i32
      %gather3A_2169 = arith.constant 0 : i32
      %gather3A_2170 = arith.constant 0 : i32
      %gather3A_2171 = tpu.memref_slice %arg7[%gather3A_2168, %gather3A_2169, %gather3A_2170] : memref<9x64x128xf32, #tpu.memory_space<vmem>> -> memref<1x64x128xf32, #tpu.memory_space<vmem>>
      %gather3A_2172 = tpu.memref_squeeze %gather3A_2171 : memref<1x64x128xf32, #tpu.memory_space<vmem>> -> memref<64x128xf32, #tpu.memory_space<vmem>>
      %gather3A_2173 = tpu.vector_load_idx %gather3A_2172[%add3A_2167, %broadcast_in_dim3A_2100] : memref<64x128xf32, #tpu.memory_space<vmem>>[vector<16xi32>, vector<16xi32>], vector<16xf32>,
      %gather3A_2174 = tpu.vector_load_idx %arg8[%add3A_2167, %broadcast_in_dim3A_2107] : memref<64x64xf32, #tpu.memory_space<vmem>>[vector<16xi32>, vector<16xi32>], vector<16xf32>,
      %select_n3A_2175 = arith.select %broadcast_in_dim3A_2127, %gather3A_2174, %gather3A_2173 : vector<16xi1>, vector<16xf32>
      tpu.vector_store_idx %arg9[%add3A_2167, %broadcast_in_dim3A_2124], %select_n3A_2175 : memref<64x256xf32, #tpu.memory_space<vmem>>[vector<16xi32>, vector<16xi32>], vector<16xf32>,
      %eq3A_2176 = arith.constant 255 : i32
      %eq3A_2177 = arith.cmpi eq, %add3A_2064, %eq3A_2176 : i32
      %convert_element_type3A_2178 = arith.extui %eq3A_2177 : i1 to i32
      %cond3A_2179 = arith.constant 0 : i32
      %cond3A_2180 = arith.cmpi ne, %convert_element_type3A_2178, %cond3A_2179 : i32
      scf.if %cond3A_2180 {
        %multiple_of3A_2315 = tpu.assume_multiple %mul3A_2, 128 : i32
        "tpu.region"() ({
          %run_scoped3A_2316 = tpu.sem_alloc : memref<!tpu.dma_semaphore, #tpu.memory_space<semaphore_mem>>
          %dma_start3A_2317 = arith.constant 0 : i32
          %dma_start3A_2318 = tpu.memref_slice %arg5[%dma_start3A_2317, %multiple_of3A_2315] : memref<64x16384xf32, #tpu.memory_space<hbm>> -> memref<64x256xf32, #tpu.memory_space<hbm>>
          %dma_start3A_2319 = arith.constant 0 : i32
          %dma_start3A_2320 = tpu.memref_slice %arg5[%dma_start3A_2319, %multiple_of3A_2315] : memref<64x16384xf32, #tpu.memory_space<hbm>> -> memref<64x256xf32, #tpu.memory_space<hbm>>
          tpu.enqueue_dma source(%arg9 : memref<64x256xf32, #tpu.memory_space<vmem>>) target(%dma_start3A_2320 : memref<64x256xf32, #tpu.memory_space<hbm>>) target_semaphore(%run_scoped3A_2316 : memref<!tpu.dma_semaphore, #tpu.memory_space<semaphore_mem>>)
          %dma_wait3A_2321 = arith.constant 0 : i32
          %dma_wait3A_2322 = tpu.memref_slice %arg5[%dma_wait3A_2321, %multiple_of3A_2315] : memref<64x16384xf32, #tpu.memory_space<hbm>> -> memref<64x256xf32, #tpu.memory_space<hbm>>
          %dma_wait3A_2323 = arith.constant 0 : i32
          %dma_wait3A_2324 = tpu.memref_slice %arg5[%dma_wait3A_2323, %multiple_of3A_2315] : memref<64x16384xf32, #tpu.memory_space<hbm>> -> memref<64x256xf32, #tpu.memory_space<hbm>>
          tpu.wait_dma2 semaphore(%run_scoped3A_2316 : memref<!tpu.dma_semaphore, #tpu.memory_space<semaphore_mem>>) src(%arg9 : memref<64x256xf32, #tpu.memory_space<vmem>>) dst(%dma_wait3A_2324 : memref<64x256xf32, #tpu.memory_space<hbm>>)
          tpu.yield
        }) : () -> ()
      } else {
      }
      %add3A_2181 = arith.constant 9 : i32
      %add3A_2182 = arith.addi %add3A_2064, %add3A_2181 : i32
      %lt3A_2183 = arith.constant 512 : i32
      %lt3A_2184 = arith.cmpi slt, %add3A_2182, %lt3A_2183 : i32
      %convert_element_type3A_2185 = arith.extui %lt3A_2184 : i1 to i32
      %cond3A_2186 = arith.constant 0 : i32
      %cond3A_2187 = arith.cmpi ne, %convert_element_type3A_2185, %cond3A_2186 : i32
      scf.if %cond3A_2187 {
        %add3A_2315 = arith.constant 9 : i32
        %add3A_2316 = arith.addi %add3A_2064, %add3A_2315 : i32
        %get3A_2317 = arith.index_cast %add3A_2316 : i32 to index
        %get3A_2318 = tpu.vector_load %arg6[%get3A_2317] {strides = array<i32>} : memref<528xi32, #tpu.memory_space<vmem>>, vector<16xi32>,
        %slice3A_2319 = vector.extract_strided_slice %get3A_2318 {offsets = [0], sizes = [1], strides = [1]} : vector<16xi32> to vector<1xi32>
        %squeeze3A_2320 = vector.extract %slice3A_2319[0] : i32 from vector<1xi32>
        %jit3A_2321 = arith.constant 128 : i32
        %div3A_2322 = arith.divsi %squeeze3A_2320, %jit3A_2321 : i32
        %sign3A_2323 = arith.constant 0 : i32
        %sign3A_2324 = arith.cmpi sgt, %squeeze3A_2320, %sign3A_2323 : i32
        %sign3A_2325 = arith.extui %sign3A_2324 : i1 to i32
        %sign3A_2326 = arith.constant 0 : i32
        %sign3A_2327 = arith.cmpi slt, %squeeze3A_2320, %sign3A_2326 : i32
        %sign3A_2328 = arith.extui %sign3A_2327 : i1 to i32
        %sign3A_2329 = arith.subi %sign3A_2325, %sign3A_2328 : i32
        %sign3A_2330 = arith.constant 0 : i32
        %sign3A_2331 = arith.cmpi sgt, %jit3A_2321, %sign3A_2330 : i32
        %sign3A_2332 = arith.extui %sign3A_2331 : i1 to i32
        %sign3A_2333 = arith.constant 0 : i32
        %sign3A_2334 = arith.cmpi slt, %jit3A_2321, %sign3A_2333 : i32
        %sign3A_2335 = arith.extui %sign3A_2334 : i1 to i32
        %sign3A_2336 = arith.subi %sign3A_2332, %sign3A_2335 : i32
        %ne3A_2337 = arith.cmpi ne, %sign3A_2329, %sign3A_2336 : i32
        %rem3A_2338 = arith.remsi %squeeze3A_2320, %jit3A_2321 : i32
        %ne3A_2339 = arith.constant 0 : i32
        %ne3A_2340 = arith.cmpi ne, %rem3A_2338, %ne3A_2339 : i32
        %and3A_2341 = arith.andi %ne3A_2337, %ne3A_2340 : i1
        %sub3A_2342 = arith.constant 1 : i32
        %sub3A_2343 = arith.subi %div3A_2322, %sub3A_2342 : i32
        %select_n3A_2344 = arith.select %and3A_2341, %sub3A_2343, %div3A_2322 : i32
        %min3A_2345 = arith.constant 7811 : i32
        %min3A_2346 = arith.minsi %select_n3A_2344, %min3A_2345 : i32
        %mul3A_2347 = arith.constant 128 : i32
        %mul3A_2348 = arith.muli %min3A_2346, %mul3A_2347 : i32
        %multiple_of3A_2349 = tpu.assume_multiple %mul3A_2348, 128 : i32
        %dma_start3A_2350 = arith.constant 7 : i32
        %dma_start3A_2351 = arith.constant 0 : i32
        %dma_start3A_2352 = arith.constant 0 : i32
        %dma_start3A_2353 = tpu.memref_slice %arg7[%dma_start3A_2350, %dma_start3A_2351, %dma_start3A_2352] : memref<9x64x128xf32, #tpu.memory_space<vmem>> -> memref<1x64x128xf32, #tpu.memory_space<vmem>>
        %dma_start3A_2354 = tpu.memref_squeeze %dma_start3A_2353 : memref<1x64x128xf32, #tpu.memory_space<vmem>> -> memref<64x128xf32, #tpu.memory_space<vmem>>
        %dma_start3A_2355 = arith.constant 0 : i32
        %dma_start3A_2356 = tpu.memref_slice %arg3[%dma_start3A_2355, %multiple_of3A_2349] : memref<64x1000000xf32, #tpu.memory_space<hbm>> -> memref<64x128xf32, #tpu.memory_space<hbm>>
        %dma_start3A_2357 = arith.constant 0 : i32
        %dma_start3A_2358 = arith.constant 0 : i32
        %dma_start3A_2359 = tpu.memref_slice %arg7[%dma_start3A_2350, %dma_start3A_2357, %dma_start3A_2358] : memref<9x64x128xf32, #tpu.memory_space<vmem>> -> memref<1x64x128xf32, #tpu.memory_space<vmem>>
        %dma_start3A_2360 = tpu.memref_squeeze %dma_start3A_2359 : memref<1x64x128xf32, #tpu.memory_space<vmem>> -> memref<64x128xf32, #tpu.memory_space<vmem>>
        %dma_start3A_2361 = arith.constant 0 : i32
        %dma_start3A_2362 = tpu.memref_slice %arg3[%dma_start3A_2361, %multiple_of3A_2349] : memref<64x1000000xf32, #tpu.memory_space<hbm>> -> memref<64x128xf32, #tpu.memory_space<hbm>>
        tpu.enqueue_dma source(%dma_start3A_2362 : memref<64x128xf32, #tpu.memory_space<hbm>>) target(%dma_start3A_2360 : memref<64x128xf32, #tpu.memory_space<vmem>>) target_semaphore(%arg17 : memref<!tpu.dma_semaphore, #tpu.memory_space<semaphore_mem>>)
      } else {
      }
      %mul3A_2188 = arith.constant 9 : i32
      %mul3A_2189 = arith.muli %scan3A_1173, %mul3A_2188 : i32
      %add3A_2190 = arith.constant 8 : i32
      %add3A_2191 = arith.addi %mul3A_2189, %add3A_2190 : i32
      %dma_wait3A_2192 = arith.constant 8 : i32
      %dma_wait3A_2193 = arith.constant 0 : i32
      %dma_wait3A_2194 = arith.constant 0 : i32
      %dma_wait3A_2195 = tpu.memref_slice %arg7[%dma_wait3A_2192, %dma_wait3A_2193, %dma_wait3A_2194] : memref<9x64x128xf32, #tpu.memory_space<vmem>> -> memref<1x64x128xf32, #tpu.memory_space<vmem>>
      %dma_wait3A_2196 = tpu.memref_squeeze %dma_wait3A_2195 : memref<1x64x128xf32, #tpu.memory_space<vmem>> -> memref<64x128xf32, #tpu.memory_space<vmem>>
      %dma_wait3A_2197 = arith.constant 0 : i32
      %dma_wait3A_2198 = arith.constant 0 : i32
      %dma_wait3A_2199 = tpu.memref_slice %arg3[%dma_wait3A_2197, %dma_wait3A_2198] : memref<64x1000000xf32, #tpu.memory_space<hbm>> -> memref<64x128xf32, #tpu.memory_space<hbm>>
      %dma_wait3A_2200 = arith.constant 0 : i32
      %dma_wait3A_2201 = arith.constant 0 : i32
      %dma_wait3A_2202 = tpu.memref_slice %arg7[%dma_wait3A_2192, %dma_wait3A_2200, %dma_wait3A_2201] : memref<9x64x128xf32, #tpu.memory_space<vmem>> -> memref<1x64x128xf32, #tpu.memory_space<vmem>>
      %dma_wait3A_2203 = tpu.memref_squeeze %dma_wait3A_2202 : memref<1x64x128xf32, #tpu.memory_space<vmem>> -> memref<64x128xf32, #tpu.memory_space<vmem>>
      %dma_wait3A_2204 = arith.constant 0 : i32
      %dma_wait3A_2205 = arith.constant 0 : i32
      %dma_wait3A_2206 = tpu.memref_slice %arg3[%dma_wait3A_2204, %dma_wait3A_2205] : memref<64x1000000xf32, #tpu.memory_space<hbm>> -> memref<64x128xf32, #tpu.memory_space<hbm>>
      tpu.wait_dma2 semaphore(%arg18 : memref<!tpu.dma_semaphore, #tpu.memory_space<semaphore_mem>>) src(%dma_wait3A_2206 : memref<64x128xf32, #tpu.memory_space<hbm>>) dst(%dma_wait3A_2203 : memref<64x128xf32, #tpu.memory_space<vmem>>)
      %get3A_2207 = arith.index_cast %add3A_2191 : i32 to index
      %get3A_2208 = tpu.vector_load %arg6[%get3A_2207] {strides = array<i32>} : memref<528xi32, #tpu.memory_space<vmem>>, vector<16xi32>,
      %slice3A_2209 = vector.extract_strided_slice %get3A_2208 {offsets = [0], sizes = [1], strides = [1]} : vector<16xi32> to vector<1xi32>
      %squeeze3A_2210 = vector.extract %slice3A_2209[0] : i32 from vector<1xi32>
      %jit3A_2211 = arith.constant 128 : i32
      %eq3A_2212 = arith.constant 0 : i32
      %eq3A_2213 = arith.cmpi eq, %jit3A_2211, %eq3A_2212 : i32
      %jit3A_2214 = arith.constant 1 : i32
      %select_n3A_2215 = arith.select %eq3A_2213, %jit3A_2214, %jit3A_2211 : i32
      %rem3A_2216 = arith.remsi %squeeze3A_2210, %select_n3A_2215 : i32
      %ne3A_2217 = arith.constant 0 : i32
      %ne3A_2218 = arith.cmpi ne, %rem3A_2216, %ne3A_2217 : i32
      %lt3A_2219 = arith.constant 0 : i32
      %lt3A_2220 = arith.cmpi slt, %rem3A_2216, %lt3A_2219 : i32
      %lt3A_2221 = arith.constant 0 : i32
      %lt3A_2222 = arith.cmpi slt, %select_n3A_2215, %lt3A_2221 : i32
      %ne3A_2223 = arith.xori %lt3A_2220, %lt3A_2222 : i1
      %and3A_2224 = arith.andi %ne3A_2223, %ne3A_2218 : i1
      %add3A_2225 = arith.addi %rem3A_2216, %select_n3A_2215 : i32
      %select_n3A_2226 = arith.select %and3A_2224, %add3A_2225, %rem3A_2216 : i32
      %broadcast_in_dim3A_2227 = vector.broadcast %select_n3A_2226 : i32 to vector<16xi32>
      %sub3A_2228 = arith.constant 999936 : i32
      %sub3A_2229 = arith.subi %squeeze3A_2210, %sub3A_2228 : i32
      %max3A_2230 = arith.constant 0 : i32
      %max3A_2231 = arith.maxsi %sub3A_2229, %max3A_2230 : i32
      %min3A_2232 = arith.constant 63 : i32
      %min3A_2233 = arith.minsi %max3A_2231, %min3A_2232 : i32
      %broadcast_in_dim3A_2234 = vector.broadcast %min3A_2233 : i32 to vector<16xi32>
      %jit3A_2235 = arith.constant 256 : i32
      %eq3A_2236 = arith.constant 0 : i32
      %eq3A_2237 = arith.cmpi eq, %jit3A_2235, %eq3A_2236 : i32
      %jit3A_2238 = arith.constant 1 : i32
      %select_n3A_2239 = arith.select %eq3A_2237, %jit3A_2238, %jit3A_2235 : i32
      %rem3A_2240 = arith.remsi %add3A_2191, %select_n3A_2239 : i32
      %ne3A_2241 = arith.constant 0 : i32
      %ne3A_2242 = arith.cmpi ne, %rem3A_2240, %ne3A_2241 : i32
      %lt3A_2243 = arith.constant 0 : i32
      %lt3A_2244 = arith.cmpi slt, %rem3A_2240, %lt3A_2243 : i32
      %lt3A_2245 = arith.constant 0 : i32
      %lt3A_2246 = arith.cmpi slt, %select_n3A_2239, %lt3A_2245 : i32
      %ne3A_2247 = arith.xori %lt3A_2244, %lt3A_2246 : i1
      %and3A_2248 = arith.andi %ne3A_2247, %ne3A_2242 : i1
      %add3A_2249 = arith.addi %rem3A_2240, %select_n3A_2239 : i32
      %select_n3A_2250 = arith.select %and3A_2248, %add3A_2249, %rem3A_2240 : i32
      %broadcast_in_dim3A_2251 = vector.broadcast %select_n3A_2250 : i32 to vector<16xi32>
      %ge3A_2252 = arith.constant 999936 : i32
      %ge3A_2253 = arith.cmpi sge, %squeeze3A_2210, %ge3A_2252 : i32
      %broadcast_in_dim3A_2254 = vector.broadcast %ge3A_2253 : i1 to vector<16xi1>
      %iota3A_2255 = tpu.iota {dimensions = array<i32: 0>} : vector<16xi32>
      %add3A_2256 = arith.constant 0 : i32
      %add3A_2257 = vector.broadcast %add3A_2256 : i32 to vector<16xi32>
      %add3A_2258 = arith.addi %add3A_2257, %iota3A_2255 : vector<16xi32>
      %gather3A_2259 = arith.constant 8 : i32
      %gather3A_2260 = arith.constant 0 : i32
      %gather3A_2261 = arith.constant 0 : i32
      %gather3A_2262 = tpu.memref_slice %arg7[%gather3A_2259, %gather3A_2260, %gather3A_2261] : memref<9x64x128xf32, #tpu.memory_space<vmem>> -> memref<1x64x128xf32, #tpu.memory_space<vmem>>
      %gather3A_2263 = tpu.memref_squeeze %gather3A_2262 : memref<1x64x128xf32, #tpu.memory_space<vmem>> -> memref<64x128xf32, #tpu.memory_space<vmem>>
      %gather3A_2264 = tpu.vector_load_idx %gather3A_2263[%add3A_2258, %broadcast_in_dim3A_2227] : memref<64x128xf32, #tpu.memory_space<vmem>>[vector<16xi32>, vector<16xi32>], vector<16xf32>,
      %gather3A_2265 = tpu.vector_load_idx %arg8[%add3A_2258, %broadcast_in_dim3A_2234] : memref<64x64xf32, #tpu.memory_space<vmem>>[vector<16xi32>, vector<16xi32>], vector<16xf32>,
      %select_n3A_2266 = arith.select %broadcast_in_dim3A_2254, %gather3A_2265, %gather3A_2264 : vector<16xi1>, vector<16xf32>
      tpu.vector_store_idx %arg9[%add3A_2258, %broadcast_in_dim3A_2251], %select_n3A_2266 : memref<64x256xf32, #tpu.memory_space<vmem>>[vector<16xi32>, vector<16xi32>], vector<16xf32>,
      %iota3A_2267 = tpu.iota {dimensions = array<i32: 0>} : vector<16xi32>
      %add3A_2268 = arith.constant 16 : i32
      %add3A_2269 = vector.broadcast %add3A_2268 : i32 to vector<16xi32>
      %add3A_2270 = arith.addi %add3A_2269, %iota3A_2267 : vector<16xi32>
      %gather3A_2271 = arith.constant 8 : i32
      %gather3A_2272 = arith.constant 0 : i32
      %gather3A_2273 = arith.constant 0 : i32
      %gather3A_2274 = tpu.memref_slice %arg7[%gather3A_2271, %gather3A_2272, %gather3A_2273] : memref<9x64x128xf32, #tpu.memory_space<vmem>> -> memref<1x64x128xf32, #tpu.memory_space<vmem>>
      %gather3A_2275 = tpu.memref_squeeze %gather3A_2274 : memref<1x64x128xf32, #tpu.memory_space<vmem>> -> memref<64x128xf32, #tpu.memory_space<vmem>>
      %gather3A_2276 = tpu.vector_load_idx %gather3A_2275[%add3A_2270, %broadcast_in_dim3A_2227] : memref<64x128xf32, #tpu.memory_space<vmem>>[vector<16xi32>, vector<16xi32>], vector<16xf32>,
      %gather3A_2277 = tpu.vector_load_idx %arg8[%add3A_2270, %broadcast_in_dim3A_2234] : memref<64x64xf32, #tpu.memory_space<vmem>>[vector<16xi32>, vector<16xi32>], vector<16xf32>,
      %select_n3A_2278 = arith.select %broadcast_in_dim3A_2254, %gather3A_2277, %gather3A_2276 : vector<16xi1>, vector<16xf32>
      tpu.vector_store_idx %arg9[%add3A_2270, %broadcast_in_dim3A_2251], %select_n3A_2278 : memref<64x256xf32, #tpu.memory_space<vmem>>[vector<16xi32>, vector<16xi32>], vector<16xf32>,
      %iota3A_2279 = tpu.iota {dimensions = array<i32: 0>} : vector<16xi32>
      %add3A_2280 = arith.constant 32 : i32
      %add3A_2281 = vector.broadcast %add3A_2280 : i32 to vector<16xi32>
      %add3A_2282 = arith.addi %add3A_2281, %iota3A_2279 : vector<16xi32>
      %gather3A_2283 = arith.constant 8 : i32
      %gather3A_2284 = arith.constant 0 : i32
      %gather3A_2285 = arith.constant 0 : i32
      %gather3A_2286 = tpu.memref_slice %arg7[%gather3A_2283, %gather3A_2284, %gather3A_2285] : memref<9x64x128xf32, #tpu.memory_space<vmem>> -> memref<1x64x128xf32, #tpu.memory_space<vmem>>
      %gather3A_2287 = tpu.memref_squeeze %gather3A_2286 : memref<1x64x128xf32, #tpu.memory_space<vmem>> -> memref<64x128xf32, #tpu.memory_space<vmem>>
      %gather3A_2288 = tpu.vector_load_idx %gather3A_2287[%add3A_2282, %broadcast_in_dim3A_2227] : memref<64x128xf32, #tpu.memory_space<vmem>>[vector<16xi32>, vector<16xi32>], vector<16xf32>,
      %gather3A_2289 = tpu.vector_load_idx %arg8[%add3A_2282, %broadcast_in_dim3A_2234] : memref<64x64xf32, #tpu.memory_space<vmem>>[vector<16xi32>, vector<16xi32>], vector<16xf32>,
      %select_n3A_2290 = arith.select %broadcast_in_dim3A_2254, %gather3A_2289, %gather3A_2288 : vector<16xi1>, vector<16xf32>
      tpu.vector_store_idx %arg9[%add3A_2282, %broadcast_in_dim3A_2251], %select_n3A_2290 : memref<64x256xf32, #tpu.memory_space<vmem>>[vector<16xi32>, vector<16xi32>], vector<16xf32>,
      %iota3A_2291 = tpu.iota {dimensions = array<i32: 0>} : vector<16xi32>
      %add3A_2292 = arith.constant 48 : i32
      %add3A_2293 = vector.broadcast %add3A_2292 : i32 to vector<16xi32>
      %add3A_2294 = arith.addi %add3A_2293, %iota3A_2291 : vector<16xi32>
      %gather3A_2295 = arith.constant 8 : i32
      %gather3A_2296 = arith.constant 0 : i32
      %gather3A_2297 = arith.constant 0 : i32
      %gather3A_2298 = tpu.memref_slice %arg7[%gather3A_2295, %gather3A_2296, %gather3A_2297] : memref<9x64x128xf32, #tpu.memory_space<vmem>> -> memref<1x64x128xf32, #tpu.memory_space<vmem>>
      %gather3A_2299 = tpu.memref_squeeze %gather3A_2298 : memref<1x64x128xf32, #tpu.memory_space<vmem>> -> memref<64x128xf32, #tpu.memory_space<vmem>>
      %gather3A_2300 = tpu.vector_load_idx %gather3A_2299[%add3A_2294, %broadcast_in_dim3A_2227] : memref<64x128xf32, #tpu.memory_space<vmem>>[vector<16xi32>, vector<16xi32>], vector<16xf32>,
      %gather3A_2301 = tpu.vector_load_idx %arg8[%add3A_2294, %broadcast_in_dim3A_2234] : memref<64x64xf32, #tpu.memory_space<vmem>>[vector<16xi32>, vector<16xi32>], vector<16xf32>,
      %select_n3A_2302 = arith.select %broadcast_in_dim3A_2254, %gather3A_2301, %gather3A_2300 : vector<16xi1>, vector<16xf32>
      tpu.vector_store_idx %arg9[%add3A_2294, %broadcast_in_dim3A_2251], %select_n3A_2302 : memref<64x256xf32, #tpu.memory_space<vmem>>[vector<16xi32>, vector<16xi32>], vector<16xf32>,
      %eq3A_2303 = arith.constant 255 : i32
      %eq3A_2304 = arith.cmpi eq, %add3A_2191, %eq3A_2303 : i32
      %convert_element_type3A_2305 = arith.extui %eq3A_2304 : i1 to i32
      %cond3A_2306 = arith.constant 0 : i32
      %cond3A_2307 = arith.cmpi ne, %convert_element_type3A_2305, %cond3A_2306 : i32
      scf.if %cond3A_2307 {
        %multiple_of3A_2315 = tpu.assume_multiple %mul3A_2, 128 : i32
        "tpu.region"() ({
          %run_scoped3A_2316 = tpu.sem_alloc : memref<!tpu.dma_semaphore, #tpu.memory_space<semaphore_mem>>
          %dma_start3A_2317 = arith.constant 0 : i32
          %dma_start3A_2318 = tpu.memref_slice %arg5[%dma_start3A_2317, %multiple_of3A_2315] : memref<64x16384xf32, #tpu.memory_space<hbm>> -> memref<64x256xf32, #tpu.memory_space<hbm>>
          %dma_start3A_2319 = arith.constant 0 : i32
          %dma_start3A_2320 = tpu.memref_slice %arg5[%dma_start3A_2319, %multiple_of3A_2315] : memref<64x16384xf32, #tpu.memory_space<hbm>> -> memref<64x256xf32, #tpu.memory_space<hbm>>
          tpu.enqueue_dma source(%arg9 : memref<64x256xf32, #tpu.memory_space<vmem>>) target(%dma_start3A_2320 : memref<64x256xf32, #tpu.memory_space<hbm>>) target_semaphore(%run_scoped3A_2316 : memref<!tpu.dma_semaphore, #tpu.memory_space<semaphore_mem>>)
          %dma_wait3A_2321 = arith.constant 0 : i32
          %dma_wait3A_2322 = tpu.memref_slice %arg5[%dma_wait3A_2321, %multiple_of3A_2315] : memref<64x16384xf32, #tpu.memory_space<hbm>> -> memref<64x256xf32, #tpu.memory_space<hbm>>
          %dma_wait3A_2323 = arith.constant 0 : i32
          %dma_wait3A_2324 = tpu.memref_slice %arg5[%dma_wait3A_2323, %multiple_of3A_2315] : memref<64x16384xf32, #tpu.memory_space<hbm>> -> memref<64x256xf32, #tpu.memory_space<hbm>>
          tpu.wait_dma2 semaphore(%run_scoped3A_2316 : memref<!tpu.dma_semaphore, #tpu.memory_space<semaphore_mem>>) src(%arg9 : memref<64x256xf32, #tpu.memory_space<vmem>>) dst(%dma_wait3A_2324 : memref<64x256xf32, #tpu.memory_space<hbm>>)
          tpu.yield
        }) : () -> ()
      } else {
      }
      %add3A_2308 = arith.constant 9 : i32
      %add3A_2309 = arith.addi %add3A_2191, %add3A_2308 : i32
      %lt3A_2310 = arith.constant 512 : i32
      %lt3A_2311 = arith.cmpi slt, %add3A_2309, %lt3A_2310 : i32
      %convert_element_type3A_2312 = arith.extui %lt3A_2311 : i1 to i32
      %cond3A_2313 = arith.constant 0 : i32
      %cond3A_2314 = arith.cmpi ne, %convert_element_type3A_2312, %cond3A_2313 : i32
      scf.if %cond3A_2314 {
        %add3A_2315 = arith.constant 9 : i32
        %add3A_2316 = arith.addi %add3A_2191, %add3A_2315 : i32
        %get3A_2317 = arith.index_cast %add3A_2316 : i32 to index
        %get3A_2318 = tpu.vector_load %arg6[%get3A_2317] {strides = array<i32>} : memref<528xi32, #tpu.memory_space<vmem>>, vector<16xi32>,
        %slice3A_2319 = vector.extract_strided_slice %get3A_2318 {offsets = [0], sizes = [1], strides = [1]} : vector<16xi32> to vector<1xi32>
        %squeeze3A_2320 = vector.extract %slice3A_2319[0] : i32 from vector<1xi32>
        %jit3A_2321 = arith.constant 128 : i32
        %div3A_2322 = arith.divsi %squeeze3A_2320, %jit3A_2321 : i32
        %sign3A_2323 = arith.constant 0 : i32
        %sign3A_2324 = arith.cmpi sgt, %squeeze3A_2320, %sign3A_2323 : i32
        %sign3A_2325 = arith.extui %sign3A_2324 : i1 to i32
        %sign3A_2326 = arith.constant 0 : i32
        %sign3A_2327 = arith.cmpi slt, %squeeze3A_2320, %sign3A_2326 : i32
        %sign3A_2328 = arith.extui %sign3A_2327 : i1 to i32
        %sign3A_2329 = arith.subi %sign3A_2325, %sign3A_2328 : i32
        %sign3A_2330 = arith.constant 0 : i32
        %sign3A_2331 = arith.cmpi sgt, %jit3A_2321, %sign3A_2330 : i32
        %sign3A_2332 = arith.extui %sign3A_2331 : i1 to i32
        %sign3A_2333 = arith.constant 0 : i32
        %sign3A_2334 = arith.cmpi slt, %jit3A_2321, %sign3A_2333 : i32
        %sign3A_2335 = arith.extui %sign3A_2334 : i1 to i32
        %sign3A_2336 = arith.subi %sign3A_2332, %sign3A_2335 : i32
        %ne3A_2337 = arith.cmpi ne, %sign3A_2329, %sign3A_2336 : i32
        %rem3A_2338 = arith.remsi %squeeze3A_2320, %jit3A_2321 : i32
        %ne3A_2339 = arith.constant 0 : i32
        %ne3A_2340 = arith.cmpi ne, %rem3A_2338, %ne3A_2339 : i32
        %and3A_2341 = arith.andi %ne3A_2337, %ne3A_2340 : i1
        %sub3A_2342 = arith.constant 1 : i32
        %sub3A_2343 = arith.subi %div3A_2322, %sub3A_2342 : i32
        %select_n3A_2344 = arith.select %and3A_2341, %sub3A_2343, %div3A_2322 : i32
        %min3A_2345 = arith.constant 7811 : i32
        %min3A_2346 = arith.minsi %select_n3A_2344, %min3A_2345 : i32
        %mul3A_2347 = arith.constant 128 : i32
        %mul3A_2348 = arith.muli %min3A_2346, %mul3A_2347 : i32
        %multiple_of3A_2349 = tpu.assume_multiple %mul3A_2348, 128 : i32
        %dma_start3A_2350 = arith.constant 8 : i32
        %dma_start3A_2351 = arith.constant 0 : i32
        %dma_start3A_2352 = arith.constant 0 : i32
        %dma_start3A_2353 = tpu.memref_slice %arg7[%dma_start3A_2350, %dma_start3A_2351, %dma_start3A_2352] : memref<9x64x128xf32, #tpu.memory_space<vmem>> -> memref<1x64x128xf32, #tpu.memory_space<vmem>>
        %dma_start3A_2354 = tpu.memref_squeeze %dma_start3A_2353 : memref<1x64x128xf32, #tpu.memory_space<vmem>> -> memref<64x128xf32, #tpu.memory_space<vmem>>
        %dma_start3A_2355 = arith.constant 0 : i32
        %dma_start3A_2356 = tpu.memref_slice %arg3[%dma_start3A_2355, %multiple_of3A_2349] : memref<64x1000000xf32, #tpu.memory_space<hbm>> -> memref<64x128xf32, #tpu.memory_space<hbm>>
        %dma_start3A_2357 = arith.constant 0 : i32
        %dma_start3A_2358 = arith.constant 0 : i32
        %dma_start3A_2359 = tpu.memref_slice %arg7[%dma_start3A_2350, %dma_start3A_2357, %dma_start3A_2358] : memref<9x64x128xf32, #tpu.memory_space<vmem>> -> memref<1x64x128xf32, #tpu.memory_space<vmem>>
        %dma_start3A_2360 = tpu.memref_squeeze %dma_start3A_2359 : memref<1x64x128xf32, #tpu.memory_space<vmem>> -> memref<64x128xf32, #tpu.memory_space<vmem>>
        %dma_start3A_2361 = arith.constant 0 : i32
        %dma_start3A_2362 = tpu.memref_slice %arg3[%dma_start3A_2361, %multiple_of3A_2349] : memref<64x1000000xf32, #tpu.memory_space<hbm>> -> memref<64x128xf32, #tpu.memory_space<hbm>>
        tpu.enqueue_dma source(%dma_start3A_2362 : memref<64x128xf32, #tpu.memory_space<hbm>>) target(%dma_start3A_2360 : memref<64x128xf32, #tpu.memory_space<vmem>>) target_semaphore(%arg18 : memref<!tpu.dma_semaphore, #tpu.memory_space<semaphore_mem>>)
      } else {
      }
    }
    %scan3A_409 = arith.constant 56 : i32
    %dma_wait3A = arith.constant 0 : i32
    %dma_wait3A_410 = arith.constant 0 : i32
    %dma_wait3A_411 = arith.constant 0 : i32
    %dma_wait3A_412 = tpu.memref_slice %arg7[%dma_wait3A, %dma_wait3A_410, %dma_wait3A_411] : memref<9x64x128xf32, #tpu.memory_space<vmem>> -> memref<1x64x128xf32, #tpu.memory_space<vmem>>
    %dma_wait3A_413 = tpu.memref_squeeze %dma_wait3A_412 : memref<1x64x128xf32, #tpu.memory_space<vmem>> -> memref<64x128xf32, #tpu.memory_space<vmem>>
    %dma_wait3A_414 = arith.constant 0 : i32
    %dma_wait3A_415 = arith.constant 0 : i32
    %dma_wait3A_416 = tpu.memref_slice %arg3[%dma_wait3A_414, %dma_wait3A_415] : memref<64x1000000xf32, #tpu.memory_space<hbm>> -> memref<64x128xf32, #tpu.memory_space<hbm>>
    %dma_wait3A_417 = arith.constant 0 : i32
    %dma_wait3A_418 = arith.constant 0 : i32
    %dma_wait3A_419 = tpu.memref_slice %arg7[%dma_wait3A, %dma_wait3A_417, %dma_wait3A_418] : memref<9x64x128xf32, #tpu.memory_space<vmem>> -> memref<1x64x128xf32, #tpu.memory_space<vmem>>
    %dma_wait3A_420 = tpu.memref_squeeze %dma_wait3A_419 : memref<1x64x128xf32, #tpu.memory_space<vmem>> -> memref<64x128xf32, #tpu.memory_space<vmem>>
    %dma_wait3A_421 = arith.constant 0 : i32
    %dma_wait3A_422 = arith.constant 0 : i32
    %dma_wait3A_423 = tpu.memref_slice %arg3[%dma_wait3A_421, %dma_wait3A_422] : memref<64x1000000xf32, #tpu.memory_space<hbm>> -> memref<64x128xf32, #tpu.memory_space<hbm>>
    tpu.wait_dma2 semaphore(%arg10 : memref<!tpu.dma_semaphore, #tpu.memory_space<semaphore_mem>>) src(%dma_wait3A_423 : memref<64x128xf32, #tpu.memory_space<hbm>>) dst(%dma_wait3A_420 : memref<64x128xf32, #tpu.memory_space<vmem>>)
    %get3A_424 = arith.constant 504 : index
    %get3A_425 = tpu.vector_load %arg6[%get3A_424] {strides = array<i32>} : memref<528xi32, #tpu.memory_space<vmem>>, vector<16xi32>,
    %slice3A_426 = vector.extract_strided_slice %get3A_425 {offsets = [0], sizes = [1], strides = [1]} : vector<16xi32> to vector<1xi32>
    %squeeze3A_427 = vector.extract %slice3A_426[0] : i32 from vector<1xi32>
    %jit3A_428 = arith.constant 128 : i32
    %eq3A = arith.constant 0 : i32
    %eq3A_429 = arith.cmpi eq, %jit3A_428, %eq3A : i32
    %jit3A_430 = arith.constant 1 : i32
    %select_n3A_431 = arith.select %eq3A_429, %jit3A_430, %jit3A_428 : i32
    %rem3A_432 = arith.remsi %squeeze3A_427, %select_n3A_431 : i32
    %ne3A_433 = arith.constant 0 : i32
    %ne3A_434 = arith.cmpi ne, %rem3A_432, %ne3A_433 : i32
    %lt3A = arith.constant 0 : i32
    %lt3A_435 = arith.cmpi slt, %rem3A_432, %lt3A : i32
    %lt3A_436 = arith.constant 0 : i32
    %lt3A_437 = arith.cmpi slt, %select_n3A_431, %lt3A_436 : i32
    %ne3A_438 = arith.xori %lt3A_435, %lt3A_437 : i1
    %and3A_439 = arith.andi %ne3A_438, %ne3A_434 : i1
    %add3A_440 = arith.addi %rem3A_432, %select_n3A_431 : i32
    %select_n3A_441 = arith.select %and3A_439, %add3A_440, %rem3A_432 : i32
    %broadcast_in_dim3A = vector.broadcast %select_n3A_441 : i32 to vector<16xi32>
    %sub3A_442 = arith.constant 999936 : i32
    %sub3A_443 = arith.subi %squeeze3A_427, %sub3A_442 : i32
    %max3A = arith.constant 0 : i32
    %max3A_444 = arith.maxsi %sub3A_443, %max3A : i32
    %min3A_445 = arith.constant 63 : i32
    %min3A_446 = arith.minsi %max3A_444, %min3A_445 : i32
    %broadcast_in_dim3A_447 = vector.broadcast %min3A_446 : i32 to vector<16xi32>
    %broadcast_in_dim3A_448 = arith.constant 248 : i32
    %broadcast_in_dim3A_449 = vector.broadcast %broadcast_in_dim3A_448 : i32 to vector<16xi32>
    %ge3A = arith.constant 999936 : i32
    %ge3A_450 = arith.cmpi sge, %squeeze3A_427, %ge3A : i32
    %broadcast_in_dim3A_451 = vector.broadcast %ge3A_450 : i1 to vector<16xi1>
    %iota3A = tpu.iota {dimensions = array<i32: 0>} : vector<16xi32>
    %add3A_452 = arith.constant 0 : i32
    %add3A_453 = vector.broadcast %add3A_452 : i32 to vector<16xi32>
    %add3A_454 = arith.addi %add3A_453, %iota3A : vector<16xi32>
    %gather3A = arith.constant 0 : i32
    %gather3A_455 = arith.constant 0 : i32
    %gather3A_456 = arith.constant 0 : i32
    %gather3A_457 = tpu.memref_slice %arg7[%gather3A, %gather3A_455, %gather3A_456] : memref<9x64x128xf32, #tpu.memory_space<vmem>> -> memref<1x64x128xf32, #tpu.memory_space<vmem>>
    %gather3A_458 = tpu.memref_squeeze %gather3A_457 : memref<1x64x128xf32, #tpu.memory_space<vmem>> -> memref<64x128xf32, #tpu.memory_space<vmem>>
    %gather3A_459 = tpu.vector_load_idx %gather3A_458[%add3A_454, %broadcast_in_dim3A] : memref<64x128xf32, #tpu.memory_space<vmem>>[vector<16xi32>, vector<16xi32>], vector<16xf32>,
    %gather3A_460 = tpu.vector_load_idx %arg8[%add3A_454, %broadcast_in_dim3A_447] : memref<64x64xf32, #tpu.memory_space<vmem>>[vector<16xi32>, vector<16xi32>], vector<16xf32>,
    %select_n3A_461 = arith.select %broadcast_in_dim3A_451, %gather3A_460, %gather3A_459 : vector<16xi1>, vector<16xf32>
    tpu.vector_store_idx %arg9[%add3A_454, %broadcast_in_dim3A_449], %select_n3A_461 : memref<64x256xf32, #tpu.memory_space<vmem>>[vector<16xi32>, vector<16xi32>], vector<16xf32>,
    %iota3A_462 = tpu.iota {dimensions = array<i32: 0>} : vector<16xi32>
    %add3A_463 = arith.constant 16 : i32
    %add3A_464 = vector.broadcast %add3A_463 : i32 to vector<16xi32>
    %add3A_465 = arith.addi %add3A_464, %iota3A_462 : vector<16xi32>
    %gather3A_466 = arith.constant 0 : i32
    %gather3A_467 = arith.constant 0 : i32
    %gather3A_468 = arith.constant 0 : i32
    %gather3A_469 = tpu.memref_slice %arg7[%gather3A_466, %gather3A_467, %gather3A_468] : memref<9x64x128xf32, #tpu.memory_space<vmem>> -> memref<1x64x128xf32, #tpu.memory_space<vmem>>
    %gather3A_470 = tpu.memref_squeeze %gather3A_469 : memref<1x64x128xf32, #tpu.memory_space<vmem>> -> memref<64x128xf32, #tpu.memory_space<vmem>>
    %gather3A_471 = tpu.vector_load_idx %gather3A_470[%add3A_465, %broadcast_in_dim3A] : memref<64x128xf32, #tpu.memory_space<vmem>>[vector<16xi32>, vector<16xi32>], vector<16xf32>,
    %gather3A_472 = tpu.vector_load_idx %arg8[%add3A_465, %broadcast_in_dim3A_447] : memref<64x64xf32, #tpu.memory_space<vmem>>[vector<16xi32>, vector<16xi32>], vector<16xf32>,
    %select_n3A_473 = arith.select %broadcast_in_dim3A_451, %gather3A_472, %gather3A_471 : vector<16xi1>, vector<16xf32>
    tpu.vector_store_idx %arg9[%add3A_465, %broadcast_in_dim3A_449], %select_n3A_473 : memref<64x256xf32, #tpu.memory_space<vmem>>[vector<16xi32>, vector<16xi32>], vector<16xf32>,
    %iota3A_474 = tpu.iota {dimensions = array<i32: 0>} : vector<16xi32>
    %add3A_475 = arith.constant 32 : i32
    %add3A_476 = vector.broadcast %add3A_475 : i32 to vector<16xi32>
    %add3A_477 = arith.addi %add3A_476, %iota3A_474 : vector<16xi32>
    %gather3A_478 = arith.constant 0 : i32
    %gather3A_479 = arith.constant 0 : i32
    %gather3A_480 = arith.constant 0 : i32
    %gather3A_481 = tpu.memref_slice %arg7[%gather3A_478, %gather3A_479, %gather3A_480] : memref<9x64x128xf32, #tpu.memory_space<vmem>> -> memref<1x64x128xf32, #tpu.memory_space<vmem>>
    %gather3A_482 = tpu.memref_squeeze %gather3A_481 : memref<1x64x128xf32, #tpu.memory_space<vmem>> -> memref<64x128xf32, #tpu.memory_space<vmem>>
    %gather3A_483 = tpu.vector_load_idx %gather3A_482[%add3A_477, %broadcast_in_dim3A] : memref<64x128xf32, #tpu.memory_space<vmem>>[vector<16xi32>, vector<16xi32>], vector<16xf32>,
    %gather3A_484 = tpu.vector_load_idx %arg8[%add3A_477, %broadcast_in_dim3A_447] : memref<64x64xf32, #tpu.memory_space<vmem>>[vector<16xi32>, vector<16xi32>], vector<16xf32>,
    %select_n3A_485 = arith.select %broadcast_in_dim3A_451, %gather3A_484, %gather3A_483 : vector<16xi1>, vector<16xf32>
    tpu.vector_store_idx %arg9[%add3A_477, %broadcast_in_dim3A_449], %select_n3A_485 : memref<64x256xf32, #tpu.memory_space<vmem>>[vector<16xi32>, vector<16xi32>], vector<16xf32>,
    %iota3A_486 = tpu.iota {dimensions = array<i32: 0>} : vector<16xi32>
    %add3A_487 = arith.constant 48 : i32
    %add3A_488 = vector.broadcast %add3A_487 : i32 to vector<16xi32>
    %add3A_489 = arith.addi %add3A_488, %iota3A_486 : vector<16xi32>
    %gather3A_490 = arith.constant 0 : i32
    %gather3A_491 = arith.constant 0 : i32
    %gather3A_492 = arith.constant 0 : i32
    %gather3A_493 = tpu.memref_slice %arg7[%gather3A_490, %gather3A_491, %gather3A_492] : memref<9x64x128xf32, #tpu.memory_space<vmem>> -> memref<1x64x128xf32, #tpu.memory_space<vmem>>
    %gather3A_494 = tpu.memref_squeeze %gather3A_493 : memref<1x64x128xf32, #tpu.memory_space<vmem>> -> memref<64x128xf32, #tpu.memory_space<vmem>>
    %gather3A_495 = tpu.vector_load_idx %gather3A_494[%add3A_489, %broadcast_in_dim3A] : memref<64x128xf32, #tpu.memory_space<vmem>>[vector<16xi32>, vector<16xi32>], vector<16xf32>,
    %gather3A_496 = tpu.vector_load_idx %arg8[%add3A_489, %broadcast_in_dim3A_447] : memref<64x64xf32, #tpu.memory_space<vmem>>[vector<16xi32>, vector<16xi32>], vector<16xf32>,
    %select_n3A_497 = arith.select %broadcast_in_dim3A_451, %gather3A_496, %gather3A_495 : vector<16xi1>, vector<16xf32>
    tpu.vector_store_idx %arg9[%add3A_489, %broadcast_in_dim3A_449], %select_n3A_497 : memref<64x256xf32, #tpu.memory_space<vmem>>[vector<16xi32>, vector<16xi32>], vector<16xf32>,
    %dma_wait3A_498 = arith.constant 1 : i32
    %dma_wait3A_499 = arith.constant 0 : i32
    %dma_wait3A_500 = arith.constant 0 : i32
    %dma_wait3A_501 = tpu.memref_slice %arg7[%dma_wait3A_498, %dma_wait3A_499, %dma_wait3A_500] : memref<9x64x128xf32, #tpu.memory_space<vmem>> -> memref<1x64x128xf32, #tpu.memory_space<vmem>>
    %dma_wait3A_502 = tpu.memref_squeeze %dma_wait3A_501 : memref<1x64x128xf32, #tpu.memory_space<vmem>> -> memref<64x128xf32, #tpu.memory_space<vmem>>
    %dma_wait3A_503 = arith.constant 0 : i32
    %dma_wait3A_504 = arith.constant 0 : i32
    %dma_wait3A_505 = tpu.memref_slice %arg3[%dma_wait3A_503, %dma_wait3A_504] : memref<64x1000000xf32, #tpu.memory_space<hbm>> -> memref<64x128xf32, #tpu.memory_space<hbm>>
    %dma_wait3A_506 = arith.constant 0 : i32
    %dma_wait3A_507 = arith.constant 0 : i32
    %dma_wait3A_508 = tpu.memref_slice %arg7[%dma_wait3A_498, %dma_wait3A_506, %dma_wait3A_507] : memref<9x64x128xf32, #tpu.memory_space<vmem>> -> memref<1x64x128xf32, #tpu.memory_space<vmem>>
    %dma_wait3A_509 = tpu.memref_squeeze %dma_wait3A_508 : memref<1x64x128xf32, #tpu.memory_space<vmem>> -> memref<64x128xf32, #tpu.memory_space<vmem>>
    %dma_wait3A_510 = arith.constant 0 : i32
    %dma_wait3A_511 = arith.constant 0 : i32
    %dma_wait3A_512 = tpu.memref_slice %arg3[%dma_wait3A_510, %dma_wait3A_511] : memref<64x1000000xf32, #tpu.memory_space<hbm>> -> memref<64x128xf32, #tpu.memory_space<hbm>>
    tpu.wait_dma2 semaphore(%arg11 : memref<!tpu.dma_semaphore, #tpu.memory_space<semaphore_mem>>) src(%dma_wait3A_512 : memref<64x128xf32, #tpu.memory_space<hbm>>) dst(%dma_wait3A_509 : memref<64x128xf32, #tpu.memory_space<vmem>>)
    %get3A_513 = arith.constant 505 : index
    %get3A_514 = tpu.vector_load %arg6[%get3A_513] {strides = array<i32>} : memref<528xi32, #tpu.memory_space<vmem>>, vector<16xi32>,
    %slice3A_515 = vector.extract_strided_slice %get3A_514 {offsets = [0], sizes = [1], strides = [1]} : vector<16xi32> to vector<1xi32>
    %squeeze3A_516 = vector.extract %slice3A_515[0] : i32 from vector<1xi32>
    %jit3A_517 = arith.constant 128 : i32
    %eq3A_518 = arith.constant 0 : i32
    %eq3A_519 = arith.cmpi eq, %jit3A_517, %eq3A_518 : i32
    %jit3A_520 = arith.constant 1 : i32
    %select_n3A_521 = arith.select %eq3A_519, %jit3A_520, %jit3A_517 : i32
    %rem3A_522 = arith.remsi %squeeze3A_516, %select_n3A_521 : i32
    %ne3A_523 = arith.constant 0 : i32
    %ne3A_524 = arith.cmpi ne, %rem3A_522, %ne3A_523 : i32
    %lt3A_525 = arith.constant 0 : i32
    %lt3A_526 = arith.cmpi slt, %rem3A_522, %lt3A_525 : i32
    %lt3A_527 = arith.constant 0 : i32
    %lt3A_528 = arith.cmpi slt, %select_n3A_521, %lt3A_527 : i32
    %ne3A_529 = arith.xori %lt3A_526, %lt3A_528 : i1
    %and3A_530 = arith.andi %ne3A_529, %ne3A_524 : i1
    %add3A_531 = arith.addi %rem3A_522, %select_n3A_521 : i32
    %select_n3A_532 = arith.select %and3A_530, %add3A_531, %rem3A_522 : i32
    %broadcast_in_dim3A_533 = vector.broadcast %select_n3A_532 : i32 to vector<16xi32>
    %sub3A_534 = arith.constant 999936 : i32
    %sub3A_535 = arith.subi %squeeze3A_516, %sub3A_534 : i32
    %max3A_536 = arith.constant 0 : i32
    %max3A_537 = arith.maxsi %sub3A_535, %max3A_536 : i32
    %min3A_538 = arith.constant 63 : i32
    %min3A_539 = arith.minsi %max3A_537, %min3A_538 : i32
    %broadcast_in_dim3A_540 = vector.broadcast %min3A_539 : i32 to vector<16xi32>
    %broadcast_in_dim3A_541 = arith.constant 249 : i32
    %broadcast_in_dim3A_542 = vector.broadcast %broadcast_in_dim3A_541 : i32 to vector<16xi32>
    %ge3A_543 = arith.constant 999936 : i32
    %ge3A_544 = arith.cmpi sge, %squeeze3A_516, %ge3A_543 : i32
    %broadcast_in_dim3A_545 = vector.broadcast %ge3A_544 : i1 to vector<16xi1>
    %iota3A_546 = tpu.iota {dimensions = array<i32: 0>} : vector<16xi32>
    %add3A_547 = arith.constant 0 : i32
    %add3A_548 = vector.broadcast %add3A_547 : i32 to vector<16xi32>
    %add3A_549 = arith.addi %add3A_548, %iota3A_546 : vector<16xi32>
    %gather3A_550 = arith.constant 1 : i32
    %gather3A_551 = arith.constant 0 : i32
    %gather3A_552 = arith.constant 0 : i32
    %gather3A_553 = tpu.memref_slice %arg7[%gather3A_550, %gather3A_551, %gather3A_552] : memref<9x64x128xf32, #tpu.memory_space<vmem>> -> memref<1x64x128xf32, #tpu.memory_space<vmem>>
    %gather3A_554 = tpu.memref_squeeze %gather3A_553 : memref<1x64x128xf32, #tpu.memory_space<vmem>> -> memref<64x128xf32, #tpu.memory_space<vmem>>
    %gather3A_555 = tpu.vector_load_idx %gather3A_554[%add3A_549, %broadcast_in_dim3A_533] : memref<64x128xf32, #tpu.memory_space<vmem>>[vector<16xi32>, vector<16xi32>], vector<16xf32>,
    %gather3A_556 = tpu.vector_load_idx %arg8[%add3A_549, %broadcast_in_dim3A_540] : memref<64x64xf32, #tpu.memory_space<vmem>>[vector<16xi32>, vector<16xi32>], vector<16xf32>,
    %select_n3A_557 = arith.select %broadcast_in_dim3A_545, %gather3A_556, %gather3A_555 : vector<16xi1>, vector<16xf32>
    tpu.vector_store_idx %arg9[%add3A_549, %broadcast_in_dim3A_542], %select_n3A_557 : memref<64x256xf32, #tpu.memory_space<vmem>>[vector<16xi32>, vector<16xi32>], vector<16xf32>,
    %iota3A_558 = tpu.iota {dimensions = array<i32: 0>} : vector<16xi32>
    %add3A_559 = arith.constant 16 : i32
    %add3A_560 = vector.broadcast %add3A_559 : i32 to vector<16xi32>
    %add3A_561 = arith.addi %add3A_560, %iota3A_558 : vector<16xi32>
    %gather3A_562 = arith.constant 1 : i32
    %gather3A_563 = arith.constant 0 : i32
    %gather3A_564 = arith.constant 0 : i32
    %gather3A_565 = tpu.memref_slice %arg7[%gather3A_562, %gather3A_563, %gather3A_564] : memref<9x64x128xf32, #tpu.memory_space<vmem>> -> memref<1x64x128xf32, #tpu.memory_space<vmem>>
    %gather3A_566 = tpu.memref_squeeze %gather3A_565 : memref<1x64x128xf32, #tpu.memory_space<vmem>> -> memref<64x128xf32, #tpu.memory_space<vmem>>
    %gather3A_567 = tpu.vector_load_idx %gather3A_566[%add3A_561, %broadcast_in_dim3A_533] : memref<64x128xf32, #tpu.memory_space<vmem>>[vector<16xi32>, vector<16xi32>], vector<16xf32>,
    %gather3A_568 = tpu.vector_load_idx %arg8[%add3A_561, %broadcast_in_dim3A_540] : memref<64x64xf32, #tpu.memory_space<vmem>>[vector<16xi32>, vector<16xi32>], vector<16xf32>,
    %select_n3A_569 = arith.select %broadcast_in_dim3A_545, %gather3A_568, %gather3A_567 : vector<16xi1>, vector<16xf32>
    tpu.vector_store_idx %arg9[%add3A_561, %broadcast_in_dim3A_542], %select_n3A_569 : memref<64x256xf32, #tpu.memory_space<vmem>>[vector<16xi32>, vector<16xi32>], vector<16xf32>,
    %iota3A_570 = tpu.iota {dimensions = array<i32: 0>} : vector<16xi32>
    %add3A_571 = arith.constant 32 : i32
    %add3A_572 = vector.broadcast %add3A_571 : i32 to vector<16xi32>
    %add3A_573 = arith.addi %add3A_572, %iota3A_570 : vector<16xi32>
    %gather3A_574 = arith.constant 1 : i32
    %gather3A_575 = arith.constant 0 : i32
    %gather3A_576 = arith.constant 0 : i32
    %gather3A_577 = tpu.memref_slice %arg7[%gather3A_574, %gather3A_575, %gather3A_576] : memref<9x64x128xf32, #tpu.memory_space<vmem>> -> memref<1x64x128xf32, #tpu.memory_space<vmem>>
    %gather3A_578 = tpu.memref_squeeze %gather3A_577 : memref<1x64x128xf32, #tpu.memory_space<vmem>> -> memref<64x128xf32, #tpu.memory_space<vmem>>
    %gather3A_579 = tpu.vector_load_idx %gather3A_578[%add3A_573, %broadcast_in_dim3A_533] : memref<64x128xf32, #tpu.memory_space<vmem>>[vector<16xi32>, vector<16xi32>], vector<16xf32>,
    %gather3A_580 = tpu.vector_load_idx %arg8[%add3A_573, %broadcast_in_dim3A_540] : memref<64x64xf32, #tpu.memory_space<vmem>>[vector<16xi32>, vector<16xi32>], vector<16xf32>,
    %select_n3A_581 = arith.select %broadcast_in_dim3A_545, %gather3A_580, %gather3A_579 : vector<16xi1>, vector<16xf32>
    tpu.vector_store_idx %arg9[%add3A_573, %broadcast_in_dim3A_542], %select_n3A_581 : memref<64x256xf32, #tpu.memory_space<vmem>>[vector<16xi32>, vector<16xi32>], vector<16xf32>,
    %iota3A_582 = tpu.iota {dimensions = array<i32: 0>} : vector<16xi32>
    %add3A_583 = arith.constant 48 : i32
    %add3A_584 = vector.broadcast %add3A_583 : i32 to vector<16xi32>
    %add3A_585 = arith.addi %add3A_584, %iota3A_582 : vector<16xi32>
    %gather3A_586 = arith.constant 1 : i32
    %gather3A_587 = arith.constant 0 : i32
    %gather3A_588 = arith.constant 0 : i32
    %gather3A_589 = tpu.memref_slice %arg7[%gather3A_586, %gather3A_587, %gather3A_588] : memref<9x64x128xf32, #tpu.memory_space<vmem>> -> memref<1x64x128xf32, #tpu.memory_space<vmem>>
    %gather3A_590 = tpu.memref_squeeze %gather3A_589 : memref<1x64x128xf32, #tpu.memory_space<vmem>> -> memref<64x128xf32, #tpu.memory_space<vmem>>
    %gather3A_591 = tpu.vector_load_idx %gather3A_590[%add3A_585, %broadcast_in_dim3A_533] : memref<64x128xf32, #tpu.memory_space<vmem>>[vector<16xi32>, vector<16xi32>], vector<16xf32>,
    %gather3A_592 = tpu.vector_load_idx %arg8[%add3A_585, %broadcast_in_dim3A_540] : memref<64x64xf32, #tpu.memory_space<vmem>>[vector<16xi32>, vector<16xi32>], vector<16xf32>,
    %select_n3A_593 = arith.select %broadcast_in_dim3A_545, %gather3A_592, %gather3A_591 : vector<16xi1>, vector<16xf32>
    tpu.vector_store_idx %arg9[%add3A_585, %broadcast_in_dim3A_542], %select_n3A_593 : memref<64x256xf32, #tpu.memory_space<vmem>>[vector<16xi32>, vector<16xi32>], vector<16xf32>,
    %dma_wait3A_594 = arith.constant 2 : i32
    %dma_wait3A_595 = arith.constant 0 : i32
    %dma_wait3A_596 = arith.constant 0 : i32
    %dma_wait3A_597 = tpu.memref_slice %arg7[%dma_wait3A_594, %dma_wait3A_595, %dma_wait3A_596] : memref<9x64x128xf32, #tpu.memory_space<vmem>> -> memref<1x64x128xf32, #tpu.memory_space<vmem>>
    %dma_wait3A_598 = tpu.memref_squeeze %dma_wait3A_597 : memref<1x64x128xf32, #tpu.memory_space<vmem>> -> memref<64x128xf32, #tpu.memory_space<vmem>>
    %dma_wait3A_599 = arith.constant 0 : i32
    %dma_wait3A_600 = arith.constant 0 : i32
    %dma_wait3A_601 = tpu.memref_slice %arg3[%dma_wait3A_599, %dma_wait3A_600] : memref<64x1000000xf32, #tpu.memory_space<hbm>> -> memref<64x128xf32, #tpu.memory_space<hbm>>
    %dma_wait3A_602 = arith.constant 0 : i32
    %dma_wait3A_603 = arith.constant 0 : i32
    %dma_wait3A_604 = tpu.memref_slice %arg7[%dma_wait3A_594, %dma_wait3A_602, %dma_wait3A_603] : memref<9x64x128xf32, #tpu.memory_space<vmem>> -> memref<1x64x128xf32, #tpu.memory_space<vmem>>
    %dma_wait3A_605 = tpu.memref_squeeze %dma_wait3A_604 : memref<1x64x128xf32, #tpu.memory_space<vmem>> -> memref<64x128xf32, #tpu.memory_space<vmem>>
    %dma_wait3A_606 = arith.constant 0 : i32
    %dma_wait3A_607 = arith.constant 0 : i32
    %dma_wait3A_608 = tpu.memref_slice %arg3[%dma_wait3A_606, %dma_wait3A_607] : memref<64x1000000xf32, #tpu.memory_space<hbm>> -> memref<64x128xf32, #tpu.memory_space<hbm>>
    tpu.wait_dma2 semaphore(%arg12 : memref<!tpu.dma_semaphore, #tpu.memory_space<semaphore_mem>>) src(%dma_wait3A_608 : memref<64x128xf32, #tpu.memory_space<hbm>>) dst(%dma_wait3A_605 : memref<64x128xf32, #tpu.memory_space<vmem>>)
    %get3A_609 = arith.constant 506 : index
    %get3A_610 = tpu.vector_load %arg6[%get3A_609] {strides = array<i32>} : memref<528xi32, #tpu.memory_space<vmem>>, vector<16xi32>,
    %slice3A_611 = vector.extract_strided_slice %get3A_610 {offsets = [0], sizes = [1], strides = [1]} : vector<16xi32> to vector<1xi32>
    %squeeze3A_612 = vector.extract %slice3A_611[0] : i32 from vector<1xi32>
    %jit3A_613 = arith.constant 128 : i32
    %eq3A_614 = arith.constant 0 : i32
    %eq3A_615 = arith.cmpi eq, %jit3A_613, %eq3A_614 : i32
    %jit3A_616 = arith.constant 1 : i32
    %select_n3A_617 = arith.select %eq3A_615, %jit3A_616, %jit3A_613 : i32
    %rem3A_618 = arith.remsi %squeeze3A_612, %select_n3A_617 : i32
    %ne3A_619 = arith.constant 0 : i32
    %ne3A_620 = arith.cmpi ne, %rem3A_618, %ne3A_619 : i32
    %lt3A_621 = arith.constant 0 : i32
    %lt3A_622 = arith.cmpi slt, %rem3A_618, %lt3A_621 : i32
    %lt3A_623 = arith.constant 0 : i32
    %lt3A_624 = arith.cmpi slt, %select_n3A_617, %lt3A_623 : i32
    %ne3A_625 = arith.xori %lt3A_622, %lt3A_624 : i1
    %and3A_626 = arith.andi %ne3A_625, %ne3A_620 : i1
    %add3A_627 = arith.addi %rem3A_618, %select_n3A_617 : i32
    %select_n3A_628 = arith.select %and3A_626, %add3A_627, %rem3A_618 : i32
    %broadcast_in_dim3A_629 = vector.broadcast %select_n3A_628 : i32 to vector<16xi32>
    %sub3A_630 = arith.constant 999936 : i32
    %sub3A_631 = arith.subi %squeeze3A_612, %sub3A_630 : i32
    %max3A_632 = arith.constant 0 : i32
    %max3A_633 = arith.maxsi %sub3A_631, %max3A_632 : i32
    %min3A_634 = arith.constant 63 : i32
    %min3A_635 = arith.minsi %max3A_633, %min3A_634 : i32
    %broadcast_in_dim3A_636 = vector.broadcast %min3A_635 : i32 to vector<16xi32>
    %broadcast_in_dim3A_637 = arith.constant 250 : i32
    %broadcast_in_dim3A_638 = vector.broadcast %broadcast_in_dim3A_637 : i32 to vector<16xi32>
    %ge3A_639 = arith.constant 999936 : i32
    %ge3A_640 = arith.cmpi sge, %squeeze3A_612, %ge3A_639 : i32
    %broadcast_in_dim3A_641 = vector.broadcast %ge3A_640 : i1 to vector<16xi1>
    %iota3A_642 = tpu.iota {dimensions = array<i32: 0>} : vector<16xi32>
    %add3A_643 = arith.constant 0 : i32
    %add3A_644 = vector.broadcast %add3A_643 : i32 to vector<16xi32>
    %add3A_645 = arith.addi %add3A_644, %iota3A_642 : vector<16xi32>
    %gather3A_646 = arith.constant 2 : i32
    %gather3A_647 = arith.constant 0 : i32
    %gather3A_648 = arith.constant 0 : i32
    %gather3A_649 = tpu.memref_slice %arg7[%gather3A_646, %gather3A_647, %gather3A_648] : memref<9x64x128xf32, #tpu.memory_space<vmem>> -> memref<1x64x128xf32, #tpu.memory_space<vmem>>
    %gather3A_650 = tpu.memref_squeeze %gather3A_649 : memref<1x64x128xf32, #tpu.memory_space<vmem>> -> memref<64x128xf32, #tpu.memory_space<vmem>>
    %gather3A_651 = tpu.vector_load_idx %gather3A_650[%add3A_645, %broadcast_in_dim3A_629] : memref<64x128xf32, #tpu.memory_space<vmem>>[vector<16xi32>, vector<16xi32>], vector<16xf32>,
    %gather3A_652 = tpu.vector_load_idx %arg8[%add3A_645, %broadcast_in_dim3A_636] : memref<64x64xf32, #tpu.memory_space<vmem>>[vector<16xi32>, vector<16xi32>], vector<16xf32>,
    %select_n3A_653 = arith.select %broadcast_in_dim3A_641, %gather3A_652, %gather3A_651 : vector<16xi1>, vector<16xf32>
    tpu.vector_store_idx %arg9[%add3A_645, %broadcast_in_dim3A_638], %select_n3A_653 : memref<64x256xf32, #tpu.memory_space<vmem>>[vector<16xi32>, vector<16xi32>], vector<16xf32>,
    %iota3A_654 = tpu.iota {dimensions = array<i32: 0>} : vector<16xi32>
    %add3A_655 = arith.constant 16 : i32
    %add3A_656 = vector.broadcast %add3A_655 : i32 to vector<16xi32>
    %add3A_657 = arith.addi %add3A_656, %iota3A_654 : vector<16xi32>
    %gather3A_658 = arith.constant 2 : i32
    %gather3A_659 = arith.constant 0 : i32
    %gather3A_660 = arith.constant 0 : i32
    %gather3A_661 = tpu.memref_slice %arg7[%gather3A_658, %gather3A_659, %gather3A_660] : memref<9x64x128xf32, #tpu.memory_space<vmem>> -> memref<1x64x128xf32, #tpu.memory_space<vmem>>
    %gather3A_662 = tpu.memref_squeeze %gather3A_661 : memref<1x64x128xf32, #tpu.memory_space<vmem>> -> memref<64x128xf32, #tpu.memory_space<vmem>>
    %gather3A_663 = tpu.vector_load_idx %gather3A_662[%add3A_657, %broadcast_in_dim3A_629] : memref<64x128xf32, #tpu.memory_space<vmem>>[vector<16xi32>, vector<16xi32>], vector<16xf32>,
    %gather3A_664 = tpu.vector_load_idx %arg8[%add3A_657, %broadcast_in_dim3A_636] : memref<64x64xf32, #tpu.memory_space<vmem>>[vector<16xi32>, vector<16xi32>], vector<16xf32>,
    %select_n3A_665 = arith.select %broadcast_in_dim3A_641, %gather3A_664, %gather3A_663 : vector<16xi1>, vector<16xf32>
    tpu.vector_store_idx %arg9[%add3A_657, %broadcast_in_dim3A_638], %select_n3A_665 : memref<64x256xf32, #tpu.memory_space<vmem>>[vector<16xi32>, vector<16xi32>], vector<16xf32>,
    %iota3A_666 = tpu.iota {dimensions = array<i32: 0>} : vector<16xi32>
    %add3A_667 = arith.constant 32 : i32
    %add3A_668 = vector.broadcast %add3A_667 : i32 to vector<16xi32>
    %add3A_669 = arith.addi %add3A_668, %iota3A_666 : vector<16xi32>
    %gather3A_670 = arith.constant 2 : i32
    %gather3A_671 = arith.constant 0 : i32
    %gather3A_672 = arith.constant 0 : i32
    %gather3A_673 = tpu.memref_slice %arg7[%gather3A_670, %gather3A_671, %gather3A_672] : memref<9x64x128xf32, #tpu.memory_space<vmem>> -> memref<1x64x128xf32, #tpu.memory_space<vmem>>
    %gather3A_674 = tpu.memref_squeeze %gather3A_673 : memref<1x64x128xf32, #tpu.memory_space<vmem>> -> memref<64x128xf32, #tpu.memory_space<vmem>>
    %gather3A_675 = tpu.vector_load_idx %gather3A_674[%add3A_669, %broadcast_in_dim3A_629] : memref<64x128xf32, #tpu.memory_space<vmem>>[vector<16xi32>, vector<16xi32>], vector<16xf32>,
    %gather3A_676 = tpu.vector_load_idx %arg8[%add3A_669, %broadcast_in_dim3A_636] : memref<64x64xf32, #tpu.memory_space<vmem>>[vector<16xi32>, vector<16xi32>], vector<16xf32>,
    %select_n3A_677 = arith.select %broadcast_in_dim3A_641, %gather3A_676, %gather3A_675 : vector<16xi1>, vector<16xf32>
    tpu.vector_store_idx %arg9[%add3A_669, %broadcast_in_dim3A_638], %select_n3A_677 : memref<64x256xf32, #tpu.memory_space<vmem>>[vector<16xi32>, vector<16xi32>], vector<16xf32>,
    %iota3A_678 = tpu.iota {dimensions = array<i32: 0>} : vector<16xi32>
    %add3A_679 = arith.constant 48 : i32
    %add3A_680 = vector.broadcast %add3A_679 : i32 to vector<16xi32>
    %add3A_681 = arith.addi %add3A_680, %iota3A_678 : vector<16xi32>
    %gather3A_682 = arith.constant 2 : i32
    %gather3A_683 = arith.constant 0 : i32
    %gather3A_684 = arith.constant 0 : i32
    %gather3A_685 = tpu.memref_slice %arg7[%gather3A_682, %gather3A_683, %gather3A_684] : memref<9x64x128xf32, #tpu.memory_space<vmem>> -> memref<1x64x128xf32, #tpu.memory_space<vmem>>
    %gather3A_686 = tpu.memref_squeeze %gather3A_685 : memref<1x64x128xf32, #tpu.memory_space<vmem>> -> memref<64x128xf32, #tpu.memory_space<vmem>>
    %gather3A_687 = tpu.vector_load_idx %gather3A_686[%add3A_681, %broadcast_in_dim3A_629] : memref<64x128xf32, #tpu.memory_space<vmem>>[vector<16xi32>, vector<16xi32>], vector<16xf32>,
    %gather3A_688 = tpu.vector_load_idx %arg8[%add3A_681, %broadcast_in_dim3A_636] : memref<64x64xf32, #tpu.memory_space<vmem>>[vector<16xi32>, vector<16xi32>], vector<16xf32>,
    %select_n3A_689 = arith.select %broadcast_in_dim3A_641, %gather3A_688, %gather3A_687 : vector<16xi1>, vector<16xf32>
    tpu.vector_store_idx %arg9[%add3A_681, %broadcast_in_dim3A_638], %select_n3A_689 : memref<64x256xf32, #tpu.memory_space<vmem>>[vector<16xi32>, vector<16xi32>], vector<16xf32>,
    %dma_wait3A_690 = arith.constant 3 : i32
    %dma_wait3A_691 = arith.constant 0 : i32
    %dma_wait3A_692 = arith.constant 0 : i32
    %dma_wait3A_693 = tpu.memref_slice %arg7[%dma_wait3A_690, %dma_wait3A_691, %dma_wait3A_692] : memref<9x64x128xf32, #tpu.memory_space<vmem>> -> memref<1x64x128xf32, #tpu.memory_space<vmem>>
    %dma_wait3A_694 = tpu.memref_squeeze %dma_wait3A_693 : memref<1x64x128xf32, #tpu.memory_space<vmem>> -> memref<64x128xf32, #tpu.memory_space<vmem>>
    %dma_wait3A_695 = arith.constant 0 : i32
    %dma_wait3A_696 = arith.constant 0 : i32
    %dma_wait3A_697 = tpu.memref_slice %arg3[%dma_wait3A_695, %dma_wait3A_696] : memref<64x1000000xf32, #tpu.memory_space<hbm>> -> memref<64x128xf32, #tpu.memory_space<hbm>>
    %dma_wait3A_698 = arith.constant 0 : i32
    %dma_wait3A_699 = arith.constant 0 : i32
    %dma_wait3A_700 = tpu.memref_slice %arg7[%dma_wait3A_690, %dma_wait3A_698, %dma_wait3A_699] : memref<9x64x128xf32, #tpu.memory_space<vmem>> -> memref<1x64x128xf32, #tpu.memory_space<vmem>>
    %dma_wait3A_701 = tpu.memref_squeeze %dma_wait3A_700 : memref<1x64x128xf32, #tpu.memory_space<vmem>> -> memref<64x128xf32, #tpu.memory_space<vmem>>
    %dma_wait3A_702 = arith.constant 0 : i32
    %dma_wait3A_703 = arith.constant 0 : i32
    %dma_wait3A_704 = tpu.memref_slice %arg3[%dma_wait3A_702, %dma_wait3A_703] : memref<64x1000000xf32, #tpu.memory_space<hbm>> -> memref<64x128xf32, #tpu.memory_space<hbm>>
    tpu.wait_dma2 semaphore(%arg13 : memref<!tpu.dma_semaphore, #tpu.memory_space<semaphore_mem>>) src(%dma_wait3A_704 : memref<64x128xf32, #tpu.memory_space<hbm>>) dst(%dma_wait3A_701 : memref<64x128xf32, #tpu.memory_space<vmem>>)
    %get3A_705 = arith.constant 507 : index
    %get3A_706 = tpu.vector_load %arg6[%get3A_705] {strides = array<i32>} : memref<528xi32, #tpu.memory_space<vmem>>, vector<16xi32>,
    %slice3A_707 = vector.extract_strided_slice %get3A_706 {offsets = [0], sizes = [1], strides = [1]} : vector<16xi32> to vector<1xi32>
    %squeeze3A_708 = vector.extract %slice3A_707[0] : i32 from vector<1xi32>
    %jit3A_709 = arith.constant 128 : i32
    %eq3A_710 = arith.constant 0 : i32
    %eq3A_711 = arith.cmpi eq, %jit3A_709, %eq3A_710 : i32
    %jit3A_712 = arith.constant 1 : i32
    %select_n3A_713 = arith.select %eq3A_711, %jit3A_712, %jit3A_709 : i32
    %rem3A_714 = arith.remsi %squeeze3A_708, %select_n3A_713 : i32
    %ne3A_715 = arith.constant 0 : i32
    %ne3A_716 = arith.cmpi ne, %rem3A_714, %ne3A_715 : i32
    %lt3A_717 = arith.constant 0 : i32
    %lt3A_718 = arith.cmpi slt, %rem3A_714, %lt3A_717 : i32
    %lt3A_719 = arith.constant 0 : i32
    %lt3A_720 = arith.cmpi slt, %select_n3A_713, %lt3A_719 : i32
    %ne3A_721 = arith.xori %lt3A_718, %lt3A_720 : i1
    %and3A_722 = arith.andi %ne3A_721, %ne3A_716 : i1
    %add3A_723 = arith.addi %rem3A_714, %select_n3A_713 : i32
    %select_n3A_724 = arith.select %and3A_722, %add3A_723, %rem3A_714 : i32
    %broadcast_in_dim3A_725 = vector.broadcast %select_n3A_724 : i32 to vector<16xi32>
    %sub3A_726 = arith.constant 999936 : i32
    %sub3A_727 = arith.subi %squeeze3A_708, %sub3A_726 : i32
    %max3A_728 = arith.constant 0 : i32
    %max3A_729 = arith.maxsi %sub3A_727, %max3A_728 : i32
    %min3A_730 = arith.constant 63 : i32
    %min3A_731 = arith.minsi %max3A_729, %min3A_730 : i32
    %broadcast_in_dim3A_732 = vector.broadcast %min3A_731 : i32 to vector<16xi32>
    %broadcast_in_dim3A_733 = arith.constant 251 : i32
    %broadcast_in_dim3A_734 = vector.broadcast %broadcast_in_dim3A_733 : i32 to vector<16xi32>
    %ge3A_735 = arith.constant 999936 : i32
    %ge3A_736 = arith.cmpi sge, %squeeze3A_708, %ge3A_735 : i32
    %broadcast_in_dim3A_737 = vector.broadcast %ge3A_736 : i1 to vector<16xi1>
    %iota3A_738 = tpu.iota {dimensions = array<i32: 0>} : vector<16xi32>
    %add3A_739 = arith.constant 0 : i32
    %add3A_740 = vector.broadcast %add3A_739 : i32 to vector<16xi32>
    %add3A_741 = arith.addi %add3A_740, %iota3A_738 : vector<16xi32>
    %gather3A_742 = arith.constant 3 : i32
    %gather3A_743 = arith.constant 0 : i32
    %gather3A_744 = arith.constant 0 : i32
    %gather3A_745 = tpu.memref_slice %arg7[%gather3A_742, %gather3A_743, %gather3A_744] : memref<9x64x128xf32, #tpu.memory_space<vmem>> -> memref<1x64x128xf32, #tpu.memory_space<vmem>>
    %gather3A_746 = tpu.memref_squeeze %gather3A_745 : memref<1x64x128xf32, #tpu.memory_space<vmem>> -> memref<64x128xf32, #tpu.memory_space<vmem>>
    %gather3A_747 = tpu.vector_load_idx %gather3A_746[%add3A_741, %broadcast_in_dim3A_725] : memref<64x128xf32, #tpu.memory_space<vmem>>[vector<16xi32>, vector<16xi32>], vector<16xf32>,
    %gather3A_748 = tpu.vector_load_idx %arg8[%add3A_741, %broadcast_in_dim3A_732] : memref<64x64xf32, #tpu.memory_space<vmem>>[vector<16xi32>, vector<16xi32>], vector<16xf32>,
    %select_n3A_749 = arith.select %broadcast_in_dim3A_737, %gather3A_748, %gather3A_747 : vector<16xi1>, vector<16xf32>
    tpu.vector_store_idx %arg9[%add3A_741, %broadcast_in_dim3A_734], %select_n3A_749 : memref<64x256xf32, #tpu.memory_space<vmem>>[vector<16xi32>, vector<16xi32>], vector<16xf32>,
    %iota3A_750 = tpu.iota {dimensions = array<i32: 0>} : vector<16xi32>
    %add3A_751 = arith.constant 16 : i32
    %add3A_752 = vector.broadcast %add3A_751 : i32 to vector<16xi32>
    %add3A_753 = arith.addi %add3A_752, %iota3A_750 : vector<16xi32>
    %gather3A_754 = arith.constant 3 : i32
    %gather3A_755 = arith.constant 0 : i32
    %gather3A_756 = arith.constant 0 : i32
    %gather3A_757 = tpu.memref_slice %arg7[%gather3A_754, %gather3A_755, %gather3A_756] : memref<9x64x128xf32, #tpu.memory_space<vmem>> -> memref<1x64x128xf32, #tpu.memory_space<vmem>>
    %gather3A_758 = tpu.memref_squeeze %gather3A_757 : memref<1x64x128xf32, #tpu.memory_space<vmem>> -> memref<64x128xf32, #tpu.memory_space<vmem>>
    %gather3A_759 = tpu.vector_load_idx %gather3A_758[%add3A_753, %broadcast_in_dim3A_725] : memref<64x128xf32, #tpu.memory_space<vmem>>[vector<16xi32>, vector<16xi32>], vector<16xf32>,
    %gather3A_760 = tpu.vector_load_idx %arg8[%add3A_753, %broadcast_in_dim3A_732] : memref<64x64xf32, #tpu.memory_space<vmem>>[vector<16xi32>, vector<16xi32>], vector<16xf32>,
    %select_n3A_761 = arith.select %broadcast_in_dim3A_737, %gather3A_760, %gather3A_759 : vector<16xi1>, vector<16xf32>
    tpu.vector_store_idx %arg9[%add3A_753, %broadcast_in_dim3A_734], %select_n3A_761 : memref<64x256xf32, #tpu.memory_space<vmem>>[vector<16xi32>, vector<16xi32>], vector<16xf32>,
    %iota3A_762 = tpu.iota {dimensions = array<i32: 0>} : vector<16xi32>
    %add3A_763 = arith.constant 32 : i32
    %add3A_764 = vector.broadcast %add3A_763 : i32 to vector<16xi32>
    %add3A_765 = arith.addi %add3A_764, %iota3A_762 : vector<16xi32>
    %gather3A_766 = arith.constant 3 : i32
    %gather3A_767 = arith.constant 0 : i32
    %gather3A_768 = arith.constant 0 : i32
    %gather3A_769 = tpu.memref_slice %arg7[%gather3A_766, %gather3A_767, %gather3A_768] : memref<9x64x128xf32, #tpu.memory_space<vmem>> -> memref<1x64x128xf32, #tpu.memory_space<vmem>>
    %gather3A_770 = tpu.memref_squeeze %gather3A_769 : memref<1x64x128xf32, #tpu.memory_space<vmem>> -> memref<64x128xf32, #tpu.memory_space<vmem>>
    %gather3A_771 = tpu.vector_load_idx %gather3A_770[%add3A_765, %broadcast_in_dim3A_725] : memref<64x128xf32, #tpu.memory_space<vmem>>[vector<16xi32>, vector<16xi32>], vector<16xf32>,
    %gather3A_772 = tpu.vector_load_idx %arg8[%add3A_765, %broadcast_in_dim3A_732] : memref<64x64xf32, #tpu.memory_space<vmem>>[vector<16xi32>, vector<16xi32>], vector<16xf32>,
    %select_n3A_773 = arith.select %broadcast_in_dim3A_737, %gather3A_772, %gather3A_771 : vector<16xi1>, vector<16xf32>
    tpu.vector_store_idx %arg9[%add3A_765, %broadcast_in_dim3A_734], %select_n3A_773 : memref<64x256xf32, #tpu.memory_space<vmem>>[vector<16xi32>, vector<16xi32>], vector<16xf32>,
    %iota3A_774 = tpu.iota {dimensions = array<i32: 0>} : vector<16xi32>
    %add3A_775 = arith.constant 48 : i32
    %add3A_776 = vector.broadcast %add3A_775 : i32 to vector<16xi32>
    %add3A_777 = arith.addi %add3A_776, %iota3A_774 : vector<16xi32>
    %gather3A_778 = arith.constant 3 : i32
    %gather3A_779 = arith.constant 0 : i32
    %gather3A_780 = arith.constant 0 : i32
    %gather3A_781 = tpu.memref_slice %arg7[%gather3A_778, %gather3A_779, %gather3A_780] : memref<9x64x128xf32, #tpu.memory_space<vmem>> -> memref<1x64x128xf32, #tpu.memory_space<vmem>>
    %gather3A_782 = tpu.memref_squeeze %gather3A_781 : memref<1x64x128xf32, #tpu.memory_space<vmem>> -> memref<64x128xf32, #tpu.memory_space<vmem>>
    %gather3A_783 = tpu.vector_load_idx %gather3A_782[%add3A_777, %broadcast_in_dim3A_725] : memref<64x128xf32, #tpu.memory_space<vmem>>[vector<16xi32>, vector<16xi32>], vector<16xf32>,
    %gather3A_784 = tpu.vector_load_idx %arg8[%add3A_777, %broadcast_in_dim3A_732] : memref<64x64xf32, #tpu.memory_space<vmem>>[vector<16xi32>, vector<16xi32>], vector<16xf32>,
    %select_n3A_785 = arith.select %broadcast_in_dim3A_737, %gather3A_784, %gather3A_783 : vector<16xi1>, vector<16xf32>
    tpu.vector_store_idx %arg9[%add3A_777, %broadcast_in_dim3A_734], %select_n3A_785 : memref<64x256xf32, #tpu.memory_space<vmem>>[vector<16xi32>, vector<16xi32>], vector<16xf32>,
    %dma_wait3A_786 = arith.constant 4 : i32
    %dma_wait3A_787 = arith.constant 0 : i32
    %dma_wait3A_788 = arith.constant 0 : i32
    %dma_wait3A_789 = tpu.memref_slice %arg7[%dma_wait3A_786, %dma_wait3A_787, %dma_wait3A_788] : memref<9x64x128xf32, #tpu.memory_space<vmem>> -> memref<1x64x128xf32, #tpu.memory_space<vmem>>
    %dma_wait3A_790 = tpu.memref_squeeze %dma_wait3A_789 : memref<1x64x128xf32, #tpu.memory_space<vmem>> -> memref<64x128xf32, #tpu.memory_space<vmem>>
    %dma_wait3A_791 = arith.constant 0 : i32
    %dma_wait3A_792 = arith.constant 0 : i32
    %dma_wait3A_793 = tpu.memref_slice %arg3[%dma_wait3A_791, %dma_wait3A_792] : memref<64x1000000xf32, #tpu.memory_space<hbm>> -> memref<64x128xf32, #tpu.memory_space<hbm>>
    %dma_wait3A_794 = arith.constant 0 : i32
    %dma_wait3A_795 = arith.constant 0 : i32
    %dma_wait3A_796 = tpu.memref_slice %arg7[%dma_wait3A_786, %dma_wait3A_794, %dma_wait3A_795] : memref<9x64x128xf32, #tpu.memory_space<vmem>> -> memref<1x64x128xf32, #tpu.memory_space<vmem>>
    %dma_wait3A_797 = tpu.memref_squeeze %dma_wait3A_796 : memref<1x64x128xf32, #tpu.memory_space<vmem>> -> memref<64x128xf32, #tpu.memory_space<vmem>>
    %dma_wait3A_798 = arith.constant 0 : i32
    %dma_wait3A_799 = arith.constant 0 : i32
    %dma_wait3A_800 = tpu.memref_slice %arg3[%dma_wait3A_798, %dma_wait3A_799] : memref<64x1000000xf32, #tpu.memory_space<hbm>> -> memref<64x128xf32, #tpu.memory_space<hbm>>
    tpu.wait_dma2 semaphore(%arg14 : memref<!tpu.dma_semaphore, #tpu.memory_space<semaphore_mem>>) src(%dma_wait3A_800 : memref<64x128xf32, #tpu.memory_space<hbm>>) dst(%dma_wait3A_797 : memref<64x128xf32, #tpu.memory_space<vmem>>)
    %get3A_801 = arith.constant 508 : index
    %get3A_802 = tpu.vector_load %arg6[%get3A_801] {strides = array<i32>} : memref<528xi32, #tpu.memory_space<vmem>>, vector<16xi32>,
    %slice3A_803 = vector.extract_strided_slice %get3A_802 {offsets = [0], sizes = [1], strides = [1]} : vector<16xi32> to vector<1xi32>
    %squeeze3A_804 = vector.extract %slice3A_803[0] : i32 from vector<1xi32>
    %jit3A_805 = arith.constant 128 : i32
    %eq3A_806 = arith.constant 0 : i32
    %eq3A_807 = arith.cmpi eq, %jit3A_805, %eq3A_806 : i32
    %jit3A_808 = arith.constant 1 : i32
    %select_n3A_809 = arith.select %eq3A_807, %jit3A_808, %jit3A_805 : i32
    %rem3A_810 = arith.remsi %squeeze3A_804, %select_n3A_809 : i32
    %ne3A_811 = arith.constant 0 : i32
    %ne3A_812 = arith.cmpi ne, %rem3A_810, %ne3A_811 : i32
    %lt3A_813 = arith.constant 0 : i32
    %lt3A_814 = arith.cmpi slt, %rem3A_810, %lt3A_813 : i32
    %lt3A_815 = arith.constant 0 : i32
    %lt3A_816 = arith.cmpi slt, %select_n3A_809, %lt3A_815 : i32
    %ne3A_817 = arith.xori %lt3A_814, %lt3A_816 : i1
    %and3A_818 = arith.andi %ne3A_817, %ne3A_812 : i1
    %add3A_819 = arith.addi %rem3A_810, %select_n3A_809 : i32
    %select_n3A_820 = arith.select %and3A_818, %add3A_819, %rem3A_810 : i32
    %broadcast_in_dim3A_821 = vector.broadcast %select_n3A_820 : i32 to vector<16xi32>
    %sub3A_822 = arith.constant 999936 : i32
    %sub3A_823 = arith.subi %squeeze3A_804, %sub3A_822 : i32
    %max3A_824 = arith.constant 0 : i32
    %max3A_825 = arith.maxsi %sub3A_823, %max3A_824 : i32
    %min3A_826 = arith.constant 63 : i32
    %min3A_827 = arith.minsi %max3A_825, %min3A_826 : i32
    %broadcast_in_dim3A_828 = vector.broadcast %min3A_827 : i32 to vector<16xi32>
    %broadcast_in_dim3A_829 = arith.constant 252 : i32
    %broadcast_in_dim3A_830 = vector.broadcast %broadcast_in_dim3A_829 : i32 to vector<16xi32>
    %ge3A_831 = arith.constant 999936 : i32
    %ge3A_832 = arith.cmpi sge, %squeeze3A_804, %ge3A_831 : i32
    %broadcast_in_dim3A_833 = vector.broadcast %ge3A_832 : i1 to vector<16xi1>
    %iota3A_834 = tpu.iota {dimensions = array<i32: 0>} : vector<16xi32>
    %add3A_835 = arith.constant 0 : i32
    %add3A_836 = vector.broadcast %add3A_835 : i32 to vector<16xi32>
    %add3A_837 = arith.addi %add3A_836, %iota3A_834 : vector<16xi32>
    %gather3A_838 = arith.constant 4 : i32
    %gather3A_839 = arith.constant 0 : i32
    %gather3A_840 = arith.constant 0 : i32
    %gather3A_841 = tpu.memref_slice %arg7[%gather3A_838, %gather3A_839, %gather3A_840] : memref<9x64x128xf32, #tpu.memory_space<vmem>> -> memref<1x64x128xf32, #tpu.memory_space<vmem>>
    %gather3A_842 = tpu.memref_squeeze %gather3A_841 : memref<1x64x128xf32, #tpu.memory_space<vmem>> -> memref<64x128xf32, #tpu.memory_space<vmem>>
    %gather3A_843 = tpu.vector_load_idx %gather3A_842[%add3A_837, %broadcast_in_dim3A_821] : memref<64x128xf32, #tpu.memory_space<vmem>>[vector<16xi32>, vector<16xi32>], vector<16xf32>,
    %gather3A_844 = tpu.vector_load_idx %arg8[%add3A_837, %broadcast_in_dim3A_828] : memref<64x64xf32, #tpu.memory_space<vmem>>[vector<16xi32>, vector<16xi32>], vector<16xf32>,
    %select_n3A_845 = arith.select %broadcast_in_dim3A_833, %gather3A_844, %gather3A_843 : vector<16xi1>, vector<16xf32>
    tpu.vector_store_idx %arg9[%add3A_837, %broadcast_in_dim3A_830], %select_n3A_845 : memref<64x256xf32, #tpu.memory_space<vmem>>[vector<16xi32>, vector<16xi32>], vector<16xf32>,
    %iota3A_846 = tpu.iota {dimensions = array<i32: 0>} : vector<16xi32>
    %add3A_847 = arith.constant 16 : i32
    %add3A_848 = vector.broadcast %add3A_847 : i32 to vector<16xi32>
    %add3A_849 = arith.addi %add3A_848, %iota3A_846 : vector<16xi32>
    %gather3A_850 = arith.constant 4 : i32
    %gather3A_851 = arith.constant 0 : i32
    %gather3A_852 = arith.constant 0 : i32
    %gather3A_853 = tpu.memref_slice %arg7[%gather3A_850, %gather3A_851, %gather3A_852] : memref<9x64x128xf32, #tpu.memory_space<vmem>> -> memref<1x64x128xf32, #tpu.memory_space<vmem>>
    %gather3A_854 = tpu.memref_squeeze %gather3A_853 : memref<1x64x128xf32, #tpu.memory_space<vmem>> -> memref<64x128xf32, #tpu.memory_space<vmem>>
    %gather3A_855 = tpu.vector_load_idx %gather3A_854[%add3A_849, %broadcast_in_dim3A_821] : memref<64x128xf32, #tpu.memory_space<vmem>>[vector<16xi32>, vector<16xi32>], vector<16xf32>,
    %gather3A_856 = tpu.vector_load_idx %arg8[%add3A_849, %broadcast_in_dim3A_828] : memref<64x64xf32, #tpu.memory_space<vmem>>[vector<16xi32>, vector<16xi32>], vector<16xf32>,
    %select_n3A_857 = arith.select %broadcast_in_dim3A_833, %gather3A_856, %gather3A_855 : vector<16xi1>, vector<16xf32>
    tpu.vector_store_idx %arg9[%add3A_849, %broadcast_in_dim3A_830], %select_n3A_857 : memref<64x256xf32, #tpu.memory_space<vmem>>[vector<16xi32>, vector<16xi32>], vector<16xf32>,
    %iota3A_858 = tpu.iota {dimensions = array<i32: 0>} : vector<16xi32>
    %add3A_859 = arith.constant 32 : i32
    %add3A_860 = vector.broadcast %add3A_859 : i32 to vector<16xi32>
    %add3A_861 = arith.addi %add3A_860, %iota3A_858 : vector<16xi32>
    %gather3A_862 = arith.constant 4 : i32
    %gather3A_863 = arith.constant 0 : i32
    %gather3A_864 = arith.constant 0 : i32
    %gather3A_865 = tpu.memref_slice %arg7[%gather3A_862, %gather3A_863, %gather3A_864] : memref<9x64x128xf32, #tpu.memory_space<vmem>> -> memref<1x64x128xf32, #tpu.memory_space<vmem>>
    %gather3A_866 = tpu.memref_squeeze %gather3A_865 : memref<1x64x128xf32, #tpu.memory_space<vmem>> -> memref<64x128xf32, #tpu.memory_space<vmem>>
    %gather3A_867 = tpu.vector_load_idx %gather3A_866[%add3A_861, %broadcast_in_dim3A_821] : memref<64x128xf32, #tpu.memory_space<vmem>>[vector<16xi32>, vector<16xi32>], vector<16xf32>,
    %gather3A_868 = tpu.vector_load_idx %arg8[%add3A_861, %broadcast_in_dim3A_828] : memref<64x64xf32, #tpu.memory_space<vmem>>[vector<16xi32>, vector<16xi32>], vector<16xf32>,
    %select_n3A_869 = arith.select %broadcast_in_dim3A_833, %gather3A_868, %gather3A_867 : vector<16xi1>, vector<16xf32>
    tpu.vector_store_idx %arg9[%add3A_861, %broadcast_in_dim3A_830], %select_n3A_869 : memref<64x256xf32, #tpu.memory_space<vmem>>[vector<16xi32>, vector<16xi32>], vector<16xf32>,
    %iota3A_870 = tpu.iota {dimensions = array<i32: 0>} : vector<16xi32>
    %add3A_871 = arith.constant 48 : i32
    %add3A_872 = vector.broadcast %add3A_871 : i32 to vector<16xi32>
    %add3A_873 = arith.addi %add3A_872, %iota3A_870 : vector<16xi32>
    %gather3A_874 = arith.constant 4 : i32
    %gather3A_875 = arith.constant 0 : i32
    %gather3A_876 = arith.constant 0 : i32
    %gather3A_877 = tpu.memref_slice %arg7[%gather3A_874, %gather3A_875, %gather3A_876] : memref<9x64x128xf32, #tpu.memory_space<vmem>> -> memref<1x64x128xf32, #tpu.memory_space<vmem>>
    %gather3A_878 = tpu.memref_squeeze %gather3A_877 : memref<1x64x128xf32, #tpu.memory_space<vmem>> -> memref<64x128xf32, #tpu.memory_space<vmem>>
    %gather3A_879 = tpu.vector_load_idx %gather3A_878[%add3A_873, %broadcast_in_dim3A_821] : memref<64x128xf32, #tpu.memory_space<vmem>>[vector<16xi32>, vector<16xi32>], vector<16xf32>,
    %gather3A_880 = tpu.vector_load_idx %arg8[%add3A_873, %broadcast_in_dim3A_828] : memref<64x64xf32, #tpu.memory_space<vmem>>[vector<16xi32>, vector<16xi32>], vector<16xf32>,
    %select_n3A_881 = arith.select %broadcast_in_dim3A_833, %gather3A_880, %gather3A_879 : vector<16xi1>, vector<16xf32>
    tpu.vector_store_idx %arg9[%add3A_873, %broadcast_in_dim3A_830], %select_n3A_881 : memref<64x256xf32, #tpu.memory_space<vmem>>[vector<16xi32>, vector<16xi32>], vector<16xf32>,
    %dma_wait3A_882 = arith.constant 5 : i32
    %dma_wait3A_883 = arith.constant 0 : i32
    %dma_wait3A_884 = arith.constant 0 : i32
    %dma_wait3A_885 = tpu.memref_slice %arg7[%dma_wait3A_882, %dma_wait3A_883, %dma_wait3A_884] : memref<9x64x128xf32, #tpu.memory_space<vmem>> -> memref<1x64x128xf32, #tpu.memory_space<vmem>>
    %dma_wait3A_886 = tpu.memref_squeeze %dma_wait3A_885 : memref<1x64x128xf32, #tpu.memory_space<vmem>> -> memref<64x128xf32, #tpu.memory_space<vmem>>
    %dma_wait3A_887 = arith.constant 0 : i32
    %dma_wait3A_888 = arith.constant 0 : i32
    %dma_wait3A_889 = tpu.memref_slice %arg3[%dma_wait3A_887, %dma_wait3A_888] : memref<64x1000000xf32, #tpu.memory_space<hbm>> -> memref<64x128xf32, #tpu.memory_space<hbm>>
    %dma_wait3A_890 = arith.constant 0 : i32
    %dma_wait3A_891 = arith.constant 0 : i32
    %dma_wait3A_892 = tpu.memref_slice %arg7[%dma_wait3A_882, %dma_wait3A_890, %dma_wait3A_891] : memref<9x64x128xf32, #tpu.memory_space<vmem>> -> memref<1x64x128xf32, #tpu.memory_space<vmem>>
    %dma_wait3A_893 = tpu.memref_squeeze %dma_wait3A_892 : memref<1x64x128xf32, #tpu.memory_space<vmem>> -> memref<64x128xf32, #tpu.memory_space<vmem>>
    %dma_wait3A_894 = arith.constant 0 : i32
    %dma_wait3A_895 = arith.constant 0 : i32
    %dma_wait3A_896 = tpu.memref_slice %arg3[%dma_wait3A_894, %dma_wait3A_895] : memref<64x1000000xf32, #tpu.memory_space<hbm>> -> memref<64x128xf32, #tpu.memory_space<hbm>>
    tpu.wait_dma2 semaphore(%arg15 : memref<!tpu.dma_semaphore, #tpu.memory_space<semaphore_mem>>) src(%dma_wait3A_896 : memref<64x128xf32, #tpu.memory_space<hbm>>) dst(%dma_wait3A_893 : memref<64x128xf32, #tpu.memory_space<vmem>>)
    %get3A_897 = arith.constant 509 : index
    %get3A_898 = tpu.vector_load %arg6[%get3A_897] {strides = array<i32>} : memref<528xi32, #tpu.memory_space<vmem>>, vector<16xi32>,
    %slice3A_899 = vector.extract_strided_slice %get3A_898 {offsets = [0], sizes = [1], strides = [1]} : vector<16xi32> to vector<1xi32>
    %squeeze3A_900 = vector.extract %slice3A_899[0] : i32 from vector<1xi32>
    %jit3A_901 = arith.constant 128 : i32
    %eq3A_902 = arith.constant 0 : i32
    %eq3A_903 = arith.cmpi eq, %jit3A_901, %eq3A_902 : i32
    %jit3A_904 = arith.constant 1 : i32
    %select_n3A_905 = arith.select %eq3A_903, %jit3A_904, %jit3A_901 : i32
    %rem3A_906 = arith.remsi %squeeze3A_900, %select_n3A_905 : i32
    %ne3A_907 = arith.constant 0 : i32
    %ne3A_908 = arith.cmpi ne, %rem3A_906, %ne3A_907 : i32
    %lt3A_909 = arith.constant 0 : i32
    %lt3A_910 = arith.cmpi slt, %rem3A_906, %lt3A_909 : i32
    %lt3A_911 = arith.constant 0 : i32
    %lt3A_912 = arith.cmpi slt, %select_n3A_905, %lt3A_911 : i32
    %ne3A_913 = arith.xori %lt3A_910, %lt3A_912 : i1
    %and3A_914 = arith.andi %ne3A_913, %ne3A_908 : i1
    %add3A_915 = arith.addi %rem3A_906, %select_n3A_905 : i32
    %select_n3A_916 = arith.select %and3A_914, %add3A_915, %rem3A_906 : i32
    %broadcast_in_dim3A_917 = vector.broadcast %select_n3A_916 : i32 to vector<16xi32>
    %sub3A_918 = arith.constant 999936 : i32
    %sub3A_919 = arith.subi %squeeze3A_900, %sub3A_918 : i32
    %max3A_920 = arith.constant 0 : i32
    %max3A_921 = arith.maxsi %sub3A_919, %max3A_920 : i32
    %min3A_922 = arith.constant 63 : i32
    %min3A_923 = arith.minsi %max3A_921, %min3A_922 : i32
    %broadcast_in_dim3A_924 = vector.broadcast %min3A_923 : i32 to vector<16xi32>
    %broadcast_in_dim3A_925 = arith.constant 253 : i32
    %broadcast_in_dim3A_926 = vector.broadcast %broadcast_in_dim3A_925 : i32 to vector<16xi32>
    %ge3A_927 = arith.constant 999936 : i32
    %ge3A_928 = arith.cmpi sge, %squeeze3A_900, %ge3A_927 : i32
    %broadcast_in_dim3A_929 = vector.broadcast %ge3A_928 : i1 to vector<16xi1>
    %iota3A_930 = tpu.iota {dimensions = array<i32: 0>} : vector<16xi32>
    %add3A_931 = arith.constant 0 : i32
    %add3A_932 = vector.broadcast %add3A_931 : i32 to vector<16xi32>
    %add3A_933 = arith.addi %add3A_932, %iota3A_930 : vector<16xi32>
    %gather3A_934 = arith.constant 5 : i32
    %gather3A_935 = arith.constant 0 : i32
    %gather3A_936 = arith.constant 0 : i32
    %gather3A_937 = tpu.memref_slice %arg7[%gather3A_934, %gather3A_935, %gather3A_936] : memref<9x64x128xf32, #tpu.memory_space<vmem>> -> memref<1x64x128xf32, #tpu.memory_space<vmem>>
    %gather3A_938 = tpu.memref_squeeze %gather3A_937 : memref<1x64x128xf32, #tpu.memory_space<vmem>> -> memref<64x128xf32, #tpu.memory_space<vmem>>
    %gather3A_939 = tpu.vector_load_idx %gather3A_938[%add3A_933, %broadcast_in_dim3A_917] : memref<64x128xf32, #tpu.memory_space<vmem>>[vector<16xi32>, vector<16xi32>], vector<16xf32>,
    %gather3A_940 = tpu.vector_load_idx %arg8[%add3A_933, %broadcast_in_dim3A_924] : memref<64x64xf32, #tpu.memory_space<vmem>>[vector<16xi32>, vector<16xi32>], vector<16xf32>,
    %select_n3A_941 = arith.select %broadcast_in_dim3A_929, %gather3A_940, %gather3A_939 : vector<16xi1>, vector<16xf32>
    tpu.vector_store_idx %arg9[%add3A_933, %broadcast_in_dim3A_926], %select_n3A_941 : memref<64x256xf32, #tpu.memory_space<vmem>>[vector<16xi32>, vector<16xi32>], vector<16xf32>,
    %iota3A_942 = tpu.iota {dimensions = array<i32: 0>} : vector<16xi32>
    %add3A_943 = arith.constant 16 : i32
    %add3A_944 = vector.broadcast %add3A_943 : i32 to vector<16xi32>
    %add3A_945 = arith.addi %add3A_944, %iota3A_942 : vector<16xi32>
    %gather3A_946 = arith.constant 5 : i32
    %gather3A_947 = arith.constant 0 : i32
    %gather3A_948 = arith.constant 0 : i32
    %gather3A_949 = tpu.memref_slice %arg7[%gather3A_946, %gather3A_947, %gather3A_948] : memref<9x64x128xf32, #tpu.memory_space<vmem>> -> memref<1x64x128xf32, #tpu.memory_space<vmem>>
    %gather3A_950 = tpu.memref_squeeze %gather3A_949 : memref<1x64x128xf32, #tpu.memory_space<vmem>> -> memref<64x128xf32, #tpu.memory_space<vmem>>
    %gather3A_951 = tpu.vector_load_idx %gather3A_950[%add3A_945, %broadcast_in_dim3A_917] : memref<64x128xf32, #tpu.memory_space<vmem>>[vector<16xi32>, vector<16xi32>], vector<16xf32>,
    %gather3A_952 = tpu.vector_load_idx %arg8[%add3A_945, %broadcast_in_dim3A_924] : memref<64x64xf32, #tpu.memory_space<vmem>>[vector<16xi32>, vector<16xi32>], vector<16xf32>,
    %select_n3A_953 = arith.select %broadcast_in_dim3A_929, %gather3A_952, %gather3A_951 : vector<16xi1>, vector<16xf32>
    tpu.vector_store_idx %arg9[%add3A_945, %broadcast_in_dim3A_926], %select_n3A_953 : memref<64x256xf32, #tpu.memory_space<vmem>>[vector<16xi32>, vector<16xi32>], vector<16xf32>,
    %iota3A_954 = tpu.iota {dimensions = array<i32: 0>} : vector<16xi32>
    %add3A_955 = arith.constant 32 : i32
    %add3A_956 = vector.broadcast %add3A_955 : i32 to vector<16xi32>
    %add3A_957 = arith.addi %add3A_956, %iota3A_954 : vector<16xi32>
    %gather3A_958 = arith.constant 5 : i32
    %gather3A_959 = arith.constant 0 : i32
    %gather3A_960 = arith.constant 0 : i32
    %gather3A_961 = tpu.memref_slice %arg7[%gather3A_958, %gather3A_959, %gather3A_960] : memref<9x64x128xf32, #tpu.memory_space<vmem>> -> memref<1x64x128xf32, #tpu.memory_space<vmem>>
    %gather3A_962 = tpu.memref_squeeze %gather3A_961 : memref<1x64x128xf32, #tpu.memory_space<vmem>> -> memref<64x128xf32, #tpu.memory_space<vmem>>
    %gather3A_963 = tpu.vector_load_idx %gather3A_962[%add3A_957, %broadcast_in_dim3A_917] : memref<64x128xf32, #tpu.memory_space<vmem>>[vector<16xi32>, vector<16xi32>], vector<16xf32>,
    %gather3A_964 = tpu.vector_load_idx %arg8[%add3A_957, %broadcast_in_dim3A_924] : memref<64x64xf32, #tpu.memory_space<vmem>>[vector<16xi32>, vector<16xi32>], vector<16xf32>,
    %select_n3A_965 = arith.select %broadcast_in_dim3A_929, %gather3A_964, %gather3A_963 : vector<16xi1>, vector<16xf32>
    tpu.vector_store_idx %arg9[%add3A_957, %broadcast_in_dim3A_926], %select_n3A_965 : memref<64x256xf32, #tpu.memory_space<vmem>>[vector<16xi32>, vector<16xi32>], vector<16xf32>,
    %iota3A_966 = tpu.iota {dimensions = array<i32: 0>} : vector<16xi32>
    %add3A_967 = arith.constant 48 : i32
    %add3A_968 = vector.broadcast %add3A_967 : i32 to vector<16xi32>
    %add3A_969 = arith.addi %add3A_968, %iota3A_966 : vector<16xi32>
    %gather3A_970 = arith.constant 5 : i32
    %gather3A_971 = arith.constant 0 : i32
    %gather3A_972 = arith.constant 0 : i32
    %gather3A_973 = tpu.memref_slice %arg7[%gather3A_970, %gather3A_971, %gather3A_972] : memref<9x64x128xf32, #tpu.memory_space<vmem>> -> memref<1x64x128xf32, #tpu.memory_space<vmem>>
    %gather3A_974 = tpu.memref_squeeze %gather3A_973 : memref<1x64x128xf32, #tpu.memory_space<vmem>> -> memref<64x128xf32, #tpu.memory_space<vmem>>
    %gather3A_975 = tpu.vector_load_idx %gather3A_974[%add3A_969, %broadcast_in_dim3A_917] : memref<64x128xf32, #tpu.memory_space<vmem>>[vector<16xi32>, vector<16xi32>], vector<16xf32>,
    %gather3A_976 = tpu.vector_load_idx %arg8[%add3A_969, %broadcast_in_dim3A_924] : memref<64x64xf32, #tpu.memory_space<vmem>>[vector<16xi32>, vector<16xi32>], vector<16xf32>,
    %select_n3A_977 = arith.select %broadcast_in_dim3A_929, %gather3A_976, %gather3A_975 : vector<16xi1>, vector<16xf32>
    tpu.vector_store_idx %arg9[%add3A_969, %broadcast_in_dim3A_926], %select_n3A_977 : memref<64x256xf32, #tpu.memory_space<vmem>>[vector<16xi32>, vector<16xi32>], vector<16xf32>,
    %dma_wait3A_978 = arith.constant 6 : i32
    %dma_wait3A_979 = arith.constant 0 : i32
    %dma_wait3A_980 = arith.constant 0 : i32
    %dma_wait3A_981 = tpu.memref_slice %arg7[%dma_wait3A_978, %dma_wait3A_979, %dma_wait3A_980] : memref<9x64x128xf32, #tpu.memory_space<vmem>> -> memref<1x64x128xf32, #tpu.memory_space<vmem>>
    %dma_wait3A_982 = tpu.memref_squeeze %dma_wait3A_981 : memref<1x64x128xf32, #tpu.memory_space<vmem>> -> memref<64x128xf32, #tpu.memory_space<vmem>>
    %dma_wait3A_983 = arith.constant 0 : i32
    %dma_wait3A_984 = arith.constant 0 : i32
    %dma_wait3A_985 = tpu.memref_slice %arg3[%dma_wait3A_983, %dma_wait3A_984] : memref<64x1000000xf32, #tpu.memory_space<hbm>> -> memref<64x128xf32, #tpu.memory_space<hbm>>
    %dma_wait3A_986 = arith.constant 0 : i32
    %dma_wait3A_987 = arith.constant 0 : i32
    %dma_wait3A_988 = tpu.memref_slice %arg7[%dma_wait3A_978, %dma_wait3A_986, %dma_wait3A_987] : memref<9x64x128xf32, #tpu.memory_space<vmem>> -> memref<1x64x128xf32, #tpu.memory_space<vmem>>
    %dma_wait3A_989 = tpu.memref_squeeze %dma_wait3A_988 : memref<1x64x128xf32, #tpu.memory_space<vmem>> -> memref<64x128xf32, #tpu.memory_space<vmem>>
    %dma_wait3A_990 = arith.constant 0 : i32
    %dma_wait3A_991 = arith.constant 0 : i32
    %dma_wait3A_992 = tpu.memref_slice %arg3[%dma_wait3A_990, %dma_wait3A_991] : memref<64x1000000xf32, #tpu.memory_space<hbm>> -> memref<64x128xf32, #tpu.memory_space<hbm>>
    tpu.wait_dma2 semaphore(%arg16 : memref<!tpu.dma_semaphore, #tpu.memory_space<semaphore_mem>>) src(%dma_wait3A_992 : memref<64x128xf32, #tpu.memory_space<hbm>>) dst(%dma_wait3A_989 : memref<64x128xf32, #tpu.memory_space<vmem>>)
    %get3A_993 = arith.constant 510 : index
    %get3A_994 = tpu.vector_load %arg6[%get3A_993] {strides = array<i32>} : memref<528xi32, #tpu.memory_space<vmem>>, vector<16xi32>,
    %slice3A_995 = vector.extract_strided_slice %get3A_994 {offsets = [0], sizes = [1], strides = [1]} : vector<16xi32> to vector<1xi32>
    %squeeze3A_996 = vector.extract %slice3A_995[0] : i32 from vector<1xi32>
    %jit3A_997 = arith.constant 128 : i32
    %eq3A_998 = arith.constant 0 : i32
    %eq3A_999 = arith.cmpi eq, %jit3A_997, %eq3A_998 : i32
    %jit3A_1000 = arith.constant 1 : i32
    %select_n3A_1001 = arith.select %eq3A_999, %jit3A_1000, %jit3A_997 : i32
    %rem3A_1002 = arith.remsi %squeeze3A_996, %select_n3A_1001 : i32
    %ne3A_1003 = arith.constant 0 : i32
    %ne3A_1004 = arith.cmpi ne, %rem3A_1002, %ne3A_1003 : i32
    %lt3A_1005 = arith.constant 0 : i32
    %lt3A_1006 = arith.cmpi slt, %rem3A_1002, %lt3A_1005 : i32
    %lt3A_1007 = arith.constant 0 : i32
    %lt3A_1008 = arith.cmpi slt, %select_n3A_1001, %lt3A_1007 : i32
    %ne3A_1009 = arith.xori %lt3A_1006, %lt3A_1008 : i1
    %and3A_1010 = arith.andi %ne3A_1009, %ne3A_1004 : i1
    %add3A_1011 = arith.addi %rem3A_1002, %select_n3A_1001 : i32
    %select_n3A_1012 = arith.select %and3A_1010, %add3A_1011, %rem3A_1002 : i32
    %broadcast_in_dim3A_1013 = vector.broadcast %select_n3A_1012 : i32 to vector<16xi32>
    %sub3A_1014 = arith.constant 999936 : i32
    %sub3A_1015 = arith.subi %squeeze3A_996, %sub3A_1014 : i32
    %max3A_1016 = arith.constant 0 : i32
    %max3A_1017 = arith.maxsi %sub3A_1015, %max3A_1016 : i32
    %min3A_1018 = arith.constant 63 : i32
    %min3A_1019 = arith.minsi %max3A_1017, %min3A_1018 : i32
    %broadcast_in_dim3A_1020 = vector.broadcast %min3A_1019 : i32 to vector<16xi32>
    %broadcast_in_dim3A_1021 = arith.constant 254 : i32
    %broadcast_in_dim3A_1022 = vector.broadcast %broadcast_in_dim3A_1021 : i32 to vector<16xi32>
    %ge3A_1023 = arith.constant 999936 : i32
    %ge3A_1024 = arith.cmpi sge, %squeeze3A_996, %ge3A_1023 : i32
    %broadcast_in_dim3A_1025 = vector.broadcast %ge3A_1024 : i1 to vector<16xi1>
    %iota3A_1026 = tpu.iota {dimensions = array<i32: 0>} : vector<16xi32>
    %add3A_1027 = arith.constant 0 : i32
    %add3A_1028 = vector.broadcast %add3A_1027 : i32 to vector<16xi32>
    %add3A_1029 = arith.addi %add3A_1028, %iota3A_1026 : vector<16xi32>
    %gather3A_1030 = arith.constant 6 : i32
    %gather3A_1031 = arith.constant 0 : i32
    %gather3A_1032 = arith.constant 0 : i32
    %gather3A_1033 = tpu.memref_slice %arg7[%gather3A_1030, %gather3A_1031, %gather3A_1032] : memref<9x64x128xf32, #tpu.memory_space<vmem>> -> memref<1x64x128xf32, #tpu.memory_space<vmem>>
    %gather3A_1034 = tpu.memref_squeeze %gather3A_1033 : memref<1x64x128xf32, #tpu.memory_space<vmem>> -> memref<64x128xf32, #tpu.memory_space<vmem>>
    %gather3A_1035 = tpu.vector_load_idx %gather3A_1034[%add3A_1029, %broadcast_in_dim3A_1013] : memref<64x128xf32, #tpu.memory_space<vmem>>[vector<16xi32>, vector<16xi32>], vector<16xf32>,
    %gather3A_1036 = tpu.vector_load_idx %arg8[%add3A_1029, %broadcast_in_dim3A_1020] : memref<64x64xf32, #tpu.memory_space<vmem>>[vector<16xi32>, vector<16xi32>], vector<16xf32>,
    %select_n3A_1037 = arith.select %broadcast_in_dim3A_1025, %gather3A_1036, %gather3A_1035 : vector<16xi1>, vector<16xf32>
    tpu.vector_store_idx %arg9[%add3A_1029, %broadcast_in_dim3A_1022], %select_n3A_1037 : memref<64x256xf32, #tpu.memory_space<vmem>>[vector<16xi32>, vector<16xi32>], vector<16xf32>,
    %iota3A_1038 = tpu.iota {dimensions = array<i32: 0>} : vector<16xi32>
    %add3A_1039 = arith.constant 16 : i32
    %add3A_1040 = vector.broadcast %add3A_1039 : i32 to vector<16xi32>
    %add3A_1041 = arith.addi %add3A_1040, %iota3A_1038 : vector<16xi32>
    %gather3A_1042 = arith.constant 6 : i32
    %gather3A_1043 = arith.constant 0 : i32
    %gather3A_1044 = arith.constant 0 : i32
    %gather3A_1045 = tpu.memref_slice %arg7[%gather3A_1042, %gather3A_1043, %gather3A_1044] : memref<9x64x128xf32, #tpu.memory_space<vmem>> -> memref<1x64x128xf32, #tpu.memory_space<vmem>>
    %gather3A_1046 = tpu.memref_squeeze %gather3A_1045 : memref<1x64x128xf32, #tpu.memory_space<vmem>> -> memref<64x128xf32, #tpu.memory_space<vmem>>
    %gather3A_1047 = tpu.vector_load_idx %gather3A_1046[%add3A_1041, %broadcast_in_dim3A_1013] : memref<64x128xf32, #tpu.memory_space<vmem>>[vector<16xi32>, vector<16xi32>], vector<16xf32>,
    %gather3A_1048 = tpu.vector_load_idx %arg8[%add3A_1041, %broadcast_in_dim3A_1020] : memref<64x64xf32, #tpu.memory_space<vmem>>[vector<16xi32>, vector<16xi32>], vector<16xf32>,
    %select_n3A_1049 = arith.select %broadcast_in_dim3A_1025, %gather3A_1048, %gather3A_1047 : vector<16xi1>, vector<16xf32>
    tpu.vector_store_idx %arg9[%add3A_1041, %broadcast_in_dim3A_1022], %select_n3A_1049 : memref<64x256xf32, #tpu.memory_space<vmem>>[vector<16xi32>, vector<16xi32>], vector<16xf32>,
    %iota3A_1050 = tpu.iota {dimensions = array<i32: 0>} : vector<16xi32>
    %add3A_1051 = arith.constant 32 : i32
    %add3A_1052 = vector.broadcast %add3A_1051 : i32 to vector<16xi32>
    %add3A_1053 = arith.addi %add3A_1052, %iota3A_1050 : vector<16xi32>
    %gather3A_1054 = arith.constant 6 : i32
    %gather3A_1055 = arith.constant 0 : i32
    %gather3A_1056 = arith.constant 0 : i32
    %gather3A_1057 = tpu.memref_slice %arg7[%gather3A_1054, %gather3A_1055, %gather3A_1056] : memref<9x64x128xf32, #tpu.memory_space<vmem>> -> memref<1x64x128xf32, #tpu.memory_space<vmem>>
    %gather3A_1058 = tpu.memref_squeeze %gather3A_1057 : memref<1x64x128xf32, #tpu.memory_space<vmem>> -> memref<64x128xf32, #tpu.memory_space<vmem>>
    %gather3A_1059 = tpu.vector_load_idx %gather3A_1058[%add3A_1053, %broadcast_in_dim3A_1013] : memref<64x128xf32, #tpu.memory_space<vmem>>[vector<16xi32>, vector<16xi32>], vector<16xf32>,
    %gather3A_1060 = tpu.vector_load_idx %arg8[%add3A_1053, %broadcast_in_dim3A_1020] : memref<64x64xf32, #tpu.memory_space<vmem>>[vector<16xi32>, vector<16xi32>], vector<16xf32>,
    %select_n3A_1061 = arith.select %broadcast_in_dim3A_1025, %gather3A_1060, %gather3A_1059 : vector<16xi1>, vector<16xf32>
    tpu.vector_store_idx %arg9[%add3A_1053, %broadcast_in_dim3A_1022], %select_n3A_1061 : memref<64x256xf32, #tpu.memory_space<vmem>>[vector<16xi32>, vector<16xi32>], vector<16xf32>,
    %iota3A_1062 = tpu.iota {dimensions = array<i32: 0>} : vector<16xi32>
    %add3A_1063 = arith.constant 48 : i32
    %add3A_1064 = vector.broadcast %add3A_1063 : i32 to vector<16xi32>
    %add3A_1065 = arith.addi %add3A_1064, %iota3A_1062 : vector<16xi32>
    %gather3A_1066 = arith.constant 6 : i32
    %gather3A_1067 = arith.constant 0 : i32
    %gather3A_1068 = arith.constant 0 : i32
    %gather3A_1069 = tpu.memref_slice %arg7[%gather3A_1066, %gather3A_1067, %gather3A_1068] : memref<9x64x128xf32, #tpu.memory_space<vmem>> -> memref<1x64x128xf32, #tpu.memory_space<vmem>>
    %gather3A_1070 = tpu.memref_squeeze %gather3A_1069 : memref<1x64x128xf32, #tpu.memory_space<vmem>> -> memref<64x128xf32, #tpu.memory_space<vmem>>
    %gather3A_1071 = tpu.vector_load_idx %gather3A_1070[%add3A_1065, %broadcast_in_dim3A_1013] : memref<64x128xf32, #tpu.memory_space<vmem>>[vector<16xi32>, vector<16xi32>], vector<16xf32>,
    %gather3A_1072 = tpu.vector_load_idx %arg8[%add3A_1065, %broadcast_in_dim3A_1020] : memref<64x64xf32, #tpu.memory_space<vmem>>[vector<16xi32>, vector<16xi32>], vector<16xf32>,
    %select_n3A_1073 = arith.select %broadcast_in_dim3A_1025, %gather3A_1072, %gather3A_1071 : vector<16xi1>, vector<16xf32>
    tpu.vector_store_idx %arg9[%add3A_1065, %broadcast_in_dim3A_1022], %select_n3A_1073 : memref<64x256xf32, #tpu.memory_space<vmem>>[vector<16xi32>, vector<16xi32>], vector<16xf32>,
    %dma_wait3A_1074 = arith.constant 7 : i32
    %dma_wait3A_1075 = arith.constant 0 : i32
    %dma_wait3A_1076 = arith.constant 0 : i32
    %dma_wait3A_1077 = tpu.memref_slice %arg7[%dma_wait3A_1074, %dma_wait3A_1075, %dma_wait3A_1076] : memref<9x64x128xf32, #tpu.memory_space<vmem>> -> memref<1x64x128xf32, #tpu.memory_space<vmem>>
    %dma_wait3A_1078 = tpu.memref_squeeze %dma_wait3A_1077 : memref<1x64x128xf32, #tpu.memory_space<vmem>> -> memref<64x128xf32, #tpu.memory_space<vmem>>
    %dma_wait3A_1079 = arith.constant 0 : i32
    %dma_wait3A_1080 = arith.constant 0 : i32
    %dma_wait3A_1081 = tpu.memref_slice %arg3[%dma_wait3A_1079, %dma_wait3A_1080] : memref<64x1000000xf32, #tpu.memory_space<hbm>> -> memref<64x128xf32, #tpu.memory_space<hbm>>
    %dma_wait3A_1082 = arith.constant 0 : i32
    %dma_wait3A_1083 = arith.constant 0 : i32
    %dma_wait3A_1084 = tpu.memref_slice %arg7[%dma_wait3A_1074, %dma_wait3A_1082, %dma_wait3A_1083] : memref<9x64x128xf32, #tpu.memory_space<vmem>> -> memref<1x64x128xf32, #tpu.memory_space<vmem>>
    %dma_wait3A_1085 = tpu.memref_squeeze %dma_wait3A_1084 : memref<1x64x128xf32, #tpu.memory_space<vmem>> -> memref<64x128xf32, #tpu.memory_space<vmem>>
    %dma_wait3A_1086 = arith.constant 0 : i32
    %dma_wait3A_1087 = arith.constant 0 : i32
    %dma_wait3A_1088 = tpu.memref_slice %arg3[%dma_wait3A_1086, %dma_wait3A_1087] : memref<64x1000000xf32, #tpu.memory_space<hbm>> -> memref<64x128xf32, #tpu.memory_space<hbm>>
    tpu.wait_dma2 semaphore(%arg17 : memref<!tpu.dma_semaphore, #tpu.memory_space<semaphore_mem>>) src(%dma_wait3A_1088 : memref<64x128xf32, #tpu.memory_space<hbm>>) dst(%dma_wait3A_1085 : memref<64x128xf32, #tpu.memory_space<vmem>>)
    %get3A_1089 = arith.constant 511 : index
    %get3A_1090 = tpu.vector_load %arg6[%get3A_1089] {strides = array<i32>} : memref<528xi32, #tpu.memory_space<vmem>>, vector<16xi32>,
    %slice3A_1091 = vector.extract_strided_slice %get3A_1090 {offsets = [0], sizes = [1], strides = [1]} : vector<16xi32> to vector<1xi32>
    %squeeze3A_1092 = vector.extract %slice3A_1091[0] : i32 from vector<1xi32>
    %jit3A_1093 = arith.constant 128 : i32
    %eq3A_1094 = arith.constant 0 : i32
    %eq3A_1095 = arith.cmpi eq, %jit3A_1093, %eq3A_1094 : i32
    %jit3A_1096 = arith.constant 1 : i32
    %select_n3A_1097 = arith.select %eq3A_1095, %jit3A_1096, %jit3A_1093 : i32
    %rem3A_1098 = arith.remsi %squeeze3A_1092, %select_n3A_1097 : i32
    %ne3A_1099 = arith.constant 0 : i32
    %ne3A_1100 = arith.cmpi ne, %rem3A_1098, %ne3A_1099 : i32
    %lt3A_1101 = arith.constant 0 : i32
    %lt3A_1102 = arith.cmpi slt, %rem3A_1098, %lt3A_1101 : i32
    %lt3A_1103 = arith.constant 0 : i32
    %lt3A_1104 = arith.cmpi slt, %select_n3A_1097, %lt3A_1103 : i32
    %ne3A_1105 = arith.xori %lt3A_1102, %lt3A_1104 : i1
    %and3A_1106 = arith.andi %ne3A_1105, %ne3A_1100 : i1
    %add3A_1107 = arith.addi %rem3A_1098, %select_n3A_1097 : i32
    %select_n3A_1108 = arith.select %and3A_1106, %add3A_1107, %rem3A_1098 : i32
    %broadcast_in_dim3A_1109 = vector.broadcast %select_n3A_1108 : i32 to vector<16xi32>
    %sub3A_1110 = arith.constant 999936 : i32
    %sub3A_1111 = arith.subi %squeeze3A_1092, %sub3A_1110 : i32
    %max3A_1112 = arith.constant 0 : i32
    %max3A_1113 = arith.maxsi %sub3A_1111, %max3A_1112 : i32
    %min3A_1114 = arith.constant 63 : i32
    %min3A_1115 = arith.minsi %max3A_1113, %min3A_1114 : i32
    %broadcast_in_dim3A_1116 = vector.broadcast %min3A_1115 : i32 to vector<16xi32>
    %broadcast_in_dim3A_1117 = arith.constant 255 : i32
    %broadcast_in_dim3A_1118 = vector.broadcast %broadcast_in_dim3A_1117 : i32 to vector<16xi32>
    %ge3A_1119 = arith.constant 999936 : i32
    %ge3A_1120 = arith.cmpi sge, %squeeze3A_1092, %ge3A_1119 : i32
    %broadcast_in_dim3A_1121 = vector.broadcast %ge3A_1120 : i1 to vector<16xi1>
    %iota3A_1122 = tpu.iota {dimensions = array<i32: 0>} : vector<16xi32>
    %add3A_1123 = arith.constant 0 : i32
    %add3A_1124 = vector.broadcast %add3A_1123 : i32 to vector<16xi32>
    %add3A_1125 = arith.addi %add3A_1124, %iota3A_1122 : vector<16xi32>
    %gather3A_1126 = arith.constant 7 : i32
    %gather3A_1127 = arith.constant 0 : i32
    %gather3A_1128 = arith.constant 0 : i32
    %gather3A_1129 = tpu.memref_slice %arg7[%gather3A_1126, %gather3A_1127, %gather3A_1128] : memref<9x64x128xf32, #tpu.memory_space<vmem>> -> memref<1x64x128xf32, #tpu.memory_space<vmem>>
    %gather3A_1130 = tpu.memref_squeeze %gather3A_1129 : memref<1x64x128xf32, #tpu.memory_space<vmem>> -> memref<64x128xf32, #tpu.memory_space<vmem>>
    %gather3A_1131 = tpu.vector_load_idx %gather3A_1130[%add3A_1125, %broadcast_in_dim3A_1109] : memref<64x128xf32, #tpu.memory_space<vmem>>[vector<16xi32>, vector<16xi32>], vector<16xf32>,
    %gather3A_1132 = tpu.vector_load_idx %arg8[%add3A_1125, %broadcast_in_dim3A_1116] : memref<64x64xf32, #tpu.memory_space<vmem>>[vector<16xi32>, vector<16xi32>], vector<16xf32>,
    %select_n3A_1133 = arith.select %broadcast_in_dim3A_1121, %gather3A_1132, %gather3A_1131 : vector<16xi1>, vector<16xf32>
    tpu.vector_store_idx %arg9[%add3A_1125, %broadcast_in_dim3A_1118], %select_n3A_1133 : memref<64x256xf32, #tpu.memory_space<vmem>>[vector<16xi32>, vector<16xi32>], vector<16xf32>,
    %iota3A_1134 = tpu.iota {dimensions = array<i32: 0>} : vector<16xi32>
    %add3A_1135 = arith.constant 16 : i32
    %add3A_1136 = vector.broadcast %add3A_1135 : i32 to vector<16xi32>
    %add3A_1137 = arith.addi %add3A_1136, %iota3A_1134 : vector<16xi32>
    %gather3A_1138 = arith.constant 7 : i32
    %gather3A_1139 = arith.constant 0 : i32
    %gather3A_1140 = arith.constant 0 : i32
    %gather3A_1141 = tpu.memref_slice %arg7[%gather3A_1138, %gather3A_1139, %gather3A_1140] : memref<9x64x128xf32, #tpu.memory_space<vmem>> -> memref<1x64x128xf32, #tpu.memory_space<vmem>>
    %gather3A_1142 = tpu.memref_squeeze %gather3A_1141 : memref<1x64x128xf32, #tpu.memory_space<vmem>> -> memref<64x128xf32, #tpu.memory_space<vmem>>
    %gather3A_1143 = tpu.vector_load_idx %gather3A_1142[%add3A_1137, %broadcast_in_dim3A_1109] : memref<64x128xf32, #tpu.memory_space<vmem>>[vector<16xi32>, vector<16xi32>], vector<16xf32>,
    %gather3A_1144 = tpu.vector_load_idx %arg8[%add3A_1137, %broadcast_in_dim3A_1116] : memref<64x64xf32, #tpu.memory_space<vmem>>[vector<16xi32>, vector<16xi32>], vector<16xf32>,
    %select_n3A_1145 = arith.select %broadcast_in_dim3A_1121, %gather3A_1144, %gather3A_1143 : vector<16xi1>, vector<16xf32>
    tpu.vector_store_idx %arg9[%add3A_1137, %broadcast_in_dim3A_1118], %select_n3A_1145 : memref<64x256xf32, #tpu.memory_space<vmem>>[vector<16xi32>, vector<16xi32>], vector<16xf32>,
    %iota3A_1146 = tpu.iota {dimensions = array<i32: 0>} : vector<16xi32>
    %add3A_1147 = arith.constant 32 : i32
    %add3A_1148 = vector.broadcast %add3A_1147 : i32 to vector<16xi32>
    %add3A_1149 = arith.addi %add3A_1148, %iota3A_1146 : vector<16xi32>
    %gather3A_1150 = arith.constant 7 : i32
    %gather3A_1151 = arith.constant 0 : i32
    %gather3A_1152 = arith.constant 0 : i32
    %gather3A_1153 = tpu.memref_slice %arg7[%gather3A_1150, %gather3A_1151, %gather3A_1152] : memref<9x64x128xf32, #tpu.memory_space<vmem>> -> memref<1x64x128xf32, #tpu.memory_space<vmem>>
    %gather3A_1154 = tpu.memref_squeeze %gather3A_1153 : memref<1x64x128xf32, #tpu.memory_space<vmem>> -> memref<64x128xf32, #tpu.memory_space<vmem>>
    %gather3A_1155 = tpu.vector_load_idx %gather3A_1154[%add3A_1149, %broadcast_in_dim3A_1109] : memref<64x128xf32, #tpu.memory_space<vmem>>[vector<16xi32>, vector<16xi32>], vector<16xf32>,
    %gather3A_1156 = tpu.vector_load_idx %arg8[%add3A_1149, %broadcast_in_dim3A_1116] : memref<64x64xf32, #tpu.memory_space<vmem>>[vector<16xi32>, vector<16xi32>], vector<16xf32>,
    %select_n3A_1157 = arith.select %broadcast_in_dim3A_1121, %gather3A_1156, %gather3A_1155 : vector<16xi1>, vector<16xf32>
    tpu.vector_store_idx %arg9[%add3A_1149, %broadcast_in_dim3A_1118], %select_n3A_1157 : memref<64x256xf32, #tpu.memory_space<vmem>>[vector<16xi32>, vector<16xi32>], vector<16xf32>,
    %iota3A_1158 = tpu.iota {dimensions = array<i32: 0>} : vector<16xi32>
    %add3A_1159 = arith.constant 48 : i32
    %add3A_1160 = vector.broadcast %add3A_1159 : i32 to vector<16xi32>
    %add3A_1161 = arith.addi %add3A_1160, %iota3A_1158 : vector<16xi32>
    %gather3A_1162 = arith.constant 7 : i32
    %gather3A_1163 = arith.constant 0 : i32
    %gather3A_1164 = arith.constant 0 : i32
    %gather3A_1165 = tpu.memref_slice %arg7[%gather3A_1162, %gather3A_1163, %gather3A_1164] : memref<9x64x128xf32, #tpu.memory_space<vmem>> -> memref<1x64x128xf32, #tpu.memory_space<vmem>>
    %gather3A_1166 = tpu.memref_squeeze %gather3A_1165 : memref<1x64x128xf32, #tpu.memory_space<vmem>> -> memref<64x128xf32, #tpu.memory_space<vmem>>
    %gather3A_1167 = tpu.vector_load_idx %gather3A_1166[%add3A_1161, %broadcast_in_dim3A_1109] : memref<64x128xf32, #tpu.memory_space<vmem>>[vector<16xi32>, vector<16xi32>], vector<16xf32>,
    %gather3A_1168 = tpu.vector_load_idx %arg8[%add3A_1161, %broadcast_in_dim3A_1116] : memref<64x64xf32, #tpu.memory_space<vmem>>[vector<16xi32>, vector<16xi32>], vector<16xf32>,
    %select_n3A_1169 = arith.select %broadcast_in_dim3A_1121, %gather3A_1168, %gather3A_1167 : vector<16xi1>, vector<16xf32>
    tpu.vector_store_idx %arg9[%add3A_1161, %broadcast_in_dim3A_1118], %select_n3A_1169 : memref<64x256xf32, #tpu.memory_space<vmem>>[vector<16xi32>, vector<16xi32>], vector<16xf32>,
    %add3A_1170 = arith.constant 256 : i32
    %add3A_1171 = arith.addi %mul3A_2, %add3A_1170 : i32
    %multiple_of3A_1172 = tpu.assume_multiple %add3A_1171, 128 : i32
    "tpu.region"() ({
      %run_scoped3A_1173 = tpu.sem_alloc : memref<!tpu.dma_semaphore, #tpu.memory_space<semaphore_mem>>
      %dma_start3A_1174 = arith.constant 0 : i32
      %dma_start3A_1175 = tpu.memref_slice %arg5[%dma_start3A_1174, %multiple_of3A_1172] : memref<64x16384xf32, #tpu.memory_space<hbm>> -> memref<64x256xf32, #tpu.memory_space<hbm>>
      %dma_start3A_1176 = arith.constant 0 : i32
      %dma_start3A_1177 = tpu.memref_slice %arg5[%dma_start3A_1176, %multiple_of3A_1172] : memref<64x16384xf32, #tpu.memory_space<hbm>> -> memref<64x256xf32, #tpu.memory_space<hbm>>
      tpu.enqueue_dma source(%arg9 : memref<64x256xf32, #tpu.memory_space<vmem>>) target(%dma_start3A_1177 : memref<64x256xf32, #tpu.memory_space<hbm>>) target_semaphore(%run_scoped3A_1173 : memref<!tpu.dma_semaphore, #tpu.memory_space<semaphore_mem>>)
      %dma_wait3A_1178 = arith.constant 0 : i32
      %dma_wait3A_1179 = tpu.memref_slice %arg5[%dma_wait3A_1178, %multiple_of3A_1172] : memref<64x16384xf32, #tpu.memory_space<hbm>> -> memref<64x256xf32, #tpu.memory_space<hbm>>
      %dma_wait3A_1180 = arith.constant 0 : i32
      %dma_wait3A_1181 = tpu.memref_slice %arg5[%dma_wait3A_1180, %multiple_of3A_1172] : memref<64x16384xf32, #tpu.memory_space<hbm>> -> memref<64x256xf32, #tpu.memory_space<hbm>>
      tpu.wait_dma2 semaphore(%run_scoped3A_1173 : memref<!tpu.dma_semaphore, #tpu.memory_space<semaphore_mem>>) src(%arg9 : memref<64x256xf32, #tpu.memory_space<vmem>>) dst(%dma_wait3A_1181 : memref<64x256xf32, #tpu.memory_space<hbm>>)
      tpu.yield
    }) : () -> ()
    return
  }
}

</mosaic_0001>

<sc_bundles>
// kernel: kernel.3.cloned.1.call-start
scs
__scs_entry_jumppad:
0x0: {  	(pc) =	sbr.rel $0x88, $3  }
0x1: {  	(tag) =	ssettag $0x0;
	lr =	simm.s32 $0x1  }
0x2: {  	[smem:$0x3F9F] =	sst lr;
	_ =	strace $0xD0000000  }
0x3: {  	_ = 	snop  }
0x4: {  	_ = 	snop  }
0x5: {  	_ = 	snop  }
0x6: {  	_ = 	snop  }
0x7: {  	_ = 	snop  }
__scs_overlays_trampoline_lowered:
0x8: {  	[smem:$0x3FAE] =	sst s0  }
0x9: {  	[smem:$0x3FAF] =	sst s1  }
0xa: {  	[smem:$0x3FB0] =	sst s2  }
0xb: {  	[smem:$0x3FB1] =	sst s3  }
0xc: {  	[smem:$0x3FB2] =	sst s4  }
0xd: {  	[smem:$0x3FB3] =	sst s5  }
0xe: {  	[smem:$0x3FB4] =	sst s6  }
0xf: {  	[smem:$0x3FB5] =	sst s7  }
0x10: {  	[smem:$0x3FB6] =	sst s8  }
0x11: {  	[smem:$0x3FB7] =	sst s9;
	s0 =	simm.s32 @!p0 $0x0  }
0x12: {  	s1 =	sld [smem:$0x3F9D];
	s0 =	simm.s32 @p0 $0x1  }
0x13: {  	[smem:$0x3FB8] =	sst s0;
	s0 =	simm.s32 @!p1 $0x0  }
0x14: {  	s2 =	sld [smem:$0x3F9C];
	s0 =	simm.s32 @p1 $0x1  }
0x15: {  	[smem:$0x3FB9] =	sst s0;
	s0 =	simm.s32 @!p2 $0x0  }
0x16: {  	s3 =	sld [smem:$0x3FDB];
	s0 =	simm.s32 @p2 $0x1  }
0x17: {  	s4 =	simm.s32 $0x1BF5;
	[smem:$0x3FBB] =	sst s0  }
0x18: {  	s0 =	sld [smem:$0x3F9E];
	_ =	swait.ge [sflag:s4], $0x0  }
0x19: {  	s7 =	sld [smem:$0x3F9F]  }
0x1a: {  	s8 =	sadd.s32 $0xFFFFE003, lr  }
0x1b: {  	s9 =	sadd.s32 $0xFFFFFEF7, lr;
	s5 =	simm.s32 $0xFFFFFFFF;
	p2 =	slt.u32 s8, $0xFFFFF086  }
0x1c: {  	p1 =	slt.u32 s9, $0xF7A;
	s5 =	simm.s32 @!p2 $0x0  }
0x1d: {  	s5 =	simm.s32 @p1 $0x1;
	p0 =	seq.s32 s7, s2  }
0x1e: {  	s7 =	smul.u32 @!p0 $0xF7A, s2;
	p2 =	seq.s32 @!p0 s5, $0x0  }
0x1f: {  	s9 =	smul.u32 $0xF7A, s1;
	s8 =	simm.s32 @!p0 $0x1BF5;
	p2 =	por !p2, p0  }
0x20: {  	[sflag:s8] =	ssyncset.s32 @!p0 $0xFFFFF086;
	s6 =	sadd.s32 @!p0 s3, s7;
	s7 =	simm.s32 @!p0 $0x108  }
0x21: {  	s3 =	sadd.s32 s3, s9;
	s6 =	sadd.s32 @!p0 $0x88, s6;
	s7 =	simm.s32 @p2 $0x1082  }
0x22: {  	[simem:s7], [sflag:s8] =	dma.local @!p0 [hbm:s6], $0xF7A  }
0x23: {  	s9 =	sor.u32 $0xD0000000, s2;
	s6 =	simm.s32 $0x108;
	_ =	swait.ge @!p0 [sflag:s8], $0x0  }
0x24: {  	s3 =	sadd.s32 $0x88, s3;
	s6 =	simm.s32 @!p1 $0x1082;
	[sflag:s4] =	ssyncset.s32 $0xFFFFF086  }
0x25: {  	[simem:s6], [sflag:s4] =	dma.local [hbm:s3], $0xF7A  }
0x26: {  	[smem:$0x3F9F] =	sst s1;
	(tag) =	ssettag s2;
	_ =	strace s9  }
0x27: {  	s1 =	sld [smem:$0x3FAF]  }
0x28: {  	s2 =	sld [smem:$0x3FB0]  }
0x29: {  	s4 =	sld [smem:$0x3FB2]  }
0x2a: {  	p0 =	seq.s32 s5, $0x0;
	s5 =	sld [smem:$0x3FB3]  }
0x2b: {  	s6 =	sld [smem:$0x3FB4]  }
0x2c: {  	s7 =	sld [smem:$0x3FB5]  }
0x2d: {  	s3 =	simm.s32 $0x108;
	s8 =	sld [smem:$0x3FB6]  }
0x2e: {  	s3 =	simm.s32 @!p0 $0x1082;
	s9 =	sld [smem:$0x3FB7]  }
0x2f: {  	lr =	sadd.s32 s0, s3;
	s0 =	sld [smem:$0x3FAE]  }
0x30: {  	s3 =	sld [smem:$0x3FB1]  }
0x31: {  	[smem:$0x3FBA] =	sst s10  }
0x32: {  	s10 =	sld [smem:$0x3FB8];
	_ =	sdelay $0x3  }
0x33: {  	p0 =	seq.s32 s10, $0x1;
	s10 =	sld [smem:$0x3FBA];
	_ =	sdelay $0x3  }
0x34: {  	[smem:$0x3FBA] =	sst s10  }
0x35: {  	s10 =	sld [smem:$0x3FB9];
	_ =	sdelay $0x3  }
0x36: {  	p1 =	seq.s32 s10, $0x1;
	s10 =	sld [smem:$0x3FBA];
	_ =	sdelay $0x3  }
0x37: {  	[smem:$0x3FBA] =	sst s10  }
0x38: {  	s10 =	sld [smem:$0x3FBB]  }
0x39: {  	_ = 	snop;
	(pc) =	sbr.ind lr, $3  }
0x3a: {  	_ = 	snop  }
0x3b: {  	_ = 	snop  }
0x3c: {  	p2 =	seq.s32 s10, $0x1;
	s10 =	sld [smem:$0x3FBA]  }
0x3d: {  	_ =	shalt  }
0x3e: {  	_ =	shalt  }
0x3f: {  	_ =	shalt  }
0x40: {  	_ =	shalt  }
0x41: {  	_ =	shalt  }
0x42: {  	_ =	shalt  }
0x43: {  	_ =	shalt  }
0x44: {  	_ =	shalt  }
0x45: {  	_ =	shalt  }
0x46: {  	_ =	shalt  }
0x47: {  	_ =	shalt  }
0x48: {  	_ =	shalt  }
0x49: {  	_ =	shalt  }
0x4a: {  	_ =	shalt  }
0x4b: {  	_ =	shalt  }
0x4c: {  	_ =	shalt  }
0x4d: {  	_ =	shalt  }
0x4e: {  	_ =	shalt  }
0x4f: {  	_ =	shalt  }
0x50: {  	_ =	shalt  }
0x51: {  	_ =	shalt  }
0x52: {  	_ =	shalt  }
0x53: {  	_ =	shalt  }
0x54: {  	_ =	shalt  }
0x55: {  	_ =	shalt  }
0x56: {  	_ =	shalt  }
0x57: {  	_ =	shalt  }
0x58: {  	_ =	shalt  }
0x59: {  	_ =	shalt  }
0x5a: {  	_ =	shalt  }
0x5b: {  	_ =	shalt  }
0x5c: {  	_ =	shalt  }
0x5d: {  	_ =	shalt  }
0x5e: {  	_ =	shalt  }
0x5f: {  	_ =	shalt  }
0x60: {  	_ =	shalt  }
0x61: {  	_ =	shalt  }
0x62: {  	_ =	shalt  }
0x63: {  	_ =	shalt  }
0x64: {  	_ =	shalt  }
0x65: {  	_ =	shalt  }
0x66: {  	_ =	shalt  }
0x67: {  	_ =	shalt  }
0x68: {  	_ =	shalt  }
0x69: {  	_ =	shalt  }
0x6a: {  	_ =	shalt  }
0x6b: {  	_ =	shalt  }
0x6c: {  	_ =	shalt  }
0x6d: {  	_ =	shalt  }
0x6e: {  	_ =	shalt  }
0x6f: {  	_ =	shalt  }
0x70: {  	_ =	shalt  }
0x71: {  	_ =	shalt  }
0x72: {  	_ =	shalt  }
0x73: {  	_ =	shalt  }
0x74: {  	_ =	shalt  }
0x75: {  	_ =	shalt  }
0x76: {  	_ =	shalt  }
0x77: {  	_ =	shalt  }
0x78: {  	_ =	shalt  }
0x79: {  	_ =	shalt  }
0x7a: {  	_ =	shalt  }
0x7b: {  	_ =	shalt  }
0x7c: {  	_ =	shalt  }
0x7d: {  	_ =	shalt  }
0x7e: {  	_ =	shalt  }
0x7f: {  	_ =	shalt  }
0x80: {  	_ =	shalt  }
0x81: {  	_ =	shalt  }
0x82: {  	_ =	shalt  }
0x83: {  	_ =	shalt  }
0x84: {  	_ =	shalt  }
0x85: {  	_ =	shalt  }
0x86: {  	_ =	shalt  }
0x87: {  	_ =	shalt  }
.Lfunc_end0:
.L_simem_size_0:
called_computation_lowered:
.L_overlay_start_0:
0x88: {  	s2 =	sld [smem:$0x3FD9]  }
0x89: {  	s3 =	sld [smem:$0x3FFE];
	_ =	sdelay $0x1  }
0x8a: {  	s1 =	srdreg.scid  }
0x8b: {  	s0 =	sand.u32 $0x1, s1  }
0x8c: {  	s17 =	sshll.u32 s0, $0xA;
	s2 =	sadd.s32 s3, s2  }
0x8d: {  	s2 =	sadd.s32 s2, s17  }
0x8e: {  	[smem:$0x3FC6] =	sst s2  }
0x8f: {  	_ = 	snop  }
0x90: {  	s2 =	sld [smem:$0x3FC8]  }
0x91: {  	s18 =	sld [smem:$0x3FD0];
	(tm) =	ssettm $0x1  }
0x92: {  	s4 =	sld [smem:$0x3FFB];
	_ =	sdelay $0x3  }
0x93: {  	_ =	strace s4  }
0x94: {  	s4 =	sld [smem:$0x3FFC];
	_ =	sdelay $0x3  }
0x95: {  	_ =	strace s4  }
0x96: {  	s4 =	sld [smem:$0x3FFD];
	_ =	sdelay $0x3  }
0x97: {  	_ =	strace s4  }
0x98: {  	_ =	strace $0x8FFFFFFF  }
0x99: {  	s19 =	sld [smem:$0x3FDB];
	_ =	sdelay $0x1  }
0x9a: {  	s5 =	simm.s32 $_scs_section_size  }
0x9b: {  	s6 =	simm.s32 $_size__tile_overlayer_lowered;
	s7 =	simm.s32 $_tile_overlayer_lowered  }
0x9c: {  	s22 =	simm.s32 $0x1BFF;
	s21 =	sshll.u32 s7, $0x1;
	s4 =	sadd.s32 s5, s19  }
0x9d: {  	s8 =	simm.s32 $0x0;
	s20 =	sshll.u32 s6, $0x1;
	s6 =	sadd.s32 s21, s4  }
0x9e: {  	[timem:s8], [sflag:s22] =	dma.local [hbm:s6], s20  }
0x9f: {  	_ =	swait.ge [sflag:s22], s20  }
0xa0: {  	s5 =	ssub.s32 $0x0, s20;
	[sflag:s22] =	ssyncset.done $0x0  }
0xa1: {  	[sflag:s22] =	ssyncadd.s32 s5;
	_ =	sdelay $0x1  }
0xa2: {  	s23 =	simm.s32 $0x1B8B  }
0xa3: {  	_ =	swait.ge [sflag:s23], $0x1  }
0xa4: {  	[sflag:s23] =	ssyncset.done $0x0  }
0xa5: {  	s25 =	simm.s32 $0x1B8E;
	s24 =	sld [smem:$0x3FFE];
	[sflag:s23] =	ssyncadd.s32 $0xFFFFFFFF  }
0xa6: {  	s26 =	simm.s32 $execute0_lowered;
	[smem:$0x3FD2] =	sst s25  }
0xa7: {  	s6 =	sshll.u32 s26, $0x1;
	_ =	strace $0x80000046;
	[dreg:$0x1] =	wrdreg $0xFFFFFFFF  }
0xa8: {  	s28 =	simm.s32 $_size_execute0_lowered;
	s4 =	sadd.s32 s4, s6;
	[dreg:$0x0] =	wrdreg $0x0  }
0xa9: {  	s6 =	sshll.u32 s28, $0x1;
	[dreg:$0x2] =	wrdreg s4  }
0xaa: {  	[dreg:$0x3] =	wrdreg s6  }
0xab: {  	[dreg:$0x4] =	wrdreg $0xC0  }
0xac: {  	_ =	task [dreg:s8], $0x5FFFF  }
0xad: {  	[dreg:$0x1] =	wrdreg $0xFFFFFFFF  }
0xae: {  	[dreg:$0x0] =	wrdreg $0x60  }
0xaf: {  	[dreg:$0x2] =	wrdreg s24  }
0xb0: {  	[dreg:$0x3] =	wrdreg s2  }
0xb1: {  	[dreg:$0x4] =	wrdreg s18  }
0xb2: {  	[dreg:$0x5] =	wrdreg $0x9  }
0xb3: {  	_ =	task.clear_ibuf [dreg:s8], $0x6FFFF;
	_ =	strace $0x90000046  }
0xb4: {  	s29 =	simm.s32 $0x9;
	_ =	strace $0x80000048  }
0xb5: {  	_ =	swait.ge [sflag:s29], $0x1  }
0xb6: {  	[sflag:s29] =	ssyncadd.s32 $0xFFFFFFFF  }
0xb7: {  	_ =	strace $0x90000048  }
0xb8: {  	_ =	sfence  }
0xb9: {  	s30 =	sld [smem:$0x0];
	_ =	sdelay $0x2  }
0xba: {  	s31 =	sshll.u32 s1, $0xD;
	s1 =	sshrl.u32 s1, $0x2  }
0xbb: {  	s3 =	sand.u32 $0x4000, s31;
	s1 =	sadd.s32 s1, s30  }
0xbc: {  	s0 =	sor.u32 s3, s0;
	s1 =	sshll.u32 s1, $0x11  }
0xbd: {  	s0 =	sor.u32 s1, s0  }
0xbe: {  	s0 =	sadd.s32 $0x8F2B, s0  }
0xbf: {  	[sflag:s0] =	ssyncadd.remote.s32 $0x1  }
0xc0: {  	_ =	sfence.sel $0xFFFF  }
0xc1: {  	[dreg:$0x0] =	wrdreg $0xFFFFFFFF;
	(pc) =	sbr.abs _section_cstart, $3  }
0xc2: {  	[dreg:$0x1] =	wrdreg $0xFFFFFFFF  }
0xc3: {  	_ =	task.clear_ibuf [dreg:s8], $0x2FFFF;
	_ =	strace $0x9FFFFFFF  }
0xc4: {  	(tm) =	ssettm $0x7FFFFFFF  }
0xc5: {  	_ =	shalt  }
tec
execute0_lowered:
.L_overlay_start_1:
0x0: {  	(tag) =	ssettag $0x1  }
0x1: {  	v0 =	vimm.s32 $0xB80;
	vm14 =	vcmask $0x300  }
0x2: {  	vm13 =	vcmask $0x704;
	vm12 =	vcmask $0xB08;
	vm11 =	vcmask $0xF0C  }
0x3: {  	vm10 =	vcmask $0x1310;
	vm9 =	vcmask $0x1714;
	vm8 =	vcmask $0x1B18  }
0x4: {  	v1 =	vlaneseq.u32;
	vm2 =	vcmask $0x1F1C;
	vm0 =	vcmask $0x2320  }
0x5: {  	v3 =	vimm.s32 $0x2B80;
	vm1 =	vcmask $0x2724;
	vm3 =	vcmask $0x2B28  }
0x6: {  	vm4 =	vcmask $0x2F2C;
	vm5 =	vcmask $0x3330;
	vm6 =	vcmask $0x3734  }
0x7: {  	vm7 =	vcmask $0x3B38;
	v7 =	vimm.s32 $0x3B80;
	v8 =	vimm.s32 $0xFF8  }
0x8: {  	v9 =	vimm.s32 $0x1FF8;
	v10 =	vimm.s32 $0x2FF8;
	v11 =	vimm.s32 $0x3FF8  }
0x9: {  	v12 =	vimm.s32 $0xFF9;
	v13 =	vimm.s32 $0x1FF9;
	v14 =	vimm.s32 $0x2FF9  }
0xa: {  	v15 =	vimm.s32 $0x3FF9;
	v16 =	vimm.s32 $0xFFA;
	v17 =	vimm.s32 $0x1FFA  }
0xb: {  	v18 =	vimm.s32 $0x2FFA;
	v19 =	vimm.s32 $0x3FFA;
	v20 =	vimm.s32 $0xFFB  }
0xc: {  	v21 =	vimm.s32 $0x1FFB;
	v22 =	vimm.s32 $0x2FFB;
	v23 =	vimm.s32 $0x3FFB  }
0xd: {  	v24 =	vimm.s32 $0xFFC;
	v25 =	vimm.s32 $0x1FFC;
	v26 =	vimm.s32 $0x2FFC  }
0xe: {  	v27 =	vimm.s32 $0x3FFC;
	v28 =	vimm.s32 $0xFFD;
	v29 =	vimm.s32 $0x1FFD  }
0xf: {  	v30 =	vimm.s32 $0x2FFD;
	v31 =	vimm.s32 $0x3FFD;
	v32 =	vimm.s32 $0xFFE  }
0x10: {  	v33 =	vimm.s32 $0x1FFE;
	v34 =	vimm.s32 $0x2FFE;
	v35 =	vimm.s32 $0x3FFE  }
0x11: {  	v36 =	vimm.s32 $0xFFF;
	v37 =	vimm.s32 $0x1FFF;
	v38 =	vimm.s32 $0x2FFF  }
0x12: {  	v39 =	vimm.s32 $0x3FFF;
	v0 =	vsel vm14, $0x0, v0;
	v3 =	vsel vm14, $0x2000, v3  }
0x13: {  	v7 =	vsel vm14, $0x3000, v7;
	v8 =	vsel vm14, $0x478, v8;
	v9 =	vsel vm14, $0x1478, v9  }
0x14: {  	v10 =	vsel vm14, $0x2478, v10;
	v11 =	vsel vm14, $0x3478, v11;
	v12 =	vsel vm14, $0x479, v12  }
0x15: {  	v13 =	vsel vm14, $0x1479, v13;
	v14 =	vsel vm14, $0x2479, v14;
	v15 =	vsel vm14, $0x3479, v15  }
0x16: {  	v16 =	vsel vm14, $0x47A, v16;
	v17 =	vsel vm14, $0x147A, v17;
	v18 =	vsel vm14, $0x247A, v18  }
0x17: {  	v19 =	vsel vm14, $0x347A, v19;
	v20 =	vsel vm14, $0x47B, v20;
	v21 =	vsel vm14, $0x147B, v21  }
0x18: {  	v22 =	vsel vm14, $0x247B, v22;
	v23 =	vsel vm14, $0x347B, v23;
	v24 =	vsel vm14, $0x47C, v24  }
0x19: {  	v25 =	vsel vm14, $0x147C, v25;
	v26 =	vsel vm14, $0x247C, v26;
	v27 =	vsel vm14, $0x347C, v27  }
0x1a: {  	v28 =	vsel vm14, $0x47D, v28;
	v29 =	vsel vm14, $0x147D, v29;
	v30 =	vsel vm14, $0x247D, v30  }
0x1b: {  	v31 =	vsel vm14, $0x347D, v31;
	v32 =	vsel vm14, $0x47E, v32;
	v33 =	vsel vm14, $0x147E, v33  }
0x1c: {  	v34 =	vsel vm14, $0x247E, v34;
	v35 =	vsel vm14, $0x347E, v35;
	v36 =	vsel vm14, $0x47F, v36  }
0x1d: {  	v37 =	vsel vm14, $0x147F, v37;
	v38 =	vsel vm14, $0x247F, v38;
	v39 =	vsel vm14, $0x347F, v39  }
0x1e: {  	v0 =	vsel vm13, $0x80, v0;
	v3 =	vsel vm13, $0x2080, v3;
	v7 =	vsel vm13, $0x3080, v7  }
0x1f: {  	v8 =	vsel vm13, $0x4F8, v8;
	v9 =	vsel vm13, $0x14F8, v9;
	v10 =	vsel vm13, $0x24F8, v10  }
0x20: {  	v11 =	vsel vm13, $0x34F8, v11;
	v12 =	vsel vm13, $0x4F9, v12;
	v13 =	vsel vm13, $0x14F9, v13  }
0x21: {  	v14 =	vsel vm13, $0x24F9, v14;
	v15 =	vsel vm13, $0x34F9, v15;
	v16 =	vsel vm13, $0x4FA, v16  }
0x22: {  	v17 =	vsel vm13, $0x14FA, v17;
	v18 =	vsel vm13, $0x24FA, v18;
	v19 =	vsel vm13, $0x34FA, v19  }
0x23: {  	v20 =	vsel vm13, $0x4FB, v20;
	v21 =	vsel vm13, $0x14FB, v21;
	v22 =	vsel vm13, $0x24FB, v22  }
0x24: {  	v23 =	vsel vm13, $0x34FB, v23;
	v24 =	vsel vm13, $0x4FC, v24;
	v25 =	vsel vm13, $0x14FC, v25  }
0x25: {  	v26 =	vsel vm13, $0x24FC, v26;
	v27 =	vsel vm13, $0x34FC, v27;
	v28 =	vsel vm13, $0x4FD, v28  }
0x26: {  	v29 =	vsel vm13, $0x14FD, v29;
	v30 =	vsel vm13, $0x24FD, v30;
	v31 =	vsel vm13, $0x34FD, v31  }
0x27: {  	v32 =	vsel vm13, $0x4FE, v32;
	v33 =	vsel vm13, $0x14FE, v33;
	v34 =	vsel vm13, $0x24FE, v34  }
0x28: {  	v35 =	vsel vm13, $0x34FE, v35;
	v36 =	vsel vm13, $0x4FF, v36;
	v37 =	vsel vm13, $0x14FF, v37  }
0x29: {  	v38 =	vsel vm13, $0x24FF, v38;
	v39 =	vsel vm13, $0x34FF, v39;
	v0 =	vsel vm12, $0x100, v0  }
0x2a: {  	v3 =	vsel vm12, $0x2100, v3;
	v7 =	vsel vm12, $0x3100, v7;
	v8 =	vsel vm12, $0x578, v8  }
0x2b: {  	v9 =	vsel vm12, $0x1578, v9;
	v10 =	vsel vm12, $0x2578, v10;
	v11 =	vsel vm12, $0x3578, v11  }
0x2c: {  	v12 =	vsel vm12, $0x579, v12;
	v13 =	vsel vm12, $0x1579, v13;
	v14 =	vsel vm12, $0x2579, v14  }
0x2d: {  	v15 =	vsel vm12, $0x3579, v15;
	v16 =	vsel vm12, $0x57A, v16;
	v17 =	vsel vm12, $0x157A, v17  }
0x2e: {  	v18 =	vsel vm12, $0x257A, v18;
	v19 =	vsel vm12, $0x357A, v19;
	v20 =	vsel vm12, $0x57B, v20  }
0x2f: {  	v21 =	vsel vm12, $0x157B, v21;
	v22 =	vsel vm12, $0x257B, v22;
	v23 =	vsel vm12, $0x357B, v23  }
0x30: {  	v24 =	vsel vm12, $0x57C, v24;
	v25 =	vsel vm12, $0x157C, v25;
	v26 =	vsel vm12, $0x257C, v26  }
0x31: {  	v27 =	vsel vm12, $0x357C, v27;
	v28 =	vsel vm12, $0x57D, v28;
	v29 =	vsel vm12, $0x157D, v29  }
0x32: {  	v30 =	vsel vm12, $0x257D, v30;
	v31 =	vsel vm12, $0x357D, v31;
	v32 =	vsel vm12, $0x57E, v32  }
0x33: {  	v33 =	vsel vm12, $0x157E, v33;
	v34 =	vsel vm12, $0x257E, v34;
	v35 =	vsel vm12, $0x357E, v35  }
0x34: {  	v36 =	vsel vm12, $0x57F, v36;
	v37 =	vsel vm12, $0x157F, v37;
	v38 =	vsel vm12, $0x257F, v38  }
0x35: {  	v39 =	vsel vm12, $0x357F, v39;
	v0 =	vsel vm11, $0x180, v0;
	v3 =	vsel vm11, $0x2180, v3  }
0x36: {  	v7 =	vsel vm11, $0x3180, v7;
	v8 =	vsel vm11, $0x5F8, v8;
	v9 =	vsel vm11, $0x15F8, v9  }
0x37: {  	v10 =	vsel vm11, $0x25F8, v10;
	v11 =	vsel vm11, $0x35F8, v11;
	v12 =	vsel vm11, $0x5F9, v12  }
0x38: {  	v13 =	vsel vm11, $0x15F9, v13;
	v14 =	vsel vm11, $0x25F9, v14;
	v15 =	vsel vm11, $0x35F9, v15  }
0x39: {  	v16 =	vsel vm11, $0x5FA, v16;
	v17 =	vsel vm11, $0x15FA, v17;
	v18 =	vsel vm11, $0x25FA, v18  }
0x3a: {  	v19 =	vsel vm11, $0x35FA, v19;
	v20 =	vsel vm11, $0x5FB, v20;
	v21 =	vsel vm11, $0x15FB, v21  }
0x3b: {  	v22 =	vsel vm11, $0x25FB, v22;
	v23 =	vsel vm11, $0x35FB, v23;
	v24 =	vsel vm11, $0x5FC, v24  }
0x3c: {  	v25 =	vsel vm11, $0x15FC, v25;
	v26 =	vsel vm11, $0x25FC, v26;
	v27 =	vsel vm11, $0x35FC, v27  }
0x3d: {  	v28 =	vsel vm11, $0x5FD, v28;
	v29 =	vsel vm11, $0x15FD, v29;
	v30 =	vsel vm11, $0x25FD, v30  }
0x3e: {  	v31 =	vsel vm11, $0x35FD, v31;
	v32 =	vsel vm11, $0x5FE, v32;
	v33 =	vsel vm11, $0x15FE, v33  }
0x3f: {  	v34 =	vsel vm11, $0x25FE, v34;
	v35 =	vsel vm11, $0x35FE, v35;
	v36 =	vsel vm11, $0x5FF, v36  }
0x40: {  	v37 =	vsel vm11, $0x15FF, v37;
	v38 =	vsel vm11, $0x25FF, v38;
	v39 =	vsel vm11, $0x35FF, v39  }
0x41: {  	v0 =	vsel vm10, $0x200, v0;
	v3 =	vsel vm10, $0x2200, v3;
	v7 =	vsel vm10, $0x3200, v7  }
0x42: {  	v8 =	vsel vm10, $0x678, v8;
	v9 =	vsel vm10, $0x1678, v9;
	v10 =	vsel vm10, $0x2678, v10  }
0x43: {  	v11 =	vsel vm10, $0x3678, v11;
	v12 =	vsel vm10, $0x679, v12;
	v13 =	vsel vm10, $0x1679, v13  }
0x44: {  	v14 =	vsel vm10, $0x2679, v14;
	v15 =	vsel vm10, $0x3679, v15;
	v16 =	vsel vm10, $0x67A, v16  }
0x45: {  	v17 =	vsel vm10, $0x167A, v17;
	v18 =	vsel vm10, $0x267A, v18;
	v19 =	vsel vm10, $0x367A, v19  }
0x46: {  	v20 =	vsel vm10, $0x67B, v20;
	v21 =	vsel vm10, $0x167B, v21;
	v22 =	vsel vm10, $0x267B, v22  }
0x47: {  	v23 =	vsel vm10, $0x367B, v23;
	v24 =	vsel vm10, $0x67C, v24;
	v25 =	vsel vm10, $0x167C, v25  }
0x48: {  	v26 =	vsel vm10, $0x267C, v26;
	v27 =	vsel vm10, $0x367C, v27;
	v28 =	vsel vm10, $0x67D, v28  }
0x49: {  	v29 =	vsel vm10, $0x167D, v29;
	v30 =	vsel vm10, $0x267D, v30;
	v31 =	vsel vm10, $0x367D, v31  }
0x4a: {  	v32 =	vsel vm10, $0x67E, v32;
	v33 =	vsel vm10, $0x167E, v33;
	v34 =	vsel vm10, $0x267E, v34  }
0x4b: {  	v35 =	vsel vm10, $0x367E, v35;
	v36 =	vsel vm10, $0x67F, v36;
	v37 =	vsel vm10, $0x167F, v37  }
0x4c: {  	v38 =	vsel vm10, $0x267F, v38;
	v39 =	vsel vm10, $0x367F, v39;
	v0 =	vsel vm9, $0x280, v0  }
0x4d: {  	v3 =	vsel vm9, $0x2280, v3;
	v7 =	vsel vm9, $0x3280, v7;
	v8 =	vsel vm9, $0x6F8, v8  }
0x4e: {  	v9 =	vsel vm9, $0x16F8, v9;
	v10 =	vsel vm9, $0x26F8, v10;
	v11 =	vsel vm9, $0x36F8, v11  }
0x4f: {  	v12 =	vsel vm9, $0x6F9, v12;
	v13 =	vsel vm9, $0x16F9, v13;
	v14 =	vsel vm9, $0x26F9, v14  }
0x50: {  	v15 =	vsel vm9, $0x36F9, v15;
	v16 =	vsel vm9, $0x6FA, v16;
	v17 =	vsel vm9, $0x16FA, v17  }
0x51: {  	v18 =	vsel vm9, $0x26FA, v18;
	v19 =	vsel vm9, $0x36FA, v19;
	v20 =	vsel vm9, $0x6FB, v20  }
0x52: {  	v21 =	vsel vm9, $0x16FB, v21;
	v22 =	vsel vm9, $0x26FB, v22;
	v23 =	vsel vm9, $0x36FB, v23  }
0x53: {  	v24 =	vsel vm9, $0x6FC, v24;
	v25 =	vsel vm9, $0x16FC, v25;
	v26 =	vsel vm9, $0x26FC, v26  }
0x54: {  	v27 =	vsel vm9, $0x36FC, v27;
	v28 =	vsel vm9, $0x6FD, v28;
	v29 =	vsel vm9, $0x16FD, v29  }
0x55: {  	v30 =	vsel vm9, $0x26FD, v30;
	v31 =	vsel vm9, $0x36FD, v31;
	v32 =	vsel vm9, $0x6FE, v32  }
0x56: {  	v33 =	vsel vm9, $0x16FE, v33;
	v34 =	vsel vm9, $0x26FE, v34;
	v35 =	vsel vm9, $0x36FE, v35  }
0x57: {  	v36 =	vsel vm9, $0x6FF, v36;
	v37 =	vsel vm9, $0x16FF, v37;
	v38 =	vsel vm9, $0x26FF, v38  }
0x58: {  	v39 =	vsel vm9, $0x36FF, v39;
	v2 =	vsel vm8, $0x300, v0;
	v0 =	vmul.u32 $0x80, v1  }
0x59: {  	v3 =	vsel vm8, $0x2300, v3;
	v7 =	vsel vm8, $0x3300, v7;
	v8 =	vsel vm8, $0x778, v8  }
0x5a: {  	v9 =	vsel vm8, $0x1778, v9;
	v10 =	vsel vm8, $0x2778, v10;
	v11 =	vsel vm8, $0x3778, v11  }
0x5b: {  	v12 =	vsel vm8, $0x779, v12;
	v13 =	vsel vm8, $0x1779, v13;
	v14 =	vsel vm8, $0x2779, v14  }
0x5c: {  	v15 =	vsel vm8, $0x3779, v15;
	v16 =	vsel vm8, $0x77A, v16;
	v17 =	vsel vm8, $0x177A, v17  }
0x5d: {  	v18 =	vsel vm8, $0x277A, v18;
	v19 =	vsel vm8, $0x377A, v19;
	v20 =	vsel vm8, $0x77B, v20  }
0x5e: {  	v21 =	vsel vm8, $0x177B, v21;
	v22 =	vsel vm8, $0x277B, v22;
	v23 =	vsel vm8, $0x377B, v23  }
0x5f: {  	v24 =	vsel vm8, $0x77C, v24;
	v25 =	vsel vm8, $0x177C, v25;
	v26 =	vsel vm8, $0x277C, v26  }
0x60: {  	v27 =	vsel vm8, $0x377C, v27;
	v28 =	vsel vm8, $0x77D, v28;
	v29 =	vsel vm8, $0x177D, v29  }
0x61: {  	v30 =	vsel vm8, $0x277D, v30;
	v31 =	vsel vm8, $0x377D, v31;
	v32 =	vsel vm8, $0x77E, v32  }
0x62: {  	v33 =	vsel vm8, $0x177E, v33;
	v34 =	vsel vm8, $0x277E, v34;
	v35 =	vsel vm8, $0x377E, v35  }
0x63: {  	v36 =	vsel vm8, $0x77F, v36;
	v37 =	vsel vm8, $0x177F, v37;
	v38 =	vsel vm8, $0x277F, v38  }
0x64: {  	v39 =	vsel vm8, $0x377F, v39;
	v1 =	vsel vm2, $0x380, v2;
	v2 =	vimm.s32 $0x1B80  }
0x65: {  	v3 =	vsel vm2, $0x2380, v3;
	v7 =	vsel vm2, $0x3380, v7;
	v8 =	vsel vm2, $0x7F8, v8  }
0x66: {  	v9 =	vsel vm2, $0x17F8, v9;
	v10 =	vsel vm2, $0x27F8, v10;
	v11 =	vsel vm2, $0x37F8, v11  }
0x67: {  	v12 =	vsel vm2, $0x7F9, v12;
	v13 =	vsel vm2, $0x17F9, v13;
	v14 =	vsel vm2, $0x27F9, v14  }
0x68: {  	v15 =	vsel vm2, $0x37F9, v15;
	v16 =	vsel vm2, $0x7FA, v16;
	v17 =	vsel vm2, $0x17FA, v17  }
0x69: {  	v18 =	vsel vm2, $0x27FA, v18;
	v19 =	vsel vm2, $0x37FA, v19;
	v20 =	vsel vm2, $0x7FB, v20  }
0x6a: {  	v21 =	vsel vm2, $0x17FB, v21;
	v22 =	vsel vm2, $0x27FB, v22;
	v23 =	vsel vm2, $0x37FB, v23  }
0x6b: {  	v24 =	vsel vm2, $0x7FC, v24;
	v25 =	vsel vm2, $0x17FC, v25;
	v26 =	vsel vm2, $0x27FC, v26  }
0x6c: {  	v27 =	vsel vm2, $0x37FC, v27;
	v28 =	vsel vm2, $0x7FD, v28;
	v29 =	vsel vm2, $0x17FD, v29  }
0x6d: {  	v30 =	vsel vm2, $0x27FD, v30;
	v31 =	vsel vm2, $0x37FD, v31;
	v32 =	vsel vm2, $0x7FE, v32  }
0x6e: {  	v33 =	vsel vm2, $0x17FE, v33;
	v34 =	vsel vm2, $0x27FE, v34;
	v35 =	vsel vm2, $0x37FE, v35  }
0x6f: {  	v36 =	vsel vm2, $0x7FF, v36;
	v37 =	vsel vm2, $0x17FF, v37;
	v38 =	vsel vm2, $0x27FF, v38  }
0x70: {  	v39 =	vsel vm2, $0x37FF, v39;
	v2 =	vsel vm14, $0x1000, v2;
	v1 =	vsel vm0, $0x800, v1  }
0x71: {  	v3 =	vsel vm0, $0x2800, v3;
	v6 =	vor.u32 $0x1800, v0;
	v7 =	vsel vm0, $0x3800, v7  }
0x72: {  	v8 =	vsel vm0, $0xC78, v8;
	v9 =	vsel vm0, $0x1C78, v9;
	v10 =	vsel vm0, $0x2C78, v10  }
0x73: {  	v11 =	vsel vm0, $0x3C78, v11;
	v12 =	vsel vm0, $0xC79, v12;
	v13 =	vsel vm0, $0x1C79, v13  }
0x74: {  	v14 =	vsel vm0, $0x2C79, v14;
	v15 =	vsel vm0, $0x3C79, v15;
	v16 =	vsel vm0, $0xC7A, v16  }
0x75: {  	v17 =	vsel vm0, $0x1C7A, v17;
	v18 =	vsel vm0, $0x2C7A, v18;
	v19 =	vsel vm0, $0x3C7A, v19  }
0x76: {  	v20 =	vsel vm0, $0xC7B, v20;
	v21 =	vsel vm0, $0x1C7B, v21;
	v22 =	vsel vm0, $0x2C7B, v22  }
0x77: {  	v23 =	vsel vm0, $0x3C7B, v23;
	v24 =	vsel vm0, $0xC7C, v24;
	v25 =	vsel vm0, $0x1C7C, v25  }
0x78: {  	v26 =	vsel vm0, $0x2C7C, v26;
	v27 =	vsel vm0, $0x3C7C, v27;
	v28 =	vsel vm0, $0xC7D, v28  }
0x79: {  	v29 =	vsel vm0, $0x1C7D, v29;
	v30 =	vsel vm0, $0x2C7D, v30;
	v31 =	vsel vm0, $0x3C7D, v31  }
0x7a: {  	v32 =	vsel vm0, $0xC7E, v32;
	v33 =	vsel vm0, $0x1C7E, v33;
	v34 =	vsel vm0, $0x2C7E, v34  }
0x7b: {  	v35 =	vsel vm0, $0x3C7E, v35;
	v36 =	vsel vm0, $0xC7F, v36;
	v37 =	vsel vm0, $0x1C7F, v37  }
0x7c: {  	v38 =	vsel vm0, $0x2C7F, v38;
	v39 =	vsel vm0, $0x3C7F, v39;
	v2 =	vsel vm13, $0x1080, v2  }
0x7d: {  	v1 =	vsel vm1, $0x880, v1;
	v3 =	vsel vm1, $0x2880, v3;
	v7 =	vsel vm1, $0x3880, v7  }
0x7e: {  	v8 =	vsel vm1, $0xCF8, v8;
	v9 =	vsel vm1, $0x1CF8, v9;
	v10 =	vsel vm1, $0x2CF8, v10  }
0x7f: {  	v11 =	vsel vm1, $0x3CF8, v11;
	v12 =	vsel vm1, $0xCF9, v12;
	v13 =	vsel vm1, $0x1CF9, v13  }
0x80: {  	v14 =	vsel vm1, $0x2CF9, v14;
	v15 =	vsel vm1, $0x3CF9, v15;
	v16 =	vsel vm1, $0xCFA, v16  }
0x81: {  	v17 =	vsel vm1, $0x1CFA, v17;
	v18 =	vsel vm1, $0x2CFA, v18;
	v19 =	vsel vm1, $0x3CFA, v19  }
0x82: {  	v20 =	vsel vm1, $0xCFB, v20;
	v21 =	vsel vm1, $0x1CFB, v21;
	v22 =	vsel vm1, $0x2CFB, v22  }
0x83: {  	v23 =	vsel vm1, $0x3CFB, v23;
	v24 =	vsel vm1, $0xCFC, v24;
	v25 =	vsel vm1, $0x1CFC, v25  }
0x84: {  	v26 =	vsel vm1, $0x2CFC, v26;
	v27 =	vsel vm1, $0x3CFC, v27;
	v28 =	vsel vm1, $0xCFD, v28  }
0x85: {  	v29 =	vsel vm1, $0x1CFD, v29;
	v30 =	vsel vm1, $0x2CFD, v30;
	v31 =	vsel vm1, $0x3CFD, v31  }
0x86: {  	v32 =	vsel vm1, $0xCFE, v32;
	v33 =	vsel vm1, $0x1CFE, v33;
	v34 =	vsel vm1, $0x2CFE, v34  }
0x87: {  	v35 =	vsel vm1, $0x3CFE, v35;
	v36 =	vsel vm1, $0xCFF, v36;
	v37 =	vsel vm1, $0x1CFF, v37  }
0x88: {  	v38 =	vsel vm1, $0x2CFF, v38;
	v39 =	vsel vm1, $0x3CFF, v39;
	v2 =	vsel vm12, $0x1100, v2  }
0x89: {  	v1 =	vsel vm3, $0x900, v1;
	v3 =	vsel vm3, $0x2900, v3;
	v7 =	vsel vm3, $0x3900, v7  }
0x8a: {  	v8 =	vsel vm3, $0xD78, v8;
	v9 =	vsel vm3, $0x1D78, v9;
	v10 =	vsel vm3, $0x2D78, v10  }
0x8b: {  	v11 =	vsel vm3, $0x3D78, v11;
	v12 =	vsel vm3, $0xD79, v12;
	v13 =	vsel vm3, $0x1D79, v13  }
0x8c: {  	v14 =	vsel vm3, $0x2D79, v14;
	v15 =	vsel vm3, $0x3D79, v15;
	v16 =	vsel vm3, $0xD7A, v16  }
0x8d: {  	v17 =	vsel vm3, $0x1D7A, v17;
	v18 =	vsel vm3, $0x2D7A, v18;
	v19 =	vsel vm3, $0x3D7A, v19  }
0x8e: {  	v20 =	vsel vm3, $0xD7B, v20;
	v21 =	vsel vm3, $0x1D7B, v21;
	v22 =	vsel vm3, $0x2D7B, v22  }
0x8f: {  	v23 =	vsel vm3, $0x3D7B, v23;
	v24 =	vsel vm3, $0xD7C, v24;
	v25 =	vsel vm3, $0x1D7C, v25  }
0x90: {  	v26 =	vsel vm3, $0x2D7C, v26;
	v27 =	vsel vm3, $0x3D7C, v27;
	v28 =	vsel vm3, $0xD7D, v28  }
0x91: {  	v29 =	vsel vm3, $0x1D7D, v29;
	v30 =	vsel vm3, $0x2D7D, v30;
	v31 =	vsel vm3, $0x3D7D, v31  }
0x92: {  	v32 =	vsel vm3, $0xD7E, v32;
	v33 =	vsel vm3, $0x1D7E, v33;
	v34 =	vsel vm3, $0x2D7E, v34  }
0x93: {  	v35 =	vsel vm3, $0x3D7E, v35;
	v36 =	vsel vm3, $0xD7F, v36;
	v37 =	vsel vm3, $0x1D7F, v37  }
0x94: {  	v38 =	vsel vm3, $0x2D7F, v38;
	v39 =	vsel vm3, $0x3D7F, v39;
	v2 =	vsel vm11, $0x1180, v2  }
0x95: {  	v1 =	vsel vm4, $0x980, v1;
	v3 =	vsel vm4, $0x2980, v3;
	v7 =	vsel vm4, $0x3980, v7  }
0x96: {  	v8 =	vsel vm4, $0xDF8, v8;
	v9 =	vsel vm4, $0x1DF8, v9;
	v10 =	vsel vm4, $0x2DF8, v10  }
0x97: {  	v11 =	vsel vm4, $0x3DF8, v11;
	v12 =	vsel vm4, $0xDF9, v12;
	v13 =	vsel vm4, $0x1DF9, v13  }
0x98: {  	v14 =	vsel vm4, $0x2DF9, v14;
	v15 =	vsel vm4, $0x3DF9, v15;
	v16 =	vsel vm4, $0xDFA, v16  }
0x99: {  	v17 =	vsel vm4, $0x1DFA, v17;
	v18 =	vsel vm4, $0x2DFA, v18;
	v19 =	vsel vm4, $0x3DFA, v19  }
0x9a: {  	v20 =	vsel vm4, $0xDFB, v20;
	v21 =	vsel vm4, $0x1DFB, v21;
	v22 =	vsel vm4, $0x2DFB, v22  }
0x9b: {  	v23 =	vsel vm4, $0x3DFB, v23;
	v24 =	vsel vm4, $0xDFC, v24;
	v25 =	vsel vm4, $0x1DFC, v25  }
0x9c: {  	v26 =	vsel vm4, $0x2DFC, v26;
	v27 =	vsel vm4, $0x3DFC, v27;
	v28 =	vsel vm4, $0xDFD, v28  }
0x9d: {  	v29 =	vsel vm4, $0x1DFD, v29;
	v30 =	vsel vm4, $0x2DFD, v30;
	v31 =	vsel vm4, $0x3DFD, v31  }
0x9e: {  	v32 =	vsel vm4, $0xDFE, v32;
	v33 =	vsel vm4, $0x1DFE, v33;
	v34 =	vsel vm4, $0x2DFE, v34  }
0x9f: {  	v35 =	vsel vm4, $0x3DFE, v35;
	v36 =	vsel vm4, $0xDFF, v36;
	v37 =	vsel vm4, $0x1DFF, v37  }
0xa0: {  	v38 =	vsel vm4, $0x2DFF, v38;
	v39 =	vsel vm4, $0x3DFF, v39;
	v2 =	vsel vm10, $0x1200, v2  }
0xa1: {  	v1 =	vsel vm5, $0xA00, v1;
	v5 =	vsel vm5, $0x2A00, v3;
	v7 =	vsel vm5, $0x3A00, v7  }
0xa2: {  	v8 =	vsel vm5, $0xE78, v8;
	v9 =	vsel vm5, $0x1E78, v9;
	v10 =	vsel vm5, $0x2E78, v10  }
0xa3: {  	v11 =	vsel vm5, $0x3E78, v11;
	v12 =	vsel vm5, $0xE79, v12;
	v13 =	vsel vm5, $0x1E79, v13  }
0xa4: {  	v14 =	vsel vm5, $0x2E79, v14;
	v15 =	vsel vm5, $0x3E79, v15;
	v16 =	vsel vm5, $0xE7A, v16  }
0xa5: {  	v17 =	vsel vm5, $0x1E7A, v17;
	v18 =	vsel vm5, $0x2E7A, v18;
	v19 =	vsel vm5, $0x3E7A, v19  }
0xa6: {  	v20 =	vsel vm5, $0xE7B, v20;
	v21 =	vsel vm5, $0x1E7B, v21;
	v22 =	vsel vm5, $0x2E7B, v22  }
0xa7: {  	v23 =	vsel vm5, $0x3E7B, v23;
	v24 =	vsel vm5, $0xE7C, v24;
	v25 =	vsel vm5, $0x1E7C, v25  }
0xa8: {  	v26 =	vsel vm5, $0x2E7C, v26;
	v27 =	vsel vm5, $0x3E7C, v27;
	v28 =	vsel vm5, $0xE7D, v28  }
0xa9: {  	v29 =	vsel vm5, $0x1E7D, v29;
	v30 =	vsel vm5, $0x2E7D, v30;
	v31 =	vsel vm5, $0x3E7D, v31  }
0xaa: {  	v32 =	vsel vm5, $0xE7E, v32;
	v33 =	vsel vm5, $0x1E7E, v33;
	v34 =	vsel vm5, $0x2E7E, v34  }
0xab: {  	v35 =	vsel vm5, $0x3E7E, v35;
	v36 =	vsel vm5, $0xE7F, v36;
	v37 =	vsel vm5, $0x1E7F, v37  }
0xac: {  	v38 =	vsel vm5, $0x2E7F, v38;
	v39 =	vsel vm5, $0x3E7F, v39;
	v2 =	vsel vm9, $0x1280, v2  }
0xad: {  	v1 =	vsel vm6, $0xA80, v1;
	v5 =	vsel vm6, $0x2A80, v5;
	v7 =	vsel vm6, $0x3A80, v7  }
0xae: {  	v8 =	vsel vm6, $0xEF8, v8;
	v9 =	vsel vm6, $0x1EF8, v9;
	v10 =	vsel vm6, $0x2EF8, v10  }
0xaf: {  	v11 =	vsel vm6, $0x3EF8, v11;
	v12 =	vsel vm6, $0xEF9, v12;
	v13 =	vsel vm6, $0x1EF9, v13  }
0xb0: {  	v14 =	vsel vm6, $0x2EF9, v14;
	v15 =	vsel vm6, $0x3EF9, v15;
	v16 =	vsel vm6, $0xEFA, v16  }
0xb1: {  	v17 =	vsel vm6, $0x1EFA, v17;
	v18 =	vsel vm6, $0x2EFA, v18;
	v19 =	vsel vm6, $0x3EFA, v19  }
0xb2: {  	v20 =	vsel vm6, $0xEFB, v20;
	v21 =	vsel vm6, $0x1EFB, v21;
	v22 =	vsel vm6, $0x2EFB, v22  }
0xb3: {  	v23 =	vsel vm6, $0x3EFB, v23;
	v24 =	vsel vm6, $0xEFC, v24;
	v25 =	vsel vm6, $0x1EFC, v25  }
0xb4: {  	s1 =	rddreg [dreg:$0x0];
	v26 =	vsel vm6, $0x2EFC, v26;
	v27 =	vsel vm6, $0x3EFC, v27;
	v28 =	vsel vm6, $0xEFD, v28  }
0xb5: {  	s0 =	rddreg [dreg:$0x1];
	s2 =	srdreg.scid;
	v29 =	vsel vm6, $0x1EFD, v29;
	v30 =	vsel vm6, $0x2EFD, v30;
	v31 =	vsel vm6, $0x3EFD, v31  }
0xb6: {  	s3 =	stileid.u32;
	s4 =	rddreg [dreg:$0x2];
	v32 =	vsel vm6, $0xEFE, v32;
	v33 =	vsel vm6, $0x1EFE, v33;
	v34 =	vsel vm6, $0x2EFE, v34  }
0xb7: {  	s19 =	simm.s32 $0x0;
	s12 =	simm.s32 $0xA;
	s16 =	simm.s32 $0x12280;
	v35 =	vsel vm6, $0x3EFE, v35;
	v36 =	vsel vm6, $0xEFF, v36;
	v37 =	vsel vm6, $0x1EFF, v37  }
0xb8: {  	s17 =	simm.s32 $0x1;
	s18 =	simm.s32 $0x400;
	s28 =	simm.s32 $0xE280;
	v38 =	vsel vm6, $0x2EFF, v38;
	v39 =	vsel vm6, $0x3EFF, v39;
	v2 =	vsel vm8, $0x1300, v2  }
0xb9: {  	s29 =	simm.s32 $0x10280;
	s30 =	simm.s32 $0x14280;
	s31 =	simm.s32 $0x2;
	v1 =	vsel vm7, $0xB00, v1;
	v5 =	vsel vm7, $0x2B00, v5;
	v7 =	vsel vm7, $0x3B00, v7  }
0xba: {  	s13 =	simm.s32 $0x5;
	s14 =	simm.s32 $0x6;
	s15 =	simm.s32 $0x7;
	v8 =	vsel vm7, $0xF78, v8;
	v9 =	vsel vm7, $0x1F78, v9;
	v10 =	vsel vm7, $0x2F78, v10  }
0xbb: {  	s2 =	sand.u32 $0x1, s2;
	s5 =	sshll.u32 s3, $0x1;
	[smem:$0x7FF] =	sst s19;
	v11 =	vsel vm7, $0x3F78, v11;
	v12 =	vsel vm7, $0xF79, v12;
	v13 =	vsel vm7, $0x1F79, v13  }
0xbc: {  	s19 =	simm.s32 $0x7A1400;
	s5 =	sor.u32 s2, s5;
	s2 =	ssub.s32 $0x2, s2;
	v14 =	vsel vm7, $0x2F79, v14;
	v15 =	vsel vm7, $0x3F79, v15;
	v16 =	vsel vm7, $0xF7A, v16  }
0xbd: {  	_ =	strace $0x80000047;
	s6 =	sshll.u32 s5, $0x7;
	s7 =	sshrl.u32 s2, $0x1;
	v17 =	vsel vm7, $0x1F7A, v17;
	v18 =	vsel vm7, $0x2F7A, v18;
	v19 =	vsel vm7, $0x3F7A, v19  }
0xbe: {  	s21 =	sshll.u32 s5, $0x9;
	s6 =	sadd.s32 s6, s1;
	s1 =	sadd.s32 $0x400, s1;
	v20 =	vsel vm7, $0xF7B, v20;
	v21 =	vsel vm7, $0x1F7B, v21;
	v22 =	vsel vm7, $0x2F7B, v22  }
0xbf: {  	s5 =	simm.s32 $0x9;
	[dreg:$0x4] =	wrdreg s1;
	s22 =	sadd.s32 $0x800, s6;
	v23 =	vsel vm7, $0x3F7B, v23;
	v24 =	vsel vm7, $0xF7C, v24;
	v25 =	vsel vm7, $0x1F7C, v25  }
0xc0: {  	s20 =	ssub.s32 s2, s7;
	s23 =	sadd.s32 $0x810, s6;
	[dreg:$0x5] =	wrdreg s22;
	v26 =	vsel vm7, $0x2F7C, v26;
	v27 =	vsel vm7, $0x3F7C, v27;
	v2 =	vsel vm2, $0x1380, v2  }
0xc1: {  	s7 =	sadd.s32 s4, s21;
	s24 =	sadd.s32 $0x820, s6;
	[dreg:$0x6] =	wrdreg s23;
	v28 =	vsel vm7, $0xF7D, v28;
	v29 =	vsel vm7, $0x1F7D, v29;
	v2 =	vsel vm0, $0x1800, v2  }
0xc2: {  	s21 =	simm.s32 $0x2280;
	s25 =	sadd.s32 $0x830, s6;
	[dreg:$0x7] =	wrdreg s24;
	v30 =	vsel vm7, $0x2F7D, v30;
	v31 =	vsel vm7, $0x3F7D, v31;
	v2 =	vsel vm1, $0x1880, v2  }
0xc3: {  	s2 =	simm.s32 $0x3;
	s26 =	sadd.s32 $0x100, s7;
	[dreg:$0x8] =	wrdreg s25;
	v32 =	vsel vm7, $0xF7E, v32;
	v33 =	vsel vm7, $0x1F7E, v33;
	v2 =	vsel vm3, $0x1900, v2  }
0xc4: {  	s4 =	simm.s32 $0x8;
	s1 =	smax.u32 s20, $0x1;
	[dreg:$0x9] =	wrdreg s26;
	v34 =	vsel vm7, $0x2F7E, v34;
	v35 =	vsel vm7, $0x3F7E, v35;
	v2 =	vsel vm4, $0x1980, v2  }
0xc5: {  	s20 =	simm.s32 $0x280;
	s6 =	simm.s32 $0x0;
	[dreg:$0xa] =	wrdreg s1;
	v36 =	vsel vm7, $0xF7F, v36;
	v37 =	vsel vm7, $0x1F7F, v37;
	v2 =	vsel vm5, $0x1A00, v2  }
0xc6: {  	s22 =	simm.s32 $0x4280;
	s23 =	simm.s32 $0x6280;
	s24 =	simm.s32 $0x8280;
	v38 =	vsel vm7, $0x2F7F, v38;
	v39 =	vsel vm7, $0x3F7F, v39;
	v4 =	vsel vm6, $0x1A80, v2  }
0xc7: {  	s25 =	simm.s32 $0xA280;
	s26 =	simm.s32 $0xC280;
	s1 =	simm.s32 $0x4;
	v2 =	vor.u32 $0x800, v0;
	v3 =	vsel vm7, $0x1B00, v4;
	v4 =	vor.u32 $0x1000, v0  }
.LBB2_1:
0xc8: {  	[dreg:$0xb] =	wrdreg s6  }
0xc9: {  	s3 =	simm.s32 $0x0;
	s10 =	rddreg [dreg:$0x5]  }
0xca: {  	[tilespmem:s3], [sflag:$0xA] =	stream.linear.gather [hbm4b:s10+s3], $0x80, $0x38;
	[tilespmem:$0x18280] =	vst v63  }
0xcb: {  	_ =	swait.ge [sflag:s12], $0x80  }
0xcc: {  	[sflag:s12] =	ssyncset.done $0x0  }
0xcd: {  	s8 =	simm.s32 $0x80;
	s11 =	rddreg [dreg:$0x6];
	[sflag:s12] =	ssyncadd.s32 $0xFFFFFF80  }
0xce: {  	[tilespmem:s8], [sflag:$0xA] =	stream.linear.gather [hbm4b:s11+s3], $0x80, $0x38;
	[tilespmem:$0x18280] =	vst v63  }
0xcf: {  	_ =	swait.ge [sflag:s12], $0x80  }
0xd0: {  	[sflag:s12] =	ssyncset.done $0x0  }
0xd1: {  	s9 =	simm.s32 $0x100;
	s8 =	rddreg [dreg:$0x7];
	[sflag:s12] =	ssyncadd.s32 $0xFFFFFF80  }
0xd2: {  	[tilespmem:s9], [sflag:$0xA] =	stream.linear.gather [hbm4b:s8+s3], $0x80, $0x38;
	[tilespmem:$0x18280] =	vst v63  }
0xd3: {  	_ =	swait.ge [sflag:s12], $0x80  }
0xd4: {  	[sflag:s12] =	ssyncset.done $0x0  }
0xd5: {  	s11 =	simm.s32 $0x180;
	s10 =	rddreg [dreg:$0x8];
	[sflag:s12] =	ssyncadd.s32 $0xFFFFFF80  }
0xd6: {  	[tilespmem:s11], [sflag:$0xA] =	stream.linear.gather [hbm4b:s10+s3], $0x80, $0x38;
	[tilespmem:$0x18280] =	vst v63  }
0xd7: {  	_ =	swait.ge [sflag:s12], $0x80  }
0xd8: {  	[sflag:s12] =	ssyncset.done $0x0  }
0xd9: {  	s8 =	rddreg [dreg:$0x4];
	[sflag:s12] =	ssyncadd.s32 $0xFFFFFF80  }
0xda: {  	[tilespmem:s16], [sflag:$0xA] =	stream.linear.gather [hbm4b:s8+s3], $0x2000, $0x38;
	[tilespmem:$0x18280] =	vst v63  }
0xdb: {  	_ =	swait.ge [sflag:s12], $0x2000  }
0xdc: {  	[sflag:s12] =	ssyncset.done $0x0  }
0xdd: {  	[sflag:s12] =	ssyncadd.s32 $0xFFFFE000  }
0xde: {  	v40 =	vld [tilespmem:$0x0];
	_ =	sdelay $0x4  }
0xdf: {  	(v2sf) =	vpush v40, $0x0;
	_ =	sdelay $0xe  }
0xe0: {  	s10 =	spop (v2sf)  }
0xe1: {  	s11 =	sand.u32 $0x7F, s10  }
0xe2: {  	s9 =	sshra.s32 s10, $0x1F;
	p1 =	slt.s32 s10, $0x1;
	p0 =	sne.s32 s11, $0x0  }
0xe3: {  	s11 =	sshrl.u32 s9, $0x19;
	p0 =	por !p1, !p0  }
0xe4: {  	s10 =	sadd.s32 s11, s10;
	s11 =	simm.s32 $0x1;
	p0 =	por !p0, !p0  }
0xe5: {  	s10 =	sshra.s32 s10, $0x7;
	s11 =	simm.s32 @!p0 $0x0  }
0xe6: {  	s10 =	ssub.s32 s10, s11  }
0xe7: {  	p0 =	slt.s32 s10, $0x1E83  }
0xe8: {  	s10 =	simm.s32 @!p0 $0x1E83  }
0xe9: {  	s10 =	sshll.u32 s10, $0x7  }
0xea: {  	s10 =	sand.u32 $0x1FFFFF80, s10  }
0xeb: {  	s10 =	sadd.s32 s0, s10  }
0xec: {  	[tilespmem:s20], [sflag:$0x1] =	stream.strided.gather [hbm4b:s10+s18], $0x2000, s19, s18, $0x38;
	[tilespmem:$0x18280] =	vst v63  }
0xed: {  	v56 =	vld [tilespmem:$0x1];
	_ =	sdelay $0x4  }
0xee: {  	(v2sf) =	vpush v56, $0x0;
	_ =	sdelay $0xe  }
0xef: {  	s3 =	spop (v2sf)  }
0xf0: {  	s6 =	sand.u32 $0x7F, s3  }
0xf1: {  	s8 =	sshra.s32 s3, $0x1F;
	p4 =	slt.s32 s3, $0x1;
	p3 =	sne.s32 s6, $0x0  }
0xf2: {  	s11 =	sshrl.u32 s8, $0x19;
	p0 =	por !p4, !p3  }
0xf3: {  	s10 =	sadd.s32 s11, s3;
	s11 =	simm.s32 $0x1;
	p0 =	por !p0, !p0  }
0xf4: {  	s10 =	sshra.s32 s10, $0x7;
	s11 =	simm.s32 @!p0 $0x0  }
0xf5: {  	s10 =	ssub.s32 s10, s11  }
0xf6: {  	p0 =	slt.s32 s10, $0x1E83  }
0xf7: {  	s10 =	simm.s32 @!p0 $0x1E83  }
0xf8: {  	s10 =	sshll.u32 s10, $0x7  }
0xf9: {  	s10 =	sand.u32 $0x1FFFFF80, s10  }
0xfa: {  	s10 =	sadd.s32 s0, s10  }
0xfb: {  	[tilespmem:s21], [sflag:$0x2] =	stream.strided.gather [hbm4b:s10+s18], $0x2000, s19, s18, $0x38;
	[tilespmem:$0x18280] =	vst v63  }
0xfc: {  	v57 =	vld [tilespmem:$0x2];
	_ =	sdelay $0x4  }
0xfd: {  	(v2sf) =	vpush v57, $0x0;
	_ =	sdelay $0xe  }
0xfe: {  	s9 =	spop (v2sf)  }
0xff: {  	s3 =	sand.u32 $0x7F, s9  }
0x100: {  	s6 =	sshra.s32 s9, $0x1F;
	p6 =	slt.s32 s9, $0x1;
	p5 =	sne.s32 s3, $0x0  }
0x101: {  	s11 =	sshrl.u32 s6, $0x19;
	p0 =	por !p6, !p5  }
0x102: {  	s10 =	sadd.s32 s11, s9;
	s11 =	simm.s32 $0x1;
	p0 =	por !p0, !p0  }
0x103: {  	s10 =	sshra.s32 s10, $0x7;
	s11 =	simm.s32 @!p0 $0x0  }
0x104: {  	s10 =	ssub.s32 s10, s11  }
0x105: {  	p0 =	slt.s32 s10, $0x1E83  }
0x106: {  	s10 =	simm.s32 @!p0 $0x1E83  }
0x107: {  	s10 =	sshll.u32 s10, $0x7  }
0x108: {  	s10 =	sand.u32 $0x1FFFFF80, s10  }
0x109: {  	s10 =	sadd.s32 s0, s10  }
0x10a: {  	[tilespmem:s22], [sflag:$0x3] =	stream.strided.gather [hbm4b:s10+s18], $0x2000, s19, s18, $0x38;
	[tilespmem:$0x18280] =	vst v63  }
0x10b: {  	v58 =	vld [tilespmem:$0x3];
	_ =	sdelay $0x4  }
0x10c: {  	(v2sf) =	vpush v58, $0x0;
	_ =	sdelay $0xe  }
0x10d: {  	s8 =	spop (v2sf)  }
0x10e: {  	s9 =	sand.u32 $0x7F, s8  }
0x10f: {  	s3 =	sshra.s32 s8, $0x1F;
	p2 =	slt.s32 s8, $0x1;
	p1 =	sne.s32 s9, $0x0  }
0x110: {  	s11 =	sshrl.u32 s3, $0x19;
	p0 =	por !p2, !p1  }
0x111: {  	s10 =	sadd.s32 s11, s8;
	s11 =	simm.s32 $0x1;
	p0 =	por !p0, !p0  }
0x112: {  	s10 =	sshra.s32 s10, $0x7;
	s11 =	simm.s32 @!p0 $0x0  }
0x113: {  	s10 =	ssub.s32 s10, s11  }
0x114: {  	p0 =	slt.s32 s10, $0x1E83  }
0x115: {  	s10 =	simm.s32 @!p0 $0x1E83  }
0x116: {  	s10 =	sshll.u32 s10, $0x7  }
0x117: {  	s10 =	sand.u32 $0x1FFFFF80, s10  }
0x118: {  	s10 =	sadd.s32 s0, s10  }
0x119: {  	[tilespmem:s23], [sflag:$0x4] =	stream.strided.gather [hbm4b:s10+s18], $0x2000, s19, s18, $0x38;
	[tilespmem:$0x18280] =	vst v63  }
0x11a: {  	v59 =	vld [tilespmem:$0x4];
	_ =	sdelay $0x4  }
0x11b: {  	(v2sf) =	vpush v59, $0x0;
	_ =	sdelay $0xe  }
0x11c: {  	s6 =	spop (v2sf)  }
0x11d: {  	s8 =	sand.u32 $0x7F, s6  }
0x11e: {  	s9 =	sshra.s32 s6, $0x1F;
	p4 =	slt.s32 s6, $0x1;
	p3 =	sne.s32 s8, $0x0  }
0x11f: {  	s11 =	sshrl.u32 s9, $0x19;
	p0 =	por !p4, !p3  }
0x120: {  	s10 =	sadd.s32 s11, s6;
	s11 =	simm.s32 $0x1;
	p0 =	por !p0, !p0  }
0x121: {  	s10 =	sshra.s32 s10, $0x7;
	s11 =	simm.s32 @!p0 $0x0  }
0x122: {  	s10 =	ssub.s32 s10, s11  }
0x123: {  	p0 =	slt.s32 s10, $0x1E83  }
0x124: {  	s10 =	simm.s32 @!p0 $0x1E83  }
0x125: {  	s10 =	sshll.u32 s10, $0x7  }
0x126: {  	s10 =	sand.u32 $0x1FFFFF80, s10  }
0x127: {  	s10 =	sadd.s32 s0, s10  }
0x128: {  	[tilespmem:s24], [sflag:$0x5] =	stream.strided.gather [hbm4b:s10+s18], $0x2000, s19, s18, $0x38;
	[tilespmem:$0x18280] =	vst v63  }
0x129: {  	v60 =	vld [tilespmem:$0x5];
	_ =	sdelay $0x4  }
0x12a: {  	(v2sf) =	vpush v60, $0x0;
	_ =	sdelay $0xe  }
0x12b: {  	s3 =	spop (v2sf)  }
0x12c: {  	s6 =	sand.u32 $0x7F, s3  }
0x12d: {  	s8 =	sshra.s32 s3, $0x1F;
	p6 =	slt.s32 s3, $0x1;
	p5 =	sne.s32 s6, $0x0  }
0x12e: {  	s11 =	sshrl.u32 s8, $0x19;
	p0 =	por !p6, !p5  }
0x12f: {  	s10 =	sadd.s32 s11, s3;
	s11 =	simm.s32 $0x1;
	p0 =	por !p0, !p0  }
0x130: {  	s10 =	sshra.s32 s10, $0x7;
	s11 =	simm.s32 @!p0 $0x0  }
0x131: {  	s10 =	ssub.s32 s10, s11  }
0x132: {  	p0 =	slt.s32 s10, $0x1E83  }
0x133: {  	s10 =	simm.s32 @!p0 $0x1E83  }
0x134: {  	s10 =	sshll.u32 s10, $0x7  }
0x135: {  	s10 =	sand.u32 $0x1FFFFF80, s10  }
0x136: {  	s10 =	sadd.s32 s0, s10  }
0x137: {  	[tilespmem:s25], [sflag:$0x6] =	stream.strided.gather [hbm4b:s10+s18], $0x2000, s19, s18, $0x38;
	[tilespmem:$0x18280] =	vst v63  }
0x138: {  	v61 =	vld [tilespmem:$0x6];
	_ =	sdelay $0x4  }
0x139: {  	(v2sf) =	vpush v61, $0x0;
	_ =	sdelay $0xe  }
0x13a: {  	s9 =	spop (v2sf)  }
0x13b: {  	s3 =	sand.u32 $0x7F, s9  }
0x13c: {  	s6 =	sshra.s32 s9, $0x1F;
	p2 =	slt.s32 s9, $0x1;
	p1 =	sne.s32 s3, $0x0  }
0x13d: {  	s11 =	sshrl.u32 s6, $0x19;
	p0 =	por !p2, !p1  }
0x13e: {  	s10 =	sadd.s32 s11, s9;
	s11 =	simm.s32 $0x1;
	p0 =	por !p0, !p0  }
0x13f: {  	s10 =	sshra.s32 s10, $0x7;
	s11 =	simm.s32 @!p0 $0x0  }
0x140: {  	s10 =	ssub.s32 s10, s11  }
0x141: {  	p0 =	slt.s32 s10, $0x1E83  }
0x142: {  	s10 =	simm.s32 @!p0 $0x1E83  }
0x143: {  	s10 =	sshll.u32 s10, $0x7  }
0x144: {  	s10 =	sand.u32 $0x1FFFFF80, s10  }
0x145: {  	s10 =	sadd.s32 s0, s10  }
0x146: {  	[tilespmem:s26], [sflag:$0x7] =	stream.strided.gather [hbm4b:s10+s18], $0x2000, s19, s18, $0x38;
	[tilespmem:$0x18280] =	vst v63  }
0x147: {  	v62 =	vld [tilespmem:$0x7];
	_ =	sdelay $0x4  }
0x148: {  	(v2sf) =	vpush v62, $0x0;
	_ =	sdelay $0xe  }
0x149: {  	s8 =	spop (v2sf)  }
0x14a: {  	s9 =	sand.u32 $0x7F, s8  }
0x14b: {  	s3 =	sshra.s32 s8, $0x1F;
	p4 =	slt.s32 s8, $0x1;
	p3 =	sne.s32 s9, $0x0  }
0x14c: {  	s11 =	sshrl.u32 s3, $0x19;
	p0 =	por !p4, !p3  }
0x14d: {  	s10 =	sadd.s32 s11, s8;
	s11 =	simm.s32 $0x1;
	p0 =	por !p0, !p0  }
0x14e: {  	s10 =	sshra.s32 s10, $0x7;
	s11 =	simm.s32 @!p0 $0x0  }
0x14f: {  	s10 =	ssub.s32 s10, s11  }
0x150: {  	p0 =	slt.s32 s10, $0x1E83  }
0x151: {  	s10 =	simm.s32 @!p0 $0x1E83  }
0x152: {  	s10 =	sshll.u32 s10, $0x7  }
0x153: {  	s10 =	sand.u32 $0x1FFFFF80, s10  }
0x154: {  	s10 =	sadd.s32 s0, s10  }
0x155: {  	[tilespmem:s28], [sflag:$0x8] =	stream.strided.gather [hbm4b:s10+s18], $0x2000, s19, s18, $0x38;
	[tilespmem:$0x18280] =	vst v63  }
0x156: {  	v63 =	vld [tilespmem:$0x8];
	_ =	sdelay $0x4  }
0x157: {  	(v2sf) =	vpush v63, $0x0;
	_ =	sdelay $0xe  }
0x158: {  	s6 =	spop (v2sf)  }
0x159: {  	s8 =	sand.u32 $0x7F, s6  }
0x15a: {  	s9 =	sshra.s32 s6, $0x1F;
	p6 =	slt.s32 s6, $0x1;
	p5 =	sne.s32 s8, $0x0  }
0x15b: {  	s11 =	sshrl.u32 s9, $0x19;
	p0 =	por !p6, !p5  }
0x15c: {  	s10 =	sadd.s32 s11, s6;
	s11 =	simm.s32 $0x1;
	p0 =	por !p0, !p0  }
0x15d: {  	s10 =	sshra.s32 s10, $0x7;
	s11 =	simm.s32 @!p0 $0x0  }
0x15e: {  	s10 =	ssub.s32 s10, s11  }
0x15f: {  	p0 =	slt.s32 s10, $0x1E83  }
0x160: {  	s10 =	simm.s32 @!p0 $0x1E83  }
.Ltmp0:
0x161: {  	s10 =	sshll.u32 s10, $0x7;
	(pc) =	sbr.rel .LBB2_2-.Ltmp0, $4  }
0x162: {  	s10 =	sand.u32 $0x1FFFFF80, s10  }
0x163: {  	s10 =	sadd.s32 s0, s10  }
0x164: {  	[tilespmem:s29], [sflag:$0x9] =	stream.strided.gather [hbm4b:s10+s18], $0x2000, s19, s18, $0x38;
	[tilespmem:$0x18280] =	vst v63  }
0x165: {  	s11 =	simm.s32 $0x0;
	s10 =	simm.s32 $0x9  }
.LBB2_6:
0x166: {  	s3 =	simm.s32 $0x800;
	s6 =	simm.s32 $0x20000  }
0x167: {  	[hbm4b:s7+s3] =	stream.strided.scatter [tilespmem:s30], [sflag:$0xA], $0x4000, s6, s3, $0x38;
	[tilespmem:$0x18280] =	vst v63  }
0x168: {  	_ =	swait.ge [sflag:s12], $0x4000  }
0x169: {  	[sflag:s12] =	ssyncset.done $0x0  }
0x16a: {  	[sflag:s12] =	ssyncadd.s32 $0xFFFFC000  }
.LBB2_7:
0x16b: {  	v40 =	vld [tilespmem:s10+$0x8];
	_ =	sdelay $0x4  }
0x16c: {  	(v2sf) =	vpush v40, $0x0;
	_ =	sdelay $0xe  }
0x16d: {  	s3 =	spop (v2sf)  }
0x16e: {  	s6 =	sand.u32 $0x7F, s3  }
0x16f: {  	s9 =	sshra.s32 s3, $0x1F;
	p1 =	slt.s32 s3, $0x1;
	p0 =	sne.s32 s6, $0x0  }
0x170: {  	s6 =	sshrl.u32 s9, $0x19;
	p0 =	por !p1, !p0  }
0x171: {  	s3 =	sadd.s32 s6, s3;
	s6 =	simm.s32 $0x1;
	p0 =	por !p0, !p0  }
0x172: {  	s3 =	sshra.s32 s3, $0x7;
	s6 =	simm.s32 @!p0 $0x0  }
0x173: {  	s3 =	ssub.s32 s3, s6  }
0x174: {  	p0 =	slt.s32 s3, $0x1E83  }
0x175: {  	s3 =	simm.s32 @!p0 $0x1E83  }
0x176: {  	s3 =	sshll.u32 s3, $0x7  }
0x177: {  	s3 =	sand.u32 $0x1FFFFF80, s3  }
0x178: {  	s11 =	sadd.s32 $0x9, s11;
	s10 =	sadd.s32 $0x9, s10;
	s3 =	sadd.s32 s0, s3  }
0x179: {  	[tilespmem:s29], [sflag:$0x9] =	stream.strided.gather [hbm4b:s3+s18], $0x2000, s19, s18, $0x38;
	[tilespmem:$0x18280] =	vst v63  }
.LBB2_2:
0x17a: {  	_ =	swait.ge [sflag:s17], $0x2000  }
0x17b: {  	[sflag:s17] =	ssyncset.done $0x0  }
0x17c: {  	[sflag:s17] =	ssyncadd.s32 $0xFFFFE000  }
0x17d: {  	v40 =	vld [tilespmem:s10+$0xFFFFFFF7];
	_ =	sdelay $0x4  }
0x17e: {  	(v2sf) =	vpush v40, $0x0;
	_ =	sdelay $0xe  }
0x17f: {  	s3 =	spop (v2sf)  }
0x180: {  	s9 =	sadd.s32 $0xFFF0BE00, s3  }
0x181: {  	p0 =	sgt.s32 s9, $0x0  }
0x182: {  	s6 =	sand.u32 $0x7F, s3;
	s9 =	simm.s32 @!p0 $0x0  }
0x183: {  	v55 =	vor.u32 s6, v0;
	s9 =	smin.u32 s9, $0x3F  }
0x184: {  	v41 =	vor.u32 s9, v0  }
0x185: {  	s8 =	sand.u32 $0xFF, s11  }
0x186: {  	v42 =	vmov s8  }
0x187: {  	v43 =	vshll.u32 v42, $0x3  }
0x188: {  	v42 =	vand.u32 $0x7F, v42;
	v43 =	vand.u32 $0x400, v43;
	v40 =	vld.idx.msk [tilespmem:v55+s20+$0x0], $0xffff  }
0x189: {  	v42 =	vor.u32 v42, v43;
	v41 =	vld.idx.msk [tilespmem:v41+s16+$0x0], $0xffff  }
0x18a: {  	v43 =	vor.u32 v1, v42  }
0x18b: {  	v44 =	vor.u32 s6, v2  }
0x18c: {  	v45 =	vor.u32 s9, v2  }
0x18d: {  	p1 =	sgt.s32 s3, $0xF41FF  }
0x18e: {  	v40 =	vpsel p1, v41, v40  }
0x18f: {  	[tilespmem:v43+s30+$0x0] =	vst.idx.msk $0xffff, v40  }
0x190: {  	v40 =	vld.idx.msk [tilespmem:v44+s20+$0x0], $0xffff  }
0x191: {  	v56 =	vld.idx.msk [tilespmem:v45+s16+$0x0], $0xffff  }
0x192: {  	v57 =	vor.u32 v3, v42  }
0x193: {  	v58 =	vor.u32 s6, v4  }
0x194: {  	v59 =	vor.u32 s9, v4;
	_ =	sdelay $0x1  }
0x195: {  	v40 =	vpsel p1, v56, v40  }
0x196: {  	[tilespmem:v57+s30+$0x0] =	vst.idx.msk $0xffff, v40  }
0x197: {  	v40 =	vld.idx.msk [tilespmem:v58+s20+$0x0], $0xffff  }
0x198: {  	v60 =	vld.idx.msk [tilespmem:v59+s16+$0x0], $0xffff  }
0x199: {  	v61 =	vor.u32 v5, v42  }
0x19a: {  	v62 =	vor.u32 s6, v6  }
0x19b: {  	v63 =	vor.u32 s9, v6;
	_ =	sdelay $0x1  }
0x19c: {  	v40 =	vpsel p1, v60, v40  }
0x19d: {  	[tilespmem:v61+s30+$0x0] =	vst.idx.msk $0xffff, v40  }
0x19e: {  	v40 =	vld.idx.msk [tilespmem:v62+s20+$0x0], $0xffff  }
0x19f: {  	v48 =	vld.idx.msk [tilespmem:v63+s16+$0x0], $0xffff  }
0x1a0: {  	v42 =	vor.u32 v7, v42;
	_ =	sdelay $0x3  }
0x1a1: {  	v40 =	vpsel p1, v48, v40  }
0x1a2: {  	[tilespmem:v42+s30+$0x0] =	vst.idx.msk $0xffff, v40  }
0x1a3: {  	v40 =	vld [tilespmem:s10+$0x0];
	_ =	sdelay $0x4  }
0x1a4: {  	(v2sf) =	vpush v40, $0x0;
	_ =	sdelay $0xe  }
0x1a5: {  	s3 =	spop (v2sf)  }
0x1a6: {  	s8 =	sand.u32 $0x7F, s3  }
0x1a7: {  	s9 =	sshra.s32 s3, $0x1F;
	p2 =	slt.s32 s3, $0x1;
	p1 =	sne.s32 s8, $0x0  }
0x1a8: {  	s9 =	sshrl.u32 s9, $0x19;
	p0 =	por !p2, !p1  }
0x1a9: {  	s6 =	simm.s32 $0x1;
	s3 =	sadd.s32 s9, s3;
	p0 =	por !p0, !p0  }
0x1aa: {  	s3 =	sshra.s32 s3, $0x7;
	s6 =	simm.s32 @!p0 $0x0  }
0x1ab: {  	s3 =	ssub.s32 s3, s6  }
0x1ac: {  	p0 =	slt.s32 s3, $0x1E83  }
0x1ad: {  	s3 =	simm.s32 @!p0 $0x1E83  }
0x1ae: {  	s3 =	sshll.u32 s3, $0x7  }
0x1af: {  	s3 =	sand.u32 $0x1FFFFF80, s3  }
0x1b0: {  	s3 =	sadd.s32 s0, s3  }
0x1b1: {  	[tilespmem:s20], [sflag:$0x1] =	stream.strided.gather [hbm4b:s3+s18], $0x2000, s19, s18, $0x38;
	[tilespmem:$0x18280] =	vst v63  }
0x1b2: {  	_ =	swait.ge [sflag:s31], $0x2000  }
0x1b3: {  	[sflag:s31] =	ssyncset.done $0x0  }
0x1b4: {  	[sflag:s31] =	ssyncadd.s32 $0xFFFFE000  }
0x1b5: {  	v49 =	vld [tilespmem:s10+$0xFFFFFFF8];
	_ =	sdelay $0x4  }
0x1b6: {  	(v2sf) =	vpush v49, $0x0;
	_ =	sdelay $0xe  }
0x1b7: {  	s3 =	spop (v2sf)  }
0x1b8: {  	s6 =	sadd.s32 $0xFFF0BE00, s3  }
0x1b9: {  	p0 =	sgt.s32 s6, $0x0  }
0x1ba: {  	s8 =	sand.u32 $0x7F, s3;
	s6 =	simm.s32 @!p0 $0x0  }
0x1bb: {  	v50 =	vor.u32 s8, v0;
	s6 =	smin.u32 s6, $0x3F  }
0x1bc: {  	s9 =	sadd.s32 $0x1, s11;
	v51 =	vor.u32 s6, v0  }
0x1bd: {  	s9 =	sand.u32 $0xFF, s9  }
0x1be: {  	v52 =	vmov s9  }
0x1bf: {  	v53 =	vshll.u32 v52, $0x3  }
0x1c0: {  	v42 =	vand.u32 $0x7F, v52;
	v43 =	vand.u32 $0x400, v53;
	v40 =	vld.idx.msk [tilespmem:v50+s21+$0x0], $0xffff  }
0x1c1: {  	v42 =	vor.u32 v42, v43;
	v41 =	vld.idx.msk [tilespmem:v51+s16+$0x0], $0xffff  }
0x1c2: {  	v43 =	vor.u32 v1, v42  }
0x1c3: {  	v54 =	vor.u32 s8, v2  }
0x1c4: {  	v55 =	vor.u32 s6, v2  }
0x1c5: {  	p3 =	sgt.s32 s3, $0xF41FF  }
0x1c6: {  	v40 =	vpsel p3, v41, v40  }
0x1c7: {  	[tilespmem:v43+s30+$0x0] =	vst.idx.msk $0xffff, v40  }
0x1c8: {  	v40 =	vld.idx.msk [tilespmem:v54+s21+$0x0], $0xffff  }
0x1c9: {  	v56 =	vld.idx.msk [tilespmem:v55+s16+$0x0], $0xffff  }
0x1ca: {  	v57 =	vor.u32 v3, v42  }
0x1cb: {  	v58 =	vor.u32 s8, v4  }
0x1cc: {  	v59 =	vor.u32 s6, v4;
	_ =	sdelay $0x1  }
0x1cd: {  	v40 =	vpsel p3, v56, v40  }
0x1ce: {  	[tilespmem:v57+s30+$0x0] =	vst.idx.msk $0xffff, v40  }
0x1cf: {  	v40 =	vld.idx.msk [tilespmem:v58+s21+$0x0], $0xffff  }
0x1d0: {  	v60 =	vld.idx.msk [tilespmem:v59+s16+$0x0], $0xffff  }
0x1d1: {  	v61 =	vor.u32 v5, v42  }
0x1d2: {  	v62 =	vor.u32 s8, v6  }
0x1d3: {  	v63 =	vor.u32 s6, v6;
	_ =	sdelay $0x1  }
0x1d4: {  	v40 =	vpsel p3, v60, v40  }
0x1d5: {  	[tilespmem:v61+s30+$0x0] =	vst.idx.msk $0xffff, v40  }
0x1d6: {  	v40 =	vld.idx.msk [tilespmem:v62+s21+$0x0], $0xffff  }
0x1d7: {  	v47 =	vld.idx.msk [tilespmem:v63+s16+$0x0], $0xffff  }
0x1d8: {  	v42 =	vor.u32 v7, v42;
	_ =	sdelay $0x3  }
0x1d9: {  	p0 =	sne.s32 s11, $0xFE;
	v40 =	vpsel p3, v47, v40  }
0x1da: {  	s3 =	simm.s32 @!p0 $0x800;
	s8 =	simm.s32 @!p0 $0x14280;
	s6 =	simm.s32 @!p0 $0x20000;
	[tilespmem:v42+s30+$0x0] =	vst.idx.msk $0xffff, v40  }
0x1db: {  	[hbm4b:s7+s3] =	stream.strided.scatter @!p0 [tilespmem:s8], [sflag:$0xA], $0x4000, s6, s3, $0x38;
	[tilespmem:$0x18280] =	vst v63  }
0x1dc: {  	s3 =	simm.s32 @!p0 $0xA  }
0x1dd: {  	_ =	swait.ge @!p0 [sflag:s3], $0x4000  }
0x1de: {  	[sflag:s3] =	ssyncset.done @!p0 $0x0  }
0x1df: {  	[sflag:s3] =	ssyncadd.s32 @!p0 $0xFFFFC000  }
0x1e0: {  	v48 =	vld [tilespmem:s10+$0x1];
	_ =	sdelay $0x4  }
0x1e1: {  	(v2sf) =	vpush v48, $0x0;
	_ =	sdelay $0xe  }
0x1e2: {  	s3 =	spop (v2sf)  }
0x1e3: {  	s8 =	sand.u32 $0x7F, s3  }
0x1e4: {  	s9 =	sshra.s32 s3, $0x1F;
	p4 =	slt.s32 s3, $0x1;
	p5 =	sne.s32 s8, $0x0  }
0x1e5: {  	s9 =	sshrl.u32 s9, $0x19;
	p0 =	por !p4, !p5  }
0x1e6: {  	s6 =	simm.s32 $0x1;
	s3 =	sadd.s32 s9, s3;
	p0 =	por !p0, !p0  }
0x1e7: {  	s3 =	sshra.s32 s3, $0x7;
	s6 =	simm.s32 @!p0 $0x0  }
0x1e8: {  	s3 =	ssub.s32 s3, s6  }
0x1e9: {  	p0 =	slt.s32 s3, $0x1E83  }
0x1ea: {  	s3 =	simm.s32 @!p0 $0x1E83  }
0x1eb: {  	s3 =	sshll.u32 s3, $0x7  }
0x1ec: {  	s3 =	sand.u32 $0x1FFFFF80, s3  }
0x1ed: {  	s3 =	sadd.s32 s0, s3  }
0x1ee: {  	[tilespmem:s21], [sflag:$0x2] =	stream.strided.gather [hbm4b:s3+s18], $0x2000, s19, s18, $0x38;
	[tilespmem:$0x18280] =	vst v63  }
0x1ef: {  	_ =	swait.ge [sflag:s2], $0x2000  }
0x1f0: {  	[sflag:s2] =	ssyncset.done $0x0  }
0x1f1: {  	[sflag:s2] =	ssyncadd.s32 $0xFFFFE000  }
0x1f2: {  	v49 =	vld [tilespmem:s10+$0xFFFFFFF9];
	_ =	sdelay $0x4  }
0x1f3: {  	(v2sf) =	vpush v49, $0x0;
	_ =	sdelay $0xe  }
0x1f4: {  	s3 =	spop (v2sf)  }
0x1f5: {  	s6 =	sadd.s32 $0xFFF0BE00, s3  }
0x1f6: {  	p0 =	sgt.s32 s6, $0x0  }
0x1f7: {  	s8 =	sand.u32 $0x7F, s3;
	s6 =	simm.s32 @!p0 $0x0  }
0x1f8: {  	v50 =	vor.u32 s8, v0;
	s6 =	smin.u32 s6, $0x3F  }
0x1f9: {  	s9 =	sadd.s32 $0x2, s11;
	v51 =	vor.u32 s6, v0  }
0x1fa: {  	s9 =	sand.u32 $0xFF, s9  }
0x1fb: {  	v52 =	vmov s9  }
0x1fc: {  	v53 =	vshll.u32 v52, $0x3  }
0x1fd: {  	v42 =	vand.u32 $0x7F, v52;
	v43 =	vand.u32 $0x400, v53;
	v40 =	vld.idx.msk [tilespmem:v50+s22+$0x0], $0xffff  }
0x1fe: {  	v42 =	vor.u32 v42, v43;
	v41 =	vld.idx.msk [tilespmem:v51+s16+$0x0], $0xffff  }
0x1ff: {  	v43 =	vor.u32 v1, v42  }
0x200: {  	v54 =	vor.u32 s8, v2  }
0x201: {  	v55 =	vor.u32 s6, v2  }
0x202: {  	p6 =	sgt.s32 s3, $0xF41FF  }
0x203: {  	v40 =	vpsel p6, v41, v40  }
0x204: {  	[tilespmem:v43+s30+$0x0] =	vst.idx.msk $0xffff, v40  }
0x205: {  	v40 =	vld.idx.msk [tilespmem:v54+s22+$0x0], $0xffff  }
0x206: {  	v56 =	vld.idx.msk [tilespmem:v55+s16+$0x0], $0xffff  }
0x207: {  	v57 =	vor.u32 v3, v42  }
0x208: {  	v58 =	vor.u32 s8, v4  }
0x209: {  	v59 =	vor.u32 s6, v4;
	_ =	sdelay $0x1  }
0x20a: {  	v40 =	vpsel p6, v56, v40  }
0x20b: {  	[tilespmem:v57+s30+$0x0] =	vst.idx.msk $0xffff, v40  }
0x20c: {  	v40 =	vld.idx.msk [tilespmem:v58+s22+$0x0], $0xffff  }
0x20d: {  	v60 =	vld.idx.msk [tilespmem:v59+s16+$0x0], $0xffff  }
0x20e: {  	v61 =	vor.u32 v5, v42  }
0x20f: {  	v62 =	vor.u32 s8, v6  }
0x210: {  	v63 =	vor.u32 s6, v6;
	_ =	sdelay $0x1  }
0x211: {  	v40 =	vpsel p6, v60, v40  }
0x212: {  	[tilespmem:v61+s30+$0x0] =	vst.idx.msk $0xffff, v40  }
0x213: {  	v40 =	vld.idx.msk [tilespmem:v62+s22+$0x0], $0xffff  }
0x214: {  	v47 =	vld.idx.msk [tilespmem:v63+s16+$0x0], $0xffff  }
0x215: {  	v42 =	vor.u32 v7, v42;
	_ =	sdelay $0x3  }
0x216: {  	p0 =	sne.s32 s11, $0xFD;
	v40 =	vpsel p6, v47, v40  }
0x217: {  	s3 =	simm.s32 @!p0 $0x800;
	s8 =	simm.s32 @!p0 $0x14280;
	s6 =	simm.s32 @!p0 $0x20000;
	[tilespmem:v42+s30+$0x0] =	vst.idx.msk $0xffff, v40  }
0x218: {  	[hbm4b:s7+s3] =	stream.strided.scatter @!p0 [tilespmem:s8], [sflag:$0xA], $0x4000, s6, s3, $0x38;
	[tilespmem:$0x18280] =	vst v63  }
0x219: {  	s3 =	simm.s32 @!p0 $0xA  }
0x21a: {  	_ =	swait.ge @!p0 [sflag:s3], $0x4000  }
0x21b: {  	[sflag:s3] =	ssyncset.done @!p0 $0x0  }
0x21c: {  	[sflag:s3] =	ssyncadd.s32 @!p0 $0xFFFFC000  }
0x21d: {  	v48 =	vld [tilespmem:s10+$0x2];
	_ =	sdelay $0x4  }
0x21e: {  	(v2sf) =	vpush v48, $0x0;
	_ =	sdelay $0xe  }
0x21f: {  	s3 =	spop (v2sf)  }
0x220: {  	s8 =	sand.u32 $0x7F, s3  }
0x221: {  	s9 =	sshra.s32 s3, $0x1F;
	p1 =	slt.s32 s3, $0x1;
	p2 =	sne.s32 s8, $0x0  }
0x222: {  	s9 =	sshrl.u32 s9, $0x19;
	p0 =	por !p1, !p2  }
0x223: {  	s6 =	simm.s32 $0x1;
	s3 =	sadd.s32 s9, s3;
	p0 =	por !p0, !p0  }
0x224: {  	s3 =	sshra.s32 s3, $0x7;
	s6 =	simm.s32 @!p0 $0x0  }
0x225: {  	s3 =	ssub.s32 s3, s6  }
0x226: {  	p0 =	slt.s32 s3, $0x1E83  }
0x227: {  	s3 =	simm.s32 @!p0 $0x1E83  }
0x228: {  	s3 =	sshll.u32 s3, $0x7  }
0x229: {  	s3 =	sand.u32 $0x1FFFFF80, s3  }
0x22a: {  	s3 =	sadd.s32 s0, s3  }
0x22b: {  	[tilespmem:s22], [sflag:$0x3] =	stream.strided.gather [hbm4b:s3+s18], $0x2000, s19, s18, $0x38;
	[tilespmem:$0x18280] =	vst v63  }
0x22c: {  	_ =	swait.ge [sflag:s1], $0x2000  }
0x22d: {  	[sflag:s1] =	ssyncset.done $0x0  }
0x22e: {  	[sflag:s1] =	ssyncadd.s32 $0xFFFFE000  }
0x22f: {  	v49 =	vld [tilespmem:s10+$0xFFFFFFFA];
	_ =	sdelay $0x4  }
0x230: {  	(v2sf) =	vpush v49, $0x0;
	_ =	sdelay $0xe  }
0x231: {  	s3 =	spop (v2sf)  }
0x232: {  	s6 =	sadd.s32 $0xFFF0BE00, s3  }
0x233: {  	p0 =	sgt.s32 s6, $0x0  }
0x234: {  	s8 =	sand.u32 $0x7F, s3;
	s6 =	simm.s32 @!p0 $0x0  }
0x235: {  	v50 =	vor.u32 s8, v0;
	s6 =	smin.u32 s6, $0x3F  }
0x236: {  	s9 =	sadd.s32 $0x3, s11;
	v51 =	vor.u32 s6, v0  }
0x237: {  	s9 =	sand.u32 $0xFF, s9  }
0x238: {  	v52 =	vmov s9  }
0x239: {  	v53 =	vshll.u32 v52, $0x3  }
0x23a: {  	v42 =	vand.u32 $0x7F, v52;
	v43 =	vand.u32 $0x400, v53;
	v40 =	vld.idx.msk [tilespmem:v50+s23+$0x0], $0xffff  }
0x23b: {  	v42 =	vor.u32 v42, v43;
	v41 =	vld.idx.msk [tilespmem:v51+s16+$0x0], $0xffff  }
0x23c: {  	v43 =	vor.u32 v1, v42  }
0x23d: {  	v54 =	vor.u32 s8, v2  }
0x23e: {  	v55 =	vor.u32 s6, v2  }
0x23f: {  	p3 =	sgt.s32 s3, $0xF41FF  }
0x240: {  	v40 =	vpsel p3, v41, v40  }
0x241: {  	[tilespmem:v43+s30+$0x0] =	vst.idx.msk $0xffff, v40  }
0x242: {  	v40 =	vld.idx.msk [tilespmem:v54+s23+$0x0], $0xffff  }
0x243: {  	v56 =	vld.idx.msk [tilespmem:v55+s16+$0x0], $0xffff  }
0x244: {  	v57 =	vor.u32 v3, v42  }
0x245: {  	v58 =	vor.u32 s8, v4  }
0x246: {  	v59 =	vor.u32 s6, v4;
	_ =	sdelay $0x1  }
0x247: {  	v40 =	vpsel p3, v56, v40  }
0x248: {  	[tilespmem:v57+s30+$0x0] =	vst.idx.msk $0xffff, v40  }
0x249: {  	v40 =	vld.idx.msk [tilespmem:v58+s23+$0x0], $0xffff  }
0x24a: {  	v60 =	vld.idx.msk [tilespmem:v59+s16+$0x0], $0xffff  }
0x24b: {  	v61 =	vor.u32 v5, v42  }
0x24c: {  	v62 =	vor.u32 s8, v6  }
0x24d: {  	v63 =	vor.u32 s6, v6;
	_ =	sdelay $0x1  }
0x24e: {  	v40 =	vpsel p3, v60, v40  }
0x24f: {  	[tilespmem:v61+s30+$0x0] =	vst.idx.msk $0xffff, v40  }
0x250: {  	v40 =	vld.idx.msk [tilespmem:v62+s23+$0x0], $0xffff  }
0x251: {  	v47 =	vld.idx.msk [tilespmem:v63+s16+$0x0], $0xffff  }
0x252: {  	v42 =	vor.u32 v7, v42;
	_ =	sdelay $0x3  }
0x253: {  	p0 =	sne.s32 s11, $0xFC;
	v40 =	vpsel p3, v47, v40  }
0x254: {  	s3 =	simm.s32 @!p0 $0x800;
	s8 =	simm.s32 @!p0 $0x14280;
	s6 =	simm.s32 @!p0 $0x20000;
	[tilespmem:v42+s30+$0x0] =	vst.idx.msk $0xffff, v40  }
0x255: {  	[hbm4b:s7+s3] =	stream.strided.scatter @!p0 [tilespmem:s8], [sflag:$0xA], $0x4000, s6, s3, $0x38;
	[tilespmem:$0x18280] =	vst v63  }
0x256: {  	s3 =	simm.s32 @!p0 $0xA  }
0x257: {  	_ =	swait.ge @!p0 [sflag:s3], $0x4000  }
0x258: {  	[sflag:s3] =	ssyncset.done @!p0 $0x0  }
0x259: {  	[sflag:s3] =	ssyncadd.s32 @!p0 $0xFFFFC000  }
0x25a: {  	v48 =	vld [tilespmem:s10+$0x3];
	_ =	sdelay $0x4  }
0x25b: {  	(v2sf) =	vpush v48, $0x0;
	_ =	sdelay $0xe  }
0x25c: {  	s3 =	spop (v2sf)  }
0x25d: {  	s8 =	sand.u32 $0x7F, s3  }
0x25e: {  	s9 =	sshra.s32 s3, $0x1F;
	p4 =	slt.s32 s3, $0x1;
	p5 =	sne.s32 s8, $0x0  }
0x25f: {  	s9 =	sshrl.u32 s9, $0x19;
	p0 =	por !p4, !p5  }
0x260: {  	s6 =	simm.s32 $0x1;
	s3 =	sadd.s32 s9, s3;
	p0 =	por !p0, !p0  }
0x261: {  	s3 =	sshra.s32 s3, $0x7;
	s6 =	simm.s32 @!p0 $0x0  }
0x262: {  	s3 =	ssub.s32 s3, s6  }
0x263: {  	p0 =	slt.s32 s3, $0x1E83  }
0x264: {  	s3 =	simm.s32 @!p0 $0x1E83  }
0x265: {  	s3 =	sshll.u32 s3, $0x7  }
0x266: {  	s3 =	sand.u32 $0x1FFFFF80, s3  }
0x267: {  	s3 =	sadd.s32 s0, s3  }
0x268: {  	[tilespmem:s23], [sflag:$0x4] =	stream.strided.gather [hbm4b:s3+s18], $0x2000, s19, s18, $0x38;
	[tilespmem:$0x18280] =	vst v63  }
0x269: {  	_ =	swait.ge [sflag:s13], $0x2000  }
0x26a: {  	[sflag:s13] =	ssyncset.done $0x0  }
0x26b: {  	[sflag:s13] =	ssyncadd.s32 $0xFFFFE000  }
0x26c: {  	v49 =	vld [tilespmem:s10+$0xFFFFFFFB];
	_ =	sdelay $0x4  }
0x26d: {  	(v2sf) =	vpush v49, $0x0;
	_ =	sdelay $0xe  }
0x26e: {  	s3 =	spop (v2sf)  }
0x26f: {  	s6 =	sadd.s32 $0xFFF0BE00, s3  }
0x270: {  	p0 =	sgt.s32 s6, $0x0  }
0x271: {  	s8 =	sand.u32 $0x7F, s3;
	s6 =	simm.s32 @!p0 $0x0  }
0x272: {  	v50 =	vor.u32 s8, v0;
	s6 =	smin.u32 s6, $0x3F  }
0x273: {  	s9 =	sadd.s32 $0x4, s11;
	v51 =	vor.u32 s6, v0  }
0x274: {  	s9 =	sand.u32 $0xFF, s9  }
0x275: {  	v52 =	vmov s9  }
0x276: {  	v53 =	vshll.u32 v52, $0x3  }
0x277: {  	v42 =	vand.u32 $0x7F, v52;
	v43 =	vand.u32 $0x400, v53;
	v40 =	vld.idx.msk [tilespmem:v50+s24+$0x0], $0xffff  }
0x278: {  	v42 =	vor.u32 v42, v43;
	v41 =	vld.idx.msk [tilespmem:v51+s16+$0x0], $0xffff  }
0x279: {  	v43 =	vor.u32 v1, v42  }
0x27a: {  	v54 =	vor.u32 s8, v2  }
0x27b: {  	v55 =	vor.u32 s6, v2  }
0x27c: {  	p6 =	sgt.s32 s3, $0xF41FF  }
0x27d: {  	v40 =	vpsel p6, v41, v40  }
0x27e: {  	[tilespmem:v43+s30+$0x0] =	vst.idx.msk $0xffff, v40  }
0x27f: {  	v40 =	vld.idx.msk [tilespmem:v54+s24+$0x0], $0xffff  }
0x280: {  	v56 =	vld.idx.msk [tilespmem:v55+s16+$0x0], $0xffff  }
0x281: {  	v57 =	vor.u32 v3, v42  }
0x282: {  	v58 =	vor.u32 s8, v4  }
0x283: {  	v59 =	vor.u32 s6, v4;
	_ =	sdelay $0x1  }
0x284: {  	v40 =	vpsel p6, v56, v40  }
0x285: {  	[tilespmem:v57+s30+$0x0] =	vst.idx.msk $0xffff, v40  }
0x286: {  	v40 =	vld.idx.msk [tilespmem:v58+s24+$0x0], $0xffff  }
0x287: {  	v60 =	vld.idx.msk [tilespmem:v59+s16+$0x0], $0xffff  }
0x288: {  	v61 =	vor.u32 v5, v42  }
0x289: {  	v62 =	vor.u32 s8, v6  }
0x28a: {  	v63 =	vor.u32 s6, v6;
	_ =	sdelay $0x1  }
0x28b: {  	v40 =	vpsel p6, v60, v40  }
0x28c: {  	[tilespmem:v61+s30+$0x0] =	vst.idx.msk $0xffff, v40  }
0x28d: {  	v40 =	vld.idx.msk [tilespmem:v62+s24+$0x0], $0xffff  }
0x28e: {  	v47 =	vld.idx.msk [tilespmem:v63+s16+$0x0], $0xffff  }
0x28f: {  	v42 =	vor.u32 v7, v42;
	_ =	sdelay $0x3  }
0x290: {  	p0 =	sne.s32 s11, $0xFB;
	v40 =	vpsel p6, v47, v40  }
0x291: {  	s3 =	simm.s32 @!p0 $0x800;
	s8 =	simm.s32 @!p0 $0x14280;
	s6 =	simm.s32 @!p0 $0x20000;
	[tilespmem:v42+s30+$0x0] =	vst.idx.msk $0xffff, v40  }
0x292: {  	[hbm4b:s7+s3] =	stream.strided.scatter @!p0 [tilespmem:s8], [sflag:$0xA], $0x4000, s6, s3, $0x38;
	[tilespmem:$0x18280] =	vst v63  }
0x293: {  	s3 =	simm.s32 @!p0 $0xA  }
0x294: {  	_ =	swait.ge @!p0 [sflag:s3], $0x4000  }
0x295: {  	[sflag:s3] =	ssyncset.done @!p0 $0x0  }
0x296: {  	[sflag:s3] =	ssyncadd.s32 @!p0 $0xFFFFC000  }
0x297: {  	v48 =	vld [tilespmem:s10+$0x4];
	_ =	sdelay $0x4  }
0x298: {  	(v2sf) =	vpush v48, $0x0;
	_ =	sdelay $0xe  }
0x299: {  	s3 =	spop (v2sf)  }
0x29a: {  	s8 =	sand.u32 $0x7F, s3  }
0x29b: {  	s9 =	sshra.s32 s3, $0x1F;
	p1 =	slt.s32 s3, $0x1;
	p2 =	sne.s32 s8, $0x0  }
0x29c: {  	s9 =	sshrl.u32 s9, $0x19;
	p0 =	por !p1, !p2  }
0x29d: {  	s6 =	simm.s32 $0x1;
	s3 =	sadd.s32 s9, s3;
	p0 =	por !p0, !p0  }
0x29e: {  	s3 =	sshra.s32 s3, $0x7;
	s6 =	simm.s32 @!p0 $0x0  }
0x29f: {  	s3 =	ssub.s32 s3, s6  }
0x2a0: {  	p0 =	slt.s32 s3, $0x1E83  }
0x2a1: {  	s3 =	simm.s32 @!p0 $0x1E83  }
0x2a2: {  	s3 =	sshll.u32 s3, $0x7  }
0x2a3: {  	s3 =	sand.u32 $0x1FFFFF80, s3  }
0x2a4: {  	s3 =	sadd.s32 s0, s3  }
0x2a5: {  	[tilespmem:s24], [sflag:$0x5] =	stream.strided.gather [hbm4b:s3+s18], $0x2000, s19, s18, $0x38;
	[tilespmem:$0x18280] =	vst v63  }
0x2a6: {  	_ =	swait.ge [sflag:s14], $0x2000  }
0x2a7: {  	[sflag:s14] =	ssyncset.done $0x0  }
0x2a8: {  	[sflag:s14] =	ssyncadd.s32 $0xFFFFE000  }
0x2a9: {  	v49 =	vld [tilespmem:s10+$0xFFFFFFFC];
	_ =	sdelay $0x4  }
0x2aa: {  	(v2sf) =	vpush v49, $0x0;
	_ =	sdelay $0xe  }
0x2ab: {  	s3 =	spop (v2sf)  }
0x2ac: {  	s6 =	sadd.s32 $0xFFF0BE00, s3  }
0x2ad: {  	p0 =	sgt.s32 s6, $0x0  }
0x2ae: {  	s8 =	sand.u32 $0x7F, s3;
	s6 =	simm.s32 @!p0 $0x0  }
0x2af: {  	v50 =	vor.u32 s8, v0;
	s6 =	smin.u32 s6, $0x3F  }
0x2b0: {  	s9 =	sadd.s32 $0x5, s11;
	v51 =	vor.u32 s6, v0  }
0x2b1: {  	s9 =	sand.u32 $0xFF, s9  }
0x2b2: {  	v52 =	vmov s9  }
0x2b3: {  	v53 =	vshll.u32 v52, $0x3  }
0x2b4: {  	v42 =	vand.u32 $0x7F, v52;
	v43 =	vand.u32 $0x400, v53;
	v40 =	vld.idx.msk [tilespmem:v50+s25+$0x0], $0xffff  }
0x2b5: {  	v42 =	vor.u32 v42, v43;
	v41 =	vld.idx.msk [tilespmem:v51+s16+$0x0], $0xffff  }
0x2b6: {  	v43 =	vor.u32 v1, v42  }
0x2b7: {  	v54 =	vor.u32 s8, v2  }
0x2b8: {  	v55 =	vor.u32 s6, v2  }
0x2b9: {  	p3 =	sgt.s32 s3, $0xF41FF  }
0x2ba: {  	v40 =	vpsel p3, v41, v40  }
0x2bb: {  	[tilespmem:v43+s30+$0x0] =	vst.idx.msk $0xffff, v40  }
0x2bc: {  	v40 =	vld.idx.msk [tilespmem:v54+s25+$0x0], $0xffff  }
0x2bd: {  	v56 =	vld.idx.msk [tilespmem:v55+s16+$0x0], $0xffff  }
0x2be: {  	v57 =	vor.u32 v3, v42  }
0x2bf: {  	v58 =	vor.u32 s8, v4  }
0x2c0: {  	v59 =	vor.u32 s6, v4;
	_ =	sdelay $0x1  }
0x2c1: {  	v40 =	vpsel p3, v56, v40  }
0x2c2: {  	[tilespmem:v57+s30+$0x0] =	vst.idx.msk $0xffff, v40  }
0x2c3: {  	v40 =	vld.idx.msk [tilespmem:v58+s25+$0x0], $0xffff  }
0x2c4: {  	v60 =	vld.idx.msk [tilespmem:v59+s16+$0x0], $0xffff  }
0x2c5: {  	v61 =	vor.u32 v5, v42  }
0x2c6: {  	v62 =	vor.u32 s8, v6  }
0x2c7: {  	v63 =	vor.u32 s6, v6;
	_ =	sdelay $0x1  }
0x2c8: {  	v40 =	vpsel p3, v60, v40  }
0x2c9: {  	[tilespmem:v61+s30+$0x0] =	vst.idx.msk $0xffff, v40  }
0x2ca: {  	v40 =	vld.idx.msk [tilespmem:v62+s25+$0x0], $0xffff  }
0x2cb: {  	v47 =	vld.idx.msk [tilespmem:v63+s16+$0x0], $0xffff  }
0x2cc: {  	v42 =	vor.u32 v7, v42;
	_ =	sdelay $0x3  }
0x2cd: {  	p0 =	sne.s32 s11, $0xFA;
	v40 =	vpsel p3, v47, v40  }
0x2ce: {  	s3 =	simm.s32 @!p0 $0x800;
	s8 =	simm.s32 @!p0 $0x14280;
	s6 =	simm.s32 @!p0 $0x20000;
	[tilespmem:v42+s30+$0x0] =	vst.idx.msk $0xffff, v40  }
0x2cf: {  	[hbm4b:s7+s3] =	stream.strided.scatter @!p0 [tilespmem:s8], [sflag:$0xA], $0x4000, s6, s3, $0x38;
	[tilespmem:$0x18280] =	vst v63  }
0x2d0: {  	s3 =	simm.s32 @!p0 $0xA  }
0x2d1: {  	_ =	swait.ge @!p0 [sflag:s3], $0x4000  }
0x2d2: {  	[sflag:s3] =	ssyncset.done @!p0 $0x0  }
0x2d3: {  	[sflag:s3] =	ssyncadd.s32 @!p0 $0xFFFFC000  }
0x2d4: {  	v48 =	vld [tilespmem:s10+$0x5];
	_ =	sdelay $0x4  }
0x2d5: {  	(v2sf) =	vpush v48, $0x0;
	_ =	sdelay $0xe  }
0x2d6: {  	s3 =	spop (v2sf)  }
0x2d7: {  	s8 =	sand.u32 $0x7F, s3  }
0x2d8: {  	s9 =	sshra.s32 s3, $0x1F;
	p4 =	slt.s32 s3, $0x1;
	p5 =	sne.s32 s8, $0x0  }
0x2d9: {  	s9 =	sshrl.u32 s9, $0x19;
	p0 =	por !p4, !p5  }
0x2da: {  	s6 =	simm.s32 $0x1;
	s3 =	sadd.s32 s9, s3;
	p0 =	por !p0, !p0  }
0x2db: {  	s3 =	sshra.s32 s3, $0x7;
	s6 =	simm.s32 @!p0 $0x0  }
0x2dc: {  	s3 =	ssub.s32 s3, s6  }
0x2dd: {  	p0 =	slt.s32 s3, $0x1E83  }
0x2de: {  	s3 =	simm.s32 @!p0 $0x1E83  }
0x2df: {  	s3 =	sshll.u32 s3, $0x7  }
0x2e0: {  	s3 =	sand.u32 $0x1FFFFF80, s3  }
0x2e1: {  	s3 =	sadd.s32 s0, s3  }
0x2e2: {  	[tilespmem:s25], [sflag:$0x6] =	stream.strided.gather [hbm4b:s3+s18], $0x2000, s19, s18, $0x38;
	[tilespmem:$0x18280] =	vst v63  }
0x2e3: {  	_ =	swait.ge [sflag:s15], $0x2000  }
0x2e4: {  	[sflag:s15] =	ssyncset.done $0x0  }
0x2e5: {  	[sflag:s15] =	ssyncadd.s32 $0xFFFFE000  }
0x2e6: {  	v49 =	vld [tilespmem:s10+$0xFFFFFFFD];
	_ =	sdelay $0x4  }
0x2e7: {  	(v2sf) =	vpush v49, $0x0;
	_ =	sdelay $0xe  }
0x2e8: {  	s3 =	spop (v2sf)  }
0x2e9: {  	s6 =	sadd.s32 $0xFFF0BE00, s3  }
0x2ea: {  	p0 =	sgt.s32 s6, $0x0  }
0x2eb: {  	s8 =	sand.u32 $0x7F, s3;
	s6 =	simm.s32 @!p0 $0x0  }
0x2ec: {  	v50 =	vor.u32 s8, v0;
	s6 =	smin.u32 s6, $0x3F  }
0x2ed: {  	s9 =	sadd.s32 $0x6, s11;
	v51 =	vor.u32 s6, v0  }
0x2ee: {  	s9 =	sand.u32 $0xFF, s9  }
0x2ef: {  	v52 =	vmov s9  }
0x2f0: {  	v53 =	vshll.u32 v52, $0x3  }
0x2f1: {  	v42 =	vand.u32 $0x7F, v52;
	v43 =	vand.u32 $0x400, v53;
	v40 =	vld.idx.msk [tilespmem:v50+s26+$0x0], $0xffff  }
0x2f2: {  	v42 =	vor.u32 v42, v43;
	v41 =	vld.idx.msk [tilespmem:v51+s16+$0x0], $0xffff  }
0x2f3: {  	v43 =	vor.u32 v1, v42  }
0x2f4: {  	v54 =	vor.u32 s8, v2  }
0x2f5: {  	v55 =	vor.u32 s6, v2  }
0x2f6: {  	p6 =	sgt.s32 s3, $0xF41FF  }
0x2f7: {  	v40 =	vpsel p6, v41, v40  }
0x2f8: {  	[tilespmem:v43+s30+$0x0] =	vst.idx.msk $0xffff, v40  }
0x2f9: {  	v40 =	vld.idx.msk [tilespmem:v54+s26+$0x0], $0xffff  }
0x2fa: {  	v56 =	vld.idx.msk [tilespmem:v55+s16+$0x0], $0xffff  }
0x2fb: {  	v57 =	vor.u32 v3, v42  }
0x2fc: {  	v58 =	vor.u32 s8, v4  }
0x2fd: {  	v59 =	vor.u32 s6, v4;
	_ =	sdelay $0x1  }
0x2fe: {  	v40 =	vpsel p6, v56, v40  }
0x2ff: {  	[tilespmem:v57+s30+$0x0] =	vst.idx.msk $0xffff, v40  }
0x300: {  	v40 =	vld.idx.msk [tilespmem:v58+s26+$0x0], $0xffff  }
0x301: {  	v60 =	vld.idx.msk [tilespmem:v59+s16+$0x0], $0xffff  }
0x302: {  	v61 =	vor.u32 v5, v42  }
0x303: {  	v62 =	vor.u32 s8, v6  }
0x304: {  	v63 =	vor.u32 s6, v6;
	_ =	sdelay $0x1  }
0x305: {  	v40 =	vpsel p6, v60, v40  }
0x306: {  	[tilespmem:v61+s30+$0x0] =	vst.idx.msk $0xffff, v40  }
0x307: {  	v40 =	vld.idx.msk [tilespmem:v62+s26+$0x0], $0xffff  }
0x308: {  	v47 =	vld.idx.msk [tilespmem:v63+s16+$0x0], $0xffff  }
0x309: {  	v42 =	vor.u32 v7, v42;
	_ =	sdelay $0x3  }
0x30a: {  	p0 =	sne.s32 s11, $0xF9;
	v40 =	vpsel p6, v47, v40  }
0x30b: {  	s3 =	simm.s32 @!p0 $0x800;
	s8 =	simm.s32 @!p0 $0x14280;
	s6 =	simm.s32 @!p0 $0x20000;
	[tilespmem:v42+s30+$0x0] =	vst.idx.msk $0xffff, v40  }
0x30c: {  	[hbm4b:s7+s3] =	stream.strided.scatter @!p0 [tilespmem:s8], [sflag:$0xA], $0x4000, s6, s3, $0x38;
	[tilespmem:$0x18280] =	vst v63  }
0x30d: {  	s3 =	simm.s32 @!p0 $0xA  }
0x30e: {  	_ =	swait.ge @!p0 [sflag:s3], $0x4000  }
0x30f: {  	[sflag:s3] =	ssyncset.done @!p0 $0x0  }
0x310: {  	[sflag:s3] =	ssyncadd.s32 @!p0 $0xFFFFC000  }
0x311: {  	v48 =	vld [tilespmem:s10+$0x6];
	_ =	sdelay $0x4  }
0x312: {  	(v2sf) =	vpush v48, $0x0;
	_ =	sdelay $0xe  }
0x313: {  	s3 =	spop (v2sf)  }
0x314: {  	s8 =	sand.u32 $0x7F, s3  }
0x315: {  	s9 =	sshra.s32 s3, $0x1F;
	p1 =	slt.s32 s3, $0x1;
	p2 =	sne.s32 s8, $0x0  }
0x316: {  	s9 =	sshrl.u32 s9, $0x19;
	p0 =	por !p1, !p2  }
0x317: {  	s6 =	simm.s32 $0x1;
	s3 =	sadd.s32 s9, s3;
	p0 =	por !p0, !p0  }
0x318: {  	s3 =	sshra.s32 s3, $0x7;
	s6 =	simm.s32 @!p0 $0x0  }
0x319: {  	s3 =	ssub.s32 s3, s6  }
0x31a: {  	p0 =	slt.s32 s3, $0x1E83  }
0x31b: {  	s3 =	simm.s32 @!p0 $0x1E83  }
0x31c: {  	s3 =	sshll.u32 s3, $0x7  }
0x31d: {  	s3 =	sand.u32 $0x1FFFFF80, s3  }
0x31e: {  	s3 =	sadd.s32 s0, s3  }
0x31f: {  	[tilespmem:s26], [sflag:$0x7] =	stream.strided.gather [hbm4b:s3+s18], $0x2000, s19, s18, $0x38;
	[tilespmem:$0x18280] =	vst v63  }
0x320: {  	_ =	swait.ge [sflag:s4], $0x2000  }
0x321: {  	[sflag:s4] =	ssyncset.done $0x0  }
0x322: {  	[sflag:s4] =	ssyncadd.s32 $0xFFFFE000  }
0x323: {  	v49 =	vld [tilespmem:s10+$0xFFFFFFFE];
	_ =	sdelay $0x4  }
0x324: {  	(v2sf) =	vpush v49, $0x0;
	_ =	sdelay $0xe  }
0x325: {  	s3 =	spop (v2sf)  }
0x326: {  	s6 =	sadd.s32 $0xFFF0BE00, s3  }
0x327: {  	p0 =	sgt.s32 s6, $0x0  }
0x328: {  	s8 =	sand.u32 $0x7F, s3;
	s6 =	simm.s32 @!p0 $0x0  }
0x329: {  	v50 =	vor.u32 s8, v0;
	s6 =	smin.u32 s6, $0x3F  }
0x32a: {  	s9 =	sadd.s32 $0x7, s11;
	v51 =	vor.u32 s6, v0  }
0x32b: {  	s9 =	sand.u32 $0xFF, s9  }
0x32c: {  	v52 =	vmov s9  }
0x32d: {  	v53 =	vshll.u32 v52, $0x3  }
0x32e: {  	v42 =	vand.u32 $0x7F, v52;
	v43 =	vand.u32 $0x400, v53;
	v40 =	vld.idx.msk [tilespmem:v50+s28+$0x0], $0xffff  }
0x32f: {  	v42 =	vor.u32 v42, v43;
	v41 =	vld.idx.msk [tilespmem:v51+s16+$0x0], $0xffff  }
0x330: {  	v43 =	vor.u32 v1, v42  }
0x331: {  	v54 =	vor.u32 s8, v2  }
0x332: {  	v55 =	vor.u32 s6, v2  }
0x333: {  	p3 =	sgt.s32 s3, $0xF41FF  }
0x334: {  	v40 =	vpsel p3, v41, v40  }
0x335: {  	[tilespmem:v43+s30+$0x0] =	vst.idx.msk $0xffff, v40  }
0x336: {  	v40 =	vld.idx.msk [tilespmem:v54+s28+$0x0], $0xffff  }
0x337: {  	v56 =	vld.idx.msk [tilespmem:v55+s16+$0x0], $0xffff  }
0x338: {  	v57 =	vor.u32 v3, v42  }
0x339: {  	v58 =	vor.u32 s8, v4  }
0x33a: {  	v59 =	vor.u32 s6, v4;
	_ =	sdelay $0x1  }
0x33b: {  	v40 =	vpsel p3, v56, v40  }
0x33c: {  	[tilespmem:v57+s30+$0x0] =	vst.idx.msk $0xffff, v40  }
0x33d: {  	v40 =	vld.idx.msk [tilespmem:v58+s28+$0x0], $0xffff  }
0x33e: {  	v60 =	vld.idx.msk [tilespmem:v59+s16+$0x0], $0xffff  }
0x33f: {  	v61 =	vor.u32 v5, v42  }
0x340: {  	v62 =	vor.u32 s8, v6  }
0x341: {  	v63 =	vor.u32 s6, v6;
	_ =	sdelay $0x1  }
0x342: {  	v40 =	vpsel p3, v60, v40  }
0x343: {  	[tilespmem:v61+s30+$0x0] =	vst.idx.msk $0xffff, v40  }
0x344: {  	v40 =	vld.idx.msk [tilespmem:v62+s28+$0x0], $0xffff  }
0x345: {  	v46 =	vld.idx.msk [tilespmem:v63+s16+$0x0], $0xffff  }
0x346: {  	v42 =	vor.u32 v7, v42;
	_ =	sdelay $0x3  }
0x347: {  	p0 =	sne.s32 s11, $0xF8;
	v40 =	vpsel p3, v46, v40  }
0x348: {  	s3 =	simm.s32 @!p0 $0x800;
	s8 =	simm.s32 @!p0 $0x14280;
	s6 =	simm.s32 @!p0 $0x20000;
	[tilespmem:v42+s30+$0x0] =	vst.idx.msk $0xffff, v40  }
0x349: {  	[hbm4b:s7+s3] =	stream.strided.scatter @!p0 [tilespmem:s8], [sflag:$0xA], $0x4000, s6, s3, $0x38;
	[tilespmem:$0x18280] =	vst v63  }
0x34a: {  	s3 =	simm.s32 @!p0 $0xA  }
0x34b: {  	_ =	swait.ge @!p0 [sflag:s3], $0x4000  }
0x34c: {  	[sflag:s3] =	ssyncset.done @!p0 $0x0  }
0x34d: {  	[sflag:s3] =	ssyncadd.s32 @!p0 $0xFFFFC000  }
0x34e: {  	v47 =	vld [tilespmem:s10+$0x7];
	_ =	sdelay $0x4  }
0x34f: {  	(v2sf) =	vpush v47, $0x0;
	_ =	sdelay $0xe  }
0x350: {  	s3 =	spop (v2sf)  }
0x351: {  	s8 =	sand.u32 $0x7F, s3  }
0x352: {  	s9 =	sshra.s32 s3, $0x1F;
	p4 =	slt.s32 s3, $0x1;
	p5 =	sne.s32 s8, $0x0  }
0x353: {  	s9 =	sshrl.u32 s9, $0x19;
	p0 =	por !p4, !p5  }
0x354: {  	s6 =	simm.s32 $0x1;
	s3 =	sadd.s32 s9, s3;
	p0 =	por !p0, !p0  }
0x355: {  	s3 =	sshra.s32 s3, $0x7;
	s6 =	simm.s32 @!p0 $0x0  }
0x356: {  	s3 =	ssub.s32 s3, s6  }
0x357: {  	p0 =	slt.s32 s3, $0x1E83  }
0x358: {  	s3 =	simm.s32 @!p0 $0x1E83  }
0x359: {  	s3 =	sshll.u32 s3, $0x7  }
0x35a: {  	s3 =	sand.u32 $0x1FFFFF80, s3  }
0x35b: {  	s3 =	sadd.s32 s0, s3  }
0x35c: {  	[tilespmem:s28], [sflag:$0x8] =	stream.strided.gather [hbm4b:s3+s18], $0x2000, s19, s18, $0x38;
	[tilespmem:$0x18280] =	vst v63  }
0x35d: {  	_ =	swait.ge [sflag:s5], $0x2000  }
0x35e: {  	[sflag:s5] =	ssyncset.done $0x0  }
0x35f: {  	[sflag:s5] =	ssyncadd.s32 $0xFFFFE000  }
0x360: {  	v48 =	vld [tilespmem:s10+$0xFFFFFFFF];
	_ =	sdelay $0x4  }
0x361: {  	(v2sf) =	vpush v48, $0x0;
	_ =	sdelay $0xe  }
0x362: {  	s3 =	spop (v2sf)  }
0x363: {  	s6 =	sadd.s32 $0xFFF0BE00, s3  }
0x364: {  	p0 =	sgt.s32 s6, $0x0  }
0x365: {  	s8 =	sand.u32 $0x7F, s3;
	s6 =	simm.s32 @!p0 $0x0  }
0x366: {  	v49 =	vor.u32 s8, v0;
	s6 =	smin.u32 s6, $0x3F  }
0x367: {  	s9 =	sadd.s32 $0x8, s11;
	v50 =	vor.u32 s6, v0  }
0x368: {  	s9 =	sand.u32 $0xFF, s9  }
0x369: {  	v51 =	vmov s9  }
0x36a: {  	v52 =	vshll.u32 v51, $0x3  }
0x36b: {  	v42 =	vand.u32 $0x7F, v51;
	v43 =	vand.u32 $0x400, v52;
	v40 =	vld.idx.msk [tilespmem:v49+s29+$0x0], $0xffff  }
0x36c: {  	v42 =	vor.u32 v42, v43;
	v41 =	vld.idx.msk [tilespmem:v50+s16+$0x0], $0xffff  }
0x36d: {  	v43 =	vor.u32 v1, v42  }
0x36e: {  	v53 =	vor.u32 s8, v2  }
0x36f: {  	v54 =	vor.u32 s6, v2  }
0x370: {  	p6 =	sgt.s32 s3, $0xF41FF  }
0x371: {  	v40 =	vpsel p6, v41, v40  }
0x372: {  	[tilespmem:v43+s30+$0x0] =	vst.idx.msk $0xffff, v40  }
0x373: {  	v40 =	vld.idx.msk [tilespmem:v53+s29+$0x0], $0xffff  }
0x374: {  	v55 =	vld.idx.msk [tilespmem:v54+s16+$0x0], $0xffff  }
0x375: {  	v56 =	vor.u32 v3, v42  }
0x376: {  	v57 =	vor.u32 s8, v4  }
0x377: {  	v58 =	vor.u32 s6, v4;
	_ =	sdelay $0x1  }
0x378: {  	v40 =	vpsel p6, v55, v40  }
0x379: {  	[tilespmem:v56+s30+$0x0] =	vst.idx.msk $0xffff, v40  }
0x37a: {  	v40 =	vld.idx.msk [tilespmem:v57+s29+$0x0], $0xffff  }
0x37b: {  	v59 =	vld.idx.msk [tilespmem:v58+s16+$0x0], $0xffff  }
0x37c: {  	v60 =	vor.u32 v5, v42  }
0x37d: {  	v61 =	vor.u32 s8, v6  }
0x37e: {  	v62 =	vor.u32 s6, v6;
	_ =	sdelay $0x1  }
0x37f: {  	v40 =	vpsel p6, v59, v40  }
0x380: {  	[tilespmem:v60+s30+$0x0] =	vst.idx.msk $0xffff, v40  }
0x381: {  	v40 =	vld.idx.msk [tilespmem:v61+s29+$0x0], $0xffff  }
0x382: {  	v63 =	vld.idx.msk [tilespmem:v62+s16+$0x0], $0xffff  }
0x383: {  	v42 =	vor.u32 v7, v42;
	p0 =	seq.s32 s11, $0xF7  }
.Ltmp1:
0x384: {  	_ = 	snop;
	(pc) =	sbr.rel @p0 .LBB2_6-.Ltmp1, $3  }
0x385: {  	_ =	sdelay $0x1  }
0x386: {  	v40 =	vpsel p6, v63, v40  }
0x387: {  	[tilespmem:v42+s30+$0x0] =	vst.idx.msk $0xffff, v40  }
0x388: {  	p0 =	seq.s32 s11, $0x1EF  }
.Ltmp2:
0x389: {  	_ = 	snop;
	(pc) =	sbr.rel @!p0 .LBB2_7-.Ltmp2, $1  }
0x38a: {  	_ =	sdelay $0x3  }
0x38b: {  	_ =	swait.ge [sflag:s17], $0x2000  }
0x38c: {  	[sflag:s17] =	ssyncset.done $0x0  }
0x38d: {  	[sflag:s17] =	ssyncadd.s32 $0xFFFFE000  }
0x38e: {  	v40 =	vld [tilespmem:$0x1F8];
	_ =	sdelay $0x4  }
0x38f: {  	(v2sf) =	vpush v40, $0x0;
	_ =	sdelay $0xe  }
0x390: {  	s3 =	spop (v2sf)  }
0x391: {  	s6 =	sadd.s32 $0xFFF0BE00, s3  }
0x392: {  	p0 =	sgt.s32 s6, $0x0  }
0x393: {  	s8 =	sand.u32 $0x7F, s3;
	s6 =	simm.s32 @!p0 $0x0  }
0x394: {  	v49 =	vor.u32 s8, v0;
	s6 =	smin.u32 s6, $0x3F  }
0x395: {  	v41 =	vor.u32 s6, v0;
	_ =	sdelay $0x3  }
0x396: {  	v40 =	vld.idx.msk [tilespmem:v49+s20+$0x0], $0xffff  }
0x397: {  	v41 =	vld.idx.msk [tilespmem:v41+s16+$0x0], $0xffff;
	_ =	sdelay $0x1  }
0x398: {  	v42 =	vor.u32 s8, v2  }
0x399: {  	v43 =	vor.u32 s6, v2  }
0x39a: {  	p5 =	sgt.s32 s3, $0xF41FF  }
0x39b: {  	v40 =	vpsel p5, v41, v40  }
0x39c: {  	[tilespmem:v8+s30+$0x0] =	vst.idx.msk $0xffff, v40  }
0x39d: {  	v40 =	vld.idx.msk [tilespmem:v42+s20+$0x0], $0xffff  }
0x39e: {  	v50 =	vld.idx.msk [tilespmem:v43+s16+$0x0], $0xffff;
	_ =	sdelay $0x1  }
0x39f: {  	v51 =	vor.u32 s8, v4  }
0x3a0: {  	v52 =	vor.u32 s6, v4;
	_ =	sdelay $0x1  }
0x3a1: {  	v40 =	vpsel p5, v50, v40  }
0x3a2: {  	[tilespmem:v9+s30+$0x0] =	vst.idx.msk $0xffff, v40  }
0x3a3: {  	v40 =	vld.idx.msk [tilespmem:v51+s20+$0x0], $0xffff  }
0x3a4: {  	v53 =	vld.idx.msk [tilespmem:v52+s16+$0x0], $0xffff;
	_ =	sdelay $0x1  }
0x3a5: {  	v54 =	vor.u32 s8, v6  }
0x3a6: {  	v55 =	vor.u32 s6, v6;
	_ =	sdelay $0x1  }
0x3a7: {  	v40 =	vpsel p5, v53, v40  }
0x3a8: {  	[tilespmem:v10+s30+$0x0] =	vst.idx.msk $0xffff, v40  }
0x3a9: {  	v40 =	vld.idx.msk [tilespmem:v54+s20+$0x0], $0xffff  }
0x3aa: {  	v56 =	vld.idx.msk [tilespmem:v55+s16+$0x0], $0xffff;
	_ =	sdelay $0x4  }
0x3ab: {  	v40 =	vpsel p5, v56, v40  }
0x3ac: {  	[tilespmem:v11+s30+$0x0] =	vst.idx.msk $0xffff, v40  }
0x3ad: {  	_ =	swait.ge [sflag:s31], $0x2000  }
0x3ae: {  	[sflag:s31] =	ssyncset.done $0x0  }
0x3af: {  	[sflag:s31] =	ssyncadd.s32 $0xFFFFE000  }
0x3b0: {  	v57 =	vld [tilespmem:$0x1F9];
	_ =	sdelay $0x4  }
0x3b1: {  	(v2sf) =	vpush v57, $0x0;
	_ =	sdelay $0xe  }
0x3b2: {  	s10 =	spop (v2sf)  }
0x3b3: {  	s6 =	sadd.s32 $0xFFF0BE00, s10  }
0x3b4: {  	p0 =	sgt.s32 s6, $0x0  }
0x3b5: {  	s11 =	sand.u32 $0x7F, s10;
	s6 =	simm.s32 @!p0 $0x0  }
0x3b6: {  	v58 =	vor.u32 s11, v0;
	s6 =	smin.u32 s6, $0x3F  }
0x3b7: {  	v59 =	vor.u32 s6, v0;
	_ =	sdelay $0x3  }
0x3b8: {  	v40 =	vld.idx.msk [tilespmem:v58+s21+$0x0], $0xffff  }
0x3b9: {  	v41 =	vld.idx.msk [tilespmem:v59+s16+$0x0], $0xffff;
	_ =	sdelay $0x1  }
0x3ba: {  	v60 =	vor.u32 s11, v2  }
0x3bb: {  	v61 =	vor.u32 s6, v2  }
0x3bc: {  	p6 =	sgt.s32 s10, $0xF41FF  }
0x3bd: {  	v40 =	vpsel p6, v41, v40  }
0x3be: {  	[tilespmem:v12+s30+$0x0] =	vst.idx.msk $0xffff, v40  }
0x3bf: {  	v40 =	vld.idx.msk [tilespmem:v60+s21+$0x0], $0xffff  }
0x3c0: {  	v62 =	vld.idx.msk [tilespmem:v61+s16+$0x0], $0xffff;
	_ =	sdelay $0x1  }
0x3c1: {  	v63 =	vor.u32 s11, v4  }
0x3c2: {  	v45 =	vor.u32 s6, v4;
	_ =	sdelay $0x1  }
0x3c3: {  	v40 =	vpsel p6, v62, v40  }
0x3c4: {  	[tilespmem:v13+s30+$0x0] =	vst.idx.msk $0xffff, v40  }
0x3c5: {  	v40 =	vld.idx.msk [tilespmem:v63+s21+$0x0], $0xffff  }
0x3c6: {  	v46 =	vld.idx.msk [tilespmem:v45+s16+$0x0], $0xffff;
	_ =	sdelay $0x1  }
0x3c7: {  	v47 =	vor.u32 s11, v6  }
0x3c8: {  	v48 =	vor.u32 s6, v6;
	_ =	sdelay $0x1  }
0x3c9: {  	v40 =	vpsel p6, v46, v40  }
0x3ca: {  	[tilespmem:v14+s30+$0x0] =	vst.idx.msk $0xffff, v40  }
0x3cb: {  	v40 =	vld.idx.msk [tilespmem:v47+s21+$0x0], $0xffff  }
0x3cc: {  	v49 =	vld.idx.msk [tilespmem:v48+s16+$0x0], $0xffff;
	_ =	sdelay $0x4  }
0x3cd: {  	v40 =	vpsel p6, v49, v40  }
0x3ce: {  	[tilespmem:v15+s30+$0x0] =	vst.idx.msk $0xffff, v40  }
0x3cf: {  	_ =	swait.ge [sflag:s2], $0x2000  }
0x3d0: {  	[sflag:s2] =	ssyncset.done $0x0  }
0x3d1: {  	[sflag:s2] =	ssyncadd.s32 $0xFFFFE000  }
0x3d2: {  	v50 =	vld [tilespmem:$0x1FA];
	_ =	sdelay $0x4  }
0x3d3: {  	(v2sf) =	vpush v50, $0x0;
	_ =	sdelay $0xe  }
0x3d4: {  	s8 =	spop (v2sf)  }
0x3d5: {  	s6 =	sadd.s32 $0xFFF0BE00, s8  }
0x3d6: {  	p0 =	sgt.s32 s6, $0x0  }
0x3d7: {  	s9 =	sand.u32 $0x7F, s8;
	s6 =	simm.s32 @!p0 $0x0  }
0x3d8: {  	v51 =	vor.u32 s9, v0;
	s6 =	smin.u32 s6, $0x3F  }
0x3d9: {  	v52 =	vor.u32 s6, v0;
	_ =	sdelay $0x3  }
0x3da: {  	v40 =	vld.idx.msk [tilespmem:v51+s22+$0x0], $0xffff  }
0x3db: {  	v41 =	vld.idx.msk [tilespmem:v52+s16+$0x0], $0xffff;
	_ =	sdelay $0x1  }
0x3dc: {  	v53 =	vor.u32 s9, v2  }
0x3dd: {  	v54 =	vor.u32 s6, v2  }
0x3de: {  	p1 =	sgt.s32 s8, $0xF41FF  }
0x3df: {  	v40 =	vpsel p1, v41, v40  }
0x3e0: {  	[tilespmem:v16+s30+$0x0] =	vst.idx.msk $0xffff, v40  }
0x3e1: {  	v40 =	vld.idx.msk [tilespmem:v53+s22+$0x0], $0xffff  }
0x3e2: {  	v55 =	vld.idx.msk [tilespmem:v54+s16+$0x0], $0xffff;
	_ =	sdelay $0x1  }
0x3e3: {  	v56 =	vor.u32 s9, v4  }
0x3e4: {  	v57 =	vor.u32 s6, v4;
	_ =	sdelay $0x1  }
0x3e5: {  	v40 =	vpsel p1, v55, v40  }
0x3e6: {  	[tilespmem:v17+s30+$0x0] =	vst.idx.msk $0xffff, v40  }
0x3e7: {  	v40 =	vld.idx.msk [tilespmem:v56+s22+$0x0], $0xffff  }
0x3e8: {  	v58 =	vld.idx.msk [tilespmem:v57+s16+$0x0], $0xffff;
	_ =	sdelay $0x1  }
0x3e9: {  	v59 =	vor.u32 s9, v6  }
0x3ea: {  	v60 =	vor.u32 s6, v6;
	_ =	sdelay $0x1  }
0x3eb: {  	v40 =	vpsel p1, v58, v40  }
0x3ec: {  	[tilespmem:v18+s30+$0x0] =	vst.idx.msk $0xffff, v40  }
0x3ed: {  	v40 =	vld.idx.msk [tilespmem:v59+s22+$0x0], $0xffff  }
0x3ee: {  	v61 =	vld.idx.msk [tilespmem:v60+s16+$0x0], $0xffff;
	_ =	sdelay $0x4  }
0x3ef: {  	v40 =	vpsel p1, v61, v40  }
0x3f0: {  	[tilespmem:v19+s30+$0x0] =	vst.idx.msk $0xffff, v40  }
0x3f1: {  	_ =	swait.ge [sflag:s1], $0x2000  }
0x3f2: {  	[sflag:s1] =	ssyncset.done $0x0  }
0x3f3: {  	[sflag:s1] =	ssyncadd.s32 $0xFFFFE000  }
0x3f4: {  	v62 =	vld [tilespmem:$0x1FB];
	_ =	sdelay $0x4  }
0x3f5: {  	(v2sf) =	vpush v62, $0x0;
	_ =	sdelay $0xe  }
0x3f6: {  	s10 =	spop (v2sf)  }
0x3f7: {  	s6 =	sadd.s32 $0xFFF0BE00, s10  }
0x3f8: {  	p0 =	sgt.s32 s6, $0x0  }
0x3f9: {  	s11 =	sand.u32 $0x7F, s10;
	s6 =	simm.s32 @!p0 $0x0  }
0x3fa: {  	v63 =	vor.u32 s11, v0;
	s6 =	smin.u32 s6, $0x3F  }
0x3fb: {  	v44 =	vor.u32 s6, v0;
	_ =	sdelay $0x3  }
0x3fc: {  	v40 =	vld.idx.msk [tilespmem:v63+s23+$0x0], $0xffff  }
0x3fd: {  	v41 =	vld.idx.msk [tilespmem:v44+s16+$0x0], $0xffff;
	_ =	sdelay $0x1  }
0x3fe: {  	v45 =	vor.u32 s11, v2  }
0x3ff: {  	v46 =	vor.u32 s6, v2  }
0x400: {  	p2 =	sgt.s32 s10, $0xF41FF  }
0x401: {  	v40 =	vpsel p2, v41, v40  }
0x402: {  	[tilespmem:v20+s30+$0x0] =	vst.idx.msk $0xffff, v40  }
0x403: {  	v40 =	vld.idx.msk [tilespmem:v45+s23+$0x0], $0xffff  }
0x404: {  	v47 =	vld.idx.msk [tilespmem:v46+s16+$0x0], $0xffff;
	_ =	sdelay $0x1  }
0x405: {  	v48 =	vor.u32 s11, v4  }
0x406: {  	v49 =	vor.u32 s6, v4;
	_ =	sdelay $0x1  }
0x407: {  	v40 =	vpsel p2, v47, v40  }
0x408: {  	[tilespmem:v21+s30+$0x0] =	vst.idx.msk $0xffff, v40  }
0x409: {  	v40 =	vld.idx.msk [tilespmem:v48+s23+$0x0], $0xffff  }
0x40a: {  	v50 =	vld.idx.msk [tilespmem:v49+s16+$0x0], $0xffff;
	_ =	sdelay $0x1  }
0x40b: {  	v51 =	vor.u32 s11, v6  }
0x40c: {  	v52 =	vor.u32 s6, v6;
	_ =	sdelay $0x1  }
0x40d: {  	v40 =	vpsel p2, v50, v40  }
0x40e: {  	[tilespmem:v22+s30+$0x0] =	vst.idx.msk $0xffff, v40  }
0x40f: {  	v40 =	vld.idx.msk [tilespmem:v51+s23+$0x0], $0xffff  }
0x410: {  	v53 =	vld.idx.msk [tilespmem:v52+s16+$0x0], $0xffff;
	_ =	sdelay $0x4  }
0x411: {  	v40 =	vpsel p2, v53, v40  }
0x412: {  	[tilespmem:v23+s30+$0x0] =	vst.idx.msk $0xffff, v40  }
0x413: {  	_ =	swait.ge [sflag:s13], $0x2000  }
0x414: {  	[sflag:s13] =	ssyncset.done $0x0  }
0x415: {  	[sflag:s13] =	ssyncadd.s32 $0xFFFFE000  }
0x416: {  	v54 =	vld [tilespmem:$0x1FC];
	_ =	sdelay $0x4  }
0x417: {  	(v2sf) =	vpush v54, $0x0;
	_ =	sdelay $0xe  }
0x418: {  	s8 =	spop (v2sf)  }
0x419: {  	s6 =	sadd.s32 $0xFFF0BE00, s8  }
0x41a: {  	p0 =	sgt.s32 s6, $0x0  }
0x41b: {  	s9 =	sand.u32 $0x7F, s8;
	s6 =	simm.s32 @!p0 $0x0  }
0x41c: {  	v55 =	vor.u32 s9, v0;
	s6 =	smin.u32 s6, $0x3F  }
0x41d: {  	v56 =	vor.u32 s6, v0;
	_ =	sdelay $0x3  }
0x41e: {  	v40 =	vld.idx.msk [tilespmem:v55+s24+$0x0], $0xffff  }
0x41f: {  	v41 =	vld.idx.msk [tilespmem:v56+s16+$0x0], $0xffff;
	_ =	sdelay $0x1  }
0x420: {  	v57 =	vor.u32 s9, v2  }
0x421: {  	v58 =	vor.u32 s6, v2  }
0x422: {  	p3 =	sgt.s32 s8, $0xF41FF  }
0x423: {  	v40 =	vpsel p3, v41, v40  }
0x424: {  	[tilespmem:v24+s30+$0x0] =	vst.idx.msk $0xffff, v40  }
0x425: {  	v40 =	vld.idx.msk [tilespmem:v57+s24+$0x0], $0xffff  }
0x426: {  	v59 =	vld.idx.msk [tilespmem:v58+s16+$0x0], $0xffff;
	_ =	sdelay $0x1  }
0x427: {  	v60 =	vor.u32 s9, v4  }
0x428: {  	v61 =	vor.u32 s6, v4;
	_ =	sdelay $0x1  }
0x429: {  	v40 =	vpsel p3, v59, v40  }
0x42a: {  	[tilespmem:v25+s30+$0x0] =	vst.idx.msk $0xffff, v40  }
0x42b: {  	v40 =	vld.idx.msk [tilespmem:v60+s24+$0x0], $0xffff  }
0x42c: {  	v62 =	vld.idx.msk [tilespmem:v61+s16+$0x0], $0xffff;
	_ =	sdelay $0x1  }
0x42d: {  	v63 =	vor.u32 s9, v6  }
0x42e: {  	v45 =	vor.u32 s6, v6;
	_ =	sdelay $0x1  }
0x42f: {  	v40 =	vpsel p3, v62, v40  }
0x430: {  	[tilespmem:v26+s30+$0x0] =	vst.idx.msk $0xffff, v40  }
0x431: {  	v40 =	vld.idx.msk [tilespmem:v63+s24+$0x0], $0xffff  }
0x432: {  	v46 =	vld.idx.msk [tilespmem:v45+s16+$0x0], $0xffff;
	_ =	sdelay $0x4  }
0x433: {  	v40 =	vpsel p3, v46, v40  }
0x434: {  	[tilespmem:v27+s30+$0x0] =	vst.idx.msk $0xffff, v40  }
0x435: {  	_ =	swait.ge [sflag:s14], $0x2000  }
0x436: {  	[sflag:s14] =	ssyncset.done $0x0  }
0x437: {  	[sflag:s14] =	ssyncadd.s32 $0xFFFFE000  }
0x438: {  	v47 =	vld [tilespmem:$0x1FD];
	_ =	sdelay $0x4  }
0x439: {  	(v2sf) =	vpush v47, $0x0;
	_ =	sdelay $0xe  }
0x43a: {  	s10 =	spop (v2sf)  }
0x43b: {  	s6 =	sadd.s32 $0xFFF0BE00, s10  }
0x43c: {  	p0 =	sgt.s32 s6, $0x0  }
0x43d: {  	s11 =	sand.u32 $0x7F, s10;
	s6 =	simm.s32 @!p0 $0x0  }
0x43e: {  	v48 =	vor.u32 s11, v0;
	s6 =	smin.u32 s6, $0x3F  }
0x43f: {  	v49 =	vor.u32 s6, v0;
	_ =	sdelay $0x3  }
0x440: {  	v40 =	vld.idx.msk [tilespmem:v48+s25+$0x0], $0xffff  }
0x441: {  	v41 =	vld.idx.msk [tilespmem:v49+s16+$0x0], $0xffff;
	_ =	sdelay $0x1  }
0x442: {  	v50 =	vor.u32 s11, v2  }
0x443: {  	v51 =	vor.u32 s6, v2  }
0x444: {  	p4 =	sgt.s32 s10, $0xF41FF  }
0x445: {  	v40 =	vpsel p4, v41, v40  }
0x446: {  	[tilespmem:v28+s30+$0x0] =	vst.idx.msk $0xffff, v40  }
0x447: {  	v40 =	vld.idx.msk [tilespmem:v50+s25+$0x0], $0xffff  }
0x448: {  	v52 =	vld.idx.msk [tilespmem:v51+s16+$0x0], $0xffff;
	_ =	sdelay $0x1  }
0x449: {  	v53 =	vor.u32 s11, v4  }
0x44a: {  	v54 =	vor.u32 s6, v4;
	_ =	sdelay $0x1  }
0x44b: {  	v40 =	vpsel p4, v52, v40  }
0x44c: {  	[tilespmem:v29+s30+$0x0] =	vst.idx.msk $0xffff, v40  }
0x44d: {  	v40 =	vld.idx.msk [tilespmem:v53+s25+$0x0], $0xffff  }
0x44e: {  	v55 =	vld.idx.msk [tilespmem:v54+s16+$0x0], $0xffff;
	_ =	sdelay $0x1  }
0x44f: {  	v56 =	vor.u32 s11, v6  }
0x450: {  	v57 =	vor.u32 s6, v6;
	_ =	sdelay $0x1  }
0x451: {  	v40 =	vpsel p4, v55, v40  }
0x452: {  	[tilespmem:v30+s30+$0x0] =	vst.idx.msk $0xffff, v40  }
0x453: {  	v40 =	vld.idx.msk [tilespmem:v56+s25+$0x0], $0xffff  }
0x454: {  	v58 =	vld.idx.msk [tilespmem:v57+s16+$0x0], $0xffff;
	_ =	sdelay $0x4  }
0x455: {  	v40 =	vpsel p4, v58, v40  }
0x456: {  	[tilespmem:v31+s30+$0x0] =	vst.idx.msk $0xffff, v40  }
0x457: {  	_ =	swait.ge [sflag:s15], $0x2000  }
0x458: {  	[sflag:s15] =	ssyncset.done $0x0  }
0x459: {  	[sflag:s15] =	ssyncadd.s32 $0xFFFFE000  }
0x45a: {  	v59 =	vld [tilespmem:$0x1FE];
	_ =	sdelay $0x4  }
0x45b: {  	(v2sf) =	vpush v59, $0x0;
	_ =	sdelay $0xe  }
0x45c: {  	s8 =	spop (v2sf)  }
0x45d: {  	s6 =	sadd.s32 $0xFFF0BE00, s8  }
0x45e: {  	p0 =	sgt.s32 s6, $0x0  }
0x45f: {  	s9 =	sand.u32 $0x7F, s8;
	s6 =	simm.s32 @!p0 $0x0  }
0x460: {  	v60 =	vor.u32 s9, v0;
	s6 =	smin.u32 s6, $0x3F  }
0x461: {  	v61 =	vor.u32 s6, v0;
	_ =	sdelay $0x3  }
0x462: {  	v40 =	vld.idx.msk [tilespmem:v60+s26+$0x0], $0xffff  }
0x463: {  	v41 =	vld.idx.msk [tilespmem:v61+s16+$0x0], $0xffff;
	_ =	sdelay $0x1  }
0x464: {  	v62 =	vor.u32 s9, v2  }
0x465: {  	v63 =	vor.u32 s6, v2  }
0x466: {  	p5 =	sgt.s32 s8, $0xF41FF  }
0x467: {  	v40 =	vpsel p5, v41, v40  }
0x468: {  	[tilespmem:v32+s30+$0x0] =	vst.idx.msk $0xffff, v40  }
0x469: {  	v40 =	vld.idx.msk [tilespmem:v62+s26+$0x0], $0xffff  }
0x46a: {  	v45 =	vld.idx.msk [tilespmem:v63+s16+$0x0], $0xffff;
	_ =	sdelay $0x1  }
0x46b: {  	v46 =	vor.u32 s9, v4  }
0x46c: {  	v47 =	vor.u32 s6, v4;
	_ =	sdelay $0x1  }
0x46d: {  	v40 =	vpsel p5, v45, v40  }
0x46e: {  	[tilespmem:v33+s30+$0x0] =	vst.idx.msk $0xffff, v40  }
0x46f: {  	v40 =	vld.idx.msk [tilespmem:v46+s26+$0x0], $0xffff  }
0x470: {  	v48 =	vld.idx.msk [tilespmem:v47+s16+$0x0], $0xffff;
	_ =	sdelay $0x1  }
0x471: {  	v49 =	vor.u32 s9, v6  }
0x472: {  	v50 =	vor.u32 s6, v6;
	_ =	sdelay $0x1  }
0x473: {  	v40 =	vpsel p5, v48, v40  }
0x474: {  	[tilespmem:v34+s30+$0x0] =	vst.idx.msk $0xffff, v40  }
0x475: {  	v40 =	vld.idx.msk [tilespmem:v49+s26+$0x0], $0xffff  }
0x476: {  	v51 =	vld.idx.msk [tilespmem:v50+s16+$0x0], $0xffff;
	_ =	sdelay $0x4  }
0x477: {  	v40 =	vpsel p5, v51, v40  }
0x478: {  	[tilespmem:v35+s30+$0x0] =	vst.idx.msk $0xffff, v40  }
0x479: {  	_ =	swait.ge [sflag:s4], $0x2000  }
0x47a: {  	[sflag:s4] =	ssyncset.done $0x0  }
0x47b: {  	[sflag:s4] =	ssyncadd.s32 $0xFFFFE000  }
0x47c: {  	v52 =	vld [tilespmem:$0x1FF];
	_ =	sdelay $0x4  }
0x47d: {  	(v2sf) =	vpush v52, $0x0;
	_ =	sdelay $0xe  }
0x47e: {  	s10 =	spop (v2sf)  }
0x47f: {  	s6 =	sadd.s32 $0xFFF0BE00, s10  }
0x480: {  	p0 =	sgt.s32 s6, $0x0  }
0x481: {  	s11 =	sand.u32 $0x7F, s10;
	s6 =	simm.s32 @!p0 $0x0  }
0x482: {  	v53 =	vor.u32 s11, v0;
	s6 =	smin.u32 s6, $0x3F  }
0x483: {  	v54 =	vor.u32 s6, v0;
	_ =	sdelay $0x3  }
0x484: {  	v40 =	vld.idx.msk [tilespmem:v53+s28+$0x0], $0xffff  }
0x485: {  	v41 =	vld.idx.msk [tilespmem:v54+s16+$0x0], $0xffff;
	_ =	sdelay $0x1  }
0x486: {  	v55 =	vor.u32 s11, v2  }
0x487: {  	v56 =	vor.u32 s6, v2  }
0x488: {  	p6 =	sgt.s32 s10, $0xF41FF  }
0x489: {  	v40 =	vpsel p6, v41, v40  }
0x48a: {  	[tilespmem:v36+s30+$0x0] =	vst.idx.msk $0xffff, v40  }
0x48b: {  	v40 =	vld.idx.msk [tilespmem:v55+s28+$0x0], $0xffff  }
0x48c: {  	v57 =	vld.idx.msk [tilespmem:v56+s16+$0x0], $0xffff;
	_ =	sdelay $0x1  }
0x48d: {  	v58 =	vor.u32 s11, v4  }
0x48e: {  	v59 =	vor.u32 s6, v4;
	_ =	sdelay $0x1  }
0x48f: {  	v40 =	vpsel p6, v57, v40  }
0x490: {  	[tilespmem:v37+s30+$0x0] =	vst.idx.msk $0xffff, v40  }
0x491: {  	v40 =	vld.idx.msk [tilespmem:v58+s28+$0x0], $0xffff  }
0x492: {  	v60 =	vld.idx.msk [tilespmem:v59+s16+$0x0], $0xffff;
	_ =	sdelay $0x1  }
0x493: {  	v61 =	vor.u32 s11, v6  }
0x494: {  	v62 =	vor.u32 s6, v6;
	_ =	sdelay $0x1  }
0x495: {  	v40 =	vpsel p6, v60, v40  }
0x496: {  	[tilespmem:v38+s30+$0x0] =	vst.idx.msk $0xffff, v40  }
0x497: {  	v40 =	vld.idx.msk [tilespmem:v61+s28+$0x0], $0xffff  }
0x498: {  	v63 =	vld.idx.msk [tilespmem:v62+s16+$0x0], $0xffff;
	_ =	sdelay $0x4  }
0x499: {  	v40 =	vpsel p6, v63, v40  }
0x49a: {  	s8 =	simm.s32 $0x800;
	s9 =	simm.s32 $0x20000;
	s6 =	rddreg [dreg:$0x9];
	[tilespmem:v39+s30+$0x0] =	vst.idx.msk $0xffff, v40  }
0x49b: {  	[hbm4b:s6+s8] =	stream.strided.scatter [tilespmem:s30], [sflag:$0xA], $0x4000, s9, s8, $0x38;
	[tilespmem:$0x18280] =	vst v63  }
0x49c: {  	_ =	swait.ge [sflag:s12], $0x4000  }
0x49d: {  	s10 =	rddreg [dreg:$0xb]  }
0x49e: {  	s11 =	rddreg [dreg:$0xa];
	s6 =	sadd.s32 $0x1, s10  }
0x49f: {  	p0 =	sne.s32 s6, s11  }
.Ltmp3:
0x4a0: {  	_ = 	snop;
	(pc) =	sbr.rel @p0 .LBB2_1-.Ltmp3, $3  }
0x4a1: {  	_ =	sdelay $0x1  }
0x4a2: {  	[sflag:s12] =	ssyncset.done $0x0  }
0x4a3: {  	[sflag:s12] =	ssyncadd.s32 $0xFFFFC000  }
0x4a4: {  	_ =	sfence.sel $0x180000  }
0x4a5: {  	[bflag:$0x0] =	sbarrier.arrive $0xFFFF  }
0x4a6: {  	_ =	strace $0x90000047  }
0x4a7: {  	s0 =	stileid.u32;
	[bflag:$0x2] =	sbarrier.arrive $0xFFFF  }
0x4a8: {  	p0 =	sne.s32 s0, $0x0;
	s0 =	rddreg [dreg:$0x3]  }
0x4a9: {  	s0 =	sadd.s32 @!p0 $0x100000, s0  }
0x4aa: {  	[sflag:s0] =	ssyncadd.tile.s32 @!p0 $0x1;
	_ =	shalt  }
.Lfunc_end2:
_tile_overlayer_lowered:
.L_overlay_start_2:
0x4ab: {  	(tag) =	ssettag $0x2  }
0x4ac: {  	s0 =	rddreg [dreg:$0x0];
	s2 =	stileid.u32  }
0x4ad: {  	s1 =	rddreg [dreg:$0x1];
	p0 =	sne.s32 s2, $0x0  }
0x4ae: {  	s3 =	rddreg [dreg:$0x2];
	[bflag:$0x3] =	sbarrier.arrive $0xFFFF;
	s2 =	simm.s32 @!p0 $0x1C0A  }
0x4af: {  	[timem:s3], [sflag:s2] =	dma.local @!p0 [hbm:s0], s1  }
0x4b0: {  	s0 =	simm.s32 @!p0 $0xA  }
0x4b1: {  	_ =	swait.ge @!p0 [sflag:s0], s1  }
0x4b2: {  	s1 =	ssub.s32 @!p0 $0x0, s1;
	[sflag:s0] =	ssyncset.done @!p0 $0x0  }
0x4b3: {  	[sflag:s0] =	ssyncadd.s32 @!p0 s1  }
0x4b4: {  	[bflag:$0x3] =	sbarrier.arrive $0xFFFF  }
0x4b5: {  	_ =	shalt  }

</sc_bundles>
